<compile_context>
chip_gen: v7x
topology: tpu7x:2x2x1
jax: 0.10.2.dev20260603
libtpu: 0.0.44.dev20260713+nightly
codegen_flags: <defaults>
</compile_context>

<pallas_src>
import functools

import jax
import jax.numpy as jnp
from jax import lax
from jax.experimental import pallas as pl
from jax.experimental.pallas import tpu as pltpu
from jax.experimental.pallas import tpu_sc as plsc

NUM_LEVELS = 201
N_GRAM_SIZE = 4
LOW, HIGH = -100.0, 100.0

_SC_CORES = 2
_SC_SUBCORES = 16
_NW = _SC_CORES * _SC_SUBCORES


def _prep_kernel(inp_ref, lw_ref, cw_ref, idx_ref, btl_ref, bth_ref):
    x = inp_ref[...]
    idx = jnp.round(x)
    idx = jnp.clip(idx, 0, NUM_LEVELS - 1).astype(jnp.int32)
    c_of_col = lax.broadcasted_iota(jnp.int32, x.shape, 1) % cw_ref.shape[0]
    idx_ref[...] = idx + c_of_col * NUM_LEVELS
    half = btl_ref.shape[-1]
    bound = lw_ref[...][None, :, :] * cw_ref[...][:, None, :]
    btl_ref[...] = bound[..., :half]
    bth_ref[...] = bound[..., half:]


def _ngram_kernel(lo_ref, hi_ref, cen_ref, out_ref):
    x = jnp.concatenate([lo_ref[...], hi_ref[...]], axis=-1)
    s = x.shape[1]
    n = N_GRAM_SIZE
    r3 = jnp.roll(x, 3, axis=-1)[:, 0 : s - (n - 1), :]
    r2 = jnp.roll(x, 2, axis=-1)[:, 1 : s - 2, :]
    r1 = jnp.roll(x, 1, axis=-1)[:, 2 : s - 1, :]
    x0 = x[:, 3:s, :]
    prod = (r3 * r2) * (r1 * x0)
    shv = jnp.sum(prod, axis=1)
    hv = jnp.where(shv > 0, 1.0, -1.0).astype(jnp.float32)
    out_ref[...] = lax.dot_general(
        hv,
        cen_ref[...],
        (((1,), (1,)), ((), ())),
        preferred_element_type=jnp.float32,
        precision=lax.Precision.HIGHEST,
    )


def kernel(input, level_weight, channel_weight, centroid_weight):
    B, S, C = input.shape
    L, D = level_weight.shape
    NCLS = centroid_weight.shape[0]
    flat = B * S * C
    pairs = B * S
    Dh = D // 2

    y = (input - LOW) / (HIGH - LOW) * (NUM_LEVELS - 1)
    inp2d = y.reshape(flat // 128, 128)
    idx2d, btl3, bth3 = pl.pallas_call(
        _prep_kernel,
        out_shape=[
            jax.ShapeDtypeStruct((flat // 128, 128), jnp.int32),
            jax.ShapeDtypeStruct((C, L, Dh), jnp.float32),
            jax.ShapeDtypeStruct((C, L, Dh), jnp.float32),
        ],
    )(inp2d, level_weight, channel_weight)
    cidx = idx2d.reshape(flat)
    btl = btl3.reshape(C * L, Dh)
    bth = bth3.reshape(C * L, Dh)

    ppw = pairs // _NW
    pch = 8
    nchunk = ppw // pch
    nrows = pch * C

    mesh = plsc.VectorSubcoreMesh(core_axis_name="c", subcore_axis_name="s")

    @functools.partial(
        pl.kernel,
        mesh=mesh,
        out_type=[
            jax.ShapeDtypeStruct((pairs, Dh), jnp.float32),
            jax.ShapeDtypeStruct((pairs, Dh), jnp.float32),
        ],
        scratch_types=[
            pltpu.VMEM((2, nrows), jnp.int32),
            pltpu.VMEM((nrows, Dh), jnp.float32),
            pltpu.VMEM((nrows, Dh), jnp.float32),
            pltpu.VMEM((2, pch, Dh), jnp.float32),
            pltpu.SemaphoreType.DMA,
            pltpu.SemaphoreType.DMA,
            pltpu.SemaphoreType.DMA,
            pltpu.SemaphoreType.DMA,
        ],
    )
    def _gather_sum(
        btl_hbm,
        bth_hbm,
        cidx_hbm,
        out0_hbm,
        out1_hbm,
        idx_v,
        rows0_v,
        rows1_v,
        acc_v,
        gsem0,
        gsem1,
        osem0,
        osem1,
    ):
        wid = lax.axis_index("s") * _SC_CORES + lax.axis_index("c")
        base_pair = wid * ppw
        bt = (btl_hbm, bth_hbm)
        outs = (out0_hbm, out1_hbm)
        rows = (rows0_v, rows1_v)
        gsems = (gsem0, gsem1)
        osems = (osem0, osem1)

        def load_idx(ci, slot):
            off = pl.multiple_of((base_pair + ci * pch) * C, 32)
            pltpu.sync_copy(cidx_hbm.at[pl.ds(off, nrows)], idx_v.at[slot])

        def start_gather(half, slot):
            return pltpu.async_copy(
                bt[half].at[idx_v.at[slot]], rows[half], gsems[half]
            )

        def compute(half):
            for p in range(pch):

                def vec_body(j, c2):
                    o = pl.ds(j * 16, 16)
                    r = rows[half]
                    acc = (r[C * p, o] + r[C * p + 1, o]) + (
                        r[C * p + 2, o] + r[C * p + 3, o]
                    )
                    acc_v[half, p, o] = acc
                    return c2

                lax.fori_loop(0, Dh // 16, vec_body, 0)

        def start_out(ci, half):
            pbase = base_pair + ci * pch
            return pltpu.async_copy(
                acc_v.at[half], outs[half].at[pl.ds(pbase, pch)], osems[half]
            )

        def wait_gather(half, slot):
            pltpu.make_async_copy(
                bt[half].at[idx_v.at[slot]], rows[half], gsems[half]
            ).wait()

        def wait_out(half):
            pltpu.make_async_copy(
                acc_v.at[half], outs[half].at[pl.ds(0, pch)], osems[half]
            ).wait()

        load_idx(0, 0)
        start_gather(0, 0)
        load_idx(1, 1)
        wait_gather(0, 0)
        start_gather(1, 0)
        compute(0)
        start_out(0, 0)
        wait_gather(1, 0)
        start_gather(0, 1)
        compute(1)
        start_out(0, 1)

        def chunk_pair_body(c2i, carry):
            for par in range(2):
                c = 2 * c2i + 1 + par
                slot = (1 + par) % 2

                @pl.when(c < nchunk)
                def _do():
                    @pl.when(c + 1 < nchunk)
                    def _li():
                        load_idx(c + 1, 1 - slot)

                    wait_gather(0, slot)
                    start_gather(1, slot)
                    wait_out(0)
                    compute(0)
                    start_out(c, 0)
                    wait_gather(1, slot)

                    @pl.when(c + 1 < nchunk)
                    def _g0():
                        start_gather(0, 1 - slot)

                    wait_out(1)
                    compute(1)
                    start_out(c, 1)

            return carry

        lax.fori_loop(0, (nchunk - 1 + 1) // 2, chunk_pair_body, 0)

        wait_out(0)
        wait_out(1)

    samples_lo, samples_hi = _gather_sum(btl, bth, cidx)

    bt_batch = 8
    out = pl.pallas_call(
        _ngram_kernel,
        grid=(B // bt_batch,),
        in_specs=[
            pl.BlockSpec((bt_batch, S, Dh), lambda i: (i, 0, 0)),
            pl.BlockSpec((bt_batch, S, Dh), lambda i: (i, 0, 0)),
            pl.BlockSpec((NCLS, D), lambda i: (0, 0)),
        ],
        out_specs=pl.BlockSpec((bt_batch, NCLS), lambda i: (i, 0)),
        out_shape=jax.ShapeDtypeStruct((B, NCLS), jnp.float32),
    )(
        samples_lo.reshape(B, S, Dh),
        samples_hi.reshape(B, S, Dh),
        centroid_weight,
    )
    return out

# --- scband reference (transcript-rebuilt; emitter-appended) ---
"""Pipeline reference for scband-hdclassifier-48103633715288 (READ-ONLY COPY).

The authoritative reference and input builder live on the scoring server;
editing this copy changes nothing except your own understanding.
"""

import jax, jax.numpy as jnp
import numpy as np

NUM_LEVELS = 201
N_GRAM_SIZE = 4
LOW, HIGH = -100.0, 100.0


def setup_inputs(seed: int = 0) -> dict:
    key = jax.random.key(seed)
    k1, k2, k3, k4 = jax.random.split(key, 4)
    B, S, C, D, NC = 128, 50, 4, 2048, 12
    # continuous sensor values, spread across the [-100, 100] level range
    inp = jax.random.normal(k1, (B, S, C), dtype=jnp.float32) * 30.0
    # torchhd MAP hypervectors are random +/-1
    level_weight = jnp.where(jax.random.uniform(k2, (NUM_LEVELS, D)) < 0.5, -1.0, 1.0).astype(jnp.float32)
    channel_weight = jnp.where(jax.random.uniform(k3, (C, D)) < 0.5, -1.0, 1.0).astype(jnp.float32)
    # centroid weights (class prototypes); nonzero so the dot output is meaningful
    centroid_weight = jax.random.normal(k4, (NC, D), dtype=jnp.float32)
    return {"input": inp, "level_weight": level_weight, "channel_weight": channel_weight, "centroid_weight": centroid_weight}


def _value_to_index(x):
    # torchhd.functional.value_to_index + clamp, as in embeddings.Level.forward
    idx = jnp.round((x - LOW) / (HIGH - LOW) * (NUM_LEVELS - 1))
    return jnp.clip(idx, 0, NUM_LEVELS - 1).astype(jnp.int32)


def reference(input, level_weight, channel_weight, centroid_weight):
    # Encoder
    idx = _value_to_index(input)                                  # [B,S,C] int
    signal = jnp.take(level_weight, idx, axis=0)                  # [B,S,C,D] gather (embedding lookup)
    samples = signal * channel_weight[None, None, :, :]           # torchhd.bind (MAP = elementwise mult)
    samples = jnp.sum(samples, axis=-2)                           # torchhd.multiset over channels -> [B,S,D]
    # torchhd.ngrams(samples, n=4)
    n = N_GRAM_SIZE
    n_gram = jnp.roll(samples[..., : -(n - 1), :], n - 1, axis=-1)
    for i in range(1, n):
        stop = None if i == (n - 1) else i - (n - 1)
        sample = jnp.roll(samples[..., i:stop, :], n - i - 1, axis=-1)
        n_gram = n_gram * sample
    sample_hv = jnp.sum(n_gram, axis=-2)                          # multiset over windows -> [B,D]
    hv = jnp.where(sample_hv > 0, 1.0, -1.0)                      # torchhd.hard_quantize
    # Centroid(dot=True) -> F.linear(hv, centroid_weight)
    return hv @ centroid_weight.T                                  # [B, num_classes]

if __name__ == "__main__":
    import jax
    _d = setup_inputs()
    print(jax.jit(kernel)(*tuple(_d.values())))

</pallas_src>

<mosaic_0001>
#map = affine_map<(d0, d1) -> (0, 0)>
#map1 = affine_map<(d0, d1) -> (0)>
module attributes {stable_mosaic.version = 14 : i64} {
  func.func @_gather_sum(%arg0: i32, %arg1: i32, %arg2: memref<804x1024xf32, #tpu.memory_space<hbm>>, %arg3: memref<804x1024xf32, #tpu.memory_space<hbm>>, %arg4: memref<25600xi32, #tpu.memory_space<hbm>>, %arg5: memref<6400x1024xf32, #tpu.memory_space<hbm>>, %arg6: memref<6400x1024xf32, #tpu.memory_space<hbm>>, %arg7: memref<2x32xi32, #tpu.memory_space<vmem>>, %arg8: memref<32x1024xf32, #tpu.memory_space<vmem>>, %arg9: memref<32x1024xf32, #tpu.memory_space<vmem>>, %arg10: memref<2x8x1024xf32, #tpu.memory_space<vmem>>, %arg11: memref<!tpu.dma_semaphore, #tpu.memory_space<semaphore_mem>>, %arg12: memref<!tpu.dma_semaphore, #tpu.memory_space<semaphore_mem>>, %arg13: memref<!tpu.dma_semaphore, #tpu.memory_space<semaphore_mem>>, %arg14: memref<!tpu.dma_semaphore, #tpu.memory_space<semaphore_mem>>) attributes {dimension_semantics = [#tpu.dimension_semantics<core_parallel>, #tpu.dimension_semantics<subcore_parallel>], iteration_bounds = array<i64: 2, 16>, scalar_prefetch = 0 : i64, scratch_operands = 8 : i64, tpu.core_type = #tpu.core_type<sc_vector_subcore>, window_params = [{transform_indices = #map}, {transform_indices = #map}, {transform_indices = #map1}, {transform_indices = #map}, {transform_indices = #map}]} {
    %mul3A = arith.constant 2 : i32
    %mul3A_0 = arith.muli %arg1, %mul3A : i32
    %add3A = arith.addi %mul3A_0, %arg0 : i32
    %mul3A_1 = arith.constant 200 : i32
    %mul3A_2 = arith.muli %add3A, %mul3A_1 : i32
    %add3A_3 = arith.constant 0 : i32
    %add3A_4 = arith.addi %mul3A_2, %add3A_3 : i32
    %mul3A_5 = arith.constant 4 : i32
    %mul3A_6 = arith.muli %add3A_4, %mul3A_5 : i32
    %multiple_of3A = tpu.assume_multiple %mul3A_6, 32 : i32
    %run_scoped3A = arith.constant 0 : i32
    "tpu.region"() ({
      %run_scoped3A_207 = tpu.sem_alloc : memref<!tpu.dma_semaphore, #tpu.memory_space<semaphore_mem>>
      %dma_start3A_208 = arith.constant 0 : i32
      %dma_start3A_209 = tpu.memref_slice %arg7[%run_scoped3A, %dma_start3A_208] : memref<2x32xi32, #tpu.memory_space<vmem>> -> memref<1x32xi32, #tpu.memory_space<vmem>>
      %dma_start3A_210 = tpu.memref_squeeze %dma_start3A_209 : memref<1x32xi32, #tpu.memory_space<vmem>> -> memref<32xi32, #tpu.memory_space<vmem>>
      %dma_start3A_211 = tpu.memref_slice %arg4[%multiple_of3A] : memref<25600xi32, #tpu.memory_space<hbm>> -> memref<32xi32, #tpu.memory_space<hbm>>
      %dma_start3A_212 = arith.constant 0 : i32
      %dma_start3A_213 = tpu.memref_slice %arg7[%run_scoped3A, %dma_start3A_212] : memref<2x32xi32, #tpu.memory_space<vmem>> -> memref<1x32xi32, #tpu.memory_space<vmem>>
      %dma_start3A_214 = tpu.memref_squeeze %dma_start3A_213 : memref<1x32xi32, #tpu.memory_space<vmem>> -> memref<32xi32, #tpu.memory_space<vmem>>
      %dma_start3A_215 = tpu.memref_slice %arg4[%multiple_of3A] : memref<25600xi32, #tpu.memory_space<hbm>> -> memref<32xi32, #tpu.memory_space<hbm>>
      tpu.enqueue_dma source(%dma_start3A_215 : memref<32xi32, #tpu.memory_space<hbm>>) target(%dma_start3A_214 : memref<32xi32, #tpu.memory_space<vmem>>) target_semaphore(%run_scoped3A_207 : memref<!tpu.dma_semaphore, #tpu.memory_space<semaphore_mem>>)
      %dma_wait3A_216 = arith.constant 0 : i32
      %dma_wait3A_217 = tpu.memref_slice %arg7[%run_scoped3A, %dma_wait3A_216] : memref<2x32xi32, #tpu.memory_space<vmem>> -> memref<1x32xi32, #tpu.memory_space<vmem>>
      %dma_wait3A_218 = tpu.memref_squeeze %dma_wait3A_217 : memref<1x32xi32, #tpu.memory_space<vmem>> -> memref<32xi32, #tpu.memory_space<vmem>>
      %dma_wait3A_219 = tpu.memref_slice %arg4[%multiple_of3A] : memref<25600xi32, #tpu.memory_space<hbm>> -> memref<32xi32, #tpu.memory_space<hbm>>
      %dma_wait3A_220 = arith.constant 0 : i32
      %dma_wait3A_221 = tpu.memref_slice %arg7[%run_scoped3A, %dma_wait3A_220] : memref<2x32xi32, #tpu.memory_space<vmem>> -> memref<1x32xi32, #tpu.memory_space<vmem>>
      %dma_wait3A_222 = tpu.memref_squeeze %dma_wait3A_221 : memref<1x32xi32, #tpu.memory_space<vmem>> -> memref<32xi32, #tpu.memory_space<vmem>>
      %dma_wait3A_223 = tpu.memref_slice %arg4[%multiple_of3A] : memref<25600xi32, #tpu.memory_space<hbm>> -> memref<32xi32, #tpu.memory_space<hbm>>
      tpu.wait_dma2 semaphore(%run_scoped3A_207 : memref<!tpu.dma_semaphore, #tpu.memory_space<semaphore_mem>>) src(%dma_wait3A_223 : memref<32xi32, #tpu.memory_space<hbm>>) dst(%dma_wait3A_222 : memref<32xi32, #tpu.memory_space<vmem>>)
      tpu.yield
    }) : () -> ()
    %dma_start3A = arith.constant 0 : i32
    %dma_start3A_7 = arith.constant 0 : i32
    %dma_start3A_8 = tpu.memref_slice %arg7[%dma_start3A, %dma_start3A_7] : memref<2x32xi32, #tpu.memory_space<vmem>> -> memref<1x32xi32, #tpu.memory_space<vmem>>
    %dma_start3A_9 = tpu.memref_squeeze %dma_start3A_8 : memref<1x32xi32, #tpu.memory_space<vmem>> -> memref<32xi32, #tpu.memory_space<vmem>>
    %dma_start3A_10 = arith.constant 0 : i32
    %dma_start3A_11 = arith.constant 0 : i32
    %dma_start3A_12 = tpu.memref_slice %arg2[%dma_start3A_10, %dma_start3A_11] : memref<804x1024xf32, #tpu.memory_space<hbm>> -> memref<804x1024xf32, #tpu.memory_space<hbm>>
    tpu.enqueue_indirect_dma source(%dma_start3A_12 : memref<804x1024xf32, #tpu.memory_space<hbm>>) target(%arg8 : memref<32x1024xf32, #tpu.memory_space<vmem>>) offsets(%dma_start3A_9 : memref<32xi32, #tpu.memory_space<vmem>>) semaphore(%arg11 : memref<!tpu.dma_semaphore, #tpu.memory_space<semaphore_mem>>)
    %add3A_13 = arith.constant 8 : i32
    %add3A_14 = arith.addi %mul3A_2, %add3A_13 : i32
    %mul3A_15 = arith.constant 4 : i32
    %mul3A_16 = arith.muli %add3A_14, %mul3A_15 : i32
    %multiple_of3A_17 = tpu.assume_multiple %mul3A_16, 32 : i32
    %run_scoped3A_18 = arith.constant 1 : i32
    "tpu.region"() ({
      %run_scoped3A_207 = tpu.sem_alloc : memref<!tpu.dma_semaphore, #tpu.memory_space<semaphore_mem>>
      %dma_start3A_208 = arith.constant 0 : i32
      %dma_start3A_209 = tpu.memref_slice %arg7[%run_scoped3A_18, %dma_start3A_208] : memref<2x32xi32, #tpu.memory_space<vmem>> -> memref<1x32xi32, #tpu.memory_space<vmem>>
      %dma_start3A_210 = tpu.memref_squeeze %dma_start3A_209 : memref<1x32xi32, #tpu.memory_space<vmem>> -> memref<32xi32, #tpu.memory_space<vmem>>
      %dma_start3A_211 = tpu.memref_slice %arg4[%multiple_of3A_17] : memref<25600xi32, #tpu.memory_space<hbm>> -> memref<32xi32, #tpu.memory_space<hbm>>
      %dma_start3A_212 = arith.constant 0 : i32
      %dma_start3A_213 = tpu.memref_slice %arg7[%run_scoped3A_18, %dma_start3A_212] : memref<2x32xi32, #tpu.memory_space<vmem>> -> memref<1x32xi32, #tpu.memory_space<vmem>>
      %dma_start3A_214 = tpu.memref_squeeze %dma_start3A_213 : memref<1x32xi32, #tpu.memory_space<vmem>> -> memref<32xi32, #tpu.memory_space<vmem>>
      %dma_start3A_215 = tpu.memref_slice %arg4[%multiple_of3A_17] : memref<25600xi32, #tpu.memory_space<hbm>> -> memref<32xi32, #tpu.memory_space<hbm>>
      tpu.enqueue_dma source(%dma_start3A_215 : memref<32xi32, #tpu.memory_space<hbm>>) target(%dma_start3A_214 : memref<32xi32, #tpu.memory_space<vmem>>) target_semaphore(%run_scoped3A_207 : memref<!tpu.dma_semaphore, #tpu.memory_space<semaphore_mem>>)
      %dma_wait3A_216 = arith.constant 0 : i32
      %dma_wait3A_217 = tpu.memref_slice %arg7[%run_scoped3A_18, %dma_wait3A_216] : memref<2x32xi32, #tpu.memory_space<vmem>> -> memref<1x32xi32, #tpu.memory_space<vmem>>
      %dma_wait3A_218 = tpu.memref_squeeze %dma_wait3A_217 : memref<1x32xi32, #tpu.memory_space<vmem>> -> memref<32xi32, #tpu.memory_space<vmem>>
      %dma_wait3A_219 = tpu.memref_slice %arg4[%multiple_of3A_17] : memref<25600xi32, #tpu.memory_space<hbm>> -> memref<32xi32, #tpu.memory_space<hbm>>
      %dma_wait3A_220 = arith.constant 0 : i32
      %dma_wait3A_221 = tpu.memref_slice %arg7[%run_scoped3A_18, %dma_wait3A_220] : memref<2x32xi32, #tpu.memory_space<vmem>> -> memref<1x32xi32, #tpu.memory_space<vmem>>
      %dma_wait3A_222 = tpu.memref_squeeze %dma_wait3A_221 : memref<1x32xi32, #tpu.memory_space<vmem>> -> memref<32xi32, #tpu.memory_space<vmem>>
      %dma_wait3A_223 = tpu.memref_slice %arg4[%multiple_of3A_17] : memref<25600xi32, #tpu.memory_space<hbm>> -> memref<32xi32, #tpu.memory_space<hbm>>
      tpu.wait_dma2 semaphore(%run_scoped3A_207 : memref<!tpu.dma_semaphore, #tpu.memory_space<semaphore_mem>>) src(%dma_wait3A_223 : memref<32xi32, #tpu.memory_space<hbm>>) dst(%dma_wait3A_222 : memref<32xi32, #tpu.memory_space<vmem>>)
      tpu.yield
    }) : () -> ()
    %dma_wait3A = arith.constant 0 : i32
    %dma_wait3A_19 = arith.constant 0 : i32
    %dma_wait3A_20 = tpu.memref_slice %arg7[%dma_wait3A, %dma_wait3A_19] : memref<2x32xi32, #tpu.memory_space<vmem>> -> memref<1x32xi32, #tpu.memory_space<vmem>>
    %dma_wait3A_21 = tpu.memref_squeeze %dma_wait3A_20 : memref<1x32xi32, #tpu.memory_space<vmem>> -> memref<32xi32, #tpu.memory_space<vmem>>
    %dma_wait3A_22 = arith.constant 0 : i32
    %dma_wait3A_23 = arith.constant 0 : i32
    %dma_wait3A_24 = tpu.memref_slice %arg2[%dma_wait3A_22, %dma_wait3A_23] : memref<804x1024xf32, #tpu.memory_space<hbm>> -> memref<804x1024xf32, #tpu.memory_space<hbm>>
    tpu.wait_indirect_dma semaphore(%arg11 : memref<!tpu.dma_semaphore, #tpu.memory_space<semaphore_mem>>) src(%dma_wait3A_24 : memref<804x1024xf32, #tpu.memory_space<hbm>>) dst(%arg8 : memref<32x1024xf32, #tpu.memory_space<vmem>>)
    %dma_start3A_25 = arith.constant 0 : i32
    %dma_start3A_26 = arith.constant 0 : i32
    %dma_start3A_27 = tpu.memref_slice %arg7[%dma_start3A_25, %dma_start3A_26] : memref<2x32xi32, #tpu.memory_space<vmem>> -> memref<1x32xi32, #tpu.memory_space<vmem>>
    %dma_start3A_28 = tpu.memref_squeeze %dma_start3A_27 : memref<1x32xi32, #tpu.memory_space<vmem>> -> memref<32xi32, #tpu.memory_space<vmem>>
    %dma_start3A_29 = arith.constant 0 : i32
    %dma_start3A_30 = arith.constant 0 : i32
    %dma_start3A_31 = tpu.memref_slice %arg3[%dma_start3A_29, %dma_start3A_30] : memref<804x1024xf32, #tpu.memory_space<hbm>> -> memref<804x1024xf32, #tpu.memory_space<hbm>>
    tpu.enqueue_indirect_dma source(%dma_start3A_31 : memref<804x1024xf32, #tpu.memory_space<hbm>>) target(%arg9 : memref<32x1024xf32, #tpu.memory_space<vmem>>) offsets(%dma_start3A_28 : memref<32xi32, #tpu.memory_space<vmem>>) semaphore(%arg12 : memref<!tpu.dma_semaphore, #tpu.memory_space<semaphore_mem>>)
    %scan3A = arith.constant 0 : i32
    %scan3A_32 = arith.constant 0 : i32
    %scan3A_33 = arith.constant 64 : i32
    %scan3A_34 = arith.addi %scan3A_32, %scan3A_33 : i32
    %scan3A_35 = arith.constant 1 : i32
    scf.for %scan3A_207 = %scan3A_32 to %scan3A_34 step %scan3A_35  : i32 {
      %mul3A_208 = arith.constant 16 : i32
      %mul3A_209 = arith.muli %scan3A_207, %mul3A_208 : i32
      %get3A = arith.constant 0 : i32
      %get3A_210 = arith.index_cast %get3A : i32 to index
      %get3A_211 = arith.index_cast %mul3A_209 : i32 to index
      %get3A_212 = tpu.vector_load %arg8[%get3A_210, %get3A_211] {strides = array<i32>} : memref<32x1024xf32, #tpu.memory_space<vmem>>, vector<1x16xf32>,
      %get3A_213 = vector.shape_cast %get3A_212 : vector<1x16xf32> to vector<16xf32>
      %get3A_214 = arith.constant 1 : i32
      %get3A_215 = arith.index_cast %get3A_214 : i32 to index
      %get3A_216 = arith.index_cast %mul3A_209 : i32 to index
      %get3A_217 = tpu.vector_load %arg8[%get3A_215, %get3A_216] {strides = array<i32>} : memref<32x1024xf32, #tpu.memory_space<vmem>>, vector<1x16xf32>,
      %get3A_218 = vector.shape_cast %get3A_217 : vector<1x16xf32> to vector<16xf32>
      %add3A_219 = arith.addf %get3A_213, %get3A_218 : vector<16xf32>
      %get3A_220 = arith.constant 2 : i32
      %get3A_221 = arith.index_cast %get3A_220 : i32 to index
      %get3A_222 = arith.index_cast %mul3A_209 : i32 to index
      %get3A_223 = tpu.vector_load %arg8[%get3A_221, %get3A_222] {strides = array<i32>} : memref<32x1024xf32, #tpu.memory_space<vmem>>, vector<1x16xf32>,
      %get3A_224 = vector.shape_cast %get3A_223 : vector<1x16xf32> to vector<16xf32>
      %get3A_225 = arith.constant 3 : i32
      %get3A_226 = arith.index_cast %get3A_225 : i32 to index
      %get3A_227 = arith.index_cast %mul3A_209 : i32 to index
      %get3A_228 = tpu.vector_load %arg8[%get3A_226, %get3A_227] {strides = array<i32>} : memref<32x1024xf32, #tpu.memory_space<vmem>>, vector<1x16xf32>,
      %get3A_229 = vector.shape_cast %get3A_228 : vector<1x16xf32> to vector<16xf32>
      %add3A_230 = arith.addf %get3A_224, %get3A_229 : vector<16xf32>
      %add3A_231 = arith.addf %add3A_219, %add3A_230 : vector<16xf32>
      %swap3A = arith.constant 0 : i32
      %swap3A_232 = arith.constant 0 : i32
      %swap3A_233 = arith.index_cast %swap3A : i32 to index
      %swap3A_234 = arith.index_cast %swap3A_232 : i32 to index
      %swap3A_235 = arith.index_cast %mul3A_209 : i32 to index
      %swap3A_236 = tpu.vector_load %arg10[%swap3A_233, %swap3A_234, %swap3A_235] {strides = array<i32>} : memref<2x8x1024xf32, #tpu.memory_space<vmem>>, vector<1x1x16xf32>,
      %swap3A_237 = vector.shape_cast %swap3A_236 : vector<1x1x16xf32> to vector<16xf32>
      %swap3A_238 = vector.shape_cast %add3A_231 : vector<16xf32> to vector<1x1x16xf32>
      tpu.vector_store %arg10[%swap3A_233, %swap3A_234, %swap3A_235], %swap3A_238 {strides = array<i32>} : memref<2x8x1024xf32, #tpu.memory_space<vmem>>, vector<1x1x16xf32>,
    }
    %scan3A_36 = arith.constant 64 : i32
    %scan3A_37 = arith.constant 0 : i32
    %scan3A_38 = arith.constant 0 : i32
    %scan3A_39 = arith.constant 64 : i32
    %scan3A_40 = arith.addi %scan3A_38, %scan3A_39 : i32
    %scan3A_41 = arith.constant 1 : i32
    scf.for %scan3A_207 = %scan3A_38 to %scan3A_40 step %scan3A_41  : i32 {
      %mul3A_208 = arith.constant 16 : i32
      %mul3A_209 = arith.muli %scan3A_207, %mul3A_208 : i32
      %get3A = arith.constant 4 : i32
      %get3A_210 = arith.index_cast %get3A : i32 to index
      %get3A_211 = arith.index_cast %mul3A_209 : i32 to index
      %get3A_212 = tpu.vector_load %arg8[%get3A_210, %get3A_211] {strides = array<i32>} : memref<32x1024xf32, #tpu.memory_space<vmem>>, vector<1x16xf32>,
      %get3A_213 = vector.shape_cast %get3A_212 : vector<1x16xf32> to vector<16xf32>
      %get3A_214 = arith.constant 5 : i32
      %get3A_215 = arith.index_cast %get3A_214 : i32 to index
      %get3A_216 = arith.index_cast %mul3A_209 : i32 to index
      %get3A_217 = tpu.vector_load %arg8[%get3A_215, %get3A_216] {strides = array<i32>} : memref<32x1024xf32, #tpu.memory_space<vmem>>, vector<1x16xf32>,
      %get3A_218 = vector.shape_cast %get3A_217 : vector<1x16xf32> to vector<16xf32>
      %add3A_219 = arith.addf %get3A_213, %get3A_218 : vector<16xf32>
      %get3A_220 = arith.constant 6 : i32
      %get3A_221 = arith.index_cast %get3A_220 : i32 to index
      %get3A_222 = arith.index_cast %mul3A_209 : i32 to index
      %get3A_223 = tpu.vector_load %arg8[%get3A_221, %get3A_222] {strides = array<i32>} : memref<32x1024xf32, #tpu.memory_space<vmem>>, vector<1x16xf32>,
      %get3A_224 = vector.shape_cast %get3A_223 : vector<1x16xf32> to vector<16xf32>
      %get3A_225 = arith.constant 7 : i32
      %get3A_226 = arith.index_cast %get3A_225 : i32 to index
      %get3A_227 = arith.index_cast %mul3A_209 : i32 to index
      %get3A_228 = tpu.vector_load %arg8[%get3A_226, %get3A_227] {strides = array<i32>} : memref<32x1024xf32, #tpu.memory_space<vmem>>, vector<1x16xf32>,
      %get3A_229 = vector.shape_cast %get3A_228 : vector<1x16xf32> to vector<16xf32>
      %add3A_230 = arith.addf %get3A_224, %get3A_229 : vector<16xf32>
      %add3A_231 = arith.addf %add3A_219, %add3A_230 : vector<16xf32>
      %swap3A = arith.constant 0 : i32
      %swap3A_232 = arith.constant 1 : i32
      %swap3A_233 = arith.index_cast %swap3A : i32 to index
      %swap3A_234 = arith.index_cast %swap3A_232 : i32 to index
      %swap3A_235 = arith.index_cast %mul3A_209 : i32 to index
      %swap3A_236 = tpu.vector_load %arg10[%swap3A_233, %swap3A_234, %swap3A_235] {strides = array<i32>} : memref<2x8x1024xf32, #tpu.memory_space<vmem>>, vector<1x1x16xf32>,
      %swap3A_237 = vector.shape_cast %swap3A_236 : vector<1x1x16xf32> to vector<16xf32>
      %swap3A_238 = vector.shape_cast %add3A_231 : vector<16xf32> to vector<1x1x16xf32>
      tpu.vector_store %arg10[%swap3A_233, %swap3A_234, %swap3A_235], %swap3A_238 {strides = array<i32>} : memref<2x8x1024xf32, #tpu.memory_space<vmem>>, vector<1x1x16xf32>,
    }
    %scan3A_42 = arith.constant 64 : i32
    %scan3A_43 = arith.constant 0 : i32
    %scan3A_44 = arith.constant 0 : i32
    %scan3A_45 = arith.constant 64 : i32
    %scan3A_46 = arith.addi %scan3A_44, %scan3A_45 : i32
    %scan3A_47 = arith.constant 1 : i32
    scf.for %scan3A_207 = %scan3A_44 to %scan3A_46 step %scan3A_47  : i32 {
      %mul3A_208 = arith.constant 16 : i32
      %mul3A_209 = arith.muli %scan3A_207, %mul3A_208 : i32
      %get3A = arith.constant 8 : i32
      %get3A_210 = arith.index_cast %get3A : i32 to index
      %get3A_211 = arith.index_cast %mul3A_209 : i32 to index
      %get3A_212 = tpu.vector_load %arg8[%get3A_210, %get3A_211] {strides = array<i32>} : memref<32x1024xf32, #tpu.memory_space<vmem>>, vector<1x16xf32>,
      %get3A_213 = vector.shape_cast %get3A_212 : vector<1x16xf32> to vector<16xf32>
      %get3A_214 = arith.constant 9 : i32
      %get3A_215 = arith.index_cast %get3A_214 : i32 to index
      %get3A_216 = arith.index_cast %mul3A_209 : i32 to index
      %get3A_217 = tpu.vector_load %arg8[%get3A_215, %get3A_216] {strides = array<i32>} : memref<32x1024xf32, #tpu.memory_space<vmem>>, vector<1x16xf32>,
      %get3A_218 = vector.shape_cast %get3A_217 : vector<1x16xf32> to vector<16xf32>
      %add3A_219 = arith.addf %get3A_213, %get3A_218 : vector<16xf32>
      %get3A_220 = arith.constant 10 : i32
      %get3A_221 = arith.index_cast %get3A_220 : i32 to index
      %get3A_222 = arith.index_cast %mul3A_209 : i32 to index
      %get3A_223 = tpu.vector_load %arg8[%get3A_221, %get3A_222] {strides = array<i32>} : memref<32x1024xf32, #tpu.memory_space<vmem>>, vector<1x16xf32>,
      %get3A_224 = vector.shape_cast %get3A_223 : vector<1x16xf32> to vector<16xf32>
      %get3A_225 = arith.constant 11 : i32
      %get3A_226 = arith.index_cast %get3A_225 : i32 to index
      %get3A_227 = arith.index_cast %mul3A_209 : i32 to index
      %get3A_228 = tpu.vector_load %arg8[%get3A_226, %get3A_227] {strides = array<i32>} : memref<32x1024xf32, #tpu.memory_space<vmem>>, vector<1x16xf32>,
      %get3A_229 = vector.shape_cast %get3A_228 : vector<1x16xf32> to vector<16xf32>
      %add3A_230 = arith.addf %get3A_224, %get3A_229 : vector<16xf32>
      %add3A_231 = arith.addf %add3A_219, %add3A_230 : vector<16xf32>
      %swap3A = arith.constant 0 : i32
      %swap3A_232 = arith.constant 2 : i32
      %swap3A_233 = arith.index_cast %swap3A : i32 to index
      %swap3A_234 = arith.index_cast %swap3A_232 : i32 to index
      %swap3A_235 = arith.index_cast %mul3A_209 : i32 to index
      %swap3A_236 = tpu.vector_load %arg10[%swap3A_233, %swap3A_234, %swap3A_235] {strides = array<i32>} : memref<2x8x1024xf32, #tpu.memory_space<vmem>>, vector<1x1x16xf32>,
      %swap3A_237 = vector.shape_cast %swap3A_236 : vector<1x1x16xf32> to vector<16xf32>
      %swap3A_238 = vector.shape_cast %add3A_231 : vector<16xf32> to vector<1x1x16xf32>
      tpu.vector_store %arg10[%swap3A_233, %swap3A_234, %swap3A_235], %swap3A_238 {strides = array<i32>} : memref<2x8x1024xf32, #tpu.memory_space<vmem>>, vector<1x1x16xf32>,
    }
    %scan3A_48 = arith.constant 64 : i32
    %scan3A_49 = arith.constant 0 : i32
    %scan3A_50 = arith.constant 0 : i32
    %scan3A_51 = arith.constant 64 : i32
    %scan3A_52 = arith.addi %scan3A_50, %scan3A_51 : i32
    %scan3A_53 = arith.constant 1 : i32
    scf.for %scan3A_207 = %scan3A_50 to %scan3A_52 step %scan3A_53  : i32 {
      %mul3A_208 = arith.constant 16 : i32
      %mul3A_209 = arith.muli %scan3A_207, %mul3A_208 : i32
      %get3A = arith.constant 12 : i32
      %get3A_210 = arith.index_cast %get3A : i32 to index
      %get3A_211 = arith.index_cast %mul3A_209 : i32 to index
      %get3A_212 = tpu.vector_load %arg8[%get3A_210, %get3A_211] {strides = array<i32>} : memref<32x1024xf32, #tpu.memory_space<vmem>>, vector<1x16xf32>,
      %get3A_213 = vector.shape_cast %get3A_212 : vector<1x16xf32> to vector<16xf32>
      %get3A_214 = arith.constant 13 : i32
      %get3A_215 = arith.index_cast %get3A_214 : i32 to index
      %get3A_216 = arith.index_cast %mul3A_209 : i32 to index
      %get3A_217 = tpu.vector_load %arg8[%get3A_215, %get3A_216] {strides = array<i32>} : memref<32x1024xf32, #tpu.memory_space<vmem>>, vector<1x16xf32>,
      %get3A_218 = vector.shape_cast %get3A_217 : vector<1x16xf32> to vector<16xf32>
      %add3A_219 = arith.addf %get3A_213, %get3A_218 : vector<16xf32>
      %get3A_220 = arith.constant 14 : i32
      %get3A_221 = arith.index_cast %get3A_220 : i32 to index
      %get3A_222 = arith.index_cast %mul3A_209 : i32 to index
      %get3A_223 = tpu.vector_load %arg8[%get3A_221, %get3A_222] {strides = array<i32>} : memref<32x1024xf32, #tpu.memory_space<vmem>>, vector<1x16xf32>,
      %get3A_224 = vector.shape_cast %get3A_223 : vector<1x16xf32> to vector<16xf32>
      %get3A_225 = arith.constant 15 : i32
      %get3A_226 = arith.index_cast %get3A_225 : i32 to index
      %get3A_227 = arith.index_cast %mul3A_209 : i32 to index
      %get3A_228 = tpu.vector_load %arg8[%get3A_226, %get3A_227] {strides = array<i32>} : memref<32x1024xf32, #tpu.memory_space<vmem>>, vector<1x16xf32>,
      %get3A_229 = vector.shape_cast %get3A_228 : vector<1x16xf32> to vector<16xf32>
      %add3A_230 = arith.addf %get3A_224, %get3A_229 : vector<16xf32>
      %add3A_231 = arith.addf %add3A_219, %add3A_230 : vector<16xf32>
      %swap3A = arith.constant 0 : i32
      %swap3A_232 = arith.constant 3 : i32
      %swap3A_233 = arith.index_cast %swap3A : i32 to index
      %swap3A_234 = arith.index_cast %swap3A_232 : i32 to index
      %swap3A_235 = arith.index_cast %mul3A_209 : i32 to index
      %swap3A_236 = tpu.vector_load %arg10[%swap3A_233, %swap3A_234, %swap3A_235] {strides = array<i32>} : memref<2x8x1024xf32, #tpu.memory_space<vmem>>, vector<1x1x16xf32>,
      %swap3A_237 = vector.shape_cast %swap3A_236 : vector<1x1x16xf32> to vector<16xf32>
      %swap3A_238 = vector.shape_cast %add3A_231 : vector<16xf32> to vector<1x1x16xf32>
      tpu.vector_store %arg10[%swap3A_233, %swap3A_234, %swap3A_235], %swap3A_238 {strides = array<i32>} : memref<2x8x1024xf32, #tpu.memory_space<vmem>>, vector<1x1x16xf32>,
    }
    %scan3A_54 = arith.constant 64 : i32
    %scan3A_55 = arith.constant 0 : i32
    %scan3A_56 = arith.constant 0 : i32
    %scan3A_57 = arith.constant 64 : i32
    %scan3A_58 = arith.addi %scan3A_56, %scan3A_57 : i32
    %scan3A_59 = arith.constant 1 : i32
    scf.for %scan3A_207 = %scan3A_56 to %scan3A_58 step %scan3A_59  : i32 {
      %mul3A_208 = arith.constant 16 : i32
      %mul3A_209 = arith.muli %scan3A_207, %mul3A_208 : i32
      %get3A = arith.constant 16 : i32
      %get3A_210 = arith.index_cast %get3A : i32 to index
      %get3A_211 = arith.index_cast %mul3A_209 : i32 to index
      %get3A_212 = tpu.vector_load %arg8[%get3A_210, %get3A_211] {strides = array<i32>} : memref<32x1024xf32, #tpu.memory_space<vmem>>, vector<1x16xf32>,
      %get3A_213 = vector.shape_cast %get3A_212 : vector<1x16xf32> to vector<16xf32>
      %get3A_214 = arith.constant 17 : i32
      %get3A_215 = arith.index_cast %get3A_214 : i32 to index
      %get3A_216 = arith.index_cast %mul3A_209 : i32 to index
      %get3A_217 = tpu.vector_load %arg8[%get3A_215, %get3A_216] {strides = array<i32>} : memref<32x1024xf32, #tpu.memory_space<vmem>>, vector<1x16xf32>,
      %get3A_218 = vector.shape_cast %get3A_217 : vector<1x16xf32> to vector<16xf32>
      %add3A_219 = arith.addf %get3A_213, %get3A_218 : vector<16xf32>
      %get3A_220 = arith.constant 18 : i32
      %get3A_221 = arith.index_cast %get3A_220 : i32 to index
      %get3A_222 = arith.index_cast %mul3A_209 : i32 to index
      %get3A_223 = tpu.vector_load %arg8[%get3A_221, %get3A_222] {strides = array<i32>} : memref<32x1024xf32, #tpu.memory_space<vmem>>, vector<1x16xf32>,
      %get3A_224 = vector.shape_cast %get3A_223 : vector<1x16xf32> to vector<16xf32>
      %get3A_225 = arith.constant 19 : i32
      %get3A_226 = arith.index_cast %get3A_225 : i32 to index
      %get3A_227 = arith.index_cast %mul3A_209 : i32 to index
      %get3A_228 = tpu.vector_load %arg8[%get3A_226, %get3A_227] {strides = array<i32>} : memref<32x1024xf32, #tpu.memory_space<vmem>>, vector<1x16xf32>,
      %get3A_229 = vector.shape_cast %get3A_228 : vector<1x16xf32> to vector<16xf32>
      %add3A_230 = arith.addf %get3A_224, %get3A_229 : vector<16xf32>
      %add3A_231 = arith.addf %add3A_219, %add3A_230 : vector<16xf32>
      %swap3A = arith.constant 0 : i32
      %swap3A_232 = arith.constant 4 : i32
      %swap3A_233 = arith.index_cast %swap3A : i32 to index
      %swap3A_234 = arith.index_cast %swap3A_232 : i32 to index
      %swap3A_235 = arith.index_cast %mul3A_209 : i32 to index
      %swap3A_236 = tpu.vector_load %arg10[%swap3A_233, %swap3A_234, %swap3A_235] {strides = array<i32>} : memref<2x8x1024xf32, #tpu.memory_space<vmem>>, vector<1x1x16xf32>,
      %swap3A_237 = vector.shape_cast %swap3A_236 : vector<1x1x16xf32> to vector<16xf32>
      %swap3A_238 = vector.shape_cast %add3A_231 : vector<16xf32> to vector<1x1x16xf32>
      tpu.vector_store %arg10[%swap3A_233, %swap3A_234, %swap3A_235], %swap3A_238 {strides = array<i32>} : memref<2x8x1024xf32, #tpu.memory_space<vmem>>, vector<1x1x16xf32>,
    }
    %scan3A_60 = arith.constant 64 : i32
    %scan3A_61 = arith.constant 0 : i32
    %scan3A_62 = arith.constant 0 : i32
    %scan3A_63 = arith.constant 64 : i32
    %scan3A_64 = arith.addi %scan3A_62, %scan3A_63 : i32
    %scan3A_65 = arith.constant 1 : i32
    scf.for %scan3A_207 = %scan3A_62 to %scan3A_64 step %scan3A_65  : i32 {
      %mul3A_208 = arith.constant 16 : i32
      %mul3A_209 = arith.muli %scan3A_207, %mul3A_208 : i32
      %get3A = arith.constant 20 : i32
      %get3A_210 = arith.index_cast %get3A : i32 to index
      %get3A_211 = arith.index_cast %mul3A_209 : i32 to index
      %get3A_212 = tpu.vector_load %arg8[%get3A_210, %get3A_211] {strides = array<i32>} : memref<32x1024xf32, #tpu.memory_space<vmem>>, vector<1x16xf32>,
      %get3A_213 = vector.shape_cast %get3A_212 : vector<1x16xf32> to vector<16xf32>
      %get3A_214 = arith.constant 21 : i32
      %get3A_215 = arith.index_cast %get3A_214 : i32 to index
      %get3A_216 = arith.index_cast %mul3A_209 : i32 to index
      %get3A_217 = tpu.vector_load %arg8[%get3A_215, %get3A_216] {strides = array<i32>} : memref<32x1024xf32, #tpu.memory_space<vmem>>, vector<1x16xf32>,
      %get3A_218 = vector.shape_cast %get3A_217 : vector<1x16xf32> to vector<16xf32>
      %add3A_219 = arith.addf %get3A_213, %get3A_218 : vector<16xf32>
      %get3A_220 = arith.constant 22 : i32
      %get3A_221 = arith.index_cast %get3A_220 : i32 to index
      %get3A_222 = arith.index_cast %mul3A_209 : i32 to index
      %get3A_223 = tpu.vector_load %arg8[%get3A_221, %get3A_222] {strides = array<i32>} : memref<32x1024xf32, #tpu.memory_space<vmem>>, vector<1x16xf32>,
      %get3A_224 = vector.shape_cast %get3A_223 : vector<1x16xf32> to vector<16xf32>
      %get3A_225 = arith.constant 23 : i32
      %get3A_226 = arith.index_cast %get3A_225 : i32 to index
      %get3A_227 = arith.index_cast %mul3A_209 : i32 to index
      %get3A_228 = tpu.vector_load %arg8[%get3A_226, %get3A_227] {strides = array<i32>} : memref<32x1024xf32, #tpu.memory_space<vmem>>, vector<1x16xf32>,
      %get3A_229 = vector.shape_cast %get3A_228 : vector<1x16xf32> to vector<16xf32>
      %add3A_230 = arith.addf %get3A_224, %get3A_229 : vector<16xf32>
      %add3A_231 = arith.addf %add3A_219, %add3A_230 : vector<16xf32>
      %swap3A = arith.constant 0 : i32
      %swap3A_232 = arith.constant 5 : i32
      %swap3A_233 = arith.index_cast %swap3A : i32 to index
      %swap3A_234 = arith.index_cast %swap3A_232 : i32 to index
      %swap3A_235 = arith.index_cast %mul3A_209 : i32 to index
      %swap3A_236 = tpu.vector_load %arg10[%swap3A_233, %swap3A_234, %swap3A_235] {strides = array<i32>} : memref<2x8x1024xf32, #tpu.memory_space<vmem>>, vector<1x1x16xf32>,
      %swap3A_237 = vector.shape_cast %swap3A_236 : vector<1x1x16xf32> to vector<16xf32>
      %swap3A_238 = vector.shape_cast %add3A_231 : vector<16xf32> to vector<1x1x16xf32>
      tpu.vector_store %arg10[%swap3A_233, %swap3A_234, %swap3A_235], %swap3A_238 {strides = array<i32>} : memref<2x8x1024xf32, #tpu.memory_space<vmem>>, vector<1x1x16xf32>,
    }
    %scan3A_66 = arith.constant 64 : i32
    %scan3A_67 = arith.constant 0 : i32
    %scan3A_68 = arith.constant 0 : i32
    %scan3A_69 = arith.constant 64 : i32
    %scan3A_70 = arith.addi %scan3A_68, %scan3A_69 : i32
    %scan3A_71 = arith.constant 1 : i32
    scf.for %scan3A_207 = %scan3A_68 to %scan3A_70 step %scan3A_71  : i32 {
      %mul3A_208 = arith.constant 16 : i32
      %mul3A_209 = arith.muli %scan3A_207, %mul3A_208 : i32
      %get3A = arith.constant 24 : i32
      %get3A_210 = arith.index_cast %get3A : i32 to index
      %get3A_211 = arith.index_cast %mul3A_209 : i32 to index
      %get3A_212 = tpu.vector_load %arg8[%get3A_210, %get3A_211] {strides = array<i32>} : memref<32x1024xf32, #tpu.memory_space<vmem>>, vector<1x16xf32>,
      %get3A_213 = vector.shape_cast %get3A_212 : vector<1x16xf32> to vector<16xf32>
      %get3A_214 = arith.constant 25 : i32
      %get3A_215 = arith.index_cast %get3A_214 : i32 to index
      %get3A_216 = arith.index_cast %mul3A_209 : i32 to index
      %get3A_217 = tpu.vector_load %arg8[%get3A_215, %get3A_216] {strides = array<i32>} : memref<32x1024xf32, #tpu.memory_space<vmem>>, vector<1x16xf32>,
      %get3A_218 = vector.shape_cast %get3A_217 : vector<1x16xf32> to vector<16xf32>
      %add3A_219 = arith.addf %get3A_213, %get3A_218 : vector<16xf32>
      %get3A_220 = arith.constant 26 : i32
      %get3A_221 = arith.index_cast %get3A_220 : i32 to index
      %get3A_222 = arith.index_cast %mul3A_209 : i32 to index
      %get3A_223 = tpu.vector_load %arg8[%get3A_221, %get3A_222] {strides = array<i32>} : memref<32x1024xf32, #tpu.memory_space<vmem>>, vector<1x16xf32>,
      %get3A_224 = vector.shape_cast %get3A_223 : vector<1x16xf32> to vector<16xf32>
      %get3A_225 = arith.constant 27 : i32
      %get3A_226 = arith.index_cast %get3A_225 : i32 to index
      %get3A_227 = arith.index_cast %mul3A_209 : i32 to index
      %get3A_228 = tpu.vector_load %arg8[%get3A_226, %get3A_227] {strides = array<i32>} : memref<32x1024xf32, #tpu.memory_space<vmem>>, vector<1x16xf32>,
      %get3A_229 = vector.shape_cast %get3A_228 : vector<1x16xf32> to vector<16xf32>
      %add3A_230 = arith.addf %get3A_224, %get3A_229 : vector<16xf32>
      %add3A_231 = arith.addf %add3A_219, %add3A_230 : vector<16xf32>
      %swap3A = arith.constant 0 : i32
      %swap3A_232 = arith.constant 6 : i32
      %swap3A_233 = arith.index_cast %swap3A : i32 to index
      %swap3A_234 = arith.index_cast %swap3A_232 : i32 to index
      %swap3A_235 = arith.index_cast %mul3A_209 : i32 to index
      %swap3A_236 = tpu.vector_load %arg10[%swap3A_233, %swap3A_234, %swap3A_235] {strides = array<i32>} : memref<2x8x1024xf32, #tpu.memory_space<vmem>>, vector<1x1x16xf32>,
      %swap3A_237 = vector.shape_cast %swap3A_236 : vector<1x1x16xf32> to vector<16xf32>
      %swap3A_238 = vector.shape_cast %add3A_231 : vector<16xf32> to vector<1x1x16xf32>
      tpu.vector_store %arg10[%swap3A_233, %swap3A_234, %swap3A_235], %swap3A_238 {strides = array<i32>} : memref<2x8x1024xf32, #tpu.memory_space<vmem>>, vector<1x1x16xf32>,
    }
    %scan3A_72 = arith.constant 64 : i32
    %scan3A_73 = arith.constant 0 : i32
    %scan3A_74 = arith.constant 0 : i32
    %scan3A_75 = arith.constant 64 : i32
    %scan3A_76 = arith.addi %scan3A_74, %scan3A_75 : i32
    %scan3A_77 = arith.constant 1 : i32
    scf.for %scan3A_207 = %scan3A_74 to %scan3A_76 step %scan3A_77  : i32 {
      %mul3A_208 = arith.constant 16 : i32
      %mul3A_209 = arith.muli %scan3A_207, %mul3A_208 : i32
      %get3A = arith.constant 28 : i32
      %get3A_210 = arith.index_cast %get3A : i32 to index
      %get3A_211 = arith.index_cast %mul3A_209 : i32 to index
      %get3A_212 = tpu.vector_load %arg8[%get3A_210, %get3A_211] {strides = array<i32>} : memref<32x1024xf32, #tpu.memory_space<vmem>>, vector<1x16xf32>,
      %get3A_213 = vector.shape_cast %get3A_212 : vector<1x16xf32> to vector<16xf32>
      %get3A_214 = arith.constant 29 : i32
      %get3A_215 = arith.index_cast %get3A_214 : i32 to index
      %get3A_216 = arith.index_cast %mul3A_209 : i32 to index
      %get3A_217 = tpu.vector_load %arg8[%get3A_215, %get3A_216] {strides = array<i32>} : memref<32x1024xf32, #tpu.memory_space<vmem>>, vector<1x16xf32>,
      %get3A_218 = vector.shape_cast %get3A_217 : vector<1x16xf32> to vector<16xf32>
      %add3A_219 = arith.addf %get3A_213, %get3A_218 : vector<16xf32>
      %get3A_220 = arith.constant 30 : i32
      %get3A_221 = arith.index_cast %get3A_220 : i32 to index
      %get3A_222 = arith.index_cast %mul3A_209 : i32 to index
      %get3A_223 = tpu.vector_load %arg8[%get3A_221, %get3A_222] {strides = array<i32>} : memref<32x1024xf32, #tpu.memory_space<vmem>>, vector<1x16xf32>,
      %get3A_224 = vector.shape_cast %get3A_223 : vector<1x16xf32> to vector<16xf32>
      %get3A_225 = arith.constant 31 : i32
      %get3A_226 = arith.index_cast %get3A_225 : i32 to index
      %get3A_227 = arith.index_cast %mul3A_209 : i32 to index
      %get3A_228 = tpu.vector_load %arg8[%get3A_226, %get3A_227] {strides = array<i32>} : memref<32x1024xf32, #tpu.memory_space<vmem>>, vector<1x16xf32>,
      %get3A_229 = vector.shape_cast %get3A_228 : vector<1x16xf32> to vector<16xf32>
      %add3A_230 = arith.addf %get3A_224, %get3A_229 : vector<16xf32>
      %add3A_231 = arith.addf %add3A_219, %add3A_230 : vector<16xf32>
      %swap3A = arith.constant 0 : i32
      %swap3A_232 = arith.constant 7 : i32
      %swap3A_233 = arith.index_cast %swap3A : i32 to index
      %swap3A_234 = arith.index_cast %swap3A_232 : i32 to index
      %swap3A_235 = arith.index_cast %mul3A_209 : i32 to index
      %swap3A_236 = tpu.vector_load %arg10[%swap3A_233, %swap3A_234, %swap3A_235] {strides = array<i32>} : memref<2x8x1024xf32, #tpu.memory_space<vmem>>, vector<1x1x16xf32>,
      %swap3A_237 = vector.shape_cast %swap3A_236 : vector<1x1x16xf32> to vector<16xf32>
      %swap3A_238 = vector.shape_cast %add3A_231 : vector<16xf32> to vector<1x1x16xf32>
      tpu.vector_store %arg10[%swap3A_233, %swap3A_234, %swap3A_235], %swap3A_238 {strides = array<i32>} : memref<2x8x1024xf32, #tpu.memory_space<vmem>>, vector<1x1x16xf32>,
    }
    %scan3A_78 = arith.constant 64 : i32
    %add3A_79 = arith.constant 0 : i32
    %add3A_80 = arith.addi %mul3A_2, %add3A_79 : i32
    %dma_start3A_81 = arith.constant 0 : i32
    %dma_start3A_82 = arith.constant 0 : i32
    %dma_start3A_83 = arith.constant 0 : i32
    %dma_start3A_84 = tpu.memref_slice %arg10[%dma_start3A_81, %dma_start3A_82, %dma_start3A_83] : memref<2x8x1024xf32, #tpu.memory_space<vmem>> -> memref<1x8x1024xf32, #tpu.memory_space<vmem>>
    %dma_start3A_85 = tpu.memref_squeeze %dma_start3A_84 : memref<1x8x1024xf32, #tpu.memory_space<vmem>> -> memref<8x1024xf32, #tpu.memory_space<vmem>>
    %dma_start3A_86 = arith.constant 0 : i32
    %dma_start3A_87 = tpu.memref_slice %arg5[%add3A_80, %dma_start3A_86] : memref<6400x1024xf32, #tpu.memory_space<hbm>> -> memref<8x1024xf32, #tpu.memory_space<hbm>>
    %dma_start3A_88 = arith.constant 0 : i32
    %dma_start3A_89 = tpu.memref_slice %arg5[%add3A_80, %dma_start3A_88] : memref<6400x1024xf32, #tpu.memory_space<hbm>> -> memref<8x1024xf32, #tpu.memory_space<hbm>>
    %dma_start3A_90 = arith.constant 0 : i32
    %dma_start3A_91 = arith.constant 0 : i32
    %dma_start3A_92 = tpu.memref_slice %arg10[%dma_start3A_81, %dma_start3A_90, %dma_start3A_91] : memref<2x8x1024xf32, #tpu.memory_space<vmem>> -> memref<1x8x1024xf32, #tpu.memory_space<vmem>>
    %dma_start3A_93 = tpu.memref_squeeze %dma_start3A_92 : memref<1x8x1024xf32, #tpu.memory_space<vmem>> -> memref<8x1024xf32, #tpu.memory_space<vmem>>
    tpu.enqueue_dma source(%dma_start3A_93 : memref<8x1024xf32, #tpu.memory_space<vmem>>) target(%dma_start3A_89 : memref<8x1024xf32, #tpu.memory_space<hbm>>) target_semaphore(%arg13 : memref<!tpu.dma_semaphore, #tpu.memory_space<semaphore_mem>>)
    %dma_wait3A_94 = arith.constant 0 : i32
    %dma_wait3A_95 = arith.constant 0 : i32
    %dma_wait3A_96 = tpu.memref_slice %arg7[%dma_wait3A_94, %dma_wait3A_95] : memref<2x32xi32, #tpu.memory_space<vmem>> -> memref<1x32xi32, #tpu.memory_space<vmem>>
    %dma_wait3A_97 = tpu.memref_squeeze %dma_wait3A_96 : memref<1x32xi32, #tpu.memory_space<vmem>> -> memref<32xi32, #tpu.memory_space<vmem>>
    %dma_wait3A_98 = arith.constant 0 : i32
    %dma_wait3A_99 = arith.constant 0 : i32
    %dma_wait3A_100 = tpu.memref_slice %arg3[%dma_wait3A_98, %dma_wait3A_99] : memref<804x1024xf32, #tpu.memory_space<hbm>> -> memref<804x1024xf32, #tpu.memory_space<hbm>>
    tpu.wait_indirect_dma semaphore(%arg12 : memref<!tpu.dma_semaphore, #tpu.memory_space<semaphore_mem>>) src(%dma_wait3A_100 : memref<804x1024xf32, #tpu.memory_space<hbm>>) dst(%arg9 : memref<32x1024xf32, #tpu.memory_space<vmem>>)
    %dma_start3A_101 = arith.constant 1 : i32
    %dma_start3A_102 = arith.constant 0 : i32
    %dma_start3A_103 = tpu.memref_slice %arg7[%dma_start3A_101, %dma_start3A_102] : memref<2x32xi32, #tpu.memory_space<vmem>> -> memref<1x32xi32, #tpu.memory_space<vmem>>
    %dma_start3A_104 = tpu.memref_squeeze %dma_start3A_103 : memref<1x32xi32, #tpu.memory_space<vmem>> -> memref<32xi32, #tpu.memory_space<vmem>>
    %dma_start3A_105 = arith.constant 0 : i32
    %dma_start3A_106 = arith.constant 0 : i32
    %dma_start3A_107 = tpu.memref_slice %arg2[%dma_start3A_105, %dma_start3A_106] : memref<804x1024xf32, #tpu.memory_space<hbm>> -> memref<804x1024xf32, #tpu.memory_space<hbm>>
    tpu.enqueue_indirect_dma source(%dma_start3A_107 : memref<804x1024xf32, #tpu.memory_space<hbm>>) target(%arg8 : memref<32x1024xf32, #tpu.memory_space<vmem>>) offsets(%dma_start3A_104 : memref<32xi32, #tpu.memory_space<vmem>>) semaphore(%arg11 : memref<!tpu.dma_semaphore, #tpu.memory_space<semaphore_mem>>)
    %scan3A_108 = arith.constant 0 : i32
    %scan3A_109 = arith.constant 0 : i32
    %scan3A_110 = arith.constant 64 : i32
    %scan3A_111 = arith.addi %scan3A_109, %scan3A_110 : i32
    %scan3A_112 = arith.constant 1 : i32
    scf.for %scan3A_207 = %scan3A_109 to %scan3A_111 step %scan3A_112  : i32 {
      %mul3A_208 = arith.constant 16 : i32
      %mul3A_209 = arith.muli %scan3A_207, %mul3A_208 : i32
      %get3A = arith.constant 0 : i32
      %get3A_210 = arith.index_cast %get3A : i32 to index
      %get3A_211 = arith.index_cast %mul3A_209 : i32 to index
      %get3A_212 = tpu.vector_load %arg9[%get3A_210, %get3A_211] {strides = array<i32>} : memref<32x1024xf32, #tpu.memory_space<vmem>>, vector<1x16xf32>,
      %get3A_213 = vector.shape_cast %get3A_212 : vector<1x16xf32> to vector<16xf32>
      %get3A_214 = arith.constant 1 : i32
      %get3A_215 = arith.index_cast %get3A_214 : i32 to index
      %get3A_216 = arith.index_cast %mul3A_209 : i32 to index
      %get3A_217 = tpu.vector_load %arg9[%get3A_215, %get3A_216] {strides = array<i32>} : memref<32x1024xf32, #tpu.memory_space<vmem>>, vector<1x16xf32>,
      %get3A_218 = vector.shape_cast %get3A_217 : vector<1x16xf32> to vector<16xf32>
      %add3A_219 = arith.addf %get3A_213, %get3A_218 : vector<16xf32>
      %get3A_220 = arith.constant 2 : i32
      %get3A_221 = arith.index_cast %get3A_220 : i32 to index
      %get3A_222 = arith.index_cast %mul3A_209 : i32 to index
      %get3A_223 = tpu.vector_load %arg9[%get3A_221, %get3A_222] {strides = array<i32>} : memref<32x1024xf32, #tpu.memory_space<vmem>>, vector<1x16xf32>,
      %get3A_224 = vector.shape_cast %get3A_223 : vector<1x16xf32> to vector<16xf32>
      %get3A_225 = arith.constant 3 : i32
      %get3A_226 = arith.index_cast %get3A_225 : i32 to index
      %get3A_227 = arith.index_cast %mul3A_209 : i32 to index
      %get3A_228 = tpu.vector_load %arg9[%get3A_226, %get3A_227] {strides = array<i32>} : memref<32x1024xf32, #tpu.memory_space<vmem>>, vector<1x16xf32>,
      %get3A_229 = vector.shape_cast %get3A_228 : vector<1x16xf32> to vector<16xf32>
      %add3A_230 = arith.addf %get3A_224, %get3A_229 : vector<16xf32>
      %add3A_231 = arith.addf %add3A_219, %add3A_230 : vector<16xf32>
      %swap3A = arith.constant 1 : i32
      %swap3A_232 = arith.constant 0 : i32
      %swap3A_233 = arith.index_cast %swap3A : i32 to index
      %swap3A_234 = arith.index_cast %swap3A_232 : i32 to index
      %swap3A_235 = arith.index_cast %mul3A_209 : i32 to index
      %swap3A_236 = tpu.vector_load %arg10[%swap3A_233, %swap3A_234, %swap3A_235] {strides = array<i32>} : memref<2x8x1024xf32, #tpu.memory_space<vmem>>, vector<1x1x16xf32>,
      %swap3A_237 = vector.shape_cast %swap3A_236 : vector<1x1x16xf32> to vector<16xf32>
      %swap3A_238 = vector.shape_cast %add3A_231 : vector<16xf32> to vector<1x1x16xf32>
      tpu.vector_store %arg10[%swap3A_233, %swap3A_234, %swap3A_235], %swap3A_238 {strides = array<i32>} : memref<2x8x1024xf32, #tpu.memory_space<vmem>>, vector<1x1x16xf32>,
    }
    %scan3A_113 = arith.constant 64 : i32
    %scan3A_114 = arith.constant 0 : i32
    %scan3A_115 = arith.constant 0 : i32
    %scan3A_116 = arith.constant 64 : i32
    %scan3A_117 = arith.addi %scan3A_115, %scan3A_116 : i32
    %scan3A_118 = arith.constant 1 : i32
    scf.for %scan3A_207 = %scan3A_115 to %scan3A_117 step %scan3A_118  : i32 {
      %mul3A_208 = arith.constant 16 : i32
      %mul3A_209 = arith.muli %scan3A_207, %mul3A_208 : i32
      %get3A = arith.constant 4 : i32
      %get3A_210 = arith.index_cast %get3A : i32 to index
      %get3A_211 = arith.index_cast %mul3A_209 : i32 to index
      %get3A_212 = tpu.vector_load %arg9[%get3A_210, %get3A_211] {strides = array<i32>} : memref<32x1024xf32, #tpu.memory_space<vmem>>, vector<1x16xf32>,
      %get3A_213 = vector.shape_cast %get3A_212 : vector<1x16xf32> to vector<16xf32>
      %get3A_214 = arith.constant 5 : i32
      %get3A_215 = arith.index_cast %get3A_214 : i32 to index
      %get3A_216 = arith.index_cast %mul3A_209 : i32 to index
      %get3A_217 = tpu.vector_load %arg9[%get3A_215, %get3A_216] {strides = array<i32>} : memref<32x1024xf32, #tpu.memory_space<vmem>>, vector<1x16xf32>,
      %get3A_218 = vector.shape_cast %get3A_217 : vector<1x16xf32> to vector<16xf32>
      %add3A_219 = arith.addf %get3A_213, %get3A_218 : vector<16xf32>
      %get3A_220 = arith.constant 6 : i32
      %get3A_221 = arith.index_cast %get3A_220 : i32 to index
      %get3A_222 = arith.index_cast %mul3A_209 : i32 to index
      %get3A_223 = tpu.vector_load %arg9[%get3A_221, %get3A_222] {strides = array<i32>} : memref<32x1024xf32, #tpu.memory_space<vmem>>, vector<1x16xf32>,
      %get3A_224 = vector.shape_cast %get3A_223 : vector<1x16xf32> to vector<16xf32>
      %get3A_225 = arith.constant 7 : i32
      %get3A_226 = arith.index_cast %get3A_225 : i32 to index
      %get3A_227 = arith.index_cast %mul3A_209 : i32 to index
      %get3A_228 = tpu.vector_load %arg9[%get3A_226, %get3A_227] {strides = array<i32>} : memref<32x1024xf32, #tpu.memory_space<vmem>>, vector<1x16xf32>,
      %get3A_229 = vector.shape_cast %get3A_228 : vector<1x16xf32> to vector<16xf32>
      %add3A_230 = arith.addf %get3A_224, %get3A_229 : vector<16xf32>
      %add3A_231 = arith.addf %add3A_219, %add3A_230 : vector<16xf32>
      %swap3A = arith.constant 1 : i32
      %swap3A_232 = arith.constant 1 : i32
      %swap3A_233 = arith.index_cast %swap3A : i32 to index
      %swap3A_234 = arith.index_cast %swap3A_232 : i32 to index
      %swap3A_235 = arith.index_cast %mul3A_209 : i32 to index
      %swap3A_236 = tpu.vector_load %arg10[%swap3A_233, %swap3A_234, %swap3A_235] {strides = array<i32>} : memref<2x8x1024xf32, #tpu.memory_space<vmem>>, vector<1x1x16xf32>,
      %swap3A_237 = vector.shape_cast %swap3A_236 : vector<1x1x16xf32> to vector<16xf32>
      %swap3A_238 = vector.shape_cast %add3A_231 : vector<16xf32> to vector<1x1x16xf32>
      tpu.vector_store %arg10[%swap3A_233, %swap3A_234, %swap3A_235], %swap3A_238 {strides = array<i32>} : memref<2x8x1024xf32, #tpu.memory_space<vmem>>, vector<1x1x16xf32>,
    }
    %scan3A_119 = arith.constant 64 : i32
    %scan3A_120 = arith.constant 0 : i32
    %scan3A_121 = arith.constant 0 : i32
    %scan3A_122 = arith.constant 64 : i32
    %scan3A_123 = arith.addi %scan3A_121, %scan3A_122 : i32
    %scan3A_124 = arith.constant 1 : i32
    scf.for %scan3A_207 = %scan3A_121 to %scan3A_123 step %scan3A_124  : i32 {
      %mul3A_208 = arith.constant 16 : i32
      %mul3A_209 = arith.muli %scan3A_207, %mul3A_208 : i32
      %get3A = arith.constant 8 : i32
      %get3A_210 = arith.index_cast %get3A : i32 to index
      %get3A_211 = arith.index_cast %mul3A_209 : i32 to index
      %get3A_212 = tpu.vector_load %arg9[%get3A_210, %get3A_211] {strides = array<i32>} : memref<32x1024xf32, #tpu.memory_space<vmem>>, vector<1x16xf32>,
      %get3A_213 = vector.shape_cast %get3A_212 : vector<1x16xf32> to vector<16xf32>
      %get3A_214 = arith.constant 9 : i32
      %get3A_215 = arith.index_cast %get3A_214 : i32 to index
      %get3A_216 = arith.index_cast %mul3A_209 : i32 to index
      %get3A_217 = tpu.vector_load %arg9[%get3A_215, %get3A_216] {strides = array<i32>} : memref<32x1024xf32, #tpu.memory_space<vmem>>, vector<1x16xf32>,
      %get3A_218 = vector.shape_cast %get3A_217 : vector<1x16xf32> to vector<16xf32>
      %add3A_219 = arith.addf %get3A_213, %get3A_218 : vector<16xf32>
      %get3A_220 = arith.constant 10 : i32
      %get3A_221 = arith.index_cast %get3A_220 : i32 to index
      %get3A_222 = arith.index_cast %mul3A_209 : i32 to index
      %get3A_223 = tpu.vector_load %arg9[%get3A_221, %get3A_222] {strides = array<i32>} : memref<32x1024xf32, #tpu.memory_space<vmem>>, vector<1x16xf32>,
      %get3A_224 = vector.shape_cast %get3A_223 : vector<1x16xf32> to vector<16xf32>
      %get3A_225 = arith.constant 11 : i32
      %get3A_226 = arith.index_cast %get3A_225 : i32 to index
      %get3A_227 = arith.index_cast %mul3A_209 : i32 to index
      %get3A_228 = tpu.vector_load %arg9[%get3A_226, %get3A_227] {strides = array<i32>} : memref<32x1024xf32, #tpu.memory_space<vmem>>, vector<1x16xf32>,
      %get3A_229 = vector.shape_cast %get3A_228 : vector<1x16xf32> to vector<16xf32>
      %add3A_230 = arith.addf %get3A_224, %get3A_229 : vector<16xf32>
      %add3A_231 = arith.addf %add3A_219, %add3A_230 : vector<16xf32>
      %swap3A = arith.constant 1 : i32
      %swap3A_232 = arith.constant 2 : i32
      %swap3A_233 = arith.index_cast %swap3A : i32 to index
      %swap3A_234 = arith.index_cast %swap3A_232 : i32 to index
      %swap3A_235 = arith.index_cast %mul3A_209 : i32 to index
      %swap3A_236 = tpu.vector_load %arg10[%swap3A_233, %swap3A_234, %swap3A_235] {strides = array<i32>} : memref<2x8x1024xf32, #tpu.memory_space<vmem>>, vector<1x1x16xf32>,
      %swap3A_237 = vector.shape_cast %swap3A_236 : vector<1x1x16xf32> to vector<16xf32>
      %swap3A_238 = vector.shape_cast %add3A_231 : vector<16xf32> to vector<1x1x16xf32>
      tpu.vector_store %arg10[%swap3A_233, %swap3A_234, %swap3A_235], %swap3A_238 {strides = array<i32>} : memref<2x8x1024xf32, #tpu.memory_space<vmem>>, vector<1x1x16xf32>,
    }
    %scan3A_125 = arith.constant 64 : i32
    %scan3A_126 = arith.constant 0 : i32
    %scan3A_127 = arith.constant 0 : i32
    %scan3A_128 = arith.constant 64 : i32
    %scan3A_129 = arith.addi %scan3A_127, %scan3A_128 : i32
    %scan3A_130 = arith.constant 1 : i32
    scf.for %scan3A_207 = %scan3A_127 to %scan3A_129 step %scan3A_130  : i32 {
      %mul3A_208 = arith.constant 16 : i32
      %mul3A_209 = arith.muli %scan3A_207, %mul3A_208 : i32
      %get3A = arith.constant 12 : i32
      %get3A_210 = arith.index_cast %get3A : i32 to index
      %get3A_211 = arith.index_cast %mul3A_209 : i32 to index
      %get3A_212 = tpu.vector_load %arg9[%get3A_210, %get3A_211] {strides = array<i32>} : memref<32x1024xf32, #tpu.memory_space<vmem>>, vector<1x16xf32>,
      %get3A_213 = vector.shape_cast %get3A_212 : vector<1x16xf32> to vector<16xf32>
      %get3A_214 = arith.constant 13 : i32
      %get3A_215 = arith.index_cast %get3A_214 : i32 to index
      %get3A_216 = arith.index_cast %mul3A_209 : i32 to index
      %get3A_217 = tpu.vector_load %arg9[%get3A_215, %get3A_216] {strides = array<i32>} : memref<32x1024xf32, #tpu.memory_space<vmem>>, vector<1x16xf32>,
      %get3A_218 = vector.shape_cast %get3A_217 : vector<1x16xf32> to vector<16xf32>
      %add3A_219 = arith.addf %get3A_213, %get3A_218 : vector<16xf32>
      %get3A_220 = arith.constant 14 : i32
      %get3A_221 = arith.index_cast %get3A_220 : i32 to index
      %get3A_222 = arith.index_cast %mul3A_209 : i32 to index
      %get3A_223 = tpu.vector_load %arg9[%get3A_221, %get3A_222] {strides = array<i32>} : memref<32x1024xf32, #tpu.memory_space<vmem>>, vector<1x16xf32>,
      %get3A_224 = vector.shape_cast %get3A_223 : vector<1x16xf32> to vector<16xf32>
      %get3A_225 = arith.constant 15 : i32
      %get3A_226 = arith.index_cast %get3A_225 : i32 to index
      %get3A_227 = arith.index_cast %mul3A_209 : i32 to index
      %get3A_228 = tpu.vector_load %arg9[%get3A_226, %get3A_227] {strides = array<i32>} : memref<32x1024xf32, #tpu.memory_space<vmem>>, vector<1x16xf32>,
      %get3A_229 = vector.shape_cast %get3A_228 : vector<1x16xf32> to vector<16xf32>
      %add3A_230 = arith.addf %get3A_224, %get3A_229 : vector<16xf32>
      %add3A_231 = arith.addf %add3A_219, %add3A_230 : vector<16xf32>
      %swap3A = arith.constant 1 : i32
      %swap3A_232 = arith.constant 3 : i32
      %swap3A_233 = arith.index_cast %swap3A : i32 to index
      %swap3A_234 = arith.index_cast %swap3A_232 : i32 to index
      %swap3A_235 = arith.index_cast %mul3A_209 : i32 to index
      %swap3A_236 = tpu.vector_load %arg10[%swap3A_233, %swap3A_234, %swap3A_235] {strides = array<i32>} : memref<2x8x1024xf32, #tpu.memory_space<vmem>>, vector<1x1x16xf32>,
      %swap3A_237 = vector.shape_cast %swap3A_236 : vector<1x1x16xf32> to vector<16xf32>
      %swap3A_238 = vector.shape_cast %add3A_231 : vector<16xf32> to vector<1x1x16xf32>
      tpu.vector_store %arg10[%swap3A_233, %swap3A_234, %swap3A_235], %swap3A_238 {strides = array<i32>} : memref<2x8x1024xf32, #tpu.memory_space<vmem>>, vector<1x1x16xf32>,
    }
    %scan3A_131 = arith.constant 64 : i32
    %scan3A_132 = arith.constant 0 : i32
    %scan3A_133 = arith.constant 0 : i32
    %scan3A_134 = arith.constant 64 : i32
    %scan3A_135 = arith.addi %scan3A_133, %scan3A_134 : i32
    %scan3A_136 = arith.constant 1 : i32
    scf.for %scan3A_207 = %scan3A_133 to %scan3A_135 step %scan3A_136  : i32 {
      %mul3A_208 = arith.constant 16 : i32
      %mul3A_209 = arith.muli %scan3A_207, %mul3A_208 : i32
      %get3A = arith.constant 16 : i32
      %get3A_210 = arith.index_cast %get3A : i32 to index
      %get3A_211 = arith.index_cast %mul3A_209 : i32 to index
      %get3A_212 = tpu.vector_load %arg9[%get3A_210, %get3A_211] {strides = array<i32>} : memref<32x1024xf32, #tpu.memory_space<vmem>>, vector<1x16xf32>,
      %get3A_213 = vector.shape_cast %get3A_212 : vector<1x16xf32> to vector<16xf32>
      %get3A_214 = arith.constant 17 : i32
      %get3A_215 = arith.index_cast %get3A_214 : i32 to index
      %get3A_216 = arith.index_cast %mul3A_209 : i32 to index
      %get3A_217 = tpu.vector_load %arg9[%get3A_215, %get3A_216] {strides = array<i32>} : memref<32x1024xf32, #tpu.memory_space<vmem>>, vector<1x16xf32>,
      %get3A_218 = vector.shape_cast %get3A_217 : vector<1x16xf32> to vector<16xf32>
      %add3A_219 = arith.addf %get3A_213, %get3A_218 : vector<16xf32>
      %get3A_220 = arith.constant 18 : i32
      %get3A_221 = arith.index_cast %get3A_220 : i32 to index
      %get3A_222 = arith.index_cast %mul3A_209 : i32 to index
      %get3A_223 = tpu.vector_load %arg9[%get3A_221, %get3A_222] {strides = array<i32>} : memref<32x1024xf32, #tpu.memory_space<vmem>>, vector<1x16xf32>,
      %get3A_224 = vector.shape_cast %get3A_223 : vector<1x16xf32> to vector<16xf32>
      %get3A_225 = arith.constant 19 : i32
      %get3A_226 = arith.index_cast %get3A_225 : i32 to index
      %get3A_227 = arith.index_cast %mul3A_209 : i32 to index
      %get3A_228 = tpu.vector_load %arg9[%get3A_226, %get3A_227] {strides = array<i32>} : memref<32x1024xf32, #tpu.memory_space<vmem>>, vector<1x16xf32>,
      %get3A_229 = vector.shape_cast %get3A_228 : vector<1x16xf32> to vector<16xf32>
      %add3A_230 = arith.addf %get3A_224, %get3A_229 : vector<16xf32>
      %add3A_231 = arith.addf %add3A_219, %add3A_230 : vector<16xf32>
      %swap3A = arith.constant 1 : i32
      %swap3A_232 = arith.constant 4 : i32
      %swap3A_233 = arith.index_cast %swap3A : i32 to index
      %swap3A_234 = arith.index_cast %swap3A_232 : i32 to index
      %swap3A_235 = arith.index_cast %mul3A_209 : i32 to index
      %swap3A_236 = tpu.vector_load %arg10[%swap3A_233, %swap3A_234, %swap3A_235] {strides = array<i32>} : memref<2x8x1024xf32, #tpu.memory_space<vmem>>, vector<1x1x16xf32>,
      %swap3A_237 = vector.shape_cast %swap3A_236 : vector<1x1x16xf32> to vector<16xf32>
      %swap3A_238 = vector.shape_cast %add3A_231 : vector<16xf32> to vector<1x1x16xf32>
      tpu.vector_store %arg10[%swap3A_233, %swap3A_234, %swap3A_235], %swap3A_238 {strides = array<i32>} : memref<2x8x1024xf32, #tpu.memory_space<vmem>>, vector<1x1x16xf32>,
    }
    %scan3A_137 = arith.constant 64 : i32
    %scan3A_138 = arith.constant 0 : i32
    %scan3A_139 = arith.constant 0 : i32
    %scan3A_140 = arith.constant 64 : i32
    %scan3A_141 = arith.addi %scan3A_139, %scan3A_140 : i32
    %scan3A_142 = arith.constant 1 : i32
    scf.for %scan3A_207 = %scan3A_139 to %scan3A_141 step %scan3A_142  : i32 {
      %mul3A_208 = arith.constant 16 : i32
      %mul3A_209 = arith.muli %scan3A_207, %mul3A_208 : i32
      %get3A = arith.constant 20 : i32
      %get3A_210 = arith.index_cast %get3A : i32 to index
      %get3A_211 = arith.index_cast %mul3A_209 : i32 to index
      %get3A_212 = tpu.vector_load %arg9[%get3A_210, %get3A_211] {strides = array<i32>} : memref<32x1024xf32, #tpu.memory_space<vmem>>, vector<1x16xf32>,
      %get3A_213 = vector.shape_cast %get3A_212 : vector<1x16xf32> to vector<16xf32>
      %get3A_214 = arith.constant 21 : i32
      %get3A_215 = arith.index_cast %get3A_214 : i32 to index
      %get3A_216 = arith.index_cast %mul3A_209 : i32 to index
      %get3A_217 = tpu.vector_load %arg9[%get3A_215, %get3A_216] {strides = array<i32>} : memref<32x1024xf32, #tpu.memory_space<vmem>>, vector<1x16xf32>,
      %get3A_218 = vector.shape_cast %get3A_217 : vector<1x16xf32> to vector<16xf32>
      %add3A_219 = arith.addf %get3A_213, %get3A_218 : vector<16xf32>
      %get3A_220 = arith.constant 22 : i32
      %get3A_221 = arith.index_cast %get3A_220 : i32 to index
      %get3A_222 = arith.index_cast %mul3A_209 : i32 to index
      %get3A_223 = tpu.vector_load %arg9[%get3A_221, %get3A_222] {strides = array<i32>} : memref<32x1024xf32, #tpu.memory_space<vmem>>, vector<1x16xf32>,
      %get3A_224 = vector.shape_cast %get3A_223 : vector<1x16xf32> to vector<16xf32>
      %get3A_225 = arith.constant 23 : i32
      %get3A_226 = arith.index_cast %get3A_225 : i32 to index
      %get3A_227 = arith.index_cast %mul3A_209 : i32 to index
      %get3A_228 = tpu.vector_load %arg9[%get3A_226, %get3A_227] {strides = array<i32>} : memref<32x1024xf32, #tpu.memory_space<vmem>>, vector<1x16xf32>,
      %get3A_229 = vector.shape_cast %get3A_228 : vector<1x16xf32> to vector<16xf32>
      %add3A_230 = arith.addf %get3A_224, %get3A_229 : vector<16xf32>
      %add3A_231 = arith.addf %add3A_219, %add3A_230 : vector<16xf32>
      %swap3A = arith.constant 1 : i32
      %swap3A_232 = arith.constant 5 : i32
      %swap3A_233 = arith.index_cast %swap3A : i32 to index
      %swap3A_234 = arith.index_cast %swap3A_232 : i32 to index
      %swap3A_235 = arith.index_cast %mul3A_209 : i32 to index
      %swap3A_236 = tpu.vector_load %arg10[%swap3A_233, %swap3A_234, %swap3A_235] {strides = array<i32>} : memref<2x8x1024xf32, #tpu.memory_space<vmem>>, vector<1x1x16xf32>,
      %swap3A_237 = vector.shape_cast %swap3A_236 : vector<1x1x16xf32> to vector<16xf32>
      %swap3A_238 = vector.shape_cast %add3A_231 : vector<16xf32> to vector<1x1x16xf32>
      tpu.vector_store %arg10[%swap3A_233, %swap3A_234, %swap3A_235], %swap3A_238 {strides = array<i32>} : memref<2x8x1024xf32, #tpu.memory_space<vmem>>, vector<1x1x16xf32>,
    }
    %scan3A_143 = arith.constant 64 : i32
    %scan3A_144 = arith.constant 0 : i32
    %scan3A_145 = arith.constant 0 : i32
    %scan3A_146 = arith.constant 64 : i32
    %scan3A_147 = arith.addi %scan3A_145, %scan3A_146 : i32
    %scan3A_148 = arith.constant 1 : i32
    scf.for %scan3A_207 = %scan3A_145 to %scan3A_147 step %scan3A_148  : i32 {
      %mul3A_208 = arith.constant 16 : i32
      %mul3A_209 = arith.muli %scan3A_207, %mul3A_208 : i32
      %get3A = arith.constant 24 : i32
      %get3A_210 = arith.index_cast %get3A : i32 to index
      %get3A_211 = arith.index_cast %mul3A_209 : i32 to index
      %get3A_212 = tpu.vector_load %arg9[%get3A_210, %get3A_211] {strides = array<i32>} : memref<32x1024xf32, #tpu.memory_space<vmem>>, vector<1x16xf32>,
      %get3A_213 = vector.shape_cast %get3A_212 : vector<1x16xf32> to vector<16xf32>
      %get3A_214 = arith.constant 25 : i32
      %get3A_215 = arith.index_cast %get3A_214 : i32 to index
      %get3A_216 = arith.index_cast %mul3A_209 : i32 to index
      %get3A_217 = tpu.vector_load %arg9[%get3A_215, %get3A_216] {strides = array<i32>} : memref<32x1024xf32, #tpu.memory_space<vmem>>, vector<1x16xf32>,
      %get3A_218 = vector.shape_cast %get3A_217 : vector<1x16xf32> to vector<16xf32>
      %add3A_219 = arith.addf %get3A_213, %get3A_218 : vector<16xf32>
      %get3A_220 = arith.constant 26 : i32
      %get3A_221 = arith.index_cast %get3A_220 : i32 to index
      %get3A_222 = arith.index_cast %mul3A_209 : i32 to index
      %get3A_223 = tpu.vector_load %arg9[%get3A_221, %get3A_222] {strides = array<i32>} : memref<32x1024xf32, #tpu.memory_space<vmem>>, vector<1x16xf32>,
      %get3A_224 = vector.shape_cast %get3A_223 : vector<1x16xf32> to vector<16xf32>
      %get3A_225 = arith.constant 27 : i32
      %get3A_226 = arith.index_cast %get3A_225 : i32 to index
      %get3A_227 = arith.index_cast %mul3A_209 : i32 to index
      %get3A_228 = tpu.vector_load %arg9[%get3A_226, %get3A_227] {strides = array<i32>} : memref<32x1024xf32, #tpu.memory_space<vmem>>, vector<1x16xf32>,
      %get3A_229 = vector.shape_cast %get3A_228 : vector<1x16xf32> to vector<16xf32>
      %add3A_230 = arith.addf %get3A_224, %get3A_229 : vector<16xf32>
      %add3A_231 = arith.addf %add3A_219, %add3A_230 : vector<16xf32>
      %swap3A = arith.constant 1 : i32
      %swap3A_232 = arith.constant 6 : i32
      %swap3A_233 = arith.index_cast %swap3A : i32 to index
      %swap3A_234 = arith.index_cast %swap3A_232 : i32 to index
      %swap3A_235 = arith.index_cast %mul3A_209 : i32 to index
      %swap3A_236 = tpu.vector_load %arg10[%swap3A_233, %swap3A_234, %swap3A_235] {strides = array<i32>} : memref<2x8x1024xf32, #tpu.memory_space<vmem>>, vector<1x1x16xf32>,
      %swap3A_237 = vector.shape_cast %swap3A_236 : vector<1x1x16xf32> to vector<16xf32>
      %swap3A_238 = vector.shape_cast %add3A_231 : vector<16xf32> to vector<1x1x16xf32>
      tpu.vector_store %arg10[%swap3A_233, %swap3A_234, %swap3A_235], %swap3A_238 {strides = array<i32>} : memref<2x8x1024xf32, #tpu.memory_space<vmem>>, vector<1x1x16xf32>,
    }
    %scan3A_149 = arith.constant 64 : i32
    %scan3A_150 = arith.constant 0 : i32
    %scan3A_151 = arith.constant 0 : i32
    %scan3A_152 = arith.constant 64 : i32
    %scan3A_153 = arith.addi %scan3A_151, %scan3A_152 : i32
    %scan3A_154 = arith.constant 1 : i32
    scf.for %scan3A_207 = %scan3A_151 to %scan3A_153 step %scan3A_154  : i32 {
      %mul3A_208 = arith.constant 16 : i32
      %mul3A_209 = arith.muli %scan3A_207, %mul3A_208 : i32
      %get3A = arith.constant 28 : i32
      %get3A_210 = arith.index_cast %get3A : i32 to index
      %get3A_211 = arith.index_cast %mul3A_209 : i32 to index
      %get3A_212 = tpu.vector_load %arg9[%get3A_210, %get3A_211] {strides = array<i32>} : memref<32x1024xf32, #tpu.memory_space<vmem>>, vector<1x16xf32>,
      %get3A_213 = vector.shape_cast %get3A_212 : vector<1x16xf32> to vector<16xf32>
      %get3A_214 = arith.constant 29 : i32
      %get3A_215 = arith.index_cast %get3A_214 : i32 to index
      %get3A_216 = arith.index_cast %mul3A_209 : i32 to index
      %get3A_217 = tpu.vector_load %arg9[%get3A_215, %get3A_216] {strides = array<i32>} : memref<32x1024xf32, #tpu.memory_space<vmem>>, vector<1x16xf32>,
      %get3A_218 = vector.shape_cast %get3A_217 : vector<1x16xf32> to vector<16xf32>
      %add3A_219 = arith.addf %get3A_213, %get3A_218 : vector<16xf32>
      %get3A_220 = arith.constant 30 : i32
      %get3A_221 = arith.index_cast %get3A_220 : i32 to index
      %get3A_222 = arith.index_cast %mul3A_209 : i32 to index
      %get3A_223 = tpu.vector_load %arg9[%get3A_221, %get3A_222] {strides = array<i32>} : memref<32x1024xf32, #tpu.memory_space<vmem>>, vector<1x16xf32>,
      %get3A_224 = vector.shape_cast %get3A_223 : vector<1x16xf32> to vector<16xf32>
      %get3A_225 = arith.constant 31 : i32
      %get3A_226 = arith.index_cast %get3A_225 : i32 to index
      %get3A_227 = arith.index_cast %mul3A_209 : i32 to index
      %get3A_228 = tpu.vector_load %arg9[%get3A_226, %get3A_227] {strides = array<i32>} : memref<32x1024xf32, #tpu.memory_space<vmem>>, vector<1x16xf32>,
      %get3A_229 = vector.shape_cast %get3A_228 : vector<1x16xf32> to vector<16xf32>
      %add3A_230 = arith.addf %get3A_224, %get3A_229 : vector<16xf32>
      %add3A_231 = arith.addf %add3A_219, %add3A_230 : vector<16xf32>
      %swap3A = arith.constant 1 : i32
      %swap3A_232 = arith.constant 7 : i32
      %swap3A_233 = arith.index_cast %swap3A : i32 to index
      %swap3A_234 = arith.index_cast %swap3A_232 : i32 to index
      %swap3A_235 = arith.index_cast %mul3A_209 : i32 to index
      %swap3A_236 = tpu.vector_load %arg10[%swap3A_233, %swap3A_234, %swap3A_235] {strides = array<i32>} : memref<2x8x1024xf32, #tpu.memory_space<vmem>>, vector<1x1x16xf32>,
      %swap3A_237 = vector.shape_cast %swap3A_236 : vector<1x1x16xf32> to vector<16xf32>
      %swap3A_238 = vector.shape_cast %add3A_231 : vector<16xf32> to vector<1x1x16xf32>
      tpu.vector_store %arg10[%swap3A_233, %swap3A_234, %swap3A_235], %swap3A_238 {strides = array<i32>} : memref<2x8x1024xf32, #tpu.memory_space<vmem>>, vector<1x1x16xf32>,
    }
    %scan3A_155 = arith.constant 64 : i32
    %add3A_156 = arith.constant 0 : i32
    %add3A_157 = arith.addi %mul3A_2, %add3A_156 : i32
    %dma_start3A_158 = arith.constant 1 : i32
    %dma_start3A_159 = arith.constant 0 : i32
    %dma_start3A_160 = arith.constant 0 : i32
    %dma_start3A_161 = tpu.memref_slice %arg10[%dma_start3A_158, %dma_start3A_159, %dma_start3A_160] : memref<2x8x1024xf32, #tpu.memory_space<vmem>> -> memref<1x8x1024xf32, #tpu.memory_space<vmem>>
    %dma_start3A_162 = tpu.memref_squeeze %dma_start3A_161 : memref<1x8x1024xf32, #tpu.memory_space<vmem>> -> memref<8x1024xf32, #tpu.memory_space<vmem>>
    %dma_start3A_163 = arith.constant 0 : i32
    %dma_start3A_164 = tpu.memref_slice %arg6[%add3A_157, %dma_start3A_163] : memref<6400x1024xf32, #tpu.memory_space<hbm>> -> memref<8x1024xf32, #tpu.memory_space<hbm>>
    %dma_start3A_165 = arith.constant 0 : i32
    %dma_start3A_166 = tpu.memref_slice %arg6[%add3A_157, %dma_start3A_165] : memref<6400x1024xf32, #tpu.memory_space<hbm>> -> memref<8x1024xf32, #tpu.memory_space<hbm>>
    %dma_start3A_167 = arith.constant 0 : i32
    %dma_start3A_168 = arith.constant 0 : i32
    %dma_start3A_169 = tpu.memref_slice %arg10[%dma_start3A_158, %dma_start3A_167, %dma_start3A_168] : memref<2x8x1024xf32, #tpu.memory_space<vmem>> -> memref<1x8x1024xf32, #tpu.memory_space<vmem>>
    %dma_start3A_170 = tpu.memref_squeeze %dma_start3A_169 : memref<1x8x1024xf32, #tpu.memory_space<vmem>> -> memref<8x1024xf32, #tpu.memory_space<vmem>>
    tpu.enqueue_dma source(%dma_start3A_170 : memref<8x1024xf32, #tpu.memory_space<vmem>>) target(%dma_start3A_166 : memref<8x1024xf32, #tpu.memory_space<hbm>>) target_semaphore(%arg14 : memref<!tpu.dma_semaphore, #tpu.memory_space<semaphore_mem>>)
    %scan3A_171 = arith.constant 0 : i32
    %scan3A_172 = arith.constant 0 : i32
    %scan3A_173 = arith.constant 12 : i32
    %scan3A_174 = arith.addi %scan3A_172, %scan3A_173 : i32
    %scan3A_175 = arith.constant 1 : i32
    scf.for %scan3A_207 = %scan3A_172 to %scan3A_174 step %scan3A_175  : i32 {
      %mul3A_208 = arith.constant 2 : i32
      %mul3A_209 = arith.muli %mul3A_208, %scan3A_207 : i32
      %add3A_210 = arith.constant 1 : i32
      %add3A_211 = arith.addi %mul3A_209, %add3A_210 : i32
      %add3A_212 = arith.constant 0 : i32
      %add3A_213 = arith.addi %add3A_211, %add3A_212 : i32
      %lt3A = arith.constant 25 : i32
      %lt3A_214 = arith.cmpi slt, %add3A_213, %lt3A : i32
      %convert_element_type3A = arith.extui %lt3A_214 : i1 to i32
      %cond3A = arith.constant 0 : i32
      %cond3A_215 = arith.cmpi ne, %convert_element_type3A, %cond3A : i32
      scf.if %cond3A_215 {
        %add3A_227 = arith.constant 1 : i32
        %add3A_228 = arith.addi %add3A_213, %add3A_227 : i32
        %lt3A_229 = arith.constant 25 : i32
        %lt3A_230 = arith.cmpi slt, %add3A_228, %lt3A_229 : i32
        %convert_element_type3A_231 = arith.extui %lt3A_230 : i1 to i32
        %cond3A_232 = arith.constant 0 : i32
        %cond3A_233 = arith.cmpi ne, %convert_element_type3A_231, %cond3A_232 : i32
        scf.if %cond3A_233 {
          %add3A_420 = arith.constant 1 : i32
          %add3A_421 = arith.addi %add3A_213, %add3A_420 : i32
          %mul3A_422 = arith.constant 8 : i32
          %mul3A_423 = arith.muli %add3A_421, %mul3A_422 : i32
          %add3A_424 = arith.addi %mul3A_2, %mul3A_423 : i32
          %mul3A_425 = arith.constant 4 : i32
          %mul3A_426 = arith.muli %add3A_424, %mul3A_425 : i32
          %multiple_of3A_427 = tpu.assume_multiple %mul3A_426, 32 : i32
          %run_scoped3A_428 = arith.constant 0 : i32
          "tpu.region"() ({
            %run_scoped3A_429 = tpu.sem_alloc : memref<!tpu.dma_semaphore, #tpu.memory_space<semaphore_mem>>
            %dma_start3A_430 = arith.constant 0 : i32
            %dma_start3A_431 = tpu.memref_slice %arg7[%run_scoped3A_428, %dma_start3A_430] : memref<2x32xi32, #tpu.memory_space<vmem>> -> memref<1x32xi32, #tpu.memory_space<vmem>>
            %dma_start3A_432 = tpu.memref_squeeze %dma_start3A_431 : memref<1x32xi32, #tpu.memory_space<vmem>> -> memref<32xi32, #tpu.memory_space<vmem>>
            %dma_start3A_433 = tpu.memref_slice %arg4[%multiple_of3A_427] : memref<25600xi32, #tpu.memory_space<hbm>> -> memref<32xi32, #tpu.memory_space<hbm>>
            %dma_start3A_434 = arith.constant 0 : i32
            %dma_start3A_435 = tpu.memref_slice %arg7[%run_scoped3A_428, %dma_start3A_434] : memref<2x32xi32, #tpu.memory_space<vmem>> -> memref<1x32xi32, #tpu.memory_space<vmem>>
            %dma_start3A_436 = tpu.memref_squeeze %dma_start3A_435 : memref<1x32xi32, #tpu.memory_space<vmem>> -> memref<32xi32, #tpu.memory_space<vmem>>
            %dma_start3A_437 = tpu.memref_slice %arg4[%multiple_of3A_427] : memref<25600xi32, #tpu.memory_space<hbm>> -> memref<32xi32, #tpu.memory_space<hbm>>
            tpu.enqueue_dma source(%dma_start3A_437 : memref<32xi32, #tpu.memory_space<hbm>>) target(%dma_start3A_436 : memref<32xi32, #tpu.memory_space<vmem>>) target_semaphore(%run_scoped3A_429 : memref<!tpu.dma_semaphore, #tpu.memory_space<semaphore_mem>>)
            %dma_wait3A_438 = arith.constant 0 : i32
            %dma_wait3A_439 = tpu.memref_slice %arg7[%run_scoped3A_428, %dma_wait3A_438] : memref<2x32xi32, #tpu.memory_space<vmem>> -> memref<1x32xi32, #tpu.memory_space<vmem>>
            %dma_wait3A_440 = tpu.memref_squeeze %dma_wait3A_439 : memref<1x32xi32, #tpu.memory_space<vmem>> -> memref<32xi32, #tpu.memory_space<vmem>>
            %dma_wait3A_441 = tpu.memref_slice %arg4[%multiple_of3A_427] : memref<25600xi32, #tpu.memory_space<hbm>> -> memref<32xi32, #tpu.memory_space<hbm>>
            %dma_wait3A_442 = arith.constant 0 : i32
            %dma_wait3A_443 = tpu.memref_slice %arg7[%run_scoped3A_428, %dma_wait3A_442] : memref<2x32xi32, #tpu.memory_space<vmem>> -> memref<1x32xi32, #tpu.memory_space<vmem>>
            %dma_wait3A_444 = tpu.memref_squeeze %dma_wait3A_443 : memref<1x32xi32, #tpu.memory_space<vmem>> -> memref<32xi32, #tpu.memory_space<vmem>>
            %dma_wait3A_445 = tpu.memref_slice %arg4[%multiple_of3A_427] : memref<25600xi32, #tpu.memory_space<hbm>> -> memref<32xi32, #tpu.memory_space<hbm>>
            tpu.wait_dma2 semaphore(%run_scoped3A_429 : memref<!tpu.dma_semaphore, #tpu.memory_space<semaphore_mem>>) src(%dma_wait3A_445 : memref<32xi32, #tpu.memory_space<hbm>>) dst(%dma_wait3A_444 : memref<32xi32, #tpu.memory_space<vmem>>)
            tpu.yield
          }) : () -> ()
        } else {
        }
        %dma_wait3A_234 = arith.constant 1 : i32
        %dma_wait3A_235 = arith.constant 0 : i32
        %dma_wait3A_236 = tpu.memref_slice %arg7[%dma_wait3A_234, %dma_wait3A_235] : memref<2x32xi32, #tpu.memory_space<vmem>> -> memref<1x32xi32, #tpu.memory_space<vmem>>
        %dma_wait3A_237 = tpu.memref_squeeze %dma_wait3A_236 : memref<1x32xi32, #tpu.memory_space<vmem>> -> memref<32xi32, #tpu.memory_space<vmem>>
        %dma_wait3A_238 = arith.constant 0 : i32
        %dma_wait3A_239 = arith.constant 0 : i32
        %dma_wait3A_240 = tpu.memref_slice %arg2[%dma_wait3A_238, %dma_wait3A_239] : memref<804x1024xf32, #tpu.memory_space<hbm>> -> memref<804x1024xf32, #tpu.memory_space<hbm>>
        tpu.wait_indirect_dma semaphore(%arg11 : memref<!tpu.dma_semaphore, #tpu.memory_space<semaphore_mem>>) src(%dma_wait3A_240 : memref<804x1024xf32, #tpu.memory_space<hbm>>) dst(%arg8 : memref<32x1024xf32, #tpu.memory_space<vmem>>)
        %dma_start3A_241 = arith.constant 1 : i32
        %dma_start3A_242 = arith.constant 0 : i32
        %dma_start3A_243 = tpu.memref_slice %arg7[%dma_start3A_241, %dma_start3A_242] : memref<2x32xi32, #tpu.memory_space<vmem>> -> memref<1x32xi32, #tpu.memory_space<vmem>>
        %dma_start3A_244 = tpu.memref_squeeze %dma_start3A_243 : memref<1x32xi32, #tpu.memory_space<vmem>> -> memref<32xi32, #tpu.memory_space<vmem>>
        %dma_start3A_245 = arith.constant 0 : i32
        %dma_start3A_246 = arith.constant 0 : i32
        %dma_start3A_247 = tpu.memref_slice %arg3[%dma_start3A_245, %dma_start3A_246] : memref<804x1024xf32, #tpu.memory_space<hbm>> -> memref<804x1024xf32, #tpu.memory_space<hbm>>
        tpu.enqueue_indirect_dma source(%dma_start3A_247 : memref<804x1024xf32, #tpu.memory_space<hbm>>) target(%arg9 : memref<32x1024xf32, #tpu.memory_space<vmem>>) offsets(%dma_start3A_244 : memref<32xi32, #tpu.memory_space<vmem>>) semaphore(%arg12 : memref<!tpu.dma_semaphore, #tpu.memory_space<semaphore_mem>>)
        %dma_wait3A_248 = arith.constant 0 : i32
        %dma_wait3A_249 = arith.constant 0 : i32
        %dma_wait3A_250 = arith.constant 0 : i32
        %dma_wait3A_251 = tpu.memref_slice %arg10[%dma_wait3A_248, %dma_wait3A_249, %dma_wait3A_250] : memref<2x8x1024xf32, #tpu.memory_space<vmem>> -> memref<1x8x1024xf32, #tpu.memory_space<vmem>>
        %dma_wait3A_252 = tpu.memref_squeeze %dma_wait3A_251 : memref<1x8x1024xf32, #tpu.memory_space<vmem>> -> memref<8x1024xf32, #tpu.memory_space<vmem>>
        %dma_wait3A_253 = arith.constant 0 : i32
        %dma_wait3A_254 = arith.constant 0 : i32
        %dma_wait3A_255 = tpu.memref_slice %arg5[%dma_wait3A_253, %dma_wait3A_254] : memref<6400x1024xf32, #tpu.memory_space<hbm>> -> memref<8x1024xf32, #tpu.memory_space<hbm>>
        %dma_wait3A_256 = arith.constant 0 : i32
        %dma_wait3A_257 = arith.constant 0 : i32
        %dma_wait3A_258 = tpu.memref_slice %arg5[%dma_wait3A_256, %dma_wait3A_257] : memref<6400x1024xf32, #tpu.memory_space<hbm>> -> memref<8x1024xf32, #tpu.memory_space<hbm>>
        %dma_wait3A_259 = arith.constant 0 : i32
        %dma_wait3A_260 = arith.constant 0 : i32
        %dma_wait3A_261 = tpu.memref_slice %arg10[%dma_wait3A_248, %dma_wait3A_259, %dma_wait3A_260] : memref<2x8x1024xf32, #tpu.memory_space<vmem>> -> memref<1x8x1024xf32, #tpu.memory_space<vmem>>
        %dma_wait3A_262 = tpu.memref_squeeze %dma_wait3A_261 : memref<1x8x1024xf32, #tpu.memory_space<vmem>> -> memref<8x1024xf32, #tpu.memory_space<vmem>>
        tpu.wait_dma2 semaphore(%arg13 : memref<!tpu.dma_semaphore, #tpu.memory_space<semaphore_mem>>) src(%dma_wait3A_262 : memref<8x1024xf32, #tpu.memory_space<vmem>>) dst(%dma_wait3A_258 : memref<8x1024xf32, #tpu.memory_space<hbm>>)
        %scan3A_263 = arith.constant 0 : i32
        %scan3A_264 = arith.constant 0 : i32
        %scan3A_265 = arith.constant 64 : i32
        %scan3A_266 = arith.addi %scan3A_264, %scan3A_265 : i32
        %scan3A_267 = arith.constant 1 : i32
        scf.for %scan3A_420 = %scan3A_264 to %scan3A_266 step %scan3A_267  : i32 {
          %mul3A_421 = arith.constant 16 : i32
          %mul3A_422 = arith.muli %scan3A_420, %mul3A_421 : i32
          %get3A = arith.constant 0 : i32
          %get3A_423 = arith.index_cast %get3A : i32 to index
          %get3A_424 = arith.index_cast %mul3A_422 : i32 to index
          %get3A_425 = tpu.vector_load %arg8[%get3A_423, %get3A_424] {strides = array<i32>} : memref<32x1024xf32, #tpu.memory_space<vmem>>, vector<1x16xf32>,
          %get3A_426 = vector.shape_cast %get3A_425 : vector<1x16xf32> to vector<16xf32>
          %get3A_427 = arith.constant 1 : i32
          %get3A_428 = arith.index_cast %get3A_427 : i32 to index
          %get3A_429 = arith.index_cast %mul3A_422 : i32 to index
          %get3A_430 = tpu.vector_load %arg8[%get3A_428, %get3A_429] {strides = array<i32>} : memref<32x1024xf32, #tpu.memory_space<vmem>>, vector<1x16xf32>,
          %get3A_431 = vector.shape_cast %get3A_430 : vector<1x16xf32> to vector<16xf32>
          %add3A_432 = arith.addf %get3A_426, %get3A_431 : vector<16xf32>
          %get3A_433 = arith.constant 2 : i32
          %get3A_434 = arith.index_cast %get3A_433 : i32 to index
          %get3A_435 = arith.index_cast %mul3A_422 : i32 to index
          %get3A_436 = tpu.vector_load %arg8[%get3A_434, %get3A_435] {strides = array<i32>} : memref<32x1024xf32, #tpu.memory_space<vmem>>, vector<1x16xf32>,
          %get3A_437 = vector.shape_cast %get3A_436 : vector<1x16xf32> to vector<16xf32>
          %get3A_438 = arith.constant 3 : i32
          %get3A_439 = arith.index_cast %get3A_438 : i32 to index
          %get3A_440 = arith.index_cast %mul3A_422 : i32 to index
          %get3A_441 = tpu.vector_load %arg8[%get3A_439, %get3A_440] {strides = array<i32>} : memref<32x1024xf32, #tpu.memory_space<vmem>>, vector<1x16xf32>,
          %get3A_442 = vector.shape_cast %get3A_441 : vector<1x16xf32> to vector<16xf32>
          %add3A_443 = arith.addf %get3A_437, %get3A_442 : vector<16xf32>
          %add3A_444 = arith.addf %add3A_432, %add3A_443 : vector<16xf32>
          %swap3A = arith.constant 0 : i32
          %swap3A_445 = arith.constant 0 : i32
          %swap3A_446 = arith.index_cast %swap3A : i32 to index
          %swap3A_447 = arith.index_cast %swap3A_445 : i32 to index
          %swap3A_448 = arith.index_cast %mul3A_422 : i32 to index
          %swap3A_449 = tpu.vector_load %arg10[%swap3A_446, %swap3A_447, %swap3A_448] {strides = array<i32>} : memref<2x8x1024xf32, #tpu.memory_space<vmem>>, vector<1x1x16xf32>,
          %swap3A_450 = vector.shape_cast %swap3A_449 : vector<1x1x16xf32> to vector<16xf32>
          %swap3A_451 = vector.shape_cast %add3A_444 : vector<16xf32> to vector<1x1x16xf32>
          tpu.vector_store %arg10[%swap3A_446, %swap3A_447, %swap3A_448], %swap3A_451 {strides = array<i32>} : memref<2x8x1024xf32, #tpu.memory_space<vmem>>, vector<1x1x16xf32>,
        }
        %scan3A_268 = arith.constant 64 : i32
        %scan3A_269 = arith.constant 0 : i32
        %scan3A_270 = arith.constant 0 : i32
        %scan3A_271 = arith.constant 64 : i32
        %scan3A_272 = arith.addi %scan3A_270, %scan3A_271 : i32
        %scan3A_273 = arith.constant 1 : i32
        scf.for %scan3A_420 = %scan3A_270 to %scan3A_272 step %scan3A_273  : i32 {
          %mul3A_421 = arith.constant 16 : i32
          %mul3A_422 = arith.muli %scan3A_420, %mul3A_421 : i32
          %get3A = arith.constant 4 : i32
          %get3A_423 = arith.index_cast %get3A : i32 to index
          %get3A_424 = arith.index_cast %mul3A_422 : i32 to index
          %get3A_425 = tpu.vector_load %arg8[%get3A_423, %get3A_424] {strides = array<i32>} : memref<32x1024xf32, #tpu.memory_space<vmem>>, vector<1x16xf32>,
          %get3A_426 = vector.shape_cast %get3A_425 : vector<1x16xf32> to vector<16xf32>
          %get3A_427 = arith.constant 5 : i32
          %get3A_428 = arith.index_cast %get3A_427 : i32 to index
          %get3A_429 = arith.index_cast %mul3A_422 : i32 to index
          %get3A_430 = tpu.vector_load %arg8[%get3A_428, %get3A_429] {strides = array<i32>} : memref<32x1024xf32, #tpu.memory_space<vmem>>, vector<1x16xf32>,
          %get3A_431 = vector.shape_cast %get3A_430 : vector<1x16xf32> to vector<16xf32>
          %add3A_432 = arith.addf %get3A_426, %get3A_431 : vector<16xf32>
          %get3A_433 = arith.constant 6 : i32
          %get3A_434 = arith.index_cast %get3A_433 : i32 to index
          %get3A_435 = arith.index_cast %mul3A_422 : i32 to index
          %get3A_436 = tpu.vector_load %arg8[%get3A_434, %get3A_435] {strides = array<i32>} : memref<32x1024xf32, #tpu.memory_space<vmem>>, vector<1x16xf32>,
          %get3A_437 = vector.shape_cast %get3A_436 : vector<1x16xf32> to vector<16xf32>
          %get3A_438 = arith.constant 7 : i32
          %get3A_439 = arith.index_cast %get3A_438 : i32 to index
          %get3A_440 = arith.index_cast %mul3A_422 : i32 to index
          %get3A_441 = tpu.vector_load %arg8[%get3A_439, %get3A_440] {strides = array<i32>} : memref<32x1024xf32, #tpu.memory_space<vmem>>, vector<1x16xf32>,
          %get3A_442 = vector.shape_cast %get3A_441 : vector<1x16xf32> to vector<16xf32>
          %add3A_443 = arith.addf %get3A_437, %get3A_442 : vector<16xf32>
          %add3A_444 = arith.addf %add3A_432, %add3A_443 : vector<16xf32>
          %swap3A = arith.constant 0 : i32
          %swap3A_445 = arith.constant 1 : i32
          %swap3A_446 = arith.index_cast %swap3A : i32 to index
          %swap3A_447 = arith.index_cast %swap3A_445 : i32 to index
          %swap3A_448 = arith.index_cast %mul3A_422 : i32 to index
          %swap3A_449 = tpu.vector_load %arg10[%swap3A_446, %swap3A_447, %swap3A_448] {strides = array<i32>} : memref<2x8x1024xf32, #tpu.memory_space<vmem>>, vector<1x1x16xf32>,
          %swap3A_450 = vector.shape_cast %swap3A_449 : vector<1x1x16xf32> to vector<16xf32>
          %swap3A_451 = vector.shape_cast %add3A_444 : vector<16xf32> to vector<1x1x16xf32>
          tpu.vector_store %arg10[%swap3A_446, %swap3A_447, %swap3A_448], %swap3A_451 {strides = array<i32>} : memref<2x8x1024xf32, #tpu.memory_space<vmem>>, vector<1x1x16xf32>,
        }
        %scan3A_274 = arith.constant 64 : i32
        %scan3A_275 = arith.constant 0 : i32
        %scan3A_276 = arith.constant 0 : i32
        %scan3A_277 = arith.constant 64 : i32
        %scan3A_278 = arith.addi %scan3A_276, %scan3A_277 : i32
        %scan3A_279 = arith.constant 1 : i32
        scf.for %scan3A_420 = %scan3A_276 to %scan3A_278 step %scan3A_279  : i32 {
          %mul3A_421 = arith.constant 16 : i32
          %mul3A_422 = arith.muli %scan3A_420, %mul3A_421 : i32
          %get3A = arith.constant 8 : i32
          %get3A_423 = arith.index_cast %get3A : i32 to index
          %get3A_424 = arith.index_cast %mul3A_422 : i32 to index
          %get3A_425 = tpu.vector_load %arg8[%get3A_423, %get3A_424] {strides = array<i32>} : memref<32x1024xf32, #tpu.memory_space<vmem>>, vector<1x16xf32>,
          %get3A_426 = vector.shape_cast %get3A_425 : vector<1x16xf32> to vector<16xf32>
          %get3A_427 = arith.constant 9 : i32
          %get3A_428 = arith.index_cast %get3A_427 : i32 to index
          %get3A_429 = arith.index_cast %mul3A_422 : i32 to index
          %get3A_430 = tpu.vector_load %arg8[%get3A_428, %get3A_429] {strides = array<i32>} : memref<32x1024xf32, #tpu.memory_space<vmem>>, vector<1x16xf32>,
          %get3A_431 = vector.shape_cast %get3A_430 : vector<1x16xf32> to vector<16xf32>
          %add3A_432 = arith.addf %get3A_426, %get3A_431 : vector<16xf32>
          %get3A_433 = arith.constant 10 : i32
          %get3A_434 = arith.index_cast %get3A_433 : i32 to index
          %get3A_435 = arith.index_cast %mul3A_422 : i32 to index
          %get3A_436 = tpu.vector_load %arg8[%get3A_434, %get3A_435] {strides = array<i32>} : memref<32x1024xf32, #tpu.memory_space<vmem>>, vector<1x16xf32>,
          %get3A_437 = vector.shape_cast %get3A_436 : vector<1x16xf32> to vector<16xf32>
          %get3A_438 = arith.constant 11 : i32
          %get3A_439 = arith.index_cast %get3A_438 : i32 to index
          %get3A_440 = arith.index_cast %mul3A_422 : i32 to index
          %get3A_441 = tpu.vector_load %arg8[%get3A_439, %get3A_440] {strides = array<i32>} : memref<32x1024xf32, #tpu.memory_space<vmem>>, vector<1x16xf32>,
          %get3A_442 = vector.shape_cast %get3A_441 : vector<1x16xf32> to vector<16xf32>
          %add3A_443 = arith.addf %get3A_437, %get3A_442 : vector<16xf32>
          %add3A_444 = arith.addf %add3A_432, %add3A_443 : vector<16xf32>
          %swap3A = arith.constant 0 : i32
          %swap3A_445 = arith.constant 2 : i32
          %swap3A_446 = arith.index_cast %swap3A : i32 to index
          %swap3A_447 = arith.index_cast %swap3A_445 : i32 to index
          %swap3A_448 = arith.index_cast %mul3A_422 : i32 to index
          %swap3A_449 = tpu.vector_load %arg10[%swap3A_446, %swap3A_447, %swap3A_448] {strides = array<i32>} : memref<2x8x1024xf32, #tpu.memory_space<vmem>>, vector<1x1x16xf32>,
          %swap3A_450 = vector.shape_cast %swap3A_449 : vector<1x1x16xf32> to vector<16xf32>
          %swap3A_451 = vector.shape_cast %add3A_444 : vector<16xf32> to vector<1x1x16xf32>
          tpu.vector_store %arg10[%swap3A_446, %swap3A_447, %swap3A_448], %swap3A_451 {strides = array<i32>} : memref<2x8x1024xf32, #tpu.memory_space<vmem>>, vector<1x1x16xf32>,
        }
        %scan3A_280 = arith.constant 64 : i32
        %scan3A_281 = arith.constant 0 : i32
        %scan3A_282 = arith.constant 0 : i32
        %scan3A_283 = arith.constant 64 : i32
        %scan3A_284 = arith.addi %scan3A_282, %scan3A_283 : i32
        %scan3A_285 = arith.constant 1 : i32
        scf.for %scan3A_420 = %scan3A_282 to %scan3A_284 step %scan3A_285  : i32 {
          %mul3A_421 = arith.constant 16 : i32
          %mul3A_422 = arith.muli %scan3A_420, %mul3A_421 : i32
          %get3A = arith.constant 12 : i32
          %get3A_423 = arith.index_cast %get3A : i32 to index
          %get3A_424 = arith.index_cast %mul3A_422 : i32 to index
          %get3A_425 = tpu.vector_load %arg8[%get3A_423, %get3A_424] {strides = array<i32>} : memref<32x1024xf32, #tpu.memory_space<vmem>>, vector<1x16xf32>,
          %get3A_426 = vector.shape_cast %get3A_425 : vector<1x16xf32> to vector<16xf32>
          %get3A_427 = arith.constant 13 : i32
          %get3A_428 = arith.index_cast %get3A_427 : i32 to index
          %get3A_429 = arith.index_cast %mul3A_422 : i32 to index
          %get3A_430 = tpu.vector_load %arg8[%get3A_428, %get3A_429] {strides = array<i32>} : memref<32x1024xf32, #tpu.memory_space<vmem>>, vector<1x16xf32>,
          %get3A_431 = vector.shape_cast %get3A_430 : vector<1x16xf32> to vector<16xf32>
          %add3A_432 = arith.addf %get3A_426, %get3A_431 : vector<16xf32>
          %get3A_433 = arith.constant 14 : i32
          %get3A_434 = arith.index_cast %get3A_433 : i32 to index
          %get3A_435 = arith.index_cast %mul3A_422 : i32 to index
          %get3A_436 = tpu.vector_load %arg8[%get3A_434, %get3A_435] {strides = array<i32>} : memref<32x1024xf32, #tpu.memory_space<vmem>>, vector<1x16xf32>,
          %get3A_437 = vector.shape_cast %get3A_436 : vector<1x16xf32> to vector<16xf32>
          %get3A_438 = arith.constant 15 : i32
          %get3A_439 = arith.index_cast %get3A_438 : i32 to index
          %get3A_440 = arith.index_cast %mul3A_422 : i32 to index
          %get3A_441 = tpu.vector_load %arg8[%get3A_439, %get3A_440] {strides = array<i32>} : memref<32x1024xf32, #tpu.memory_space<vmem>>, vector<1x16xf32>,
          %get3A_442 = vector.shape_cast %get3A_441 : vector<1x16xf32> to vector<16xf32>
          %add3A_443 = arith.addf %get3A_437, %get3A_442 : vector<16xf32>
          %add3A_444 = arith.addf %add3A_432, %add3A_443 : vector<16xf32>
          %swap3A = arith.constant 0 : i32
          %swap3A_445 = arith.constant 3 : i32
          %swap3A_446 = arith.index_cast %swap3A : i32 to index
          %swap3A_447 = arith.index_cast %swap3A_445 : i32 to index
          %swap3A_448 = arith.index_cast %mul3A_422 : i32 to index
          %swap3A_449 = tpu.vector_load %arg10[%swap3A_446, %swap3A_447, %swap3A_448] {strides = array<i32>} : memref<2x8x1024xf32, #tpu.memory_space<vmem>>, vector<1x1x16xf32>,
          %swap3A_450 = vector.shape_cast %swap3A_449 : vector<1x1x16xf32> to vector<16xf32>
          %swap3A_451 = vector.shape_cast %add3A_444 : vector<16xf32> to vector<1x1x16xf32>
          tpu.vector_store %arg10[%swap3A_446, %swap3A_447, %swap3A_448], %swap3A_451 {strides = array<i32>} : memref<2x8x1024xf32, #tpu.memory_space<vmem>>, vector<1x1x16xf32>,
        }
        %scan3A_286 = arith.constant 64 : i32
        %scan3A_287 = arith.constant 0 : i32
        %scan3A_288 = arith.constant 0 : i32
        %scan3A_289 = arith.constant 64 : i32
        %scan3A_290 = arith.addi %scan3A_288, %scan3A_289 : i32
        %scan3A_291 = arith.constant 1 : i32
        scf.for %scan3A_420 = %scan3A_288 to %scan3A_290 step %scan3A_291  : i32 {
          %mul3A_421 = arith.constant 16 : i32
          %mul3A_422 = arith.muli %scan3A_420, %mul3A_421 : i32
          %get3A = arith.constant 16 : i32
          %get3A_423 = arith.index_cast %get3A : i32 to index
          %get3A_424 = arith.index_cast %mul3A_422 : i32 to index
          %get3A_425 = tpu.vector_load %arg8[%get3A_423, %get3A_424] {strides = array<i32>} : memref<32x1024xf32, #tpu.memory_space<vmem>>, vector<1x16xf32>,
          %get3A_426 = vector.shape_cast %get3A_425 : vector<1x16xf32> to vector<16xf32>
          %get3A_427 = arith.constant 17 : i32
          %get3A_428 = arith.index_cast %get3A_427 : i32 to index
          %get3A_429 = arith.index_cast %mul3A_422 : i32 to index
          %get3A_430 = tpu.vector_load %arg8[%get3A_428, %get3A_429] {strides = array<i32>} : memref<32x1024xf32, #tpu.memory_space<vmem>>, vector<1x16xf32>,
          %get3A_431 = vector.shape_cast %get3A_430 : vector<1x16xf32> to vector<16xf32>
          %add3A_432 = arith.addf %get3A_426, %get3A_431 : vector<16xf32>
          %get3A_433 = arith.constant 18 : i32
          %get3A_434 = arith.index_cast %get3A_433 : i32 to index
          %get3A_435 = arith.index_cast %mul3A_422 : i32 to index
          %get3A_436 = tpu.vector_load %arg8[%get3A_434, %get3A_435] {strides = array<i32>} : memref<32x1024xf32, #tpu.memory_space<vmem>>, vector<1x16xf32>,
          %get3A_437 = vector.shape_cast %get3A_436 : vector<1x16xf32> to vector<16xf32>
          %get3A_438 = arith.constant 19 : i32
          %get3A_439 = arith.index_cast %get3A_438 : i32 to index
          %get3A_440 = arith.index_cast %mul3A_422 : i32 to index
          %get3A_441 = tpu.vector_load %arg8[%get3A_439, %get3A_440] {strides = array<i32>} : memref<32x1024xf32, #tpu.memory_space<vmem>>, vector<1x16xf32>,
          %get3A_442 = vector.shape_cast %get3A_441 : vector<1x16xf32> to vector<16xf32>
          %add3A_443 = arith.addf %get3A_437, %get3A_442 : vector<16xf32>
          %add3A_444 = arith.addf %add3A_432, %add3A_443 : vector<16xf32>
          %swap3A = arith.constant 0 : i32
          %swap3A_445 = arith.constant 4 : i32
          %swap3A_446 = arith.index_cast %swap3A : i32 to index
          %swap3A_447 = arith.index_cast %swap3A_445 : i32 to index
          %swap3A_448 = arith.index_cast %mul3A_422 : i32 to index
          %swap3A_449 = tpu.vector_load %arg10[%swap3A_446, %swap3A_447, %swap3A_448] {strides = array<i32>} : memref<2x8x1024xf32, #tpu.memory_space<vmem>>, vector<1x1x16xf32>,
          %swap3A_450 = vector.shape_cast %swap3A_449 : vector<1x1x16xf32> to vector<16xf32>
          %swap3A_451 = vector.shape_cast %add3A_444 : vector<16xf32> to vector<1x1x16xf32>
          tpu.vector_store %arg10[%swap3A_446, %swap3A_447, %swap3A_448], %swap3A_451 {strides = array<i32>} : memref<2x8x1024xf32, #tpu.memory_space<vmem>>, vector<1x1x16xf32>,
        }
        %scan3A_292 = arith.constant 64 : i32
        %scan3A_293 = arith.constant 0 : i32
        %scan3A_294 = arith.constant 0 : i32
        %scan3A_295 = arith.constant 64 : i32
        %scan3A_296 = arith.addi %scan3A_294, %scan3A_295 : i32
        %scan3A_297 = arith.constant 1 : i32
        scf.for %scan3A_420 = %scan3A_294 to %scan3A_296 step %scan3A_297  : i32 {
          %mul3A_421 = arith.constant 16 : i32
          %mul3A_422 = arith.muli %scan3A_420, %mul3A_421 : i32
          %get3A = arith.constant 20 : i32
          %get3A_423 = arith.index_cast %get3A : i32 to index
          %get3A_424 = arith.index_cast %mul3A_422 : i32 to index
          %get3A_425 = tpu.vector_load %arg8[%get3A_423, %get3A_424] {strides = array<i32>} : memref<32x1024xf32, #tpu.memory_space<vmem>>, vector<1x16xf32>,
          %get3A_426 = vector.shape_cast %get3A_425 : vector<1x16xf32> to vector<16xf32>
          %get3A_427 = arith.constant 21 : i32
          %get3A_428 = arith.index_cast %get3A_427 : i32 to index
          %get3A_429 = arith.index_cast %mul3A_422 : i32 to index
          %get3A_430 = tpu.vector_load %arg8[%get3A_428, %get3A_429] {strides = array<i32>} : memref<32x1024xf32, #tpu.memory_space<vmem>>, vector<1x16xf32>,
          %get3A_431 = vector.shape_cast %get3A_430 : vector<1x16xf32> to vector<16xf32>
          %add3A_432 = arith.addf %get3A_426, %get3A_431 : vector<16xf32>
          %get3A_433 = arith.constant 22 : i32
          %get3A_434 = arith.index_cast %get3A_433 : i32 to index
          %get3A_435 = arith.index_cast %mul3A_422 : i32 to index
          %get3A_436 = tpu.vector_load %arg8[%get3A_434, %get3A_435] {strides = array<i32>} : memref<32x1024xf32, #tpu.memory_space<vmem>>, vector<1x16xf32>,
          %get3A_437 = vector.shape_cast %get3A_436 : vector<1x16xf32> to vector<16xf32>
          %get3A_438 = arith.constant 23 : i32
          %get3A_439 = arith.index_cast %get3A_438 : i32 to index
          %get3A_440 = arith.index_cast %mul3A_422 : i32 to index
          %get3A_441 = tpu.vector_load %arg8[%get3A_439, %get3A_440] {strides = array<i32>} : memref<32x1024xf32, #tpu.memory_space<vmem>>, vector<1x16xf32>,
          %get3A_442 = vector.shape_cast %get3A_441 : vector<1x16xf32> to vector<16xf32>
          %add3A_443 = arith.addf %get3A_437, %get3A_442 : vector<16xf32>
          %add3A_444 = arith.addf %add3A_432, %add3A_443 : vector<16xf32>
          %swap3A = arith.constant 0 : i32
          %swap3A_445 = arith.constant 5 : i32
          %swap3A_446 = arith.index_cast %swap3A : i32 to index
          %swap3A_447 = arith.index_cast %swap3A_445 : i32 to index
          %swap3A_448 = arith.index_cast %mul3A_422 : i32 to index
          %swap3A_449 = tpu.vector_load %arg10[%swap3A_446, %swap3A_447, %swap3A_448] {strides = array<i32>} : memref<2x8x1024xf32, #tpu.memory_space<vmem>>, vector<1x1x16xf32>,
          %swap3A_450 = vector.shape_cast %swap3A_449 : vector<1x1x16xf32> to vector<16xf32>
          %swap3A_451 = vector.shape_cast %add3A_444 : vector<16xf32> to vector<1x1x16xf32>
          tpu.vector_store %arg10[%swap3A_446, %swap3A_447, %swap3A_448], %swap3A_451 {strides = array<i32>} : memref<2x8x1024xf32, #tpu.memory_space<vmem>>, vector<1x1x16xf32>,
        }
        %scan3A_298 = arith.constant 64 : i32
        %scan3A_299 = arith.constant 0 : i32
        %scan3A_300 = arith.constant 0 : i32
        %scan3A_301 = arith.constant 64 : i32
        %scan3A_302 = arith.addi %scan3A_300, %scan3A_301 : i32
        %scan3A_303 = arith.constant 1 : i32
        scf.for %scan3A_420 = %scan3A_300 to %scan3A_302 step %scan3A_303  : i32 {
          %mul3A_421 = arith.constant 16 : i32
          %mul3A_422 = arith.muli %scan3A_420, %mul3A_421 : i32
          %get3A = arith.constant 24 : i32
          %get3A_423 = arith.index_cast %get3A : i32 to index
          %get3A_424 = arith.index_cast %mul3A_422 : i32 to index
          %get3A_425 = tpu.vector_load %arg8[%get3A_423, %get3A_424] {strides = array<i32>} : memref<32x1024xf32, #tpu.memory_space<vmem>>, vector<1x16xf32>,
          %get3A_426 = vector.shape_cast %get3A_425 : vector<1x16xf32> to vector<16xf32>
          %get3A_427 = arith.constant 25 : i32
          %get3A_428 = arith.index_cast %get3A_427 : i32 to index
          %get3A_429 = arith.index_cast %mul3A_422 : i32 to index
          %get3A_430 = tpu.vector_load %arg8[%get3A_428, %get3A_429] {strides = array<i32>} : memref<32x1024xf32, #tpu.memory_space<vmem>>, vector<1x16xf32>,
          %get3A_431 = vector.shape_cast %get3A_430 : vector<1x16xf32> to vector<16xf32>
          %add3A_432 = arith.addf %get3A_426, %get3A_431 : vector<16xf32>
          %get3A_433 = arith.constant 26 : i32
          %get3A_434 = arith.index_cast %get3A_433 : i32 to index
          %get3A_435 = arith.index_cast %mul3A_422 : i32 to index
          %get3A_436 = tpu.vector_load %arg8[%get3A_434, %get3A_435] {strides = array<i32>} : memref<32x1024xf32, #tpu.memory_space<vmem>>, vector<1x16xf32>,
          %get3A_437 = vector.shape_cast %get3A_436 : vector<1x16xf32> to vector<16xf32>
          %get3A_438 = arith.constant 27 : i32
          %get3A_439 = arith.index_cast %get3A_438 : i32 to index
          %get3A_440 = arith.index_cast %mul3A_422 : i32 to index
          %get3A_441 = tpu.vector_load %arg8[%get3A_439, %get3A_440] {strides = array<i32>} : memref<32x1024xf32, #tpu.memory_space<vmem>>, vector<1x16xf32>,
          %get3A_442 = vector.shape_cast %get3A_441 : vector<1x16xf32> to vector<16xf32>
          %add3A_443 = arith.addf %get3A_437, %get3A_442 : vector<16xf32>
          %add3A_444 = arith.addf %add3A_432, %add3A_443 : vector<16xf32>
          %swap3A = arith.constant 0 : i32
          %swap3A_445 = arith.constant 6 : i32
          %swap3A_446 = arith.index_cast %swap3A : i32 to index
          %swap3A_447 = arith.index_cast %swap3A_445 : i32 to index
          %swap3A_448 = arith.index_cast %mul3A_422 : i32 to index
          %swap3A_449 = tpu.vector_load %arg10[%swap3A_446, %swap3A_447, %swap3A_448] {strides = array<i32>} : memref<2x8x1024xf32, #tpu.memory_space<vmem>>, vector<1x1x16xf32>,
          %swap3A_450 = vector.shape_cast %swap3A_449 : vector<1x1x16xf32> to vector<16xf32>
          %swap3A_451 = vector.shape_cast %add3A_444 : vector<16xf32> to vector<1x1x16xf32>
          tpu.vector_store %arg10[%swap3A_446, %swap3A_447, %swap3A_448], %swap3A_451 {strides = array<i32>} : memref<2x8x1024xf32, #tpu.memory_space<vmem>>, vector<1x1x16xf32>,
        }
        %scan3A_304 = arith.constant 64 : i32
        %scan3A_305 = arith.constant 0 : i32
        %scan3A_306 = arith.constant 0 : i32
        %scan3A_307 = arith.constant 64 : i32
        %scan3A_308 = arith.addi %scan3A_306, %scan3A_307 : i32
        %scan3A_309 = arith.constant 1 : i32
        scf.for %scan3A_420 = %scan3A_306 to %scan3A_308 step %scan3A_309  : i32 {
          %mul3A_421 = arith.constant 16 : i32
          %mul3A_422 = arith.muli %scan3A_420, %mul3A_421 : i32
          %get3A = arith.constant 28 : i32
          %get3A_423 = arith.index_cast %get3A : i32 to index
          %get3A_424 = arith.index_cast %mul3A_422 : i32 to index
          %get3A_425 = tpu.vector_load %arg8[%get3A_423, %get3A_424] {strides = array<i32>} : memref<32x1024xf32, #tpu.memory_space<vmem>>, vector<1x16xf32>,
          %get3A_426 = vector.shape_cast %get3A_425 : vector<1x16xf32> to vector<16xf32>
          %get3A_427 = arith.constant 29 : i32
          %get3A_428 = arith.index_cast %get3A_427 : i32 to index
          %get3A_429 = arith.index_cast %mul3A_422 : i32 to index
          %get3A_430 = tpu.vector_load %arg8[%get3A_428, %get3A_429] {strides = array<i32>} : memref<32x1024xf32, #tpu.memory_space<vmem>>, vector<1x16xf32>,
          %get3A_431 = vector.shape_cast %get3A_430 : vector<1x16xf32> to vector<16xf32>
          %add3A_432 = arith.addf %get3A_426, %get3A_431 : vector<16xf32>
          %get3A_433 = arith.constant 30 : i32
          %get3A_434 = arith.index_cast %get3A_433 : i32 to index
          %get3A_435 = arith.index_cast %mul3A_422 : i32 to index
          %get3A_436 = tpu.vector_load %arg8[%get3A_434, %get3A_435] {strides = array<i32>} : memref<32x1024xf32, #tpu.memory_space<vmem>>, vector<1x16xf32>,
          %get3A_437 = vector.shape_cast %get3A_436 : vector<1x16xf32> to vector<16xf32>
          %get3A_438 = arith.constant 31 : i32
          %get3A_439 = arith.index_cast %get3A_438 : i32 to index
          %get3A_440 = arith.index_cast %mul3A_422 : i32 to index
          %get3A_441 = tpu.vector_load %arg8[%get3A_439, %get3A_440] {strides = array<i32>} : memref<32x1024xf32, #tpu.memory_space<vmem>>, vector<1x16xf32>,
          %get3A_442 = vector.shape_cast %get3A_441 : vector<1x16xf32> to vector<16xf32>
          %add3A_443 = arith.addf %get3A_437, %get3A_442 : vector<16xf32>
          %add3A_444 = arith.addf %add3A_432, %add3A_443 : vector<16xf32>
          %swap3A = arith.constant 0 : i32
          %swap3A_445 = arith.constant 7 : i32
          %swap3A_446 = arith.index_cast %swap3A : i32 to index
          %swap3A_447 = arith.index_cast %swap3A_445 : i32 to index
          %swap3A_448 = arith.index_cast %mul3A_422 : i32 to index
          %swap3A_449 = tpu.vector_load %arg10[%swap3A_446, %swap3A_447, %swap3A_448] {strides = array<i32>} : memref<2x8x1024xf32, #tpu.memory_space<vmem>>, vector<1x1x16xf32>,
          %swap3A_450 = vector.shape_cast %swap3A_449 : vector<1x1x16xf32> to vector<16xf32>
          %swap3A_451 = vector.shape_cast %add3A_444 : vector<16xf32> to vector<1x1x16xf32>
          tpu.vector_store %arg10[%swap3A_446, %swap3A_447, %swap3A_448], %swap3A_451 {strides = array<i32>} : memref<2x8x1024xf32, #tpu.memory_space<vmem>>, vector<1x1x16xf32>,
        }
        %scan3A_310 = arith.constant 64 : i32
        %mul3A_311 = arith.constant 8 : i32
        %mul3A_312 = arith.muli %add3A_213, %mul3A_311 : i32
        %add3A_313 = arith.addi %mul3A_2, %mul3A_312 : i32
        %dma_start3A_314 = arith.constant 0 : i32
        %dma_start3A_315 = arith.constant 0 : i32
        %dma_start3A_316 = arith.constant 0 : i32
        %dma_start3A_317 = tpu.memref_slice %arg10[%dma_start3A_314, %dma_start3A_315, %dma_start3A_316] : memref<2x8x1024xf32, #tpu.memory_space<vmem>> -> memref<1x8x1024xf32, #tpu.memory_space<vmem>>
        %dma_start3A_318 = tpu.memref_squeeze %dma_start3A_317 : memref<1x8x1024xf32, #tpu.memory_space<vmem>> -> memref<8x1024xf32, #tpu.memory_space<vmem>>
        %dma_start3A_319 = arith.constant 0 : i32
        %dma_start3A_320 = tpu.memref_slice %arg5[%add3A_313, %dma_start3A_319] : memref<6400x1024xf32, #tpu.memory_space<hbm>> -> memref<8x1024xf32, #tpu.memory_space<hbm>>
        %dma_start3A_321 = arith.constant 0 : i32
        %dma_start3A_322 = tpu.memref_slice %arg5[%add3A_313, %dma_start3A_321] : memref<6400x1024xf32, #tpu.memory_space<hbm>> -> memref<8x1024xf32, #tpu.memory_space<hbm>>
        %dma_start3A_323 = arith.constant 0 : i32
        %dma_start3A_324 = arith.constant 0 : i32
        %dma_start3A_325 = tpu.memref_slice %arg10[%dma_start3A_314, %dma_start3A_323, %dma_start3A_324] : memref<2x8x1024xf32, #tpu.memory_space<vmem>> -> memref<1x8x1024xf32, #tpu.memory_space<vmem>>
        %dma_start3A_326 = tpu.memref_squeeze %dma_start3A_325 : memref<1x8x1024xf32, #tpu.memory_space<vmem>> -> memref<8x1024xf32, #tpu.memory_space<vmem>>
        tpu.enqueue_dma source(%dma_start3A_326 : memref<8x1024xf32, #tpu.memory_space<vmem>>) target(%dma_start3A_322 : memref<8x1024xf32, #tpu.memory_space<hbm>>) target_semaphore(%arg13 : memref<!tpu.dma_semaphore, #tpu.memory_space<semaphore_mem>>)
        %dma_wait3A_327 = arith.constant 1 : i32
        %dma_wait3A_328 = arith.constant 0 : i32
        %dma_wait3A_329 = tpu.memref_slice %arg7[%dma_wait3A_327, %dma_wait3A_328] : memref<2x32xi32, #tpu.memory_space<vmem>> -> memref<1x32xi32, #tpu.memory_space<vmem>>
        %dma_wait3A_330 = tpu.memref_squeeze %dma_wait3A_329 : memref<1x32xi32, #tpu.memory_space<vmem>> -> memref<32xi32, #tpu.memory_space<vmem>>
        %dma_wait3A_331 = arith.constant 0 : i32
        %dma_wait3A_332 = arith.constant 0 : i32
        %dma_wait3A_333 = tpu.memref_slice %arg3[%dma_wait3A_331, %dma_wait3A_332] : memref<804x1024xf32, #tpu.memory_space<hbm>> -> memref<804x1024xf32, #tpu.memory_space<hbm>>
        tpu.wait_indirect_dma semaphore(%arg12 : memref<!tpu.dma_semaphore, #tpu.memory_space<semaphore_mem>>) src(%dma_wait3A_333 : memref<804x1024xf32, #tpu.memory_space<hbm>>) dst(%arg9 : memref<32x1024xf32, #tpu.memory_space<vmem>>)
        %add3A_334 = arith.constant 1 : i32
        %add3A_335 = arith.addi %add3A_213, %add3A_334 : i32
        %lt3A_336 = arith.constant 25 : i32
        %lt3A_337 = arith.cmpi slt, %add3A_335, %lt3A_336 : i32
        %convert_element_type3A_338 = arith.extui %lt3A_337 : i1 to i32
        %cond3A_339 = arith.constant 0 : i32
        %cond3A_340 = arith.cmpi ne, %convert_element_type3A_338, %cond3A_339 : i32
        scf.if %cond3A_340 {
          %dma_start3A_420 = arith.constant 0 : i32
          %dma_start3A_421 = arith.constant 0 : i32
          %dma_start3A_422 = tpu.memref_slice %arg7[%dma_start3A_420, %dma_start3A_421] : memref<2x32xi32, #tpu.memory_space<vmem>> -> memref<1x32xi32, #tpu.memory_space<vmem>>
          %dma_start3A_423 = tpu.memref_squeeze %dma_start3A_422 : memref<1x32xi32, #tpu.memory_space<vmem>> -> memref<32xi32, #tpu.memory_space<vmem>>
          %dma_start3A_424 = arith.constant 0 : i32
          %dma_start3A_425 = arith.constant 0 : i32
          %dma_start3A_426 = tpu.memref_slice %arg2[%dma_start3A_424, %dma_start3A_425] : memref<804x1024xf32, #tpu.memory_space<hbm>> -> memref<804x1024xf32, #tpu.memory_space<hbm>>
          tpu.enqueue_indirect_dma source(%dma_start3A_426 : memref<804x1024xf32, #tpu.memory_space<hbm>>) target(%arg8 : memref<32x1024xf32, #tpu.memory_space<vmem>>) offsets(%dma_start3A_423 : memref<32xi32, #tpu.memory_space<vmem>>) semaphore(%arg11 : memref<!tpu.dma_semaphore, #tpu.memory_space<semaphore_mem>>)
        } else {
        }
        %dma_wait3A_341 = arith.constant 1 : i32
        %dma_wait3A_342 = arith.constant 0 : i32
        %dma_wait3A_343 = arith.constant 0 : i32
        %dma_wait3A_344 = tpu.memref_slice %arg10[%dma_wait3A_341, %dma_wait3A_342, %dma_wait3A_343] : memref<2x8x1024xf32, #tpu.memory_space<vmem>> -> memref<1x8x1024xf32, #tpu.memory_space<vmem>>
        %dma_wait3A_345 = tpu.memref_squeeze %dma_wait3A_344 : memref<1x8x1024xf32, #tpu.memory_space<vmem>> -> memref<8x1024xf32, #tpu.memory_space<vmem>>
        %dma_wait3A_346 = arith.constant 0 : i32
        %dma_wait3A_347 = arith.constant 0 : i32
        %dma_wait3A_348 = tpu.memref_slice %arg6[%dma_wait3A_346, %dma_wait3A_347] : memref<6400x1024xf32, #tpu.memory_space<hbm>> -> memref<8x1024xf32, #tpu.memory_space<hbm>>
        %dma_wait3A_349 = arith.constant 0 : i32
        %dma_wait3A_350 = arith.constant 0 : i32
        %dma_wait3A_351 = tpu.memref_slice %arg6[%dma_wait3A_349, %dma_wait3A_350] : memref<6400x1024xf32, #tpu.memory_space<hbm>> -> memref<8x1024xf32, #tpu.memory_space<hbm>>
        %dma_wait3A_352 = arith.constant 0 : i32
        %dma_wait3A_353 = arith.constant 0 : i32
        %dma_wait3A_354 = tpu.memref_slice %arg10[%dma_wait3A_341, %dma_wait3A_352, %dma_wait3A_353] : memref<2x8x1024xf32, #tpu.memory_space<vmem>> -> memref<1x8x1024xf32, #tpu.memory_space<vmem>>
        %dma_wait3A_355 = tpu.memref_squeeze %dma_wait3A_354 : memref<1x8x1024xf32, #tpu.memory_space<vmem>> -> memref<8x1024xf32, #tpu.memory_space<vmem>>
        tpu.wait_dma2 semaphore(%arg14 : memref<!tpu.dma_semaphore, #tpu.memory_space<semaphore_mem>>) src(%dma_wait3A_355 : memref<8x1024xf32, #tpu.memory_space<vmem>>) dst(%dma_wait3A_351 : memref<8x1024xf32, #tpu.memory_space<hbm>>)
        %scan3A_356 = arith.constant 0 : i32
        %scan3A_357 = arith.constant 0 : i32
        %scan3A_358 = arith.constant 64 : i32
        %scan3A_359 = arith.addi %scan3A_357, %scan3A_358 : i32
        %scan3A_360 = arith.constant 1 : i32
        scf.for %scan3A_420 = %scan3A_357 to %scan3A_359 step %scan3A_360  : i32 {
          %mul3A_421 = arith.constant 16 : i32
          %mul3A_422 = arith.muli %scan3A_420, %mul3A_421 : i32
          %get3A = arith.constant 0 : i32
          %get3A_423 = arith.index_cast %get3A : i32 to index
          %get3A_424 = arith.index_cast %mul3A_422 : i32 to index
          %get3A_425 = tpu.vector_load %arg9[%get3A_423, %get3A_424] {strides = array<i32>} : memref<32x1024xf32, #tpu.memory_space<vmem>>, vector<1x16xf32>,
          %get3A_426 = vector.shape_cast %get3A_425 : vector<1x16xf32> to vector<16xf32>
          %get3A_427 = arith.constant 1 : i32
          %get3A_428 = arith.index_cast %get3A_427 : i32 to index
          %get3A_429 = arith.index_cast %mul3A_422 : i32 to index
          %get3A_430 = tpu.vector_load %arg9[%get3A_428, %get3A_429] {strides = array<i32>} : memref<32x1024xf32, #tpu.memory_space<vmem>>, vector<1x16xf32>,
          %get3A_431 = vector.shape_cast %get3A_430 : vector<1x16xf32> to vector<16xf32>
          %add3A_432 = arith.addf %get3A_426, %get3A_431 : vector<16xf32>
          %get3A_433 = arith.constant 2 : i32
          %get3A_434 = arith.index_cast %get3A_433 : i32 to index
          %get3A_435 = arith.index_cast %mul3A_422 : i32 to index
          %get3A_436 = tpu.vector_load %arg9[%get3A_434, %get3A_435] {strides = array<i32>} : memref<32x1024xf32, #tpu.memory_space<vmem>>, vector<1x16xf32>,
          %get3A_437 = vector.shape_cast %get3A_436 : vector<1x16xf32> to vector<16xf32>
          %get3A_438 = arith.constant 3 : i32
          %get3A_439 = arith.index_cast %get3A_438 : i32 to index
          %get3A_440 = arith.index_cast %mul3A_422 : i32 to index
          %get3A_441 = tpu.vector_load %arg9[%get3A_439, %get3A_440] {strides = array<i32>} : memref<32x1024xf32, #tpu.memory_space<vmem>>, vector<1x16xf32>,
          %get3A_442 = vector.shape_cast %get3A_441 : vector<1x16xf32> to vector<16xf32>
          %add3A_443 = arith.addf %get3A_437, %get3A_442 : vector<16xf32>
          %add3A_444 = arith.addf %add3A_432, %add3A_443 : vector<16xf32>
          %swap3A = arith.constant 1 : i32
          %swap3A_445 = arith.constant 0 : i32
          %swap3A_446 = arith.index_cast %swap3A : i32 to index
          %swap3A_447 = arith.index_cast %swap3A_445 : i32 to index
          %swap3A_448 = arith.index_cast %mul3A_422 : i32 to index
          %swap3A_449 = tpu.vector_load %arg10[%swap3A_446, %swap3A_447, %swap3A_448] {strides = array<i32>} : memref<2x8x1024xf32, #tpu.memory_space<vmem>>, vector<1x1x16xf32>,
          %swap3A_450 = vector.shape_cast %swap3A_449 : vector<1x1x16xf32> to vector<16xf32>
          %swap3A_451 = vector.shape_cast %add3A_444 : vector<16xf32> to vector<1x1x16xf32>
          tpu.vector_store %arg10[%swap3A_446, %swap3A_447, %swap3A_448], %swap3A_451 {strides = array<i32>} : memref<2x8x1024xf32, #tpu.memory_space<vmem>>, vector<1x1x16xf32>,
        }
        %scan3A_361 = arith.constant 64 : i32
        %scan3A_362 = arith.constant 0 : i32
        %scan3A_363 = arith.constant 0 : i32
        %scan3A_364 = arith.constant 64 : i32
        %scan3A_365 = arith.addi %scan3A_363, %scan3A_364 : i32
        %scan3A_366 = arith.constant 1 : i32
        scf.for %scan3A_420 = %scan3A_363 to %scan3A_365 step %scan3A_366  : i32 {
          %mul3A_421 = arith.constant 16 : i32
          %mul3A_422 = arith.muli %scan3A_420, %mul3A_421 : i32
          %get3A = arith.constant 4 : i32
          %get3A_423 = arith.index_cast %get3A : i32 to index
          %get3A_424 = arith.index_cast %mul3A_422 : i32 to index
          %get3A_425 = tpu.vector_load %arg9[%get3A_423, %get3A_424] {strides = array<i32>} : memref<32x1024xf32, #tpu.memory_space<vmem>>, vector<1x16xf32>,
          %get3A_426 = vector.shape_cast %get3A_425 : vector<1x16xf32> to vector<16xf32>
          %get3A_427 = arith.constant 5 : i32
          %get3A_428 = arith.index_cast %get3A_427 : i32 to index
          %get3A_429 = arith.index_cast %mul3A_422 : i32 to index
          %get3A_430 = tpu.vector_load %arg9[%get3A_428, %get3A_429] {strides = array<i32>} : memref<32x1024xf32, #tpu.memory_space<vmem>>, vector<1x16xf32>,
          %get3A_431 = vector.shape_cast %get3A_430 : vector<1x16xf32> to vector<16xf32>
          %add3A_432 = arith.addf %get3A_426, %get3A_431 : vector<16xf32>
          %get3A_433 = arith.constant 6 : i32
          %get3A_434 = arith.index_cast %get3A_433 : i32 to index
          %get3A_435 = arith.index_cast %mul3A_422 : i32 to index
          %get3A_436 = tpu.vector_load %arg9[%get3A_434, %get3A_435] {strides = array<i32>} : memref<32x1024xf32, #tpu.memory_space<vmem>>, vector<1x16xf32>,
          %get3A_437 = vector.shape_cast %get3A_436 : vector<1x16xf32> to vector<16xf32>
          %get3A_438 = arith.constant 7 : i32
          %get3A_439 = arith.index_cast %get3A_438 : i32 to index
          %get3A_440 = arith.index_cast %mul3A_422 : i32 to index
          %get3A_441 = tpu.vector_load %arg9[%get3A_439, %get3A_440] {strides = array<i32>} : memref<32x1024xf32, #tpu.memory_space<vmem>>, vector<1x16xf32>,
          %get3A_442 = vector.shape_cast %get3A_441 : vector<1x16xf32> to vector<16xf32>
          %add3A_443 = arith.addf %get3A_437, %get3A_442 : vector<16xf32>
          %add3A_444 = arith.addf %add3A_432, %add3A_443 : vector<16xf32>
          %swap3A = arith.constant 1 : i32
          %swap3A_445 = arith.constant 1 : i32
          %swap3A_446 = arith.index_cast %swap3A : i32 to index
          %swap3A_447 = arith.index_cast %swap3A_445 : i32 to index
          %swap3A_448 = arith.index_cast %mul3A_422 : i32 to index
          %swap3A_449 = tpu.vector_load %arg10[%swap3A_446, %swap3A_447, %swap3A_448] {strides = array<i32>} : memref<2x8x1024xf32, #tpu.memory_space<vmem>>, vector<1x1x16xf32>,
          %swap3A_450 = vector.shape_cast %swap3A_449 : vector<1x1x16xf32> to vector<16xf32>
          %swap3A_451 = vector.shape_cast %add3A_444 : vector<16xf32> to vector<1x1x16xf32>
          tpu.vector_store %arg10[%swap3A_446, %swap3A_447, %swap3A_448], %swap3A_451 {strides = array<i32>} : memref<2x8x1024xf32, #tpu.memory_space<vmem>>, vector<1x1x16xf32>,
        }
        %scan3A_367 = arith.constant 64 : i32
        %scan3A_368 = arith.constant 0 : i32
        %scan3A_369 = arith.constant 0 : i32
        %scan3A_370 = arith.constant 64 : i32
        %scan3A_371 = arith.addi %scan3A_369, %scan3A_370 : i32
        %scan3A_372 = arith.constant 1 : i32
        scf.for %scan3A_420 = %scan3A_369 to %scan3A_371 step %scan3A_372  : i32 {
          %mul3A_421 = arith.constant 16 : i32
          %mul3A_422 = arith.muli %scan3A_420, %mul3A_421 : i32
          %get3A = arith.constant 8 : i32
          %get3A_423 = arith.index_cast %get3A : i32 to index
          %get3A_424 = arith.index_cast %mul3A_422 : i32 to index
          %get3A_425 = tpu.vector_load %arg9[%get3A_423, %get3A_424] {strides = array<i32>} : memref<32x1024xf32, #tpu.memory_space<vmem>>, vector<1x16xf32>,
          %get3A_426 = vector.shape_cast %get3A_425 : vector<1x16xf32> to vector<16xf32>
          %get3A_427 = arith.constant 9 : i32
          %get3A_428 = arith.index_cast %get3A_427 : i32 to index
          %get3A_429 = arith.index_cast %mul3A_422 : i32 to index
          %get3A_430 = tpu.vector_load %arg9[%get3A_428, %get3A_429] {strides = array<i32>} : memref<32x1024xf32, #tpu.memory_space<vmem>>, vector<1x16xf32>,
          %get3A_431 = vector.shape_cast %get3A_430 : vector<1x16xf32> to vector<16xf32>
          %add3A_432 = arith.addf %get3A_426, %get3A_431 : vector<16xf32>
          %get3A_433 = arith.constant 10 : i32
          %get3A_434 = arith.index_cast %get3A_433 : i32 to index
          %get3A_435 = arith.index_cast %mul3A_422 : i32 to index
          %get3A_436 = tpu.vector_load %arg9[%get3A_434, %get3A_435] {strides = array<i32>} : memref<32x1024xf32, #tpu.memory_space<vmem>>, vector<1x16xf32>,
          %get3A_437 = vector.shape_cast %get3A_436 : vector<1x16xf32> to vector<16xf32>
          %get3A_438 = arith.constant 11 : i32
          %get3A_439 = arith.index_cast %get3A_438 : i32 to index
          %get3A_440 = arith.index_cast %mul3A_422 : i32 to index
          %get3A_441 = tpu.vector_load %arg9[%get3A_439, %get3A_440] {strides = array<i32>} : memref<32x1024xf32, #tpu.memory_space<vmem>>, vector<1x16xf32>,
          %get3A_442 = vector.shape_cast %get3A_441 : vector<1x16xf32> to vector<16xf32>
          %add3A_443 = arith.addf %get3A_437, %get3A_442 : vector<16xf32>
          %add3A_444 = arith.addf %add3A_432, %add3A_443 : vector<16xf32>
          %swap3A = arith.constant 1 : i32
          %swap3A_445 = arith.constant 2 : i32
          %swap3A_446 = arith.index_cast %swap3A : i32 to index
          %swap3A_447 = arith.index_cast %swap3A_445 : i32 to index
          %swap3A_448 = arith.index_cast %mul3A_422 : i32 to index
          %swap3A_449 = tpu.vector_load %arg10[%swap3A_446, %swap3A_447, %swap3A_448] {strides = array<i32>} : memref<2x8x1024xf32, #tpu.memory_space<vmem>>, vector<1x1x16xf32>,
          %swap3A_450 = vector.shape_cast %swap3A_449 : vector<1x1x16xf32> to vector<16xf32>
          %swap3A_451 = vector.shape_cast %add3A_444 : vector<16xf32> to vector<1x1x16xf32>
          tpu.vector_store %arg10[%swap3A_446, %swap3A_447, %swap3A_448], %swap3A_451 {strides = array<i32>} : memref<2x8x1024xf32, #tpu.memory_space<vmem>>, vector<1x1x16xf32>,
        }
        %scan3A_373 = arith.constant 64 : i32
        %scan3A_374 = arith.constant 0 : i32
        %scan3A_375 = arith.constant 0 : i32
        %scan3A_376 = arith.constant 64 : i32
        %scan3A_377 = arith.addi %scan3A_375, %scan3A_376 : i32
        %scan3A_378 = arith.constant 1 : i32
        scf.for %scan3A_420 = %scan3A_375 to %scan3A_377 step %scan3A_378  : i32 {
          %mul3A_421 = arith.constant 16 : i32
          %mul3A_422 = arith.muli %scan3A_420, %mul3A_421 : i32
          %get3A = arith.constant 12 : i32
          %get3A_423 = arith.index_cast %get3A : i32 to index
          %get3A_424 = arith.index_cast %mul3A_422 : i32 to index
          %get3A_425 = tpu.vector_load %arg9[%get3A_423, %get3A_424] {strides = array<i32>} : memref<32x1024xf32, #tpu.memory_space<vmem>>, vector<1x16xf32>,
          %get3A_426 = vector.shape_cast %get3A_425 : vector<1x16xf32> to vector<16xf32>
          %get3A_427 = arith.constant 13 : i32
          %get3A_428 = arith.index_cast %get3A_427 : i32 to index
          %get3A_429 = arith.index_cast %mul3A_422 : i32 to index
          %get3A_430 = tpu.vector_load %arg9[%get3A_428, %get3A_429] {strides = array<i32>} : memref<32x1024xf32, #tpu.memory_space<vmem>>, vector<1x16xf32>,
          %get3A_431 = vector.shape_cast %get3A_430 : vector<1x16xf32> to vector<16xf32>
          %add3A_432 = arith.addf %get3A_426, %get3A_431 : vector<16xf32>
          %get3A_433 = arith.constant 14 : i32
          %get3A_434 = arith.index_cast %get3A_433 : i32 to index
          %get3A_435 = arith.index_cast %mul3A_422 : i32 to index
          %get3A_436 = tpu.vector_load %arg9[%get3A_434, %get3A_435] {strides = array<i32>} : memref<32x1024xf32, #tpu.memory_space<vmem>>, vector<1x16xf32>,
          %get3A_437 = vector.shape_cast %get3A_436 : vector<1x16xf32> to vector<16xf32>
          %get3A_438 = arith.constant 15 : i32
          %get3A_439 = arith.index_cast %get3A_438 : i32 to index
          %get3A_440 = arith.index_cast %mul3A_422 : i32 to index
          %get3A_441 = tpu.vector_load %arg9[%get3A_439, %get3A_440] {strides = array<i32>} : memref<32x1024xf32, #tpu.memory_space<vmem>>, vector<1x16xf32>,
          %get3A_442 = vector.shape_cast %get3A_441 : vector<1x16xf32> to vector<16xf32>
          %add3A_443 = arith.addf %get3A_437, %get3A_442 : vector<16xf32>
          %add3A_444 = arith.addf %add3A_432, %add3A_443 : vector<16xf32>
          %swap3A = arith.constant 1 : i32
          %swap3A_445 = arith.constant 3 : i32
          %swap3A_446 = arith.index_cast %swap3A : i32 to index
          %swap3A_447 = arith.index_cast %swap3A_445 : i32 to index
          %swap3A_448 = arith.index_cast %mul3A_422 : i32 to index
          %swap3A_449 = tpu.vector_load %arg10[%swap3A_446, %swap3A_447, %swap3A_448] {strides = array<i32>} : memref<2x8x1024xf32, #tpu.memory_space<vmem>>, vector<1x1x16xf32>,
          %swap3A_450 = vector.shape_cast %swap3A_449 : vector<1x1x16xf32> to vector<16xf32>
          %swap3A_451 = vector.shape_cast %add3A_444 : vector<16xf32> to vector<1x1x16xf32>
          tpu.vector_store %arg10[%swap3A_446, %swap3A_447, %swap3A_448], %swap3A_451 {strides = array<i32>} : memref<2x8x1024xf32, #tpu.memory_space<vmem>>, vector<1x1x16xf32>,
        }
        %scan3A_379 = arith.constant 64 : i32
        %scan3A_380 = arith.constant 0 : i32
        %scan3A_381 = arith.constant 0 : i32
        %scan3A_382 = arith.constant 64 : i32
        %scan3A_383 = arith.addi %scan3A_381, %scan3A_382 : i32
        %scan3A_384 = arith.constant 1 : i32
        scf.for %scan3A_420 = %scan3A_381 to %scan3A_383 step %scan3A_384  : i32 {
          %mul3A_421 = arith.constant 16 : i32
          %mul3A_422 = arith.muli %scan3A_420, %mul3A_421 : i32
          %get3A = arith.constant 16 : i32
          %get3A_423 = arith.index_cast %get3A : i32 to index
          %get3A_424 = arith.index_cast %mul3A_422 : i32 to index
          %get3A_425 = tpu.vector_load %arg9[%get3A_423, %get3A_424] {strides = array<i32>} : memref<32x1024xf32, #tpu.memory_space<vmem>>, vector<1x16xf32>,
          %get3A_426 = vector.shape_cast %get3A_425 : vector<1x16xf32> to vector<16xf32>
          %get3A_427 = arith.constant 17 : i32
          %get3A_428 = arith.index_cast %get3A_427 : i32 to index
          %get3A_429 = arith.index_cast %mul3A_422 : i32 to index
          %get3A_430 = tpu.vector_load %arg9[%get3A_428, %get3A_429] {strides = array<i32>} : memref<32x1024xf32, #tpu.memory_space<vmem>>, vector<1x16xf32>,
          %get3A_431 = vector.shape_cast %get3A_430 : vector<1x16xf32> to vector<16xf32>
          %add3A_432 = arith.addf %get3A_426, %get3A_431 : vector<16xf32>
          %get3A_433 = arith.constant 18 : i32
          %get3A_434 = arith.index_cast %get3A_433 : i32 to index
          %get3A_435 = arith.index_cast %mul3A_422 : i32 to index
          %get3A_436 = tpu.vector_load %arg9[%get3A_434, %get3A_435] {strides = array<i32>} : memref<32x1024xf32, #tpu.memory_space<vmem>>, vector<1x16xf32>,
          %get3A_437 = vector.shape_cast %get3A_436 : vector<1x16xf32> to vector<16xf32>
          %get3A_438 = arith.constant 19 : i32
          %get3A_439 = arith.index_cast %get3A_438 : i32 to index
          %get3A_440 = arith.index_cast %mul3A_422 : i32 to index
          %get3A_441 = tpu.vector_load %arg9[%get3A_439, %get3A_440] {strides = array<i32>} : memref<32x1024xf32, #tpu.memory_space<vmem>>, vector<1x16xf32>,
          %get3A_442 = vector.shape_cast %get3A_441 : vector<1x16xf32> to vector<16xf32>
          %add3A_443 = arith.addf %get3A_437, %get3A_442 : vector<16xf32>
          %add3A_444 = arith.addf %add3A_432, %add3A_443 : vector<16xf32>
          %swap3A = arith.constant 1 : i32
          %swap3A_445 = arith.constant 4 : i32
          %swap3A_446 = arith.index_cast %swap3A : i32 to index
          %swap3A_447 = arith.index_cast %swap3A_445 : i32 to index
          %swap3A_448 = arith.index_cast %mul3A_422 : i32 to index
          %swap3A_449 = tpu.vector_load %arg10[%swap3A_446, %swap3A_447, %swap3A_448] {strides = array<i32>} : memref<2x8x1024xf32, #tpu.memory_space<vmem>>, vector<1x1x16xf32>,
          %swap3A_450 = vector.shape_cast %swap3A_449 : vector<1x1x16xf32> to vector<16xf32>
          %swap3A_451 = vector.shape_cast %add3A_444 : vector<16xf32> to vector<1x1x16xf32>
          tpu.vector_store %arg10[%swap3A_446, %swap3A_447, %swap3A_448], %swap3A_451 {strides = array<i32>} : memref<2x8x1024xf32, #tpu.memory_space<vmem>>, vector<1x1x16xf32>,
        }
        %scan3A_385 = arith.constant 64 : i32
        %scan3A_386 = arith.constant 0 : i32
        %scan3A_387 = arith.constant 0 : i32
        %scan3A_388 = arith.constant 64 : i32
        %scan3A_389 = arith.addi %scan3A_387, %scan3A_388 : i32
        %scan3A_390 = arith.constant 1 : i32
        scf.for %scan3A_420 = %scan3A_387 to %scan3A_389 step %scan3A_390  : i32 {
          %mul3A_421 = arith.constant 16 : i32
          %mul3A_422 = arith.muli %scan3A_420, %mul3A_421 : i32
          %get3A = arith.constant 20 : i32
          %get3A_423 = arith.index_cast %get3A : i32 to index
          %get3A_424 = arith.index_cast %mul3A_422 : i32 to index
          %get3A_425 = tpu.vector_load %arg9[%get3A_423, %get3A_424] {strides = array<i32>} : memref<32x1024xf32, #tpu.memory_space<vmem>>, vector<1x16xf32>,
          %get3A_426 = vector.shape_cast %get3A_425 : vector<1x16xf32> to vector<16xf32>
          %get3A_427 = arith.constant 21 : i32
          %get3A_428 = arith.index_cast %get3A_427 : i32 to index
          %get3A_429 = arith.index_cast %mul3A_422 : i32 to index
          %get3A_430 = tpu.vector_load %arg9[%get3A_428, %get3A_429] {strides = array<i32>} : memref<32x1024xf32, #tpu.memory_space<vmem>>, vector<1x16xf32>,
          %get3A_431 = vector.shape_cast %get3A_430 : vector<1x16xf32> to vector<16xf32>
          %add3A_432 = arith.addf %get3A_426, %get3A_431 : vector<16xf32>
          %get3A_433 = arith.constant 22 : i32
          %get3A_434 = arith.index_cast %get3A_433 : i32 to index
          %get3A_435 = arith.index_cast %mul3A_422 : i32 to index
          %get3A_436 = tpu.vector_load %arg9[%get3A_434, %get3A_435] {strides = array<i32>} : memref<32x1024xf32, #tpu.memory_space<vmem>>, vector<1x16xf32>,
          %get3A_437 = vector.shape_cast %get3A_436 : vector<1x16xf32> to vector<16xf32>
          %get3A_438 = arith.constant 23 : i32
          %get3A_439 = arith.index_cast %get3A_438 : i32 to index
          %get3A_440 = arith.index_cast %mul3A_422 : i32 to index
          %get3A_441 = tpu.vector_load %arg9[%get3A_439, %get3A_440] {strides = array<i32>} : memref<32x1024xf32, #tpu.memory_space<vmem>>, vector<1x16xf32>,
          %get3A_442 = vector.shape_cast %get3A_441 : vector<1x16xf32> to vector<16xf32>
          %add3A_443 = arith.addf %get3A_437, %get3A_442 : vector<16xf32>
          %add3A_444 = arith.addf %add3A_432, %add3A_443 : vector<16xf32>
          %swap3A = arith.constant 1 : i32
          %swap3A_445 = arith.constant 5 : i32
          %swap3A_446 = arith.index_cast %swap3A : i32 to index
          %swap3A_447 = arith.index_cast %swap3A_445 : i32 to index
          %swap3A_448 = arith.index_cast %mul3A_422 : i32 to index
          %swap3A_449 = tpu.vector_load %arg10[%swap3A_446, %swap3A_447, %swap3A_448] {strides = array<i32>} : memref<2x8x1024xf32, #tpu.memory_space<vmem>>, vector<1x1x16xf32>,
          %swap3A_450 = vector.shape_cast %swap3A_449 : vector<1x1x16xf32> to vector<16xf32>
          %swap3A_451 = vector.shape_cast %add3A_444 : vector<16xf32> to vector<1x1x16xf32>
          tpu.vector_store %arg10[%swap3A_446, %swap3A_447, %swap3A_448], %swap3A_451 {strides = array<i32>} : memref<2x8x1024xf32, #tpu.memory_space<vmem>>, vector<1x1x16xf32>,
        }
        %scan3A_391 = arith.constant 64 : i32
        %scan3A_392 = arith.constant 0 : i32
        %scan3A_393 = arith.constant 0 : i32
        %scan3A_394 = arith.constant 64 : i32
        %scan3A_395 = arith.addi %scan3A_393, %scan3A_394 : i32
        %scan3A_396 = arith.constant 1 : i32
        scf.for %scan3A_420 = %scan3A_393 to %scan3A_395 step %scan3A_396  : i32 {
          %mul3A_421 = arith.constant 16 : i32
          %mul3A_422 = arith.muli %scan3A_420, %mul3A_421 : i32
          %get3A = arith.constant 24 : i32
          %get3A_423 = arith.index_cast %get3A : i32 to index
          %get3A_424 = arith.index_cast %mul3A_422 : i32 to index
          %get3A_425 = tpu.vector_load %arg9[%get3A_423, %get3A_424] {strides = array<i32>} : memref<32x1024xf32, #tpu.memory_space<vmem>>, vector<1x16xf32>,
          %get3A_426 = vector.shape_cast %get3A_425 : vector<1x16xf32> to vector<16xf32>
          %get3A_427 = arith.constant 25 : i32
          %get3A_428 = arith.index_cast %get3A_427 : i32 to index
          %get3A_429 = arith.index_cast %mul3A_422 : i32 to index
          %get3A_430 = tpu.vector_load %arg9[%get3A_428, %get3A_429] {strides = array<i32>} : memref<32x1024xf32, #tpu.memory_space<vmem>>, vector<1x16xf32>,
          %get3A_431 = vector.shape_cast %get3A_430 : vector<1x16xf32> to vector<16xf32>
          %add3A_432 = arith.addf %get3A_426, %get3A_431 : vector<16xf32>
          %get3A_433 = arith.constant 26 : i32
          %get3A_434 = arith.index_cast %get3A_433 : i32 to index
          %get3A_435 = arith.index_cast %mul3A_422 : i32 to index
          %get3A_436 = tpu.vector_load %arg9[%get3A_434, %get3A_435] {strides = array<i32>} : memref<32x1024xf32, #tpu.memory_space<vmem>>, vector<1x16xf32>,
          %get3A_437 = vector.shape_cast %get3A_436 : vector<1x16xf32> to vector<16xf32>
          %get3A_438 = arith.constant 27 : i32
          %get3A_439 = arith.index_cast %get3A_438 : i32 to index
          %get3A_440 = arith.index_cast %mul3A_422 : i32 to index
          %get3A_441 = tpu.vector_load %arg9[%get3A_439, %get3A_440] {strides = array<i32>} : memref<32x1024xf32, #tpu.memory_space<vmem>>, vector<1x16xf32>,
          %get3A_442 = vector.shape_cast %get3A_441 : vector<1x16xf32> to vector<16xf32>
          %add3A_443 = arith.addf %get3A_437, %get3A_442 : vector<16xf32>
          %add3A_444 = arith.addf %add3A_432, %add3A_443 : vector<16xf32>
          %swap3A = arith.constant 1 : i32
          %swap3A_445 = arith.constant 6 : i32
          %swap3A_446 = arith.index_cast %swap3A : i32 to index
          %swap3A_447 = arith.index_cast %swap3A_445 : i32 to index
          %swap3A_448 = arith.index_cast %mul3A_422 : i32 to index
          %swap3A_449 = tpu.vector_load %arg10[%swap3A_446, %swap3A_447, %swap3A_448] {strides = array<i32>} : memref<2x8x1024xf32, #tpu.memory_space<vmem>>, vector<1x1x16xf32>,
          %swap3A_450 = vector.shape_cast %swap3A_449 : vector<1x1x16xf32> to vector<16xf32>
          %swap3A_451 = vector.shape_cast %add3A_444 : vector<16xf32> to vector<1x1x16xf32>
          tpu.vector_store %arg10[%swap3A_446, %swap3A_447, %swap3A_448], %swap3A_451 {strides = array<i32>} : memref<2x8x1024xf32, #tpu.memory_space<vmem>>, vector<1x1x16xf32>,
        }
        %scan3A_397 = arith.constant 64 : i32
        %scan3A_398 = arith.constant 0 : i32
        %scan3A_399 = arith.constant 0 : i32
        %scan3A_400 = arith.constant 64 : i32
        %scan3A_401 = arith.addi %scan3A_399, %scan3A_400 : i32
        %scan3A_402 = arith.constant 1 : i32
        scf.for %scan3A_420 = %scan3A_399 to %scan3A_401 step %scan3A_402  : i32 {
          %mul3A_421 = arith.constant 16 : i32
          %mul3A_422 = arith.muli %scan3A_420, %mul3A_421 : i32
          %get3A = arith.constant 28 : i32
          %get3A_423 = arith.index_cast %get3A : i32 to index
          %get3A_424 = arith.index_cast %mul3A_422 : i32 to index
          %get3A_425 = tpu.vector_load %arg9[%get3A_423, %get3A_424] {strides = array<i32>} : memref<32x1024xf32, #tpu.memory_space<vmem>>, vector<1x16xf32>,
          %get3A_426 = vector.shape_cast %get3A_425 : vector<1x16xf32> to vector<16xf32>
          %get3A_427 = arith.constant 29 : i32
          %get3A_428 = arith.index_cast %get3A_427 : i32 to index
          %get3A_429 = arith.index_cast %mul3A_422 : i32 to index
          %get3A_430 = tpu.vector_load %arg9[%get3A_428, %get3A_429] {strides = array<i32>} : memref<32x1024xf32, #tpu.memory_space<vmem>>, vector<1x16xf32>,
          %get3A_431 = vector.shape_cast %get3A_430 : vector<1x16xf32> to vector<16xf32>
          %add3A_432 = arith.addf %get3A_426, %get3A_431 : vector<16xf32>
          %get3A_433 = arith.constant 30 : i32
          %get3A_434 = arith.index_cast %get3A_433 : i32 to index
          %get3A_435 = arith.index_cast %mul3A_422 : i32 to index
          %get3A_436 = tpu.vector_load %arg9[%get3A_434, %get3A_435] {strides = array<i32>} : memref<32x1024xf32, #tpu.memory_space<vmem>>, vector<1x16xf32>,
          %get3A_437 = vector.shape_cast %get3A_436 : vector<1x16xf32> to vector<16xf32>
          %get3A_438 = arith.constant 31 : i32
          %get3A_439 = arith.index_cast %get3A_438 : i32 to index
          %get3A_440 = arith.index_cast %mul3A_422 : i32 to index
          %get3A_441 = tpu.vector_load %arg9[%get3A_439, %get3A_440] {strides = array<i32>} : memref<32x1024xf32, #tpu.memory_space<vmem>>, vector<1x16xf32>,
          %get3A_442 = vector.shape_cast %get3A_441 : vector<1x16xf32> to vector<16xf32>
          %add3A_443 = arith.addf %get3A_437, %get3A_442 : vector<16xf32>
          %add3A_444 = arith.addf %add3A_432, %add3A_443 : vector<16xf32>
          %swap3A = arith.constant 1 : i32
          %swap3A_445 = arith.constant 7 : i32
          %swap3A_446 = arith.index_cast %swap3A : i32 to index
          %swap3A_447 = arith.index_cast %swap3A_445 : i32 to index
          %swap3A_448 = arith.index_cast %mul3A_422 : i32 to index
          %swap3A_449 = tpu.vector_load %arg10[%swap3A_446, %swap3A_447, %swap3A_448] {strides = array<i32>} : memref<2x8x1024xf32, #tpu.memory_space<vmem>>, vector<1x1x16xf32>,
          %swap3A_450 = vector.shape_cast %swap3A_449 : vector<1x1x16xf32> to vector<16xf32>
          %swap3A_451 = vector.shape_cast %add3A_444 : vector<16xf32> to vector<1x1x16xf32>
          tpu.vector_store %arg10[%swap3A_446, %swap3A_447, %swap3A_448], %swap3A_451 {strides = array<i32>} : memref<2x8x1024xf32, #tpu.memory_space<vmem>>, vector<1x1x16xf32>,
        }
        %scan3A_403 = arith.constant 64 : i32
        %mul3A_404 = arith.constant 8 : i32
        %mul3A_405 = arith.muli %add3A_213, %mul3A_404 : i32
        %add3A_406 = arith.addi %mul3A_2, %mul3A_405 : i32
        %dma_start3A_407 = arith.constant 1 : i32
        %dma_start3A_408 = arith.constant 0 : i32
        %dma_start3A_409 = arith.constant 0 : i32
        %dma_start3A_410 = tpu.memref_slice %arg10[%dma_start3A_407, %dma_start3A_408, %dma_start3A_409] : memref<2x8x1024xf32, #tpu.memory_space<vmem>> -> memref<1x8x1024xf32, #tpu.memory_space<vmem>>
        %dma_start3A_411 = tpu.memref_squeeze %dma_start3A_410 : memref<1x8x1024xf32, #tpu.memory_space<vmem>> -> memref<8x1024xf32, #tpu.memory_space<vmem>>
        %dma_start3A_412 = arith.constant 0 : i32
        %dma_start3A_413 = tpu.memref_slice %arg6[%add3A_406, %dma_start3A_412] : memref<6400x1024xf32, #tpu.memory_space<hbm>> -> memref<8x1024xf32, #tpu.memory_space<hbm>>
        %dma_start3A_414 = arith.constant 0 : i32
        %dma_start3A_415 = tpu.memref_slice %arg6[%add3A_406, %dma_start3A_414] : memref<6400x1024xf32, #tpu.memory_space<hbm>> -> memref<8x1024xf32, #tpu.memory_space<hbm>>
        %dma_start3A_416 = arith.constant 0 : i32
        %dma_start3A_417 = arith.constant 0 : i32
        %dma_start3A_418 = tpu.memref_slice %arg10[%dma_start3A_407, %dma_start3A_416, %dma_start3A_417] : memref<2x8x1024xf32, #tpu.memory_space<vmem>> -> memref<1x8x1024xf32, #tpu.memory_space<vmem>>
        %dma_start3A_419 = tpu.memref_squeeze %dma_start3A_418 : memref<1x8x1024xf32, #tpu.memory_space<vmem>> -> memref<8x1024xf32, #tpu.memory_space<vmem>>
        tpu.enqueue_dma source(%dma_start3A_419 : memref<8x1024xf32, #tpu.memory_space<vmem>>) target(%dma_start3A_415 : memref<8x1024xf32, #tpu.memory_space<hbm>>) target_semaphore(%arg14 : memref<!tpu.dma_semaphore, #tpu.memory_space<semaphore_mem>>)
      } else {
      }
      %mul3A_216 = arith.constant 2 : i32
      %mul3A_217 = arith.muli %mul3A_216, %scan3A_207 : i32
      %add3A_218 = arith.constant 1 : i32
      %add3A_219 = arith.addi %mul3A_217, %add3A_218 : i32
      %add3A_220 = arith.constant 1 : i32
      %add3A_221 = arith.addi %add3A_219, %add3A_220 : i32
      %lt3A_222 = arith.constant 25 : i32
      %lt3A_223 = arith.cmpi slt, %add3A_221, %lt3A_222 : i32
      %convert_element_type3A_224 = arith.extui %lt3A_223 : i1 to i32
      %cond3A_225 = arith.constant 0 : i32
      %cond3A_226 = arith.cmpi ne, %convert_element_type3A_224, %cond3A_225 : i32
      scf.if %cond3A_226 {
        %add3A_227 = arith.constant 1 : i32
        %add3A_228 = arith.addi %add3A_221, %add3A_227 : i32
        %lt3A_229 = arith.constant 25 : i32
        %lt3A_230 = arith.cmpi slt, %add3A_228, %lt3A_229 : i32
        %convert_element_type3A_231 = arith.extui %lt3A_230 : i1 to i32
        %cond3A_232 = arith.constant 0 : i32
        %cond3A_233 = arith.cmpi ne, %convert_element_type3A_231, %cond3A_232 : i32
        scf.if %cond3A_233 {
          %add3A_420 = arith.constant 1 : i32
          %add3A_421 = arith.addi %add3A_221, %add3A_420 : i32
          %mul3A_422 = arith.constant 8 : i32
          %mul3A_423 = arith.muli %add3A_421, %mul3A_422 : i32
          %add3A_424 = arith.addi %mul3A_2, %mul3A_423 : i32
          %mul3A_425 = arith.constant 4 : i32
          %mul3A_426 = arith.muli %add3A_424, %mul3A_425 : i32
          %multiple_of3A_427 = tpu.assume_multiple %mul3A_426, 32 : i32
          %run_scoped3A_428 = arith.constant 1 : i32
          "tpu.region"() ({
            %run_scoped3A_429 = tpu.sem_alloc : memref<!tpu.dma_semaphore, #tpu.memory_space<semaphore_mem>>
            %dma_start3A_430 = arith.constant 0 : i32
            %dma_start3A_431 = tpu.memref_slice %arg7[%run_scoped3A_428, %dma_start3A_430] : memref<2x32xi32, #tpu.memory_space<vmem>> -> memref<1x32xi32, #tpu.memory_space<vmem>>
            %dma_start3A_432 = tpu.memref_squeeze %dma_start3A_431 : memref<1x32xi32, #tpu.memory_space<vmem>> -> memref<32xi32, #tpu.memory_space<vmem>>
            %dma_start3A_433 = tpu.memref_slice %arg4[%multiple_of3A_427] : memref<25600xi32, #tpu.memory_space<hbm>> -> memref<32xi32, #tpu.memory_space<hbm>>
            %dma_start3A_434 = arith.constant 0 : i32
            %dma_start3A_435 = tpu.memref_slice %arg7[%run_scoped3A_428, %dma_start3A_434] : memref<2x32xi32, #tpu.memory_space<vmem>> -> memref<1x32xi32, #tpu.memory_space<vmem>>
            %dma_start3A_436 = tpu.memref_squeeze %dma_start3A_435 : memref<1x32xi32, #tpu.memory_space<vmem>> -> memref<32xi32, #tpu.memory_space<vmem>>
            %dma_start3A_437 = tpu.memref_slice %arg4[%multiple_of3A_427] : memref<25600xi32, #tpu.memory_space<hbm>> -> memref<32xi32, #tpu.memory_space<hbm>>
            tpu.enqueue_dma source(%dma_start3A_437 : memref<32xi32, #tpu.memory_space<hbm>>) target(%dma_start3A_436 : memref<32xi32, #tpu.memory_space<vmem>>) target_semaphore(%run_scoped3A_429 : memref<!tpu.dma_semaphore, #tpu.memory_space<semaphore_mem>>)
            %dma_wait3A_438 = arith.constant 0 : i32
            %dma_wait3A_439 = tpu.memref_slice %arg7[%run_scoped3A_428, %dma_wait3A_438] : memref<2x32xi32, #tpu.memory_space<vmem>> -> memref<1x32xi32, #tpu.memory_space<vmem>>
            %dma_wait3A_440 = tpu.memref_squeeze %dma_wait3A_439 : memref<1x32xi32, #tpu.memory_space<vmem>> -> memref<32xi32, #tpu.memory_space<vmem>>
            %dma_wait3A_441 = tpu.memref_slice %arg4[%multiple_of3A_427] : memref<25600xi32, #tpu.memory_space<hbm>> -> memref<32xi32, #tpu.memory_space<hbm>>
            %dma_wait3A_442 = arith.constant 0 : i32
            %dma_wait3A_443 = tpu.memref_slice %arg7[%run_scoped3A_428, %dma_wait3A_442] : memref<2x32xi32, #tpu.memory_space<vmem>> -> memref<1x32xi32, #tpu.memory_space<vmem>>
            %dma_wait3A_444 = tpu.memref_squeeze %dma_wait3A_443 : memref<1x32xi32, #tpu.memory_space<vmem>> -> memref<32xi32, #tpu.memory_space<vmem>>
            %dma_wait3A_445 = tpu.memref_slice %arg4[%multiple_of3A_427] : memref<25600xi32, #tpu.memory_space<hbm>> -> memref<32xi32, #tpu.memory_space<hbm>>
            tpu.wait_dma2 semaphore(%run_scoped3A_429 : memref<!tpu.dma_semaphore, #tpu.memory_space<semaphore_mem>>) src(%dma_wait3A_445 : memref<32xi32, #tpu.memory_space<hbm>>) dst(%dma_wait3A_444 : memref<32xi32, #tpu.memory_space<vmem>>)
            tpu.yield
          }) : () -> ()
        } else {
        }
        %dma_wait3A_234 = arith.constant 0 : i32
        %dma_wait3A_235 = arith.constant 0 : i32
        %dma_wait3A_236 = tpu.memref_slice %arg7[%dma_wait3A_234, %dma_wait3A_235] : memref<2x32xi32, #tpu.memory_space<vmem>> -> memref<1x32xi32, #tpu.memory_space<vmem>>
        %dma_wait3A_237 = tpu.memref_squeeze %dma_wait3A_236 : memref<1x32xi32, #tpu.memory_space<vmem>> -> memref<32xi32, #tpu.memory_space<vmem>>
        %dma_wait3A_238 = arith.constant 0 : i32
        %dma_wait3A_239 = arith.constant 0 : i32
        %dma_wait3A_240 = tpu.memref_slice %arg2[%dma_wait3A_238, %dma_wait3A_239] : memref<804x1024xf32, #tpu.memory_space<hbm>> -> memref<804x1024xf32, #tpu.memory_space<hbm>>
        tpu.wait_indirect_dma semaphore(%arg11 : memref<!tpu.dma_semaphore, #tpu.memory_space<semaphore_mem>>) src(%dma_wait3A_240 : memref<804x1024xf32, #tpu.memory_space<hbm>>) dst(%arg8 : memref<32x1024xf32, #tpu.memory_space<vmem>>)
        %dma_start3A_241 = arith.constant 0 : i32
        %dma_start3A_242 = arith.constant 0 : i32
        %dma_start3A_243 = tpu.memref_slice %arg7[%dma_start3A_241, %dma_start3A_242] : memref<2x32xi32, #tpu.memory_space<vmem>> -> memref<1x32xi32, #tpu.memory_space<vmem>>
        %dma_start3A_244 = tpu.memref_squeeze %dma_start3A_243 : memref<1x32xi32, #tpu.memory_space<vmem>> -> memref<32xi32, #tpu.memory_space<vmem>>
        %dma_start3A_245 = arith.constant 0 : i32
        %dma_start3A_246 = arith.constant 0 : i32
        %dma_start3A_247 = tpu.memref_slice %arg3[%dma_start3A_245, %dma_start3A_246] : memref<804x1024xf32, #tpu.memory_space<hbm>> -> memref<804x1024xf32, #tpu.memory_space<hbm>>
        tpu.enqueue_indirect_dma source(%dma_start3A_247 : memref<804x1024xf32, #tpu.memory_space<hbm>>) target(%arg9 : memref<32x1024xf32, #tpu.memory_space<vmem>>) offsets(%dma_start3A_244 : memref<32xi32, #tpu.memory_space<vmem>>) semaphore(%arg12 : memref<!tpu.dma_semaphore, #tpu.memory_space<semaphore_mem>>)
        %dma_wait3A_248 = arith.constant 0 : i32
        %dma_wait3A_249 = arith.constant 0 : i32
        %dma_wait3A_250 = arith.constant 0 : i32
        %dma_wait3A_251 = tpu.memref_slice %arg10[%dma_wait3A_248, %dma_wait3A_249, %dma_wait3A_250] : memref<2x8x1024xf32, #tpu.memory_space<vmem>> -> memref<1x8x1024xf32, #tpu.memory_space<vmem>>
        %dma_wait3A_252 = tpu.memref_squeeze %dma_wait3A_251 : memref<1x8x1024xf32, #tpu.memory_space<vmem>> -> memref<8x1024xf32, #tpu.memory_space<vmem>>
        %dma_wait3A_253 = arith.constant 0 : i32
        %dma_wait3A_254 = arith.constant 0 : i32
        %dma_wait3A_255 = tpu.memref_slice %arg5[%dma_wait3A_253, %dma_wait3A_254] : memref<6400x1024xf32, #tpu.memory_space<hbm>> -> memref<8x1024xf32, #tpu.memory_space<hbm>>
        %dma_wait3A_256 = arith.constant 0 : i32
        %dma_wait3A_257 = arith.constant 0 : i32
        %dma_wait3A_258 = tpu.memref_slice %arg5[%dma_wait3A_256, %dma_wait3A_257] : memref<6400x1024xf32, #tpu.memory_space<hbm>> -> memref<8x1024xf32, #tpu.memory_space<hbm>>
        %dma_wait3A_259 = arith.constant 0 : i32
        %dma_wait3A_260 = arith.constant 0 : i32
        %dma_wait3A_261 = tpu.memref_slice %arg10[%dma_wait3A_248, %dma_wait3A_259, %dma_wait3A_260] : memref<2x8x1024xf32, #tpu.memory_space<vmem>> -> memref<1x8x1024xf32, #tpu.memory_space<vmem>>
        %dma_wait3A_262 = tpu.memref_squeeze %dma_wait3A_261 : memref<1x8x1024xf32, #tpu.memory_space<vmem>> -> memref<8x1024xf32, #tpu.memory_space<vmem>>
        tpu.wait_dma2 semaphore(%arg13 : memref<!tpu.dma_semaphore, #tpu.memory_space<semaphore_mem>>) src(%dma_wait3A_262 : memref<8x1024xf32, #tpu.memory_space<vmem>>) dst(%dma_wait3A_258 : memref<8x1024xf32, #tpu.memory_space<hbm>>)
        %scan3A_263 = arith.constant 0 : i32
        %scan3A_264 = arith.constant 0 : i32
        %scan3A_265 = arith.constant 64 : i32
        %scan3A_266 = arith.addi %scan3A_264, %scan3A_265 : i32
        %scan3A_267 = arith.constant 1 : i32
        scf.for %scan3A_420 = %scan3A_264 to %scan3A_266 step %scan3A_267  : i32 {
          %mul3A_421 = arith.constant 16 : i32
          %mul3A_422 = arith.muli %scan3A_420, %mul3A_421 : i32
          %get3A = arith.constant 0 : i32
          %get3A_423 = arith.index_cast %get3A : i32 to index
          %get3A_424 = arith.index_cast %mul3A_422 : i32 to index
          %get3A_425 = tpu.vector_load %arg8[%get3A_423, %get3A_424] {strides = array<i32>} : memref<32x1024xf32, #tpu.memory_space<vmem>>, vector<1x16xf32>,
          %get3A_426 = vector.shape_cast %get3A_425 : vector<1x16xf32> to vector<16xf32>
          %get3A_427 = arith.constant 1 : i32
          %get3A_428 = arith.index_cast %get3A_427 : i32 to index
          %get3A_429 = arith.index_cast %mul3A_422 : i32 to index
          %get3A_430 = tpu.vector_load %arg8[%get3A_428, %get3A_429] {strides = array<i32>} : memref<32x1024xf32, #tpu.memory_space<vmem>>, vector<1x16xf32>,
          %get3A_431 = vector.shape_cast %get3A_430 : vector<1x16xf32> to vector<16xf32>
          %add3A_432 = arith.addf %get3A_426, %get3A_431 : vector<16xf32>
          %get3A_433 = arith.constant 2 : i32
          %get3A_434 = arith.index_cast %get3A_433 : i32 to index
          %get3A_435 = arith.index_cast %mul3A_422 : i32 to index
          %get3A_436 = tpu.vector_load %arg8[%get3A_434, %get3A_435] {strides = array<i32>} : memref<32x1024xf32, #tpu.memory_space<vmem>>, vector<1x16xf32>,
          %get3A_437 = vector.shape_cast %get3A_436 : vector<1x16xf32> to vector<16xf32>
          %get3A_438 = arith.constant 3 : i32
          %get3A_439 = arith.index_cast %get3A_438 : i32 to index
          %get3A_440 = arith.index_cast %mul3A_422 : i32 to index
          %get3A_441 = tpu.vector_load %arg8[%get3A_439, %get3A_440] {strides = array<i32>} : memref<32x1024xf32, #tpu.memory_space<vmem>>, vector<1x16xf32>,
          %get3A_442 = vector.shape_cast %get3A_441 : vector<1x16xf32> to vector<16xf32>
          %add3A_443 = arith.addf %get3A_437, %get3A_442 : vector<16xf32>
          %add3A_444 = arith.addf %add3A_432, %add3A_443 : vector<16xf32>
          %swap3A = arith.constant 0 : i32
          %swap3A_445 = arith.constant 0 : i32
          %swap3A_446 = arith.index_cast %swap3A : i32 to index
          %swap3A_447 = arith.index_cast %swap3A_445 : i32 to index
          %swap3A_448 = arith.index_cast %mul3A_422 : i32 to index
          %swap3A_449 = tpu.vector_load %arg10[%swap3A_446, %swap3A_447, %swap3A_448] {strides = array<i32>} : memref<2x8x1024xf32, #tpu.memory_space<vmem>>, vector<1x1x16xf32>,
          %swap3A_450 = vector.shape_cast %swap3A_449 : vector<1x1x16xf32> to vector<16xf32>
          %swap3A_451 = vector.shape_cast %add3A_444 : vector<16xf32> to vector<1x1x16xf32>
          tpu.vector_store %arg10[%swap3A_446, %swap3A_447, %swap3A_448], %swap3A_451 {strides = array<i32>} : memref<2x8x1024xf32, #tpu.memory_space<vmem>>, vector<1x1x16xf32>,
        }
        %scan3A_268 = arith.constant 64 : i32
        %scan3A_269 = arith.constant 0 : i32
        %scan3A_270 = arith.constant 0 : i32
        %scan3A_271 = arith.constant 64 : i32
        %scan3A_272 = arith.addi %scan3A_270, %scan3A_271 : i32
        %scan3A_273 = arith.constant 1 : i32
        scf.for %scan3A_420 = %scan3A_270 to %scan3A_272 step %scan3A_273  : i32 {
          %mul3A_421 = arith.constant 16 : i32
          %mul3A_422 = arith.muli %scan3A_420, %mul3A_421 : i32
          %get3A = arith.constant 4 : i32
          %get3A_423 = arith.index_cast %get3A : i32 to index
          %get3A_424 = arith.index_cast %mul3A_422 : i32 to index
          %get3A_425 = tpu.vector_load %arg8[%get3A_423, %get3A_424] {strides = array<i32>} : memref<32x1024xf32, #tpu.memory_space<vmem>>, vector<1x16xf32>,
          %get3A_426 = vector.shape_cast %get3A_425 : vector<1x16xf32> to vector<16xf32>
          %get3A_427 = arith.constant 5 : i32
          %get3A_428 = arith.index_cast %get3A_427 : i32 to index
          %get3A_429 = arith.index_cast %mul3A_422 : i32 to index
          %get3A_430 = tpu.vector_load %arg8[%get3A_428, %get3A_429] {strides = array<i32>} : memref<32x1024xf32, #tpu.memory_space<vmem>>, vector<1x16xf32>,
          %get3A_431 = vector.shape_cast %get3A_430 : vector<1x16xf32> to vector<16xf32>
          %add3A_432 = arith.addf %get3A_426, %get3A_431 : vector<16xf32>
          %get3A_433 = arith.constant 6 : i32
          %get3A_434 = arith.index_cast %get3A_433 : i32 to index
          %get3A_435 = arith.index_cast %mul3A_422 : i32 to index
          %get3A_436 = tpu.vector_load %arg8[%get3A_434, %get3A_435] {strides = array<i32>} : memref<32x1024xf32, #tpu.memory_space<vmem>>, vector<1x16xf32>,
          %get3A_437 = vector.shape_cast %get3A_436 : vector<1x16xf32> to vector<16xf32>
          %get3A_438 = arith.constant 7 : i32
          %get3A_439 = arith.index_cast %get3A_438 : i32 to index
          %get3A_440 = arith.index_cast %mul3A_422 : i32 to index
          %get3A_441 = tpu.vector_load %arg8[%get3A_439, %get3A_440] {strides = array<i32>} : memref<32x1024xf32, #tpu.memory_space<vmem>>, vector<1x16xf32>,
          %get3A_442 = vector.shape_cast %get3A_441 : vector<1x16xf32> to vector<16xf32>
          %add3A_443 = arith.addf %get3A_437, %get3A_442 : vector<16xf32>
          %add3A_444 = arith.addf %add3A_432, %add3A_443 : vector<16xf32>
          %swap3A = arith.constant 0 : i32
          %swap3A_445 = arith.constant 1 : i32
          %swap3A_446 = arith.index_cast %swap3A : i32 to index
          %swap3A_447 = arith.index_cast %swap3A_445 : i32 to index
          %swap3A_448 = arith.index_cast %mul3A_422 : i32 to index
          %swap3A_449 = tpu.vector_load %arg10[%swap3A_446, %swap3A_447, %swap3A_448] {strides = array<i32>} : memref<2x8x1024xf32, #tpu.memory_space<vmem>>, vector<1x1x16xf32>,
          %swap3A_450 = vector.shape_cast %swap3A_449 : vector<1x1x16xf32> to vector<16xf32>
          %swap3A_451 = vector.shape_cast %add3A_444 : vector<16xf32> to vector<1x1x16xf32>
          tpu.vector_store %arg10[%swap3A_446, %swap3A_447, %swap3A_448], %swap3A_451 {strides = array<i32>} : memref<2x8x1024xf32, #tpu.memory_space<vmem>>, vector<1x1x16xf32>,
        }
        %scan3A_274 = arith.constant 64 : i32
        %scan3A_275 = arith.constant 0 : i32
        %scan3A_276 = arith.constant 0 : i32
        %scan3A_277 = arith.constant 64 : i32
        %scan3A_278 = arith.addi %scan3A_276, %scan3A_277 : i32
        %scan3A_279 = arith.constant 1 : i32
        scf.for %scan3A_420 = %scan3A_276 to %scan3A_278 step %scan3A_279  : i32 {
          %mul3A_421 = arith.constant 16 : i32
          %mul3A_422 = arith.muli %scan3A_420, %mul3A_421 : i32
          %get3A = arith.constant 8 : i32
          %get3A_423 = arith.index_cast %get3A : i32 to index
          %get3A_424 = arith.index_cast %mul3A_422 : i32 to index
          %get3A_425 = tpu.vector_load %arg8[%get3A_423, %get3A_424] {strides = array<i32>} : memref<32x1024xf32, #tpu.memory_space<vmem>>, vector<1x16xf32>,
          %get3A_426 = vector.shape_cast %get3A_425 : vector<1x16xf32> to vector<16xf32>
          %get3A_427 = arith.constant 9 : i32
          %get3A_428 = arith.index_cast %get3A_427 : i32 to index
          %get3A_429 = arith.index_cast %mul3A_422 : i32 to index
          %get3A_430 = tpu.vector_load %arg8[%get3A_428, %get3A_429] {strides = array<i32>} : memref<32x1024xf32, #tpu.memory_space<vmem>>, vector<1x16xf32>,
          %get3A_431 = vector.shape_cast %get3A_430 : vector<1x16xf32> to vector<16xf32>
          %add3A_432 = arith.addf %get3A_426, %get3A_431 : vector<16xf32>
          %get3A_433 = arith.constant 10 : i32
          %get3A_434 = arith.index_cast %get3A_433 : i32 to index
          %get3A_435 = arith.index_cast %mul3A_422 : i32 to index
          %get3A_436 = tpu.vector_load %arg8[%get3A_434, %get3A_435] {strides = array<i32>} : memref<32x1024xf32, #tpu.memory_space<vmem>>, vector<1x16xf32>,
          %get3A_437 = vector.shape_cast %get3A_436 : vector<1x16xf32> to vector<16xf32>
          %get3A_438 = arith.constant 11 : i32
          %get3A_439 = arith.index_cast %get3A_438 : i32 to index
          %get3A_440 = arith.index_cast %mul3A_422 : i32 to index
          %get3A_441 = tpu.vector_load %arg8[%get3A_439, %get3A_440] {strides = array<i32>} : memref<32x1024xf32, #tpu.memory_space<vmem>>, vector<1x16xf32>,
          %get3A_442 = vector.shape_cast %get3A_441 : vector<1x16xf32> to vector<16xf32>
          %add3A_443 = arith.addf %get3A_437, %get3A_442 : vector<16xf32>
          %add3A_444 = arith.addf %add3A_432, %add3A_443 : vector<16xf32>
          %swap3A = arith.constant 0 : i32
          %swap3A_445 = arith.constant 2 : i32
          %swap3A_446 = arith.index_cast %swap3A : i32 to index
          %swap3A_447 = arith.index_cast %swap3A_445 : i32 to index
          %swap3A_448 = arith.index_cast %mul3A_422 : i32 to index
          %swap3A_449 = tpu.vector_load %arg10[%swap3A_446, %swap3A_447, %swap3A_448] {strides = array<i32>} : memref<2x8x1024xf32, #tpu.memory_space<vmem>>, vector<1x1x16xf32>,
          %swap3A_450 = vector.shape_cast %swap3A_449 : vector<1x1x16xf32> to vector<16xf32>
          %swap3A_451 = vector.shape_cast %add3A_444 : vector<16xf32> to vector<1x1x16xf32>
          tpu.vector_store %arg10[%swap3A_446, %swap3A_447, %swap3A_448], %swap3A_451 {strides = array<i32>} : memref<2x8x1024xf32, #tpu.memory_space<vmem>>, vector<1x1x16xf32>,
        }
        %scan3A_280 = arith.constant 64 : i32
        %scan3A_281 = arith.constant 0 : i32
        %scan3A_282 = arith.constant 0 : i32
        %scan3A_283 = arith.constant 64 : i32
        %scan3A_284 = arith.addi %scan3A_282, %scan3A_283 : i32
        %scan3A_285 = arith.constant 1 : i32
        scf.for %scan3A_420 = %scan3A_282 to %scan3A_284 step %scan3A_285  : i32 {
          %mul3A_421 = arith.constant 16 : i32
          %mul3A_422 = arith.muli %scan3A_420, %mul3A_421 : i32
          %get3A = arith.constant 12 : i32
          %get3A_423 = arith.index_cast %get3A : i32 to index
          %get3A_424 = arith.index_cast %mul3A_422 : i32 to index
          %get3A_425 = tpu.vector_load %arg8[%get3A_423, %get3A_424] {strides = array<i32>} : memref<32x1024xf32, #tpu.memory_space<vmem>>, vector<1x16xf32>,
          %get3A_426 = vector.shape_cast %get3A_425 : vector<1x16xf32> to vector<16xf32>
          %get3A_427 = arith.constant 13 : i32
          %get3A_428 = arith.index_cast %get3A_427 : i32 to index
          %get3A_429 = arith.index_cast %mul3A_422 : i32 to index
          %get3A_430 = tpu.vector_load %arg8[%get3A_428, %get3A_429] {strides = array<i32>} : memref<32x1024xf32, #tpu.memory_space<vmem>>, vector<1x16xf32>,
          %get3A_431 = vector.shape_cast %get3A_430 : vector<1x16xf32> to vector<16xf32>
          %add3A_432 = arith.addf %get3A_426, %get3A_431 : vector<16xf32>
          %get3A_433 = arith.constant 14 : i32
          %get3A_434 = arith.index_cast %get3A_433 : i32 to index
          %get3A_435 = arith.index_cast %mul3A_422 : i32 to index
          %get3A_436 = tpu.vector_load %arg8[%get3A_434, %get3A_435] {strides = array<i32>} : memref<32x1024xf32, #tpu.memory_space<vmem>>, vector<1x16xf32>,
          %get3A_437 = vector.shape_cast %get3A_436 : vector<1x16xf32> to vector<16xf32>
          %get3A_438 = arith.constant 15 : i32
          %get3A_439 = arith.index_cast %get3A_438 : i32 to index
          %get3A_440 = arith.index_cast %mul3A_422 : i32 to index
          %get3A_441 = tpu.vector_load %arg8[%get3A_439, %get3A_440] {strides = array<i32>} : memref<32x1024xf32, #tpu.memory_space<vmem>>, vector<1x16xf32>,
          %get3A_442 = vector.shape_cast %get3A_441 : vector<1x16xf32> to vector<16xf32>
          %add3A_443 = arith.addf %get3A_437, %get3A_442 : vector<16xf32>
          %add3A_444 = arith.addf %add3A_432, %add3A_443 : vector<16xf32>
          %swap3A = arith.constant 0 : i32
          %swap3A_445 = arith.constant 3 : i32
          %swap3A_446 = arith.index_cast %swap3A : i32 to index
          %swap3A_447 = arith.index_cast %swap3A_445 : i32 to index
          %swap3A_448 = arith.index_cast %mul3A_422 : i32 to index
          %swap3A_449 = tpu.vector_load %arg10[%swap3A_446, %swap3A_447, %swap3A_448] {strides = array<i32>} : memref<2x8x1024xf32, #tpu.memory_space<vmem>>, vector<1x1x16xf32>,
          %swap3A_450 = vector.shape_cast %swap3A_449 : vector<1x1x16xf32> to vector<16xf32>
          %swap3A_451 = vector.shape_cast %add3A_444 : vector<16xf32> to vector<1x1x16xf32>
          tpu.vector_store %arg10[%swap3A_446, %swap3A_447, %swap3A_448], %swap3A_451 {strides = array<i32>} : memref<2x8x1024xf32, #tpu.memory_space<vmem>>, vector<1x1x16xf32>,
        }
        %scan3A_286 = arith.constant 64 : i32
        %scan3A_287 = arith.constant 0 : i32
        %scan3A_288 = arith.constant 0 : i32
        %scan3A_289 = arith.constant 64 : i32
        %scan3A_290 = arith.addi %scan3A_288, %scan3A_289 : i32
        %scan3A_291 = arith.constant 1 : i32
        scf.for %scan3A_420 = %scan3A_288 to %scan3A_290 step %scan3A_291  : i32 {
          %mul3A_421 = arith.constant 16 : i32
          %mul3A_422 = arith.muli %scan3A_420, %mul3A_421 : i32
          %get3A = arith.constant 16 : i32
          %get3A_423 = arith.index_cast %get3A : i32 to index
          %get3A_424 = arith.index_cast %mul3A_422 : i32 to index
          %get3A_425 = tpu.vector_load %arg8[%get3A_423, %get3A_424] {strides = array<i32>} : memref<32x1024xf32, #tpu.memory_space<vmem>>, vector<1x16xf32>,
          %get3A_426 = vector.shape_cast %get3A_425 : vector<1x16xf32> to vector<16xf32>
          %get3A_427 = arith.constant 17 : i32
          %get3A_428 = arith.index_cast %get3A_427 : i32 to index
          %get3A_429 = arith.index_cast %mul3A_422 : i32 to index
          %get3A_430 = tpu.vector_load %arg8[%get3A_428, %get3A_429] {strides = array<i32>} : memref<32x1024xf32, #tpu.memory_space<vmem>>, vector<1x16xf32>,
          %get3A_431 = vector.shape_cast %get3A_430 : vector<1x16xf32> to vector<16xf32>
          %add3A_432 = arith.addf %get3A_426, %get3A_431 : vector<16xf32>
          %get3A_433 = arith.constant 18 : i32
          %get3A_434 = arith.index_cast %get3A_433 : i32 to index
          %get3A_435 = arith.index_cast %mul3A_422 : i32 to index
          %get3A_436 = tpu.vector_load %arg8[%get3A_434, %get3A_435] {strides = array<i32>} : memref<32x1024xf32, #tpu.memory_space<vmem>>, vector<1x16xf32>,
          %get3A_437 = vector.shape_cast %get3A_436 : vector<1x16xf32> to vector<16xf32>
          %get3A_438 = arith.constant 19 : i32
          %get3A_439 = arith.index_cast %get3A_438 : i32 to index
          %get3A_440 = arith.index_cast %mul3A_422 : i32 to index
          %get3A_441 = tpu.vector_load %arg8[%get3A_439, %get3A_440] {strides = array<i32>} : memref<32x1024xf32, #tpu.memory_space<vmem>>, vector<1x16xf32>,
          %get3A_442 = vector.shape_cast %get3A_441 : vector<1x16xf32> to vector<16xf32>
          %add3A_443 = arith.addf %get3A_437, %get3A_442 : vector<16xf32>
          %add3A_444 = arith.addf %add3A_432, %add3A_443 : vector<16xf32>
          %swap3A = arith.constant 0 : i32
          %swap3A_445 = arith.constant 4 : i32
          %swap3A_446 = arith.index_cast %swap3A : i32 to index
          %swap3A_447 = arith.index_cast %swap3A_445 : i32 to index
          %swap3A_448 = arith.index_cast %mul3A_422 : i32 to index
          %swap3A_449 = tpu.vector_load %arg10[%swap3A_446, %swap3A_447, %swap3A_448] {strides = array<i32>} : memref<2x8x1024xf32, #tpu.memory_space<vmem>>, vector<1x1x16xf32>,
          %swap3A_450 = vector.shape_cast %swap3A_449 : vector<1x1x16xf32> to vector<16xf32>
          %swap3A_451 = vector.shape_cast %add3A_444 : vector<16xf32> to vector<1x1x16xf32>
          tpu.vector_store %arg10[%swap3A_446, %swap3A_447, %swap3A_448], %swap3A_451 {strides = array<i32>} : memref<2x8x1024xf32, #tpu.memory_space<vmem>>, vector<1x1x16xf32>,
        }
        %scan3A_292 = arith.constant 64 : i32
        %scan3A_293 = arith.constant 0 : i32
        %scan3A_294 = arith.constant 0 : i32
        %scan3A_295 = arith.constant 64 : i32
        %scan3A_296 = arith.addi %scan3A_294, %scan3A_295 : i32
        %scan3A_297 = arith.constant 1 : i32
        scf.for %scan3A_420 = %scan3A_294 to %scan3A_296 step %scan3A_297  : i32 {
          %mul3A_421 = arith.constant 16 : i32
          %mul3A_422 = arith.muli %scan3A_420, %mul3A_421 : i32
          %get3A = arith.constant 20 : i32
          %get3A_423 = arith.index_cast %get3A : i32 to index
          %get3A_424 = arith.index_cast %mul3A_422 : i32 to index
          %get3A_425 = tpu.vector_load %arg8[%get3A_423, %get3A_424] {strides = array<i32>} : memref<32x1024xf32, #tpu.memory_space<vmem>>, vector<1x16xf32>,
          %get3A_426 = vector.shape_cast %get3A_425 : vector<1x16xf32> to vector<16xf32>
          %get3A_427 = arith.constant 21 : i32
          %get3A_428 = arith.index_cast %get3A_427 : i32 to index
          %get3A_429 = arith.index_cast %mul3A_422 : i32 to index
          %get3A_430 = tpu.vector_load %arg8[%get3A_428, %get3A_429] {strides = array<i32>} : memref<32x1024xf32, #tpu.memory_space<vmem>>, vector<1x16xf32>,
          %get3A_431 = vector.shape_cast %get3A_430 : vector<1x16xf32> to vector<16xf32>
          %add3A_432 = arith.addf %get3A_426, %get3A_431 : vector<16xf32>
          %get3A_433 = arith.constant 22 : i32
          %get3A_434 = arith.index_cast %get3A_433 : i32 to index
          %get3A_435 = arith.index_cast %mul3A_422 : i32 to index
          %get3A_436 = tpu.vector_load %arg8[%get3A_434, %get3A_435] {strides = array<i32>} : memref<32x1024xf32, #tpu.memory_space<vmem>>, vector<1x16xf32>,
          %get3A_437 = vector.shape_cast %get3A_436 : vector<1x16xf32> to vector<16xf32>
          %get3A_438 = arith.constant 23 : i32
          %get3A_439 = arith.index_cast %get3A_438 : i32 to index
          %get3A_440 = arith.index_cast %mul3A_422 : i32 to index
          %get3A_441 = tpu.vector_load %arg8[%get3A_439, %get3A_440] {strides = array<i32>} : memref<32x1024xf32, #tpu.memory_space<vmem>>, vector<1x16xf32>,
          %get3A_442 = vector.shape_cast %get3A_441 : vector<1x16xf32> to vector<16xf32>
          %add3A_443 = arith.addf %get3A_437, %get3A_442 : vector<16xf32>
          %add3A_444 = arith.addf %add3A_432, %add3A_443 : vector<16xf32>
          %swap3A = arith.constant 0 : i32
          %swap3A_445 = arith.constant 5 : i32
          %swap3A_446 = arith.index_cast %swap3A : i32 to index
          %swap3A_447 = arith.index_cast %swap3A_445 : i32 to index
          %swap3A_448 = arith.index_cast %mul3A_422 : i32 to index
          %swap3A_449 = tpu.vector_load %arg10[%swap3A_446, %swap3A_447, %swap3A_448] {strides = array<i32>} : memref<2x8x1024xf32, #tpu.memory_space<vmem>>, vector<1x1x16xf32>,
          %swap3A_450 = vector.shape_cast %swap3A_449 : vector<1x1x16xf32> to vector<16xf32>
          %swap3A_451 = vector.shape_cast %add3A_444 : vector<16xf32> to vector<1x1x16xf32>
          tpu.vector_store %arg10[%swap3A_446, %swap3A_447, %swap3A_448], %swap3A_451 {strides = array<i32>} : memref<2x8x1024xf32, #tpu.memory_space<vmem>>, vector<1x1x16xf32>,
        }
        %scan3A_298 = arith.constant 64 : i32
        %scan3A_299 = arith.constant 0 : i32
        %scan3A_300 = arith.constant 0 : i32
        %scan3A_301 = arith.constant 64 : i32
        %scan3A_302 = arith.addi %scan3A_300, %scan3A_301 : i32
        %scan3A_303 = arith.constant 1 : i32
        scf.for %scan3A_420 = %scan3A_300 to %scan3A_302 step %scan3A_303  : i32 {
          %mul3A_421 = arith.constant 16 : i32
          %mul3A_422 = arith.muli %scan3A_420, %mul3A_421 : i32
          %get3A = arith.constant 24 : i32
          %get3A_423 = arith.index_cast %get3A : i32 to index
          %get3A_424 = arith.index_cast %mul3A_422 : i32 to index
          %get3A_425 = tpu.vector_load %arg8[%get3A_423, %get3A_424] {strides = array<i32>} : memref<32x1024xf32, #tpu.memory_space<vmem>>, vector<1x16xf32>,
          %get3A_426 = vector.shape_cast %get3A_425 : vector<1x16xf32> to vector<16xf32>
          %get3A_427 = arith.constant 25 : i32
          %get3A_428 = arith.index_cast %get3A_427 : i32 to index
          %get3A_429 = arith.index_cast %mul3A_422 : i32 to index
          %get3A_430 = tpu.vector_load %arg8[%get3A_428, %get3A_429] {strides = array<i32>} : memref<32x1024xf32, #tpu.memory_space<vmem>>, vector<1x16xf32>,
          %get3A_431 = vector.shape_cast %get3A_430 : vector<1x16xf32> to vector<16xf32>
          %add3A_432 = arith.addf %get3A_426, %get3A_431 : vector<16xf32>
          %get3A_433 = arith.constant 26 : i32
          %get3A_434 = arith.index_cast %get3A_433 : i32 to index
          %get3A_435 = arith.index_cast %mul3A_422 : i32 to index
          %get3A_436 = tpu.vector_load %arg8[%get3A_434, %get3A_435] {strides = array<i32>} : memref<32x1024xf32, #tpu.memory_space<vmem>>, vector<1x16xf32>,
          %get3A_437 = vector.shape_cast %get3A_436 : vector<1x16xf32> to vector<16xf32>
          %get3A_438 = arith.constant 27 : i32
          %get3A_439 = arith.index_cast %get3A_438 : i32 to index
          %get3A_440 = arith.index_cast %mul3A_422 : i32 to index
          %get3A_441 = tpu.vector_load %arg8[%get3A_439, %get3A_440] {strides = array<i32>} : memref<32x1024xf32, #tpu.memory_space<vmem>>, vector<1x16xf32>,
          %get3A_442 = vector.shape_cast %get3A_441 : vector<1x16xf32> to vector<16xf32>
          %add3A_443 = arith.addf %get3A_437, %get3A_442 : vector<16xf32>
          %add3A_444 = arith.addf %add3A_432, %add3A_443 : vector<16xf32>
          %swap3A = arith.constant 0 : i32
          %swap3A_445 = arith.constant 6 : i32
          %swap3A_446 = arith.index_cast %swap3A : i32 to index
          %swap3A_447 = arith.index_cast %swap3A_445 : i32 to index
          %swap3A_448 = arith.index_cast %mul3A_422 : i32 to index
          %swap3A_449 = tpu.vector_load %arg10[%swap3A_446, %swap3A_447, %swap3A_448] {strides = array<i32>} : memref<2x8x1024xf32, #tpu.memory_space<vmem>>, vector<1x1x16xf32>,
          %swap3A_450 = vector.shape_cast %swap3A_449 : vector<1x1x16xf32> to vector<16xf32>
          %swap3A_451 = vector.shape_cast %add3A_444 : vector<16xf32> to vector<1x1x16xf32>
          tpu.vector_store %arg10[%swap3A_446, %swap3A_447, %swap3A_448], %swap3A_451 {strides = array<i32>} : memref<2x8x1024xf32, #tpu.memory_space<vmem>>, vector<1x1x16xf32>,
        }
        %scan3A_304 = arith.constant 64 : i32
        %scan3A_305 = arith.constant 0 : i32
        %scan3A_306 = arith.constant 0 : i32
        %scan3A_307 = arith.constant 64 : i32
        %scan3A_308 = arith.addi %scan3A_306, %scan3A_307 : i32
        %scan3A_309 = arith.constant 1 : i32
        scf.for %scan3A_420 = %scan3A_306 to %scan3A_308 step %scan3A_309  : i32 {
          %mul3A_421 = arith.constant 16 : i32
          %mul3A_422 = arith.muli %scan3A_420, %mul3A_421 : i32
          %get3A = arith.constant 28 : i32
          %get3A_423 = arith.index_cast %get3A : i32 to index
          %get3A_424 = arith.index_cast %mul3A_422 : i32 to index
          %get3A_425 = tpu.vector_load %arg8[%get3A_423, %get3A_424] {strides = array<i32>} : memref<32x1024xf32, #tpu.memory_space<vmem>>, vector<1x16xf32>,
          %get3A_426 = vector.shape_cast %get3A_425 : vector<1x16xf32> to vector<16xf32>
          %get3A_427 = arith.constant 29 : i32
          %get3A_428 = arith.index_cast %get3A_427 : i32 to index
          %get3A_429 = arith.index_cast %mul3A_422 : i32 to index
          %get3A_430 = tpu.vector_load %arg8[%get3A_428, %get3A_429] {strides = array<i32>} : memref<32x1024xf32, #tpu.memory_space<vmem>>, vector<1x16xf32>,
          %get3A_431 = vector.shape_cast %get3A_430 : vector<1x16xf32> to vector<16xf32>
          %add3A_432 = arith.addf %get3A_426, %get3A_431 : vector<16xf32>
          %get3A_433 = arith.constant 30 : i32
          %get3A_434 = arith.index_cast %get3A_433 : i32 to index
          %get3A_435 = arith.index_cast %mul3A_422 : i32 to index
          %get3A_436 = tpu.vector_load %arg8[%get3A_434, %get3A_435] {strides = array<i32>} : memref<32x1024xf32, #tpu.memory_space<vmem>>, vector<1x16xf32>,
          %get3A_437 = vector.shape_cast %get3A_436 : vector<1x16xf32> to vector<16xf32>
          %get3A_438 = arith.constant 31 : i32
          %get3A_439 = arith.index_cast %get3A_438 : i32 to index
          %get3A_440 = arith.index_cast %mul3A_422 : i32 to index
          %get3A_441 = tpu.vector_load %arg8[%get3A_439, %get3A_440] {strides = array<i32>} : memref<32x1024xf32, #tpu.memory_space<vmem>>, vector<1x16xf32>,
          %get3A_442 = vector.shape_cast %get3A_441 : vector<1x16xf32> to vector<16xf32>
          %add3A_443 = arith.addf %get3A_437, %get3A_442 : vector<16xf32>
          %add3A_444 = arith.addf %add3A_432, %add3A_443 : vector<16xf32>
          %swap3A = arith.constant 0 : i32
          %swap3A_445 = arith.constant 7 : i32
          %swap3A_446 = arith.index_cast %swap3A : i32 to index
          %swap3A_447 = arith.index_cast %swap3A_445 : i32 to index
          %swap3A_448 = arith.index_cast %mul3A_422 : i32 to index
          %swap3A_449 = tpu.vector_load %arg10[%swap3A_446, %swap3A_447, %swap3A_448] {strides = array<i32>} : memref<2x8x1024xf32, #tpu.memory_space<vmem>>, vector<1x1x16xf32>,
          %swap3A_450 = vector.shape_cast %swap3A_449 : vector<1x1x16xf32> to vector<16xf32>
          %swap3A_451 = vector.shape_cast %add3A_444 : vector<16xf32> to vector<1x1x16xf32>
          tpu.vector_store %arg10[%swap3A_446, %swap3A_447, %swap3A_448], %swap3A_451 {strides = array<i32>} : memref<2x8x1024xf32, #tpu.memory_space<vmem>>, vector<1x1x16xf32>,
        }
        %scan3A_310 = arith.constant 64 : i32
        %mul3A_311 = arith.constant 8 : i32
        %mul3A_312 = arith.muli %add3A_221, %mul3A_311 : i32
        %add3A_313 = arith.addi %mul3A_2, %mul3A_312 : i32
        %dma_start3A_314 = arith.constant 0 : i32
        %dma_start3A_315 = arith.constant 0 : i32
        %dma_start3A_316 = arith.constant 0 : i32
        %dma_start3A_317 = tpu.memref_slice %arg10[%dma_start3A_314, %dma_start3A_315, %dma_start3A_316] : memref<2x8x1024xf32, #tpu.memory_space<vmem>> -> memref<1x8x1024xf32, #tpu.memory_space<vmem>>
        %dma_start3A_318 = tpu.memref_squeeze %dma_start3A_317 : memref<1x8x1024xf32, #tpu.memory_space<vmem>> -> memref<8x1024xf32, #tpu.memory_space<vmem>>
        %dma_start3A_319 = arith.constant 0 : i32
        %dma_start3A_320 = tpu.memref_slice %arg5[%add3A_313, %dma_start3A_319] : memref<6400x1024xf32, #tpu.memory_space<hbm>> -> memref<8x1024xf32, #tpu.memory_space<hbm>>
        %dma_start3A_321 = arith.constant 0 : i32
        %dma_start3A_322 = tpu.memref_slice %arg5[%add3A_313, %dma_start3A_321] : memref<6400x1024xf32, #tpu.memory_space<hbm>> -> memref<8x1024xf32, #tpu.memory_space<hbm>>
        %dma_start3A_323 = arith.constant 0 : i32
        %dma_start3A_324 = arith.constant 0 : i32
        %dma_start3A_325 = tpu.memref_slice %arg10[%dma_start3A_314, %dma_start3A_323, %dma_start3A_324] : memref<2x8x1024xf32, #tpu.memory_space<vmem>> -> memref<1x8x1024xf32, #tpu.memory_space<vmem>>
        %dma_start3A_326 = tpu.memref_squeeze %dma_start3A_325 : memref<1x8x1024xf32, #tpu.memory_space<vmem>> -> memref<8x1024xf32, #tpu.memory_space<vmem>>
        tpu.enqueue_dma source(%dma_start3A_326 : memref<8x1024xf32, #tpu.memory_space<vmem>>) target(%dma_start3A_322 : memref<8x1024xf32, #tpu.memory_space<hbm>>) target_semaphore(%arg13 : memref<!tpu.dma_semaphore, #tpu.memory_space<semaphore_mem>>)
        %dma_wait3A_327 = arith.constant 0 : i32
        %dma_wait3A_328 = arith.constant 0 : i32
        %dma_wait3A_329 = tpu.memref_slice %arg7[%dma_wait3A_327, %dma_wait3A_328] : memref<2x32xi32, #tpu.memory_space<vmem>> -> memref<1x32xi32, #tpu.memory_space<vmem>>
        %dma_wait3A_330 = tpu.memref_squeeze %dma_wait3A_329 : memref<1x32xi32, #tpu.memory_space<vmem>> -> memref<32xi32, #tpu.memory_space<vmem>>
        %dma_wait3A_331 = arith.constant 0 : i32
        %dma_wait3A_332 = arith.constant 0 : i32
        %dma_wait3A_333 = tpu.memref_slice %arg3[%dma_wait3A_331, %dma_wait3A_332] : memref<804x1024xf32, #tpu.memory_space<hbm>> -> memref<804x1024xf32, #tpu.memory_space<hbm>>
        tpu.wait_indirect_dma semaphore(%arg12 : memref<!tpu.dma_semaphore, #tpu.memory_space<semaphore_mem>>) src(%dma_wait3A_333 : memref<804x1024xf32, #tpu.memory_space<hbm>>) dst(%arg9 : memref<32x1024xf32, #tpu.memory_space<vmem>>)
        %add3A_334 = arith.constant 1 : i32
        %add3A_335 = arith.addi %add3A_221, %add3A_334 : i32
        %lt3A_336 = arith.constant 25 : i32
        %lt3A_337 = arith.cmpi slt, %add3A_335, %lt3A_336 : i32
        %convert_element_type3A_338 = arith.extui %lt3A_337 : i1 to i32
        %cond3A_339 = arith.constant 0 : i32
        %cond3A_340 = arith.cmpi ne, %convert_element_type3A_338, %cond3A_339 : i32
        scf.if %cond3A_340 {
          %dma_start3A_420 = arith.constant 1 : i32
          %dma_start3A_421 = arith.constant 0 : i32
          %dma_start3A_422 = tpu.memref_slice %arg7[%dma_start3A_420, %dma_start3A_421] : memref<2x32xi32, #tpu.memory_space<vmem>> -> memref<1x32xi32, #tpu.memory_space<vmem>>
          %dma_start3A_423 = tpu.memref_squeeze %dma_start3A_422 : memref<1x32xi32, #tpu.memory_space<vmem>> -> memref<32xi32, #tpu.memory_space<vmem>>
          %dma_start3A_424 = arith.constant 0 : i32
          %dma_start3A_425 = arith.constant 0 : i32
          %dma_start3A_426 = tpu.memref_slice %arg2[%dma_start3A_424, %dma_start3A_425] : memref<804x1024xf32, #tpu.memory_space<hbm>> -> memref<804x1024xf32, #tpu.memory_space<hbm>>
          tpu.enqueue_indirect_dma source(%dma_start3A_426 : memref<804x1024xf32, #tpu.memory_space<hbm>>) target(%arg8 : memref<32x1024xf32, #tpu.memory_space<vmem>>) offsets(%dma_start3A_423 : memref<32xi32, #tpu.memory_space<vmem>>) semaphore(%arg11 : memref<!tpu.dma_semaphore, #tpu.memory_space<semaphore_mem>>)
        } else {
        }
        %dma_wait3A_341 = arith.constant 1 : i32
        %dma_wait3A_342 = arith.constant 0 : i32
        %dma_wait3A_343 = arith.constant 0 : i32
        %dma_wait3A_344 = tpu.memref_slice %arg10[%dma_wait3A_341, %dma_wait3A_342, %dma_wait3A_343] : memref<2x8x1024xf32, #tpu.memory_space<vmem>> -> memref<1x8x1024xf32, #tpu.memory_space<vmem>>
        %dma_wait3A_345 = tpu.memref_squeeze %dma_wait3A_344 : memref<1x8x1024xf32, #tpu.memory_space<vmem>> -> memref<8x1024xf32, #tpu.memory_space<vmem>>
        %dma_wait3A_346 = arith.constant 0 : i32
        %dma_wait3A_347 = arith.constant 0 : i32
        %dma_wait3A_348 = tpu.memref_slice %arg6[%dma_wait3A_346, %dma_wait3A_347] : memref<6400x1024xf32, #tpu.memory_space<hbm>> -> memref<8x1024xf32, #tpu.memory_space<hbm>>
        %dma_wait3A_349 = arith.constant 0 : i32
        %dma_wait3A_350 = arith.constant 0 : i32
        %dma_wait3A_351 = tpu.memref_slice %arg6[%dma_wait3A_349, %dma_wait3A_350] : memref<6400x1024xf32, #tpu.memory_space<hbm>> -> memref<8x1024xf32, #tpu.memory_space<hbm>>
        %dma_wait3A_352 = arith.constant 0 : i32
        %dma_wait3A_353 = arith.constant 0 : i32
        %dma_wait3A_354 = tpu.memref_slice %arg10[%dma_wait3A_341, %dma_wait3A_352, %dma_wait3A_353] : memref<2x8x1024xf32, #tpu.memory_space<vmem>> -> memref<1x8x1024xf32, #tpu.memory_space<vmem>>
        %dma_wait3A_355 = tpu.memref_squeeze %dma_wait3A_354 : memref<1x8x1024xf32, #tpu.memory_space<vmem>> -> memref<8x1024xf32, #tpu.memory_space<vmem>>
        tpu.wait_dma2 semaphore(%arg14 : memref<!tpu.dma_semaphore, #tpu.memory_space<semaphore_mem>>) src(%dma_wait3A_355 : memref<8x1024xf32, #tpu.memory_space<vmem>>) dst(%dma_wait3A_351 : memref<8x1024xf32, #tpu.memory_space<hbm>>)
        %scan3A_356 = arith.constant 0 : i32
        %scan3A_357 = arith.constant 0 : i32
        %scan3A_358 = arith.constant 64 : i32
        %scan3A_359 = arith.addi %scan3A_357, %scan3A_358 : i32
        %scan3A_360 = arith.constant 1 : i32
        scf.for %scan3A_420 = %scan3A_357 to %scan3A_359 step %scan3A_360  : i32 {
          %mul3A_421 = arith.constant 16 : i32
          %mul3A_422 = arith.muli %scan3A_420, %mul3A_421 : i32
          %get3A = arith.constant 0 : i32
          %get3A_423 = arith.index_cast %get3A : i32 to index
          %get3A_424 = arith.index_cast %mul3A_422 : i32 to index
          %get3A_425 = tpu.vector_load %arg9[%get3A_423, %get3A_424] {strides = array<i32>} : memref<32x1024xf32, #tpu.memory_space<vmem>>, vector<1x16xf32>,
          %get3A_426 = vector.shape_cast %get3A_425 : vector<1x16xf32> to vector<16xf32>
          %get3A_427 = arith.constant 1 : i32
          %get3A_428 = arith.index_cast %get3A_427 : i32 to index
          %get3A_429 = arith.index_cast %mul3A_422 : i32 to index
          %get3A_430 = tpu.vector_load %arg9[%get3A_428, %get3A_429] {strides = array<i32>} : memref<32x1024xf32, #tpu.memory_space<vmem>>, vector<1x16xf32>,
          %get3A_431 = vector.shape_cast %get3A_430 : vector<1x16xf32> to vector<16xf32>
          %add3A_432 = arith.addf %get3A_426, %get3A_431 : vector<16xf32>
          %get3A_433 = arith.constant 2 : i32
          %get3A_434 = arith.index_cast %get3A_433 : i32 to index
          %get3A_435 = arith.index_cast %mul3A_422 : i32 to index
          %get3A_436 = tpu.vector_load %arg9[%get3A_434, %get3A_435] {strides = array<i32>} : memref<32x1024xf32, #tpu.memory_space<vmem>>, vector<1x16xf32>,
          %get3A_437 = vector.shape_cast %get3A_436 : vector<1x16xf32> to vector<16xf32>
          %get3A_438 = arith.constant 3 : i32
          %get3A_439 = arith.index_cast %get3A_438 : i32 to index
          %get3A_440 = arith.index_cast %mul3A_422 : i32 to index
          %get3A_441 = tpu.vector_load %arg9[%get3A_439, %get3A_440] {strides = array<i32>} : memref<32x1024xf32, #tpu.memory_space<vmem>>, vector<1x16xf32>,
          %get3A_442 = vector.shape_cast %get3A_441 : vector<1x16xf32> to vector<16xf32>
          %add3A_443 = arith.addf %get3A_437, %get3A_442 : vector<16xf32>
          %add3A_444 = arith.addf %add3A_432, %add3A_443 : vector<16xf32>
          %swap3A = arith.constant 1 : i32
          %swap3A_445 = arith.constant 0 : i32
          %swap3A_446 = arith.index_cast %swap3A : i32 to index
          %swap3A_447 = arith.index_cast %swap3A_445 : i32 to index
          %swap3A_448 = arith.index_cast %mul3A_422 : i32 to index
          %swap3A_449 = tpu.vector_load %arg10[%swap3A_446, %swap3A_447, %swap3A_448] {strides = array<i32>} : memref<2x8x1024xf32, #tpu.memory_space<vmem>>, vector<1x1x16xf32>,
          %swap3A_450 = vector.shape_cast %swap3A_449 : vector<1x1x16xf32> to vector<16xf32>
          %swap3A_451 = vector.shape_cast %add3A_444 : vector<16xf32> to vector<1x1x16xf32>
          tpu.vector_store %arg10[%swap3A_446, %swap3A_447, %swap3A_448], %swap3A_451 {strides = array<i32>} : memref<2x8x1024xf32, #tpu.memory_space<vmem>>, vector<1x1x16xf32>,
        }
        %scan3A_361 = arith.constant 64 : i32
        %scan3A_362 = arith.constant 0 : i32
        %scan3A_363 = arith.constant 0 : i32
        %scan3A_364 = arith.constant 64 : i32
        %scan3A_365 = arith.addi %scan3A_363, %scan3A_364 : i32
        %scan3A_366 = arith.constant 1 : i32
        scf.for %scan3A_420 = %scan3A_363 to %scan3A_365 step %scan3A_366  : i32 {
          %mul3A_421 = arith.constant 16 : i32
          %mul3A_422 = arith.muli %scan3A_420, %mul3A_421 : i32
          %get3A = arith.constant 4 : i32
          %get3A_423 = arith.index_cast %get3A : i32 to index
          %get3A_424 = arith.index_cast %mul3A_422 : i32 to index
          %get3A_425 = tpu.vector_load %arg9[%get3A_423, %get3A_424] {strides = array<i32>} : memref<32x1024xf32, #tpu.memory_space<vmem>>, vector<1x16xf32>,
          %get3A_426 = vector.shape_cast %get3A_425 : vector<1x16xf32> to vector<16xf32>
          %get3A_427 = arith.constant 5 : i32
          %get3A_428 = arith.index_cast %get3A_427 : i32 to index
          %get3A_429 = arith.index_cast %mul3A_422 : i32 to index
          %get3A_430 = tpu.vector_load %arg9[%get3A_428, %get3A_429] {strides = array<i32>} : memref<32x1024xf32, #tpu.memory_space<vmem>>, vector<1x16xf32>,
          %get3A_431 = vector.shape_cast %get3A_430 : vector<1x16xf32> to vector<16xf32>
          %add3A_432 = arith.addf %get3A_426, %get3A_431 : vector<16xf32>
          %get3A_433 = arith.constant 6 : i32
          %get3A_434 = arith.index_cast %get3A_433 : i32 to index
          %get3A_435 = arith.index_cast %mul3A_422 : i32 to index
          %get3A_436 = tpu.vector_load %arg9[%get3A_434, %get3A_435] {strides = array<i32>} : memref<32x1024xf32, #tpu.memory_space<vmem>>, vector<1x16xf32>,
          %get3A_437 = vector.shape_cast %get3A_436 : vector<1x16xf32> to vector<16xf32>
          %get3A_438 = arith.constant 7 : i32
          %get3A_439 = arith.index_cast %get3A_438 : i32 to index
          %get3A_440 = arith.index_cast %mul3A_422 : i32 to index
          %get3A_441 = tpu.vector_load %arg9[%get3A_439, %get3A_440] {strides = array<i32>} : memref<32x1024xf32, #tpu.memory_space<vmem>>, vector<1x16xf32>,
          %get3A_442 = vector.shape_cast %get3A_441 : vector<1x16xf32> to vector<16xf32>
          %add3A_443 = arith.addf %get3A_437, %get3A_442 : vector<16xf32>
          %add3A_444 = arith.addf %add3A_432, %add3A_443 : vector<16xf32>
          %swap3A = arith.constant 1 : i32
          %swap3A_445 = arith.constant 1 : i32
          %swap3A_446 = arith.index_cast %swap3A : i32 to index
          %swap3A_447 = arith.index_cast %swap3A_445 : i32 to index
          %swap3A_448 = arith.index_cast %mul3A_422 : i32 to index
          %swap3A_449 = tpu.vector_load %arg10[%swap3A_446, %swap3A_447, %swap3A_448] {strides = array<i32>} : memref<2x8x1024xf32, #tpu.memory_space<vmem>>, vector<1x1x16xf32>,
          %swap3A_450 = vector.shape_cast %swap3A_449 : vector<1x1x16xf32> to vector<16xf32>
          %swap3A_451 = vector.shape_cast %add3A_444 : vector<16xf32> to vector<1x1x16xf32>
          tpu.vector_store %arg10[%swap3A_446, %swap3A_447, %swap3A_448], %swap3A_451 {strides = array<i32>} : memref<2x8x1024xf32, #tpu.memory_space<vmem>>, vector<1x1x16xf32>,
        }
        %scan3A_367 = arith.constant 64 : i32
        %scan3A_368 = arith.constant 0 : i32
        %scan3A_369 = arith.constant 0 : i32
        %scan3A_370 = arith.constant 64 : i32
        %scan3A_371 = arith.addi %scan3A_369, %scan3A_370 : i32
        %scan3A_372 = arith.constant 1 : i32
        scf.for %scan3A_420 = %scan3A_369 to %scan3A_371 step %scan3A_372  : i32 {
          %mul3A_421 = arith.constant 16 : i32
          %mul3A_422 = arith.muli %scan3A_420, %mul3A_421 : i32
          %get3A = arith.constant 8 : i32
          %get3A_423 = arith.index_cast %get3A : i32 to index
          %get3A_424 = arith.index_cast %mul3A_422 : i32 to index
          %get3A_425 = tpu.vector_load %arg9[%get3A_423, %get3A_424] {strides = array<i32>} : memref<32x1024xf32, #tpu.memory_space<vmem>>, vector<1x16xf32>,
          %get3A_426 = vector.shape_cast %get3A_425 : vector<1x16xf32> to vector<16xf32>
          %get3A_427 = arith.constant 9 : i32
          %get3A_428 = arith.index_cast %get3A_427 : i32 to index
          %get3A_429 = arith.index_cast %mul3A_422 : i32 to index
          %get3A_430 = tpu.vector_load %arg9[%get3A_428, %get3A_429] {strides = array<i32>} : memref<32x1024xf32, #tpu.memory_space<vmem>>, vector<1x16xf32>,
          %get3A_431 = vector.shape_cast %get3A_430 : vector<1x16xf32> to vector<16xf32>
          %add3A_432 = arith.addf %get3A_426, %get3A_431 : vector<16xf32>
          %get3A_433 = arith.constant 10 : i32
          %get3A_434 = arith.index_cast %get3A_433 : i32 to index
          %get3A_435 = arith.index_cast %mul3A_422 : i32 to index
          %get3A_436 = tpu.vector_load %arg9[%get3A_434, %get3A_435] {strides = array<i32>} : memref<32x1024xf32, #tpu.memory_space<vmem>>, vector<1x16xf32>,
          %get3A_437 = vector.shape_cast %get3A_436 : vector<1x16xf32> to vector<16xf32>
          %get3A_438 = arith.constant 11 : i32
          %get3A_439 = arith.index_cast %get3A_438 : i32 to index
          %get3A_440 = arith.index_cast %mul3A_422 : i32 to index
          %get3A_441 = tpu.vector_load %arg9[%get3A_439, %get3A_440] {strides = array<i32>} : memref<32x1024xf32, #tpu.memory_space<vmem>>, vector<1x16xf32>,
          %get3A_442 = vector.shape_cast %get3A_441 : vector<1x16xf32> to vector<16xf32>
          %add3A_443 = arith.addf %get3A_437, %get3A_442 : vector<16xf32>
          %add3A_444 = arith.addf %add3A_432, %add3A_443 : vector<16xf32>
          %swap3A = arith.constant 1 : i32
          %swap3A_445 = arith.constant 2 : i32
          %swap3A_446 = arith.index_cast %swap3A : i32 to index
          %swap3A_447 = arith.index_cast %swap3A_445 : i32 to index
          %swap3A_448 = arith.index_cast %mul3A_422 : i32 to index
          %swap3A_449 = tpu.vector_load %arg10[%swap3A_446, %swap3A_447, %swap3A_448] {strides = array<i32>} : memref<2x8x1024xf32, #tpu.memory_space<vmem>>, vector<1x1x16xf32>,
          %swap3A_450 = vector.shape_cast %swap3A_449 : vector<1x1x16xf32> to vector<16xf32>
          %swap3A_451 = vector.shape_cast %add3A_444 : vector<16xf32> to vector<1x1x16xf32>
          tpu.vector_store %arg10[%swap3A_446, %swap3A_447, %swap3A_448], %swap3A_451 {strides = array<i32>} : memref<2x8x1024xf32, #tpu.memory_space<vmem>>, vector<1x1x16xf32>,
        }
        %scan3A_373 = arith.constant 64 : i32
        %scan3A_374 = arith.constant 0 : i32
        %scan3A_375 = arith.constant 0 : i32
        %scan3A_376 = arith.constant 64 : i32
        %scan3A_377 = arith.addi %scan3A_375, %scan3A_376 : i32
        %scan3A_378 = arith.constant 1 : i32
        scf.for %scan3A_420 = %scan3A_375 to %scan3A_377 step %scan3A_378  : i32 {
          %mul3A_421 = arith.constant 16 : i32
          %mul3A_422 = arith.muli %scan3A_420, %mul3A_421 : i32
          %get3A = arith.constant 12 : i32
          %get3A_423 = arith.index_cast %get3A : i32 to index
          %get3A_424 = arith.index_cast %mul3A_422 : i32 to index
          %get3A_425 = tpu.vector_load %arg9[%get3A_423, %get3A_424] {strides = array<i32>} : memref<32x1024xf32, #tpu.memory_space<vmem>>, vector<1x16xf32>,
          %get3A_426 = vector.shape_cast %get3A_425 : vector<1x16xf32> to vector<16xf32>
          %get3A_427 = arith.constant 13 : i32
          %get3A_428 = arith.index_cast %get3A_427 : i32 to index
          %get3A_429 = arith.index_cast %mul3A_422 : i32 to index
          %get3A_430 = tpu.vector_load %arg9[%get3A_428, %get3A_429] {strides = array<i32>} : memref<32x1024xf32, #tpu.memory_space<vmem>>, vector<1x16xf32>,
          %get3A_431 = vector.shape_cast %get3A_430 : vector<1x16xf32> to vector<16xf32>
          %add3A_432 = arith.addf %get3A_426, %get3A_431 : vector<16xf32>
          %get3A_433 = arith.constant 14 : i32
          %get3A_434 = arith.index_cast %get3A_433 : i32 to index
          %get3A_435 = arith.index_cast %mul3A_422 : i32 to index
          %get3A_436 = tpu.vector_load %arg9[%get3A_434, %get3A_435] {strides = array<i32>} : memref<32x1024xf32, #tpu.memory_space<vmem>>, vector<1x16xf32>,
          %get3A_437 = vector.shape_cast %get3A_436 : vector<1x16xf32> to vector<16xf32>
          %get3A_438 = arith.constant 15 : i32
          %get3A_439 = arith.index_cast %get3A_438 : i32 to index
          %get3A_440 = arith.index_cast %mul3A_422 : i32 to index
          %get3A_441 = tpu.vector_load %arg9[%get3A_439, %get3A_440] {strides = array<i32>} : memref<32x1024xf32, #tpu.memory_space<vmem>>, vector<1x16xf32>,
          %get3A_442 = vector.shape_cast %get3A_441 : vector<1x16xf32> to vector<16xf32>
          %add3A_443 = arith.addf %get3A_437, %get3A_442 : vector<16xf32>
          %add3A_444 = arith.addf %add3A_432, %add3A_443 : vector<16xf32>
          %swap3A = arith.constant 1 : i32
          %swap3A_445 = arith.constant 3 : i32
          %swap3A_446 = arith.index_cast %swap3A : i32 to index
          %swap3A_447 = arith.index_cast %swap3A_445 : i32 to index
          %swap3A_448 = arith.index_cast %mul3A_422 : i32 to index
          %swap3A_449 = tpu.vector_load %arg10[%swap3A_446, %swap3A_447, %swap3A_448] {strides = array<i32>} : memref<2x8x1024xf32, #tpu.memory_space<vmem>>, vector<1x1x16xf32>,
          %swap3A_450 = vector.shape_cast %swap3A_449 : vector<1x1x16xf32> to vector<16xf32>
          %swap3A_451 = vector.shape_cast %add3A_444 : vector<16xf32> to vector<1x1x16xf32>
          tpu.vector_store %arg10[%swap3A_446, %swap3A_447, %swap3A_448], %swap3A_451 {strides = array<i32>} : memref<2x8x1024xf32, #tpu.memory_space<vmem>>, vector<1x1x16xf32>,
        }
        %scan3A_379 = arith.constant 64 : i32
        %scan3A_380 = arith.constant 0 : i32
        %scan3A_381 = arith.constant 0 : i32
        %scan3A_382 = arith.constant 64 : i32
        %scan3A_383 = arith.addi %scan3A_381, %scan3A_382 : i32
        %scan3A_384 = arith.constant 1 : i32
        scf.for %scan3A_420 = %scan3A_381 to %scan3A_383 step %scan3A_384  : i32 {
          %mul3A_421 = arith.constant 16 : i32
          %mul3A_422 = arith.muli %scan3A_420, %mul3A_421 : i32
          %get3A = arith.constant 16 : i32
          %get3A_423 = arith.index_cast %get3A : i32 to index
          %get3A_424 = arith.index_cast %mul3A_422 : i32 to index
          %get3A_425 = tpu.vector_load %arg9[%get3A_423, %get3A_424] {strides = array<i32>} : memref<32x1024xf32, #tpu.memory_space<vmem>>, vector<1x16xf32>,
          %get3A_426 = vector.shape_cast %get3A_425 : vector<1x16xf32> to vector<16xf32>
          %get3A_427 = arith.constant 17 : i32
          %get3A_428 = arith.index_cast %get3A_427 : i32 to index
          %get3A_429 = arith.index_cast %mul3A_422 : i32 to index
          %get3A_430 = tpu.vector_load %arg9[%get3A_428, %get3A_429] {strides = array<i32>} : memref<32x1024xf32, #tpu.memory_space<vmem>>, vector<1x16xf32>,
          %get3A_431 = vector.shape_cast %get3A_430 : vector<1x16xf32> to vector<16xf32>
          %add3A_432 = arith.addf %get3A_426, %get3A_431 : vector<16xf32>
          %get3A_433 = arith.constant 18 : i32
          %get3A_434 = arith.index_cast %get3A_433 : i32 to index
          %get3A_435 = arith.index_cast %mul3A_422 : i32 to index
          %get3A_436 = tpu.vector_load %arg9[%get3A_434, %get3A_435] {strides = array<i32>} : memref<32x1024xf32, #tpu.memory_space<vmem>>, vector<1x16xf32>,
          %get3A_437 = vector.shape_cast %get3A_436 : vector<1x16xf32> to vector<16xf32>
          %get3A_438 = arith.constant 19 : i32
          %get3A_439 = arith.index_cast %get3A_438 : i32 to index
          %get3A_440 = arith.index_cast %mul3A_422 : i32 to index
          %get3A_441 = tpu.vector_load %arg9[%get3A_439, %get3A_440] {strides = array<i32>} : memref<32x1024xf32, #tpu.memory_space<vmem>>, vector<1x16xf32>,
          %get3A_442 = vector.shape_cast %get3A_441 : vector<1x16xf32> to vector<16xf32>
          %add3A_443 = arith.addf %get3A_437, %get3A_442 : vector<16xf32>
          %add3A_444 = arith.addf %add3A_432, %add3A_443 : vector<16xf32>
          %swap3A = arith.constant 1 : i32
          %swap3A_445 = arith.constant 4 : i32
          %swap3A_446 = arith.index_cast %swap3A : i32 to index
          %swap3A_447 = arith.index_cast %swap3A_445 : i32 to index
          %swap3A_448 = arith.index_cast %mul3A_422 : i32 to index
          %swap3A_449 = tpu.vector_load %arg10[%swap3A_446, %swap3A_447, %swap3A_448] {strides = array<i32>} : memref<2x8x1024xf32, #tpu.memory_space<vmem>>, vector<1x1x16xf32>,
          %swap3A_450 = vector.shape_cast %swap3A_449 : vector<1x1x16xf32> to vector<16xf32>
          %swap3A_451 = vector.shape_cast %add3A_444 : vector<16xf32> to vector<1x1x16xf32>
          tpu.vector_store %arg10[%swap3A_446, %swap3A_447, %swap3A_448], %swap3A_451 {strides = array<i32>} : memref<2x8x1024xf32, #tpu.memory_space<vmem>>, vector<1x1x16xf32>,
        }
        %scan3A_385 = arith.constant 64 : i32
        %scan3A_386 = arith.constant 0 : i32
        %scan3A_387 = arith.constant 0 : i32
        %scan3A_388 = arith.constant 64 : i32
        %scan3A_389 = arith.addi %scan3A_387, %scan3A_388 : i32
        %scan3A_390 = arith.constant 1 : i32
        scf.for %scan3A_420 = %scan3A_387 to %scan3A_389 step %scan3A_390  : i32 {
          %mul3A_421 = arith.constant 16 : i32
          %mul3A_422 = arith.muli %scan3A_420, %mul3A_421 : i32
          %get3A = arith.constant 20 : i32
          %get3A_423 = arith.index_cast %get3A : i32 to index
          %get3A_424 = arith.index_cast %mul3A_422 : i32 to index
          %get3A_425 = tpu.vector_load %arg9[%get3A_423, %get3A_424] {strides = array<i32>} : memref<32x1024xf32, #tpu.memory_space<vmem>>, vector<1x16xf32>,
          %get3A_426 = vector.shape_cast %get3A_425 : vector<1x16xf32> to vector<16xf32>
          %get3A_427 = arith.constant 21 : i32
          %get3A_428 = arith.index_cast %get3A_427 : i32 to index
          %get3A_429 = arith.index_cast %mul3A_422 : i32 to index
          %get3A_430 = tpu.vector_load %arg9[%get3A_428, %get3A_429] {strides = array<i32>} : memref<32x1024xf32, #tpu.memory_space<vmem>>, vector<1x16xf32>,
          %get3A_431 = vector.shape_cast %get3A_430 : vector<1x16xf32> to vector<16xf32>
          %add3A_432 = arith.addf %get3A_426, %get3A_431 : vector<16xf32>
          %get3A_433 = arith.constant 22 : i32
          %get3A_434 = arith.index_cast %get3A_433 : i32 to index
          %get3A_435 = arith.index_cast %mul3A_422 : i32 to index
          %get3A_436 = tpu.vector_load %arg9[%get3A_434, %get3A_435] {strides = array<i32>} : memref<32x1024xf32, #tpu.memory_space<vmem>>, vector<1x16xf32>,
          %get3A_437 = vector.shape_cast %get3A_436 : vector<1x16xf32> to vector<16xf32>
          %get3A_438 = arith.constant 23 : i32
          %get3A_439 = arith.index_cast %get3A_438 : i32 to index
          %get3A_440 = arith.index_cast %mul3A_422 : i32 to index
          %get3A_441 = tpu.vector_load %arg9[%get3A_439, %get3A_440] {strides = array<i32>} : memref<32x1024xf32, #tpu.memory_space<vmem>>, vector<1x16xf32>,
          %get3A_442 = vector.shape_cast %get3A_441 : vector<1x16xf32> to vector<16xf32>
          %add3A_443 = arith.addf %get3A_437, %get3A_442 : vector<16xf32>
          %add3A_444 = arith.addf %add3A_432, %add3A_443 : vector<16xf32>
          %swap3A = arith.constant 1 : i32
          %swap3A_445 = arith.constant 5 : i32
          %swap3A_446 = arith.index_cast %swap3A : i32 to index
          %swap3A_447 = arith.index_cast %swap3A_445 : i32 to index
          %swap3A_448 = arith.index_cast %mul3A_422 : i32 to index
          %swap3A_449 = tpu.vector_load %arg10[%swap3A_446, %swap3A_447, %swap3A_448] {strides = array<i32>} : memref<2x8x1024xf32, #tpu.memory_space<vmem>>, vector<1x1x16xf32>,
          %swap3A_450 = vector.shape_cast %swap3A_449 : vector<1x1x16xf32> to vector<16xf32>
          %swap3A_451 = vector.shape_cast %add3A_444 : vector<16xf32> to vector<1x1x16xf32>
          tpu.vector_store %arg10[%swap3A_446, %swap3A_447, %swap3A_448], %swap3A_451 {strides = array<i32>} : memref<2x8x1024xf32, #tpu.memory_space<vmem>>, vector<1x1x16xf32>,
        }
        %scan3A_391 = arith.constant 64 : i32
        %scan3A_392 = arith.constant 0 : i32
        %scan3A_393 = arith.constant 0 : i32
        %scan3A_394 = arith.constant 64 : i32
        %scan3A_395 = arith.addi %scan3A_393, %scan3A_394 : i32
        %scan3A_396 = arith.constant 1 : i32
        scf.for %scan3A_420 = %scan3A_393 to %scan3A_395 step %scan3A_396  : i32 {
          %mul3A_421 = arith.constant 16 : i32
          %mul3A_422 = arith.muli %scan3A_420, %mul3A_421 : i32
          %get3A = arith.constant 24 : i32
          %get3A_423 = arith.index_cast %get3A : i32 to index
          %get3A_424 = arith.index_cast %mul3A_422 : i32 to index
          %get3A_425 = tpu.vector_load %arg9[%get3A_423, %get3A_424] {strides = array<i32>} : memref<32x1024xf32, #tpu.memory_space<vmem>>, vector<1x16xf32>,
          %get3A_426 = vector.shape_cast %get3A_425 : vector<1x16xf32> to vector<16xf32>
          %get3A_427 = arith.constant 25 : i32
          %get3A_428 = arith.index_cast %get3A_427 : i32 to index
          %get3A_429 = arith.index_cast %mul3A_422 : i32 to index
          %get3A_430 = tpu.vector_load %arg9[%get3A_428, %get3A_429] {strides = array<i32>} : memref<32x1024xf32, #tpu.memory_space<vmem>>, vector<1x16xf32>,
          %get3A_431 = vector.shape_cast %get3A_430 : vector<1x16xf32> to vector<16xf32>
          %add3A_432 = arith.addf %get3A_426, %get3A_431 : vector<16xf32>
          %get3A_433 = arith.constant 26 : i32
          %get3A_434 = arith.index_cast %get3A_433 : i32 to index
          %get3A_435 = arith.index_cast %mul3A_422 : i32 to index
          %get3A_436 = tpu.vector_load %arg9[%get3A_434, %get3A_435] {strides = array<i32>} : memref<32x1024xf32, #tpu.memory_space<vmem>>, vector<1x16xf32>,
          %get3A_437 = vector.shape_cast %get3A_436 : vector<1x16xf32> to vector<16xf32>
          %get3A_438 = arith.constant 27 : i32
          %get3A_439 = arith.index_cast %get3A_438 : i32 to index
          %get3A_440 = arith.index_cast %mul3A_422 : i32 to index
          %get3A_441 = tpu.vector_load %arg9[%get3A_439, %get3A_440] {strides = array<i32>} : memref<32x1024xf32, #tpu.memory_space<vmem>>, vector<1x16xf32>,
          %get3A_442 = vector.shape_cast %get3A_441 : vector<1x16xf32> to vector<16xf32>
          %add3A_443 = arith.addf %get3A_437, %get3A_442 : vector<16xf32>
          %add3A_444 = arith.addf %add3A_432, %add3A_443 : vector<16xf32>
          %swap3A = arith.constant 1 : i32
          %swap3A_445 = arith.constant 6 : i32
          %swap3A_446 = arith.index_cast %swap3A : i32 to index
          %swap3A_447 = arith.index_cast %swap3A_445 : i32 to index
          %swap3A_448 = arith.index_cast %mul3A_422 : i32 to index
          %swap3A_449 = tpu.vector_load %arg10[%swap3A_446, %swap3A_447, %swap3A_448] {strides = array<i32>} : memref<2x8x1024xf32, #tpu.memory_space<vmem>>, vector<1x1x16xf32>,
          %swap3A_450 = vector.shape_cast %swap3A_449 : vector<1x1x16xf32> to vector<16xf32>
          %swap3A_451 = vector.shape_cast %add3A_444 : vector<16xf32> to vector<1x1x16xf32>
          tpu.vector_store %arg10[%swap3A_446, %swap3A_447, %swap3A_448], %swap3A_451 {strides = array<i32>} : memref<2x8x1024xf32, #tpu.memory_space<vmem>>, vector<1x1x16xf32>,
        }
        %scan3A_397 = arith.constant 64 : i32
        %scan3A_398 = arith.constant 0 : i32
        %scan3A_399 = arith.constant 0 : i32
        %scan3A_400 = arith.constant 64 : i32
        %scan3A_401 = arith.addi %scan3A_399, %scan3A_400 : i32
        %scan3A_402 = arith.constant 1 : i32
        scf.for %scan3A_420 = %scan3A_399 to %scan3A_401 step %scan3A_402  : i32 {
          %mul3A_421 = arith.constant 16 : i32
          %mul3A_422 = arith.muli %scan3A_420, %mul3A_421 : i32
          %get3A = arith.constant 28 : i32
          %get3A_423 = arith.index_cast %get3A : i32 to index
          %get3A_424 = arith.index_cast %mul3A_422 : i32 to index
          %get3A_425 = tpu.vector_load %arg9[%get3A_423, %get3A_424] {strides = array<i32>} : memref<32x1024xf32, #tpu.memory_space<vmem>>, vector<1x16xf32>,
          %get3A_426 = vector.shape_cast %get3A_425 : vector<1x16xf32> to vector<16xf32>
          %get3A_427 = arith.constant 29 : i32
          %get3A_428 = arith.index_cast %get3A_427 : i32 to index
          %get3A_429 = arith.index_cast %mul3A_422 : i32 to index
          %get3A_430 = tpu.vector_load %arg9[%get3A_428, %get3A_429] {strides = array<i32>} : memref<32x1024xf32, #tpu.memory_space<vmem>>, vector<1x16xf32>,
          %get3A_431 = vector.shape_cast %get3A_430 : vector<1x16xf32> to vector<16xf32>
          %add3A_432 = arith.addf %get3A_426, %get3A_431 : vector<16xf32>
          %get3A_433 = arith.constant 30 : i32
          %get3A_434 = arith.index_cast %get3A_433 : i32 to index
          %get3A_435 = arith.index_cast %mul3A_422 : i32 to index
          %get3A_436 = tpu.vector_load %arg9[%get3A_434, %get3A_435] {strides = array<i32>} : memref<32x1024xf32, #tpu.memory_space<vmem>>, vector<1x16xf32>,
          %get3A_437 = vector.shape_cast %get3A_436 : vector<1x16xf32> to vector<16xf32>
          %get3A_438 = arith.constant 31 : i32
          %get3A_439 = arith.index_cast %get3A_438 : i32 to index
          %get3A_440 = arith.index_cast %mul3A_422 : i32 to index
          %get3A_441 = tpu.vector_load %arg9[%get3A_439, %get3A_440] {strides = array<i32>} : memref<32x1024xf32, #tpu.memory_space<vmem>>, vector<1x16xf32>,
          %get3A_442 = vector.shape_cast %get3A_441 : vector<1x16xf32> to vector<16xf32>
          %add3A_443 = arith.addf %get3A_437, %get3A_442 : vector<16xf32>
          %add3A_444 = arith.addf %add3A_432, %add3A_443 : vector<16xf32>
          %swap3A = arith.constant 1 : i32
          %swap3A_445 = arith.constant 7 : i32
          %swap3A_446 = arith.index_cast %swap3A : i32 to index
          %swap3A_447 = arith.index_cast %swap3A_445 : i32 to index
          %swap3A_448 = arith.index_cast %mul3A_422 : i32 to index
          %swap3A_449 = tpu.vector_load %arg10[%swap3A_446, %swap3A_447, %swap3A_448] {strides = array<i32>} : memref<2x8x1024xf32, #tpu.memory_space<vmem>>, vector<1x1x16xf32>,
          %swap3A_450 = vector.shape_cast %swap3A_449 : vector<1x1x16xf32> to vector<16xf32>
          %swap3A_451 = vector.shape_cast %add3A_444 : vector<16xf32> to vector<1x1x16xf32>
          tpu.vector_store %arg10[%swap3A_446, %swap3A_447, %swap3A_448], %swap3A_451 {strides = array<i32>} : memref<2x8x1024xf32, #tpu.memory_space<vmem>>, vector<1x1x16xf32>,
        }
        %scan3A_403 = arith.constant 64 : i32
        %mul3A_404 = arith.constant 8 : i32
        %mul3A_405 = arith.muli %add3A_221, %mul3A_404 : i32
        %add3A_406 = arith.addi %mul3A_2, %mul3A_405 : i32
        %dma_start3A_407 = arith.constant 1 : i32
        %dma_start3A_408 = arith.constant 0 : i32
        %dma_start3A_409 = arith.constant 0 : i32
        %dma_start3A_410 = tpu.memref_slice %arg10[%dma_start3A_407, %dma_start3A_408, %dma_start3A_409] : memref<2x8x1024xf32, #tpu.memory_space<vmem>> -> memref<1x8x1024xf32, #tpu.memory_space<vmem>>
        %dma_start3A_411 = tpu.memref_squeeze %dma_start3A_410 : memref<1x8x1024xf32, #tpu.memory_space<vmem>> -> memref<8x1024xf32, #tpu.memory_space<vmem>>
        %dma_start3A_412 = arith.constant 0 : i32
        %dma_start3A_413 = tpu.memref_slice %arg6[%add3A_406, %dma_start3A_412] : memref<6400x1024xf32, #tpu.memory_space<hbm>> -> memref<8x1024xf32, #tpu.memory_space<hbm>>
        %dma_start3A_414 = arith.constant 0 : i32
        %dma_start3A_415 = tpu.memref_slice %arg6[%add3A_406, %dma_start3A_414] : memref<6400x1024xf32, #tpu.memory_space<hbm>> -> memref<8x1024xf32, #tpu.memory_space<hbm>>
        %dma_start3A_416 = arith.constant 0 : i32
        %dma_start3A_417 = arith.constant 0 : i32
        %dma_start3A_418 = tpu.memref_slice %arg10[%dma_start3A_407, %dma_start3A_416, %dma_start3A_417] : memref<2x8x1024xf32, #tpu.memory_space<vmem>> -> memref<1x8x1024xf32, #tpu.memory_space<vmem>>
        %dma_start3A_419 = tpu.memref_squeeze %dma_start3A_418 : memref<1x8x1024xf32, #tpu.memory_space<vmem>> -> memref<8x1024xf32, #tpu.memory_space<vmem>>
        tpu.enqueue_dma source(%dma_start3A_419 : memref<8x1024xf32, #tpu.memory_space<vmem>>) target(%dma_start3A_415 : memref<8x1024xf32, #tpu.memory_space<hbm>>) target_semaphore(%arg14 : memref<!tpu.dma_semaphore, #tpu.memory_space<semaphore_mem>>)
      } else {
      }
    }
    %scan3A_176 = arith.constant 12 : i32
    %dma_wait3A_177 = arith.constant 0 : i32
    %dma_wait3A_178 = arith.constant 0 : i32
    %dma_wait3A_179 = arith.constant 0 : i32
    %dma_wait3A_180 = tpu.memref_slice %arg10[%dma_wait3A_177, %dma_wait3A_178, %dma_wait3A_179] : memref<2x8x1024xf32, #tpu.memory_space<vmem>> -> memref<1x8x1024xf32, #tpu.memory_space<vmem>>
    %dma_wait3A_181 = tpu.memref_squeeze %dma_wait3A_180 : memref<1x8x1024xf32, #tpu.memory_space<vmem>> -> memref<8x1024xf32, #tpu.memory_space<vmem>>
    %dma_wait3A_182 = arith.constant 0 : i32
    %dma_wait3A_183 = arith.constant 0 : i32
    %dma_wait3A_184 = tpu.memref_slice %arg5[%dma_wait3A_182, %dma_wait3A_183] : memref<6400x1024xf32, #tpu.memory_space<hbm>> -> memref<8x1024xf32, #tpu.memory_space<hbm>>
    %dma_wait3A_185 = arith.constant 0 : i32
    %dma_wait3A_186 = arith.constant 0 : i32
    %dma_wait3A_187 = tpu.memref_slice %arg5[%dma_wait3A_185, %dma_wait3A_186] : memref<6400x1024xf32, #tpu.memory_space<hbm>> -> memref<8x1024xf32, #tpu.memory_space<hbm>>
    %dma_wait3A_188 = arith.constant 0 : i32
    %dma_wait3A_189 = arith.constant 0 : i32
    %dma_wait3A_190 = tpu.memref_slice %arg10[%dma_wait3A_177, %dma_wait3A_188, %dma_wait3A_189] : memref<2x8x1024xf32, #tpu.memory_space<vmem>> -> memref<1x8x1024xf32, #tpu.memory_space<vmem>>
    %dma_wait3A_191 = tpu.memref_squeeze %dma_wait3A_190 : memref<1x8x1024xf32, #tpu.memory_space<vmem>> -> memref<8x1024xf32, #tpu.memory_space<vmem>>
    tpu.wait_dma2 semaphore(%arg13 : memref<!tpu.dma_semaphore, #tpu.memory_space<semaphore_mem>>) src(%dma_wait3A_191 : memref<8x1024xf32, #tpu.memory_space<vmem>>) dst(%dma_wait3A_187 : memref<8x1024xf32, #tpu.memory_space<hbm>>)
    %dma_wait3A_192 = arith.constant 1 : i32
    %dma_wait3A_193 = arith.constant 0 : i32
    %dma_wait3A_194 = arith.constant 0 : i32
    %dma_wait3A_195 = tpu.memref_slice %arg10[%dma_wait3A_192, %dma_wait3A_193, %dma_wait3A_194] : memref<2x8x1024xf32, #tpu.memory_space<vmem>> -> memref<1x8x1024xf32, #tpu.memory_space<vmem>>
    %dma_wait3A_196 = tpu.memref_squeeze %dma_wait3A_195 : memref<1x8x1024xf32, #tpu.memory_space<vmem>> -> memref<8x1024xf32, #tpu.memory_space<vmem>>
    %dma_wait3A_197 = arith.constant 0 : i32
    %dma_wait3A_198 = arith.constant 0 : i32
    %dma_wait3A_199 = tpu.memref_slice %arg6[%dma_wait3A_197, %dma_wait3A_198] : memref<6400x1024xf32, #tpu.memory_space<hbm>> -> memref<8x1024xf32, #tpu.memory_space<hbm>>
    %dma_wait3A_200 = arith.constant 0 : i32
    %dma_wait3A_201 = arith.constant 0 : i32
    %dma_wait3A_202 = tpu.memref_slice %arg6[%dma_wait3A_200, %dma_wait3A_201] : memref<6400x1024xf32, #tpu.memory_space<hbm>> -> memref<8x1024xf32, #tpu.memory_space<hbm>>
    %dma_wait3A_203 = arith.constant 0 : i32
    %dma_wait3A_204 = arith.constant 0 : i32
    %dma_wait3A_205 = tpu.memref_slice %arg10[%dma_wait3A_192, %dma_wait3A_203, %dma_wait3A_204] : memref<2x8x1024xf32, #tpu.memory_space<vmem>> -> memref<1x8x1024xf32, #tpu.memory_space<vmem>>
    %dma_wait3A_206 = tpu.memref_squeeze %dma_wait3A_205 : memref<1x8x1024xf32, #tpu.memory_space<vmem>> -> memref<8x1024xf32, #tpu.memory_space<vmem>>
    tpu.wait_dma2 semaphore(%arg14 : memref<!tpu.dma_semaphore, #tpu.memory_space<semaphore_mem>>) src(%dma_wait3A_206 : memref<8x1024xf32, #tpu.memory_space<vmem>>) dst(%dma_wait3A_202 : memref<8x1024xf32, #tpu.memory_space<hbm>>)
    return
  }
}

module attributes {stable_mosaic.version = 14 : i64} {
  func.func @_prep_kernel(%arg0: memref<200x128xf32, #tpu.memory_space<vmem>>, %arg1: memref<201x2048xf32, #tpu.memory_space<vmem>>, %arg2: memref<4x2048xf32, #tpu.memory_space<vmem>>, %arg3: memref<200x128xi32, #tpu.memory_space<vmem>>, %arg4: memref<4x201x1024xf32, #tpu.memory_space<vmem>>, %arg5: memref<4x201x1024xf32, #tpu.memory_space<vmem>>) attributes {dimension_semantics = [], scalar_prefetch = 0 : i64, scratch_operands = 0 : i64, tpu.core_type = #tpu.core_type<tc>} {
    %get3A = arith.constant 0 : index
    %get3A_0 = arith.constant 0 : index
    %get3A_1 = vector.load %arg0[%get3A, %get3A_0] : memref<200x128xf32, #tpu.memory_space<vmem>>, vector<200x128xf32>
    %round3A = math.roundeven %get3A_1 : vector<200x128xf32>
    %jit3A = arith.constant 0 : i32
    %jit3A_2 = arith.constant 200 : i32
    %convert_element_type3A = arith.sitofp %jit3A : i32 to f32
    %max3A = vector.broadcast %convert_element_type3A : f32 to vector<200x128xf32>
    %max3A_3 = arith.maximumf %max3A, %round3A : vector<200x128xf32>
    %convert_element_type3A_4 = arith.sitofp %jit3A_2 : i32 to f32
    %min3A = vector.broadcast %convert_element_type3A_4 : f32 to vector<200x128xf32>
    %min3A_5 = arith.minimumf %min3A, %max3A_3 : vector<200x128xf32>
    %convert_element_type3A_6 = arith.fptosi %min3A_5 : vector<200x128xf32> to vector<200x128xi32>
    %iota3A = tpu.iota {dimensions = array<i32: 1>} : vector<200x128xi32>
    %jit3A_7 = arith.constant 4 : i32
    %eq3A = arith.constant 0 : i32
    %eq3A_8 = arith.cmpi eq, %jit3A_7, %eq3A : i32
    %jit3A_9 = arith.constant 1 : i32
    %select_n3A = arith.select %eq3A_8, %jit3A_9, %jit3A_7 : i32
    %rem3A = vector.broadcast %select_n3A : i32 to vector<200x128xi32>
    %rem3A_10 = arith.remsi %iota3A, %rem3A : vector<200x128xi32>
    %ne3A = arith.constant 0 : i32
    %ne3A_11 = vector.broadcast %ne3A : i32 to vector<200x128xi32>
    %ne3A_12 = arith.cmpi ne, %rem3A_10, %ne3A_11 : vector<200x128xi32>
    %lt3A = arith.constant 0 : i32
    %lt3A_13 = vector.broadcast %lt3A : i32 to vector<200x128xi32>
    %lt3A_14 = arith.cmpi slt, %rem3A_10, %lt3A_13 : vector<200x128xi32>
    %lt3A_15 = arith.constant 0 : i32
    %lt3A_16 = arith.cmpi slt, %select_n3A, %lt3A_15 : i32
    %ne3A_17 = vector.broadcast %lt3A_16 : i1 to vector<200x128xi1>
    %ne3A_18 = vector.broadcast %ne3A_17 : vector<200x128xi1> to vector<200x128xi1>
    %ne3A_19 = arith.xori %lt3A_14, %ne3A_18 : vector<200x128xi1>
    %and3A = arith.andi %ne3A_19, %ne3A_12 : vector<200x128xi1>
    %add3A = vector.broadcast %select_n3A : i32 to vector<200x128xi32>
    %add3A_20 = arith.addi %rem3A_10, %add3A : vector<200x128xi32>
    %select_n3A_21 = arith.select %and3A, %add3A_20, %rem3A_10 : vector<200x128xi1>, vector<200x128xi32>
    %mul3A = arith.constant 201 : i32
    %mul3A_22 = vector.broadcast %mul3A : i32 to vector<200x128xi32>
    %mul3A_23 = arith.muli %select_n3A_21, %mul3A_22 : vector<200x128xi32>
    %add3A_24 = arith.addi %convert_element_type3A_6, %mul3A_23 : vector<200x128xi32>
    %swap3A = arith.constant 0 : index
    %swap3A_25 = arith.constant 0 : index
    %swap3A_26 = vector.load %arg3[%swap3A, %swap3A_25] : memref<200x128xi32, #tpu.memory_space<vmem>>, vector<200x128xi32>
    tpu.vector_store %arg3[%swap3A, %swap3A_25], %add3A_24 {strides = array<i32>} : memref<200x128xi32, #tpu.memory_space<vmem>>, vector<200x128xi32>,
    %get3A_27 = arith.constant 0 : index
    %get3A_28 = arith.constant 0 : index
    %get3A_29 = vector.load %arg1[%get3A_27, %get3A_28] : memref<201x2048xf32, #tpu.memory_space<vmem>>, vector<201x2048xf32>
    %broadcast_in_dim3A = vector.shape_cast %get3A_29 : vector<201x2048xf32> to vector<1x201x2048xf32>
    %get3A_30 = arith.constant 0 : index
    %get3A_31 = arith.constant 0 : index
    %get3A_32 = vector.load %arg2[%get3A_30, %get3A_31] : memref<4x2048xf32, #tpu.memory_space<vmem>>, vector<4x2048xf32>
    %broadcast_in_dim3A_33 = vector.shape_cast %get3A_32 : vector<4x2048xf32> to vector<4x1x2048xf32>
    %mul3A_34 = vector.broadcast %broadcast_in_dim3A : vector<1x201x2048xf32> to vector<4x201x2048xf32>
    %mul3A_35 = vector.broadcast %broadcast_in_dim3A_33 : vector<4x1x2048xf32> to vector<4x201x2048xf32>
    %mul3A_36 = arith.mulf %mul3A_34, %mul3A_35 : vector<4x201x2048xf32>
    %slice3A = vector.extract_strided_slice %mul3A_36 {offsets = [0, 0, 0], sizes = [4, 201, 1024], strides = [1, 1, 1]} : vector<4x201x2048xf32> to vector<4x201x1024xf32>
    %swap3A_37 = arith.constant 0 : index
    %swap3A_38 = arith.constant 0 : index
    %swap3A_39 = arith.constant 0 : index
    %swap3A_40 = vector.load %arg4[%swap3A_37, %swap3A_38, %swap3A_39] : memref<4x201x1024xf32, #tpu.memory_space<vmem>>, vector<4x201x1024xf32>
    tpu.vector_store %arg4[%swap3A_37, %swap3A_38, %swap3A_39], %slice3A {strides = array<i32>} : memref<4x201x1024xf32, #tpu.memory_space<vmem>>, vector<4x201x1024xf32>,
    %slice3A_41 = vector.extract_strided_slice %mul3A_36 {offsets = [0, 0, 1024], sizes = [4, 201, 1024], strides = [1, 1, 1]} : vector<4x201x2048xf32> to vector<4x201x1024xf32>
    %swap3A_42 = arith.constant 0 : index
    %swap3A_43 = arith.constant 0 : index
    %swap3A_44 = arith.constant 0 : index
    %swap3A_45 = vector.load %arg5[%swap3A_42, %swap3A_43, %swap3A_44] : memref<4x201x1024xf32, #tpu.memory_space<vmem>>, vector<4x201x1024xf32>
    tpu.vector_store %arg5[%swap3A_42, %swap3A_43, %swap3A_44], %slice3A_41 {strides = array<i32>} : memref<4x201x1024xf32, #tpu.memory_space<vmem>>, vector<4x201x1024xf32>,
    return
  }
}

module attributes {stable_mosaic.version = 14 : i64} {
  func.func @_ngram_kernel(%arg0: i32, %arg1: memref<8x50x1024xf32, #tpu.memory_space<vmem>>, %arg2: memref<8x50x1024xf32, #tpu.memory_space<vmem>>, %arg3: memref<12x2048xf32, #tpu.memory_space<vmem>>, %arg4: memref<8x12xf32, #tpu.memory_space<vmem>>) attributes {dimension_semantics = [#tpu.dimension_semantics<arbitrary>], iteration_bounds = array<i64: 16>, scalar_prefetch = 0 : i64, scratch_operands = 0 : i64, tpu.core_type = #tpu.core_type<tc>, window_params = [{transform_indices = @transform_0, window_bounds = array<i64: 8, 50, 1024>}, {transform_indices = @transform_1, window_bounds = array<i64: 8, 50, 1024>}, {pipeline_mode = #tpu.pipeline_mode<synchronous>, transform_indices = @transform_2, window_bounds = array<i64: 12, 2048>}, {transform_indices = @transform_3, window_bounds = array<i64: 8, 12>}]} {
    %get3A = arith.constant 0 : index
    %get3A_0 = arith.constant 0 : index
    %get3A_1 = arith.constant 0 : index
    %get3A_2 = vector.load %arg1[%get3A, %get3A_0, %get3A_1] : memref<8x50x1024xf32, #tpu.memory_space<vmem>>, vector<8x50x1024xf32>
    %get3A_3 = arith.constant 0 : index
    %get3A_4 = arith.constant 0 : index
    %get3A_5 = arith.constant 0 : index
    %get3A_6 = vector.load %arg2[%get3A_3, %get3A_4, %get3A_5] : memref<8x50x1024xf32, #tpu.memory_space<vmem>>, vector<8x50x1024xf32>
    %concatenate3A = tpu.concatenate %get3A_2, %get3A_6 in 2 : vector<8x50x1024xf32>, vector<8x50x1024xf32> -> vector<8x50x2048xf32>
    %slice3A = vector.extract_strided_slice %concatenate3A {offsets = [0, 0, 2045], sizes = [8, 50, 3], strides = [1, 1, 1]} : vector<8x50x2048xf32> to vector<8x50x3xf32>
    %slice3A_7 = vector.extract_strided_slice %concatenate3A {offsets = [0, 0, 0], sizes = [8, 50, 2045], strides = [1, 1, 1]} : vector<8x50x2048xf32> to vector<8x50x2045xf32>
    %concatenate3A_8 = tpu.concatenate %slice3A, %slice3A_7 in 2 : vector<8x50x3xf32>, vector<8x50x2045xf32> -> vector<8x50x2048xf32>
    %slice3A_9 = vector.extract_strided_slice %concatenate3A_8 {offsets = [0, 0, 0], sizes = [8, 47, 2048], strides = [1, 1, 1]} : vector<8x50x2048xf32> to vector<8x47x2048xf32>
    %slice3A_10 = vector.extract_strided_slice %concatenate3A {offsets = [0, 0, 2046], sizes = [8, 50, 2], strides = [1, 1, 1]} : vector<8x50x2048xf32> to vector<8x50x2xf32>
    %slice3A_11 = vector.extract_strided_slice %concatenate3A {offsets = [0, 0, 0], sizes = [8, 50, 2046], strides = [1, 1, 1]} : vector<8x50x2048xf32> to vector<8x50x2046xf32>
    %concatenate3A_12 = tpu.concatenate %slice3A_10, %slice3A_11 in 2 : vector<8x50x2xf32>, vector<8x50x2046xf32> -> vector<8x50x2048xf32>
    %slice3A_13 = vector.extract_strided_slice %concatenate3A_12 {offsets = [0, 1, 0], sizes = [8, 47, 2048], strides = [1, 1, 1]} : vector<8x50x2048xf32> to vector<8x47x2048xf32>
    %slice3A_14 = vector.extract_strided_slice %concatenate3A {offsets = [0, 0, 2047], sizes = [8, 50, 1], strides = [1, 1, 1]} : vector<8x50x2048xf32> to vector<8x50x1xf32>
    %slice3A_15 = vector.extract_strided_slice %concatenate3A {offsets = [0, 0, 0], sizes = [8, 50, 2047], strides = [1, 1, 1]} : vector<8x50x2048xf32> to vector<8x50x2047xf32>
    %concatenate3A_16 = tpu.concatenate %slice3A_14, %slice3A_15 in 2 : vector<8x50x1xf32>, vector<8x50x2047xf32> -> vector<8x50x2048xf32>
    %slice3A_17 = vector.extract_strided_slice %concatenate3A_16 {offsets = [0, 2, 0], sizes = [8, 47, 2048], strides = [1, 1, 1]} : vector<8x50x2048xf32> to vector<8x47x2048xf32>
    %slice3A_18 = vector.extract_strided_slice %concatenate3A {offsets = [0, 3, 0], sizes = [8, 47, 2048], strides = [1, 1, 1]} : vector<8x50x2048xf32> to vector<8x47x2048xf32>
    %mul3A = arith.mulf %slice3A_9, %slice3A_13 : vector<8x47x2048xf32>
    %mul3A_19 = arith.mulf %slice3A_17, %slice3A_18 : vector<8x47x2048xf32>
    %mul3A_20 = arith.mulf %mul3A, %mul3A_19 : vector<8x47x2048xf32>
    %reduce_sum3A = arith.constant dense<0.000000e+00> : vector<8x2048xf32>
    %reduce_sum3A_21 = vector.multi_reduction <add>, %mul3A_20, %reduce_sum3A [1] : vector<8x47x2048xf32> to vector<8x2048xf32>
    %gt3A = arith.constant 0.000000e+00 : f32
    %gt3A_22 = vector.broadcast %gt3A : f32 to vector<8x2048xf32>
    %gt3A_23 = arith.cmpf ogt, %reduce_sum3A_21, %gt3A_22 : vector<8x2048xf32>
    %jit3A = arith.constant 1.000000e+00 : f32
    %jit3A_24 = arith.constant -1.000000e+00 : f32
    %broadcast_in_dim3A = vector.broadcast %jit3A : f32 to vector<8x2048xf32>
    %broadcast_in_dim3A_25 = vector.broadcast %jit3A_24 : f32 to vector<8x2048xf32>
    %select_n3A = arith.select %gt3A_23, %broadcast_in_dim3A, %broadcast_in_dim3A_25 : vector<8x2048xi1>, vector<8x2048xf32>
    %get3A_26 = arith.constant 0 : index
    %get3A_27 = arith.constant 0 : index
    %get3A_28 = vector.load %arg3[%get3A_26, %get3A_27] : memref<12x2048xf32, #tpu.memory_space<vmem>>, vector<12x2048xf32>
    %dot_general3A = arith.constant dense<0.000000e+00> : vector<8x12xf32>
    %dot_general3A_29 = tpu.matmul %select_n3A, %get3A_28, %dot_general3A {dimension_numbers = #tpu.dot_dimension_numbers<[1], [1], [0], [0], [0, 0, 1, 0], [], []>, precision = #tpu.contract_precision<fp32>, transpose_lhs_hint = false} : vector<8x2048xf32>, vector<12x2048xf32>, vector<8x12xf32> -> vector<8x12xf32>
    %swap3A = arith.constant 0 : index
    %swap3A_30 = arith.constant 0 : index
    %swap3A_31 = vector.load %arg4[%swap3A, %swap3A_30] : memref<8x12xf32, #tpu.memory_space<vmem>>, vector<8x12xf32>
    tpu.vector_store %arg4[%swap3A, %swap3A_30], %dot_general3A_29 {strides = array<i32>} : memref<8x12xf32, #tpu.memory_space<vmem>>, vector<8x12xf32>,
    return
  }
  func.func @transform_0(%arg0: i32) -> (i32, i32, i32) {
    %c0_i32 = arith.constant 0 : i32
    %c0_i32_0 = arith.constant 0 : i32
    %c0_i32_1 = arith.constant 0 : i32
    return %arg0, %c0_i32, %c0_i32_0 : i32, i32, i32
  }
  func.func @transform_1(%arg0: i32) -> (i32, i32, i32) {
    %c0_i32 = arith.constant 0 : i32
    %c0_i32_0 = arith.constant 0 : i32
    %c0_i32_1 = arith.constant 0 : i32
    return %arg0, %c0_i32, %c0_i32_0 : i32, i32, i32
  }
  func.func @transform_2(%arg0: i32) -> (i32, i32) {
    %c0_i32 = arith.constant 0 : i32
    %c0_i32_0 = arith.constant 0 : i32
    %c0_i32_1 = arith.constant 0 : i32
    return %c0_i32, %c0_i32_0 : i32, i32
  }
  func.func @transform_3(%arg0: i32) -> (i32, i32) {
    %c0_i32 = arith.constant 0 : i32
    %c0_i32_0 = arith.constant 0 : i32
    return %arg0, %c0_i32 : i32, i32
  }
}

</mosaic_0001>

<sc_bundles>
// kernel: kernel.5.cloned.1.call-start
scs
__scs_entry_jumppad:
0x0: {  	(pc) =	sbr.rel $0x88, $3  }
0x1: {  	(tag) =	ssettag $0x0;
	lr =	simm.s32 $0x1  }
0x2: {  	[smem:$0x3F9D] =	sst lr;
	_ =	strace $0xD0000000  }
0x3: {  	_ = 	snop  }
0x4: {  	_ = 	snop  }
0x5: {  	_ = 	snop  }
0x6: {  	_ = 	snop  }
0x7: {  	_ = 	snop  }
__scs_overlays_trampoline_lowered:
0x8: {  	[smem:$0x3FAC] =	sst s0  }
0x9: {  	[smem:$0x3FAD] =	sst s1  }
0xa: {  	[smem:$0x3FAE] =	sst s2  }
0xb: {  	[smem:$0x3FAF] =	sst s3  }
0xc: {  	[smem:$0x3FB0] =	sst s4  }
0xd: {  	[smem:$0x3FB1] =	sst s5  }
0xe: {  	[smem:$0x3FB2] =	sst s6  }
0xf: {  	[smem:$0x3FB3] =	sst s7  }
0x10: {  	[smem:$0x3FB4] =	sst s8  }
0x11: {  	[smem:$0x3FB5] =	sst s9;
	s0 =	simm.s32 @!p0 $0x0  }
0x12: {  	s1 =	sld [smem:$0x3F9B];
	s0 =	simm.s32 @p0 $0x1  }
0x13: {  	[smem:$0x3FB6] =	sst s0;
	s0 =	simm.s32 @!p1 $0x0  }
0x14: {  	s2 =	sld [smem:$0x3F9A];
	s0 =	simm.s32 @p1 $0x1  }
0x15: {  	[smem:$0x3FB7] =	sst s0;
	s0 =	simm.s32 @!p2 $0x0  }
0x16: {  	s3 =	sld [smem:$0x3FDB];
	s0 =	simm.s32 @p2 $0x1  }
0x17: {  	s4 =	simm.s32 $0x1BF5;
	[smem:$0x3FB9] =	sst s0  }
0x18: {  	s0 =	sld [smem:$0x3F9C];
	_ =	swait.ge [sflag:s4], $0x0  }
0x19: {  	s7 =	sld [smem:$0x3F9D]  }
0x1a: {  	s8 =	sadd.s32 $0xFFFFE003, lr  }
0x1b: {  	s9 =	sadd.s32 $0xFFFFFEF7, lr;
	s5 =	simm.s32 $0xFFFFFFFF;
	p2 =	slt.u32 s8, $0xFFFFF086  }
0x1c: {  	p1 =	slt.u32 s9, $0xF7A;
	s5 =	simm.s32 @!p2 $0x0  }
0x1d: {  	s5 =	simm.s32 @p1 $0x1;
	p0 =	seq.s32 s7, s2  }
0x1e: {  	s7 =	smul.u32 @!p0 $0xF7A, s2;
	p2 =	seq.s32 @!p0 s5, $0x0  }
0x1f: {  	s9 =	smul.u32 $0xF7A, s1;
	s8 =	simm.s32 @!p0 $0x1BF5;
	p2 =	por !p2, p0  }
0x20: {  	[sflag:s8] =	ssyncset.s32 @!p0 $0xFFFFF086;
	s6 =	sadd.s32 @!p0 s3, s7;
	s7 =	simm.s32 @!p0 $0x108  }
0x21: {  	s3 =	sadd.s32 s3, s9;
	s6 =	sadd.s32 @!p0 $0x88, s6;
	s7 =	simm.s32 @p2 $0x1082  }
0x22: {  	[simem:s7], [sflag:s8] =	dma.local @!p0 [hbm:s6], $0xF7A  }
0x23: {  	s9 =	sor.u32 $0xD0000000, s2;
	s6 =	simm.s32 $0x108;
	_ =	swait.ge @!p0 [sflag:s8], $0x0  }
0x24: {  	s3 =	sadd.s32 $0x88, s3;
	s6 =	simm.s32 @!p1 $0x1082;
	[sflag:s4] =	ssyncset.s32 $0xFFFFF086  }
0x25: {  	[simem:s6], [sflag:s4] =	dma.local [hbm:s3], $0xF7A  }
0x26: {  	[smem:$0x3F9D] =	sst s1;
	(tag) =	ssettag s2;
	_ =	strace s9  }
0x27: {  	s1 =	sld [smem:$0x3FAD]  }
0x28: {  	s2 =	sld [smem:$0x3FAE]  }
0x29: {  	s4 =	sld [smem:$0x3FB0]  }
0x2a: {  	p0 =	seq.s32 s5, $0x0;
	s5 =	sld [smem:$0x3FB1]  }
0x2b: {  	s6 =	sld [smem:$0x3FB2]  }
0x2c: {  	s7 =	sld [smem:$0x3FB3]  }
0x2d: {  	s3 =	simm.s32 $0x108;
	s8 =	sld [smem:$0x3FB4]  }
0x2e: {  	s3 =	simm.s32 @!p0 $0x1082;
	s9 =	sld [smem:$0x3FB5]  }
0x2f: {  	lr =	sadd.s32 s0, s3;
	s0 =	sld [smem:$0x3FAC]  }
0x30: {  	s3 =	sld [smem:$0x3FAF]  }
0x31: {  	[smem:$0x3FB8] =	sst s10  }
0x32: {  	s10 =	sld [smem:$0x3FB6];
	_ =	sdelay $0x3  }
0x33: {  	p0 =	seq.s32 s10, $0x1;
	s10 =	sld [smem:$0x3FB8];
	_ =	sdelay $0x3  }
0x34: {  	[smem:$0x3FB8] =	sst s10  }
0x35: {  	s10 =	sld [smem:$0x3FB7];
	_ =	sdelay $0x3  }
0x36: {  	p1 =	seq.s32 s10, $0x1;
	s10 =	sld [smem:$0x3FB8];
	_ =	sdelay $0x3  }
0x37: {  	[smem:$0x3FB8] =	sst s10  }
0x38: {  	s10 =	sld [smem:$0x3FB9]  }
0x39: {  	_ = 	snop;
	(pc) =	sbr.ind lr, $3  }
0x3a: {  	_ = 	snop  }
0x3b: {  	_ = 	snop  }
0x3c: {  	p2 =	seq.s32 s10, $0x1;
	s10 =	sld [smem:$0x3FB8]  }
0x3d: {  	_ =	shalt  }
0x3e: {  	_ =	shalt  }
0x3f: {  	_ =	shalt  }
0x40: {  	_ =	shalt  }
0x41: {  	_ =	shalt  }
0x42: {  	_ =	shalt  }
0x43: {  	_ =	shalt  }
0x44: {  	_ =	shalt  }
0x45: {  	_ =	shalt  }
0x46: {  	_ =	shalt  }
0x47: {  	_ =	shalt  }
0x48: {  	_ =	shalt  }
0x49: {  	_ =	shalt  }
0x4a: {  	_ =	shalt  }
0x4b: {  	_ =	shalt  }
0x4c: {  	_ =	shalt  }
0x4d: {  	_ =	shalt  }
0x4e: {  	_ =	shalt  }
0x4f: {  	_ =	shalt  }
0x50: {  	_ =	shalt  }
0x51: {  	_ =	shalt  }
0x52: {  	_ =	shalt  }
0x53: {  	_ =	shalt  }
0x54: {  	_ =	shalt  }
0x55: {  	_ =	shalt  }
0x56: {  	_ =	shalt  }
0x57: {  	_ =	shalt  }
0x58: {  	_ =	shalt  }
0x59: {  	_ =	shalt  }
0x5a: {  	_ =	shalt  }
0x5b: {  	_ =	shalt  }
0x5c: {  	_ =	shalt  }
0x5d: {  	_ =	shalt  }
0x5e: {  	_ =	shalt  }
0x5f: {  	_ =	shalt  }
0x60: {  	_ =	shalt  }
0x61: {  	_ =	shalt  }
0x62: {  	_ =	shalt  }
0x63: {  	_ =	shalt  }
0x64: {  	_ =	shalt  }
0x65: {  	_ =	shalt  }
0x66: {  	_ =	shalt  }
0x67: {  	_ =	shalt  }
0x68: {  	_ =	shalt  }
0x69: {  	_ =	shalt  }
0x6a: {  	_ =	shalt  }
0x6b: {  	_ =	shalt  }
0x6c: {  	_ =	shalt  }
0x6d: {  	_ =	shalt  }
0x6e: {  	_ =	shalt  }
0x6f: {  	_ =	shalt  }
0x70: {  	_ =	shalt  }
0x71: {  	_ =	shalt  }
0x72: {  	_ =	shalt  }
0x73: {  	_ =	shalt  }
0x74: {  	_ =	shalt  }
0x75: {  	_ =	shalt  }
0x76: {  	_ =	shalt  }
0x77: {  	_ =	shalt  }
0x78: {  	_ =	shalt  }
0x79: {  	_ =	shalt  }
0x7a: {  	_ =	shalt  }
0x7b: {  	_ =	shalt  }
0x7c: {  	_ =	shalt  }
0x7d: {  	_ =	shalt  }
0x7e: {  	_ =	shalt  }
0x7f: {  	_ =	shalt  }
0x80: {  	_ =	shalt  }
0x81: {  	_ =	shalt  }
0x82: {  	_ =	shalt  }
0x83: {  	_ =	shalt  }
0x84: {  	_ =	shalt  }
0x85: {  	_ =	shalt  }
0x86: {  	_ =	shalt  }
0x87: {  	_ =	shalt  }
.Lfunc_end0:
.L_simem_size_0:
called_computation_lowered:
.L_overlay_start_0:
0x88: {  	s2 =	sld [smem:$0x3FD9]  }
0x89: {  	s3 =	sld [smem:$0x3FFE];
	_ =	sdelay $0x1  }
0x8a: {  	s1 =	srdreg.scid  }
0x8b: {  	s0 =	sand.u32 $0x1, s1  }
0x8c: {  	s16 =	sshll.u32 s0, $0xA;
	s2 =	sadd.s32 s3, s2  }
0x8d: {  	s2 =	sadd.s32 s2, s16  }
0x8e: {  	[smem:$0x3FC4] =	sst s2  }
0x8f: {  	_ = 	snop  }
0x90: {  	(tm) =	ssettm $0x1  }
0x91: {  	s17 =	sld [smem:$0x3FFB];
	_ =	sdelay $0x3  }
0x92: {  	_ =	strace s17  }
0x93: {  	s2 =	sld [smem:$0x3FFC];
	_ =	sdelay $0x3  }
0x94: {  	_ =	strace s2  }
0x95: {  	s2 =	sld [smem:$0x3FFD];
	_ =	sdelay $0x3  }
0x96: {  	_ =	strace s2  }
0x97: {  	_ =	strace $0x8FFFFFFF  }
0x98: {  	s18 =	sld [smem:$0x3FDB];
	_ =	sdelay $0x1  }
0x99: {  	s19 =	simm.s32 $_scs_section_size  }
0x9a: {  	s4 =	simm.s32 $_size__tile_overlayer_lowered;
	s5 =	simm.s32 $_tile_overlayer_lowered  }
0x9b: {  	s22 =	simm.s32 $0x1BFF;
	s21 =	sshll.u32 s5, $0x1;
	s2 =	sadd.s32 s19, s18  }
0x9c: {  	s6 =	simm.s32 $0x0;
	s20 =	sshll.u32 s4, $0x1;
	s4 =	sadd.s32 s21, s2  }
0x9d: {  	[timem:s6], [sflag:s22] =	dma.local [hbm:s4], s20  }
0x9e: {  	_ =	swait.ge [sflag:s22], s20  }
0x9f: {  	s3 =	ssub.s32 $0x0, s20;
	[sflag:s22] =	ssyncset.done $0x0  }
0xa0: {  	[sflag:s22] =	ssyncadd.s32 s3;
	_ =	sdelay $0x1  }
0xa1: {  	s23 =	simm.s32 $0x1B8B  }
0xa2: {  	_ =	swait.ge [sflag:s23], $0x1  }
0xa3: {  	[sflag:s23] =	ssyncset.done $0x0  }
0xa4: {  	s25 =	simm.s32 $0x1B8E;
	s24 =	sld [smem:$0x3FFE];
	[sflag:s23] =	ssyncadd.s32 $0xFFFFFFFF  }
0xa5: {  	s26 =	simm.s32 $execute0_lowered;
	[smem:$0x3FD2] =	sst s25  }
0xa6: {  	s4 =	sshll.u32 s26, $0x1;
	_ =	strace $0x80000046;
	[dreg:$0x1] =	wrdreg $0xFFFFFFFF  }
0xa7: {  	s28 =	simm.s32 $_size_execute0_lowered;
	s2 =	sadd.s32 s2, s4;
	[dreg:$0x0] =	wrdreg $0x0  }
0xa8: {  	s4 =	sshll.u32 s28, $0x1;
	[dreg:$0x2] =	wrdreg s2  }
0xa9: {  	[dreg:$0x3] =	wrdreg s4  }
0xaa: {  	[dreg:$0x4] =	wrdreg $0xC0  }
0xab: {  	_ =	task [dreg:s6], $0x5FFFF  }
0xac: {  	[dreg:$0x1] =	wrdreg $0xFFFFFFFF  }
0xad: {  	[dreg:$0x0] =	wrdreg $0x60  }
0xae: {  	[dreg:$0x2] =	wrdreg s24  }
0xaf: {  	[dreg:$0x3] =	wrdreg $0x9  }
0xb0: {  	_ =	task.clear_ibuf [dreg:s6], $0x4FFFF;
	_ =	strace $0x90000046  }
0xb1: {  	s29 =	simm.s32 $0x9;
	_ =	strace $0x80000048  }
0xb2: {  	_ =	swait.ge [sflag:s29], $0x1  }
0xb3: {  	[sflag:s29] =	ssyncadd.s32 $0xFFFFFFFF  }
0xb4: {  	_ =	strace $0x90000048  }
0xb5: {  	_ =	sfence  }
0xb6: {  	s30 =	sld [smem:$0x0];
	_ =	sdelay $0x2  }
0xb7: {  	s31 =	sshll.u32 s1, $0xD;
	s1 =	sshrl.u32 s1, $0x2  }
0xb8: {  	s3 =	sand.u32 $0x4000, s31;
	s1 =	sadd.s32 s1, s30  }
0xb9: {  	s0 =	sor.u32 s3, s0;
	s1 =	sshll.u32 s1, $0x11  }
0xba: {  	s0 =	sor.u32 s1, s0  }
0xbb: {  	s0 =	sadd.s32 $0x8F2B, s0  }
0xbc: {  	[sflag:s0] =	ssyncadd.remote.s32 $0x1  }
0xbd: {  	_ =	sfence.sel $0xFFFF  }
0xbe: {  	[dreg:$0x0] =	wrdreg $0xFFFFFFFF;
	(pc) =	sbr.abs _section_cstart, $3  }
0xbf: {  	[dreg:$0x1] =	wrdreg $0xFFFFFFFF  }
0xc0: {  	_ =	task.clear_ibuf [dreg:s6], $0x2FFFF;
	_ =	strace $0x9FFFFFFF  }
0xc1: {  	(tm) =	ssettm $0x7FFFFFFF  }
tec
execute0_lowered:
.L_overlay_start_1:
0x0: {  	(tag) =	ssettag $0x1  }
0x1: {  	s0 =	rddreg [dreg:$0x0]  }
0x2: {  	s2 =	simm.s32 $0x0;
	s1 =	srdreg.scid;
	s3 =	stileid.u32  }
0x3: {  	s28 =	simm.s32 $0x2;
	s30 =	simm.s32 $0x3;
	s31 =	simm.s32 $0x4  }
0x4: {  	[smem:$0x7FF] =	sst s2;
	s1 =	sand.u32 $0x1, s1;
	s4 =	sshll.u32 s3, $0x1  }
0x5: {  	s3 =	sadd.s32 $0x2200, s0;
	s25 =	sadd.s32 $0x1400, s0;
	s29 =	sadd.s32 $0x34A00, s0  }
0x6: {  	s6 =	sadd.s32 $0xFCA00, s0;
	s11 =	sadd.s32 $0x2500, s0;
	s8 =	sor.u32 s1, s4  }
0x7: {  	s14 =	sadd.s32 $0x1B800, s0;
	s15 =	sadd.s32 $0x1B900, s0;
	s9 =	smul.u32 $0x64, s8  }
0x8: {  	_ =	strace $0x80000047;
	s1 =	ssub.s32 $0x2, s1;
	s16 =	smul.u32 $0x6400, s8  }
0x9: {  	s4 =	sadd.s32 $0x1B600, s0;
	s10 =	sshrl.u32 s1, $0x1;
	s5 =	sadd.s32 s25, s9  }
0xa: {  	s12 =	smul.u32 $0x320, s8;
	s20 =	sadd.s32 s29, s16;
	[dreg:$0x2] =	wrdreg s5  }
0xb: {  	s19 =	smul.u32 $0x19, s8;
	s21 =	sadd.s32 s6, s16;
	[dreg:$0x4] =	wrdreg s20  }
0xc: {  	s1 =	ssub.s32 s1, s10;
	s22 =	sadd.s32 $0x40, s12;
	[dreg:$0x5] =	wrdreg s21  }
0xd: {  	s10 =	sadd.s32 $0x2400, s0;
	s23 =	sadd.s32 $0x1, s19;
	[dreg:$0x6] =	wrdreg s22  }
0xe: {  	s13 =	sshrl.u32 s12, $0x3;
	s24 =	sadd.s32 $0x60, s12;
	[dreg:$0x7] =	wrdreg s23  }
0xf: {  	s26 =	smax.u32 s1, $0x1;
	s13 =	sadd.s32 s25, s13;
	[dreg:$0x8] =	wrdreg s24  }
0x10: {  	v2 =	vlaneseq.u32;
	s9 =	sadd.s32 $0x2300, s0;
	[dreg:$0xa] =	wrdreg s26;
	s18 =	sadd.s32 $0x4, s13  }
0x11: {  	vm0 =	vmmov $0xffff;
	v1 =	vshrl.u32 v2, $0x3;
	s13 =	sadd.s32 $0x1B700, s0;
	s0 =	sadd.s32 $0x2, s19;
	[dreg:$0x3] =	wrdreg s18  }
0x12: {  	v0 =	vand.u32 $0x7, v2;
	v2 =	vor.u32 $0x8, v2;
	v1 =	vmul.u32 $0x8, v1;
	s1 =	simm.s32 $0x0;
	s26 =	simm.s32 $0x1;
	[dreg:$0x9] =	wrdreg s0  }
.LBB2_1:
0x13: {  	[dreg:$0xb] =	wrdreg s1  }
0x14: {  	s0 =	rddreg [dreg:$0x2];
	s1 =	simm.s32 $0x5  }
0x15: {  	[tilespmem:s2], [sflag:$0x5] =	stream.linear.gather [hbm4b:s0+s2], $0x20, $0x38;
	[tilespmem:$0x14100] =	vst v63  }
0x16: {  	_ =	swait.ge [sflag:s1], $0x20  }
0x17: {  	[sflag:s1] =	ssyncset.done $0x0  }
0x18: {  	[sflag:s1] =	ssyncadd.s32 $0xFFFFFFE0  }
0x19: {  	v3 =	vld [tilespmem:$0x0];
	_ =	sdelay $0x4  }
0x1a: {  	v4 =	vshll.u32 v3, $0x3  }
0x1b: {  	v3 =	vand.u32 $0x7, v3;
	v4 =	vand.u32 $0xFFFFFFC0, v4  }
0x1c: {  	v3 =	vor.u32 v3, v4  }
0x1d: {  	v4 =	vperm.xlane v3, v0;
	_ =	sdelay $0x1  }
0x1e: {  	v4 =	vadd.s32 v1, v4;
	_ =	sdelay $0x3  }
0x1f: {  	s16 =	simm.s32 $0x100  }
0x20: {  	[tilespmem:s16], [sflag:$0x1] =	stream.indirect_vreg.gather [hbm4b:s3+s2], $0x80, v4, vm0, $0xb8;
	[tilespmem:$0x14100] =	vst v63  }
0x21: {  	s17 =	simm.s32 $0x900;
	v3 =	vperm.xlane v3, v2  }
0x22: {  	[tilespmem:s17], [sflag:$0x1] =	stream.indirect_vreg.gather [hbm4b:s9+s2], $0x80, v4, vm0, $0xb8;
	[tilespmem:$0x14100] =	vst v63  }
0x23: {  	s18 =	simm.s32 $0x1100;
	v3 =	vadd.s32 v1, v3  }
0x24: {  	[tilespmem:s18], [sflag:$0x1] =	stream.indirect_vreg.gather [hbm4b:s10+s2], $0x80, v4, vm0, $0xb8;
	[tilespmem:$0x14100] =	vst v63  }
0x25: {  	s19 =	simm.s32 $0x1900  }
0x26: {  	[tilespmem:s19], [sflag:$0x1] =	stream.indirect_vreg.gather [hbm4b:s11+s2], $0x80, v4, vm0, $0xb8;
	[tilespmem:$0x14100] =	vst v63  }
0x27: {  	s20 =	simm.s32 $0x2100  }
0x28: {  	[tilespmem:s20], [sflag:$0x1] =	stream.indirect_vreg.gather [hbm4b:s3+s2], $0x80, v3, vm0, $0xb8;
	[tilespmem:$0x14100] =	vst v63  }
0x29: {  	s21 =	simm.s32 $0x2900  }
0x2a: {  	[tilespmem:s21], [sflag:$0x1] =	stream.indirect_vreg.gather [hbm4b:s9+s2], $0x80, v3, vm0, $0xb8;
	[tilespmem:$0x14100] =	vst v63  }
0x2b: {  	s22 =	simm.s32 $0x3100  }
0x2c: {  	[tilespmem:s22], [sflag:$0x1] =	stream.indirect_vreg.gather [hbm4b:s10+s2], $0x80, v3, vm0, $0xb8;
	[tilespmem:$0x14100] =	vst v63  }
0x2d: {  	s23 =	simm.s32 $0x3900  }
0x2e: {  	[tilespmem:s23], [sflag:$0x1] =	stream.indirect_vreg.gather [hbm4b:s11+s2], $0x80, v3, vm0, $0xb8;
	[tilespmem:$0x14100] =	vst v63  }
0x2f: {  	v3 =	vld [tilespmem:$0x10];
	_ =	sdelay $0x4  }
0x30: {  	v4 =	vshll.u32 v3, $0x3  }
0x31: {  	v3 =	vand.u32 $0x7, v3;
	v4 =	vand.u32 $0xFFFFFFC0, v4  }
0x32: {  	v3 =	vor.u32 v3, v4  }
0x33: {  	v4 =	vperm.xlane v3, v0;
	_ =	sdelay $0x1  }
0x34: {  	v4 =	vadd.s32 v1, v4;
	_ =	sdelay $0x3  }
0x35: {  	s24 =	simm.s32 $0x4100  }
0x36: {  	[tilespmem:s24], [sflag:$0x1] =	stream.indirect_vreg.gather [hbm4b:s3+s2], $0x80, v4, vm0, $0xb8;
	[tilespmem:$0x14100] =	vst v63  }
0x37: {  	s5 =	simm.s32 $0x4900;
	v3 =	vperm.xlane v3, v2  }
0x38: {  	[tilespmem:s5], [sflag:$0x1] =	stream.indirect_vreg.gather [hbm4b:s9+s2], $0x80, v4, vm0, $0xb8;
	[tilespmem:$0x14100] =	vst v63  }
0x39: {  	s7 =	simm.s32 $0x5100;
	v3 =	vadd.s32 v1, v3  }
0x3a: {  	[tilespmem:s7], [sflag:$0x1] =	stream.indirect_vreg.gather [hbm4b:s10+s2], $0x80, v4, vm0, $0xb8;
	[tilespmem:$0x14100] =	vst v63  }
0x3b: {  	s8 =	simm.s32 $0x5900  }
0x3c: {  	[tilespmem:s8], [sflag:$0x1] =	stream.indirect_vreg.gather [hbm4b:s11+s2], $0x80, v4, vm0, $0xb8;
	[tilespmem:$0x14100] =	vst v63  }
0x3d: {  	s12 =	simm.s32 $0x6100  }
0x3e: {  	[tilespmem:s12], [sflag:$0x1] =	stream.indirect_vreg.gather [hbm4b:s3+s2], $0x80, v3, vm0, $0xb8;
	[tilespmem:$0x14100] =	vst v63  }
0x3f: {  	s16 =	simm.s32 $0x6900  }
0x40: {  	[tilespmem:s16], [sflag:$0x1] =	stream.indirect_vreg.gather [hbm4b:s9+s2], $0x80, v3, vm0, $0xb8;
	[tilespmem:$0x14100] =	vst v63  }
0x41: {  	s17 =	simm.s32 $0x7100  }
0x42: {  	[tilespmem:s17], [sflag:$0x1] =	stream.indirect_vreg.gather [hbm4b:s10+s2], $0x80, v3, vm0, $0xb8;
	[tilespmem:$0x14100] =	vst v63  }
0x43: {  	s18 =	simm.s32 $0x7900  }
0x44: {  	[tilespmem:s18], [sflag:$0x1] =	stream.indirect_vreg.gather [hbm4b:s11+s2], $0x80, v3, vm0, $0xb8;
	[tilespmem:$0x14100] =	vst v63  }
0x45: {  	s19 =	rddreg [dreg:$0x3];
	s5 =	simm.s32 $0x80  }
0x46: {  	[tilespmem:s5], [sflag:$0x5] =	stream.linear.gather [hbm4b:s19+s2], $0x20, $0x38;
	[tilespmem:$0x14100] =	vst v63  }
0x47: {  	_ =	swait.ge [sflag:s1], $0x20  }
0x48: {  	[sflag:s1] =	ssyncset.done $0x0  }
0x49: {  	[sflag:s1] =	ssyncadd.s32 $0xFFFFFFE0  }
0x4a: {  	_ =	swait.ge [sflag:s26], $0x8000  }
0x4b: {  	[sflag:s26] =	ssyncset.done $0x0  }
0x4c: {  	[sflag:s26] =	ssyncadd.s32 $0xFFFF8000  }
0x4d: {  	v3 =	vld [tilespmem:$0x0];
	_ =	sdelay $0x4  }
0x4e: {  	v4 =	vshll.u32 v3, $0x3  }
0x4f: {  	v3 =	vand.u32 $0x7, v3;
	v4 =	vand.u32 $0xFFFFFFC0, v4  }
0x50: {  	v3 =	vor.u32 v3, v4  }
0x51: {  	v4 =	vperm.xlane v3, v0;
	_ =	sdelay $0x1  }
0x52: {  	v4 =	vadd.s32 v1, v4;
	_ =	sdelay $0x3  }
0x53: {  	s20 =	simm.s32 $0x8100  }
0x54: {  	[tilespmem:s20], [sflag:$0x2] =	stream.indirect_vreg.gather [hbm4b:s4+s2], $0x80, v4, vm0, $0xb8;
	[tilespmem:$0x14100] =	vst v63  }
0x55: {  	s21 =	simm.s32 $0x8900;
	v3 =	vperm.xlane v3, v2  }
0x56: {  	[tilespmem:s21], [sflag:$0x2] =	stream.indirect_vreg.gather [hbm4b:s13+s2], $0x80, v4, vm0, $0xb8;
	[tilespmem:$0x14100] =	vst v63  }
0x57: {  	s22 =	simm.s32 $0x9100;
	v3 =	vadd.s32 v1, v3  }
0x58: {  	[tilespmem:s22], [sflag:$0x2] =	stream.indirect_vreg.gather [hbm4b:s14+s2], $0x80, v4, vm0, $0xb8;
	[tilespmem:$0x14100] =	vst v63  }
0x59: {  	s23 =	simm.s32 $0x9900  }
0x5a: {  	[tilespmem:s23], [sflag:$0x2] =	stream.indirect_vreg.gather [hbm4b:s15+s2], $0x80, v4, vm0, $0xb8;
	[tilespmem:$0x14100] =	vst v63  }
0x5b: {  	s24 =	simm.s32 $0xA100  }
0x5c: {  	[tilespmem:s24], [sflag:$0x2] =	stream.indirect_vreg.gather [hbm4b:s4+s2], $0x80, v3, vm0, $0xb8;
	[tilespmem:$0x14100] =	vst v63  }
0x5d: {  	s1 =	simm.s32 $0xA900  }
0x5e: {  	[tilespmem:s1], [sflag:$0x2] =	stream.indirect_vreg.gather [hbm4b:s13+s2], $0x80, v3, vm0, $0xb8;
	[tilespmem:$0x14100] =	vst v63  }
0x5f: {  	s5 =	simm.s32 $0xB100  }
0x60: {  	[tilespmem:s5], [sflag:$0x2] =	stream.indirect_vreg.gather [hbm4b:s14+s2], $0x80, v3, vm0, $0xb8;
	[tilespmem:$0x14100] =	vst v63  }
0x61: {  	s7 =	simm.s32 $0xB900  }
0x62: {  	[tilespmem:s7], [sflag:$0x2] =	stream.indirect_vreg.gather [hbm4b:s15+s2], $0x80, v3, vm0, $0xb8;
	[tilespmem:$0x14100] =	vst v63  }
0x63: {  	v3 =	vld [tilespmem:$0x10];
	_ =	sdelay $0x4  }
0x64: {  	v4 =	vshll.u32 v3, $0x3  }
0x65: {  	v3 =	vand.u32 $0x7, v3;
	v4 =	vand.u32 $0xFFFFFFC0, v4  }
0x66: {  	v3 =	vor.u32 v3, v4  }
0x67: {  	v4 =	vperm.xlane v3, v0;
	_ =	sdelay $0x1  }
0x68: {  	v4 =	vadd.s32 v1, v4;
	_ =	sdelay $0x3  }
0x69: {  	s8 =	simm.s32 $0xC100  }
0x6a: {  	[tilespmem:s8], [sflag:$0x2] =	stream.indirect_vreg.gather [hbm4b:s4+s2], $0x80, v4, vm0, $0xb8;
	[tilespmem:$0x14100] =	vst v63  }
0x6b: {  	s12 =	simm.s32 $0xC900;
	v3 =	vperm.xlane v3, v2  }
0x6c: {  	[tilespmem:s12], [sflag:$0x2] =	stream.indirect_vreg.gather [hbm4b:s13+s2], $0x80, v4, vm0, $0xb8;
	[tilespmem:$0x14100] =	vst v63  }
0x6d: {  	s16 =	simm.s32 $0xD100;
	v3 =	vadd.s32 v1, v3  }
0x6e: {  	[tilespmem:s16], [sflag:$0x2] =	stream.indirect_vreg.gather [hbm4b:s14+s2], $0x80, v4, vm0, $0xb8;
	[tilespmem:$0x14100] =	vst v63  }
0x6f: {  	s17 =	simm.s32 $0xD900  }
0x70: {  	[tilespmem:s17], [sflag:$0x2] =	stream.indirect_vreg.gather [hbm4b:s15+s2], $0x80, v4, vm0, $0xb8;
	[tilespmem:$0x14100] =	vst v63  }
0x71: {  	s18 =	simm.s32 $0xE100  }
0x72: {  	[tilespmem:s18], [sflag:$0x2] =	stream.indirect_vreg.gather [hbm4b:s4+s2], $0x80, v3, vm0, $0xb8;
	[tilespmem:$0x14100] =	vst v63  }
0x73: {  	s19 =	simm.s32 $0xE900  }
0x74: {  	[tilespmem:s19], [sflag:$0x2] =	stream.indirect_vreg.gather [hbm4b:s13+s2], $0x80, v3, vm0, $0xb8;
	[tilespmem:$0x14100] =	vst v63  }
0x75: {  	s20 =	simm.s32 $0xF100;
	s22 =	sand.u32 $0x70, s2;
	s23 =	sand.u32 $0x1C00, s2  }
0x76: {  	[tilespmem:s20], [sflag:$0x2] =	stream.indirect_vreg.gather [hbm4b:s14+s2], $0x80, v3, vm0, $0xb8;
	[tilespmem:$0x14100] =	vst v63  }
0x77: {  	s21 =	simm.s32 $0xF900;
	s0 =	sor.u32 s22, s23  }
0x78: {  	[tilespmem:s21], [sflag:$0x2] =	stream.indirect_vreg.gather [hbm4b:s15+s2], $0x80, v3, vm0, $0xb8;
	[tilespmem:$0x14100] =	vst v63  }
0x79: {  	v6 =	vld [tilespmem:s0+$0x100]  }
0x7a: {  	v7 =	vld [tilespmem:s0+$0x180]  }
0x7b: {  	v8 =	vld [tilespmem:s0+$0x200]  }
0x7c: {  	s24 =	simm.s32 $0x10;
	s8 =	simm.s32 $0x80;
	v9 =	vld [tilespmem:s0+$0x280]  }
0x7d: {  	s1 =	sand.u32 $0x70, s24;
	s8 =	sand.u32 $0x1C00, s8  }
0x7e: {  	s1 =	sor.u32 s1, s8  }
0x7f: {  	v3 =	vld [tilespmem:s1+$0x100]  }
0x80: {  	v5 =	vld [tilespmem:s1+$0x180]  }
0x81: {  	v4 =	vld [tilespmem:s1+$0x200];
	v7 =	vadd.f32 v7, v6;
	v8 =	vadd.f32 v9, v8  }
0x82: {  	s8 =	simm.s32 $0x20;
	s12 =	simm.s32 $0x100;
	v6 =	vld [tilespmem:s1+$0x280]  }
.LBB2_2:
0x83: {  	s16 =	sand.u32 $0x70, s8;
	s17 =	sand.u32 $0x1C00, s12;
	v9 =	vadd.f32 v8, v7;
	p0 =	sne.s32 s8, $0x3F0  }
.Ltmp0:
0x84: {  	s16 =	sor.u32 s16, s17;
	v8 =	vmov v3;
	(pc) =	sbr.rel @p0 .LBB2_2-.Ltmp0, $4  }
0x85: {  	v3 =	vld [tilespmem:s16+$0x100];
	[tilespmem:s0+$0x10100] =	vst v9;
	v7 =	vmov v5;
	s0 =	smov.u32 s1;
	s1 =	smov.u32 s16  }
0x86: {  	s8 =	sadd.s32 $0x10, s8;
	v5 =	vld [tilespmem:s1+$0x180]  }
0x87: {  	v7 =	vadd.f32 v7, v8;
	v8 =	vadd.f32 v6, v4;
	v4 =	vld [tilespmem:s1+$0x200]  }
0x88: {  	s12 =	sadd.s32 $0x80, s12;
	v6 =	vld [tilespmem:s1+$0x280]  }
0x89: {  	_ =	sdelay $0x3  }
0x8a: {  	v3 =	vadd.f32 v5, v3;
	v4 =	vadd.f32 v6, v4  }
0x8b: {  	v5 =	vadd.f32 v8, v7  }
0x8c: {  	s8 =	simm.s32 $0x0;
	v3 =	vadd.f32 v4, v3  }
0x8d: {  	s22 =	sand.u32 $0x70, s8;
	s12 =	sand.u32 $0x1C00, s8;
	[tilespmem:s0+$0x10100] =	vst v5  }
0x8e: {  	s0 =	sor.u32 s22, s12;
	[tilespmem:s1+$0x10100] =	vst v3  }
0x8f: {  	v3 =	vld [tilespmem:s0+$0x300]  }
0x90: {  	s23 =	sor.u32 s8, s8;
	v4 =	vld [tilespmem:s0+$0x380]  }
0x91: {  	s1 =	sor.u32 $0x380, s23;
	v5 =	vld [tilespmem:s0+$0x400]  }
0x92: {  	v6 =	vld [tilespmem:s1+$0x100];
	_ =	sdelay $0x3  }
0x93: {  	s24 =	simm.s32 $0x10;
	s8 =	simm.s32 $0x80  }
0x94: {  	s16 =	sand.u32 $0x1C00, s8;
	s1 =	sand.u32 $0x70, s24;
	v4 =	vadd.f32 v4, v3;
	v5 =	vadd.f32 v6, v5  }
0x95: {  	s17 =	sor.u32 s1, s16  }
0x96: {  	v3 =	vld [tilespmem:s17+$0x300];
	v5 =	vadd.f32 v5, v4  }
0x97: {  	s18 =	sor.u32 s8, s24;
	s12 =	smov.u32 s0;
	s16 =	simm.s32 $0x20;
	v4 =	vld [tilespmem:s17+$0x380]  }
.LBB2_4:
0x98: {  	p0 =	sne.s32 s16, $0x3F0;
	v6 =	vld [tilespmem:s17+$0x400];
	s18 =	sor.u32 $0x380, s18;
	[tilespmem:s12+$0x10180] =	vst v5;
	s12 =	smov.u32 s17  }
0x99: {  	v5 =	vld [tilespmem:s18+$0x100];
	_ =	sdelay $0x3  }
.Ltmp1:
0x9a: {  	s8 =	sadd.s32 $0x80, s8;
	(pc) =	sbr.rel @p0 .LBB2_4-.Ltmp1, $4  }
0x9b: {  	s17 =	sand.u32 $0x70, s16;
	s18 =	sand.u32 $0x1C00, s8;
	v4 =	vadd.f32 v4, v3;
	v5 =	vadd.f32 v5, v6  }
0x9c: {  	s17 =	sor.u32 s17, s18  }
0x9d: {  	v3 =	vld [tilespmem:s17+$0x300];
	v5 =	vadd.f32 v5, v4  }
0x9e: {  	s18 =	sor.u32 s8, s16;
	s16 =	sadd.s32 $0x10, s16;
	v4 =	vld [tilespmem:s17+$0x380]  }
0x9f: {  	v6 =	vld [tilespmem:s17+$0x400];
	s8 =	sor.u32 $0x380, s18;
	[tilespmem:s12+$0x10180] =	vst v5  }
0xa0: {  	v5 =	vld [tilespmem:s8+$0x100];
	_ =	sdelay $0x4  }
0xa1: {  	v3 =	vadd.f32 v4, v3;
	v4 =	vadd.f32 v5, v6;
	_ =	sdelay $0x1  }
0xa2: {  	v3 =	vadd.f32 v4, v3;
	_ =	sdelay $0x1  }
0xa3: {  	[tilespmem:s17+$0x10180] =	vst v3  }
0xa4: {  	v6 =	vld [tilespmem:s0+$0x2100]  }
0xa5: {  	v7 =	vld [tilespmem:s0+$0x2180]  }
0xa6: {  	v8 =	vld [tilespmem:s0+$0x2200]  }
0xa7: {  	s24 =	simm.s32 $0x80;
	v9 =	vld [tilespmem:s0+$0x2280]  }
0xa8: {  	s8 =	sand.u32 $0x1C00, s24  }
0xa9: {  	s1 =	sor.u32 s1, s8  }
0xaa: {  	v3 =	vld [tilespmem:s1+$0x2100]  }
0xab: {  	v5 =	vld [tilespmem:s1+$0x2180]  }
0xac: {  	v4 =	vld [tilespmem:s1+$0x2200];
	v7 =	vadd.f32 v7, v6;
	v8 =	vadd.f32 v9, v8  }
0xad: {  	s12 =	simm.s32 $0x100;
	s8 =	simm.s32 $0x20;
	v6 =	vld [tilespmem:s1+$0x2280]  }
.LBB2_6:
0xae: {  	s16 =	sand.u32 $0x70, s8;
	s17 =	sand.u32 $0x1C00, s12;
	v9 =	vadd.f32 v8, v7;
	p0 =	sne.s32 s8, $0x3F0  }
.Ltmp2:
0xaf: {  	s16 =	sor.u32 s16, s17;
	v8 =	vmov v3;
	(pc) =	sbr.rel @p0 .LBB2_6-.Ltmp2, $4  }
0xb0: {  	v3 =	vld [tilespmem:s16+$0x2100];
	[tilespmem:s0+$0x10200] =	vst v9;
	v7 =	vmov v5;
	s0 =	smov.u32 s1;
	s1 =	smov.u32 s16  }
0xb1: {  	s8 =	sadd.s32 $0x10, s8;
	v5 =	vld [tilespmem:s1+$0x2180]  }
0xb2: {  	v7 =	vadd.f32 v7, v8;
	v8 =	vadd.f32 v6, v4;
	v4 =	vld [tilespmem:s1+$0x2200]  }
0xb3: {  	s12 =	sadd.s32 $0x80, s12;
	v6 =	vld [tilespmem:s1+$0x2280]  }
0xb4: {  	_ =	sdelay $0x3  }
0xb5: {  	v3 =	vadd.f32 v5, v3;
	v4 =	vadd.f32 v6, v4  }
0xb6: {  	v5 =	vadd.f32 v8, v7  }
0xb7: {  	s8 =	simm.s32 $0x0;
	v3 =	vadd.f32 v4, v3  }
0xb8: {  	s22 =	sand.u32 $0x70, s8;
	s8 =	sand.u32 $0x1C00, s8;
	[tilespmem:s0+$0x10200] =	vst v5  }
0xb9: {  	s0 =	sor.u32 s22, s8;
	[tilespmem:s1+$0x10200] =	vst v3  }
0xba: {  	v6 =	vld [tilespmem:s0+$0x2300]  }
0xbb: {  	v7 =	vld [tilespmem:s0+$0x2380]  }
0xbc: {  	v8 =	vld [tilespmem:s0+$0x2400]  }
0xbd: {  	s23 =	simm.s32 $0x10;
	s24 =	simm.s32 $0x80;
	v9 =	vld [tilespmem:s0+$0x2480]  }
0xbe: {  	s8 =	sand.u32 $0x1C00, s24;
	s1 =	sand.u32 $0x70, s23  }
0xbf: {  	s1 =	sor.u32 s1, s8  }
0xc0: {  	v3 =	vld [tilespmem:s1+$0x2300]  }
0xc1: {  	v5 =	vld [tilespmem:s1+$0x2380]  }
0xc2: {  	s17 =	simm.s32 $0x100;
	v4 =	vld [tilespmem:s1+$0x2400];
	v7 =	vadd.f32 v7, v6;
	v8 =	vadd.f32 v9, v8  }
0xc3: {  	s16 =	smov.u32 s0;
	s8 =	simm.s32 $0x20;
	s12 =	smov.u32 s1;
	v6 =	vld [tilespmem:s1+$0x2480]  }
.LBB2_8:
0xc4: {  	s18 =	sand.u32 $0x70, s8;
	s19 =	sand.u32 $0x1C00, s17;
	v9 =	vadd.f32 v8, v7;
	p0 =	sne.s32 s8, $0x3F0  }
.Ltmp3:
0xc5: {  	s18 =	sor.u32 s18, s19;
	v8 =	vmov v3;
	(pc) =	sbr.rel @p0 .LBB2_8-.Ltmp3, $4  }
0xc6: {  	v3 =	vld [tilespmem:s18+$0x2300];
	[tilespmem:s16+$0x10280] =	vst v9;
	v7 =	vmov v5;
	s16 =	smov.u32 s12;
	s12 =	smov.u32 s18  }
0xc7: {  	s8 =	sadd.s32 $0x10, s8;
	v5 =	vld [tilespmem:s12+$0x2380]  }
0xc8: {  	v7 =	vadd.f32 v7, v8;
	v8 =	vadd.f32 v6, v4;
	v4 =	vld [tilespmem:s12+$0x2400]  }
0xc9: {  	s17 =	sadd.s32 $0x80, s17;
	v6 =	vld [tilespmem:s12+$0x2480]  }
0xca: {  	_ =	sdelay $0x3  }
0xcb: {  	v3 =	vadd.f32 v5, v3;
	v4 =	vadd.f32 v6, v4  }
0xcc: {  	v5 =	vadd.f32 v8, v7  }
0xcd: {  	v3 =	vadd.f32 v4, v3  }
0xce: {  	[tilespmem:s16+$0x10280] =	vst v5  }
0xcf: {  	[tilespmem:s12+$0x10280] =	vst v3  }
0xd0: {  	v6 =	vld [tilespmem:s0+$0x4100]  }
0xd1: {  	v7 =	vld [tilespmem:s0+$0x4180]  }
0xd2: {  	v8 =	vld [tilespmem:s0+$0x4200]  }
0xd3: {  	v9 =	vld [tilespmem:s0+$0x4280];
	_ =	sdelay $0x2  }
0xd4: {  	v3 =	vld [tilespmem:s1+$0x4100]  }
0xd5: {  	v5 =	vld [tilespmem:s1+$0x4180]  }
0xd6: {  	v4 =	vld [tilespmem:s1+$0x4200];
	v7 =	vadd.f32 v7, v6;
	v8 =	vadd.f32 v9, v8  }
0xd7: {  	s8 =	simm.s32 $0x20;
	s12 =	simm.s32 $0x100;
	v6 =	vld [tilespmem:s1+$0x4280]  }
.LBB2_10:
0xd8: {  	s16 =	sand.u32 $0x70, s8;
	s17 =	sand.u32 $0x1C00, s12;
	v9 =	vadd.f32 v8, v7;
	p0 =	sne.s32 s8, $0x3F0  }
.Ltmp4:
0xd9: {  	s16 =	sor.u32 s16, s17;
	v8 =	vmov v3;
	(pc) =	sbr.rel @p0 .LBB2_10-.Ltmp4, $4  }
0xda: {  	v3 =	vld [tilespmem:s16+$0x4100];
	[tilespmem:s0+$0x10300] =	vst v9;
	v7 =	vmov v5;
	s0 =	smov.u32 s1;
	s1 =	smov.u32 s16  }
0xdb: {  	s8 =	sadd.s32 $0x10, s8;
	v5 =	vld [tilespmem:s1+$0x4180]  }
0xdc: {  	v7 =	vadd.f32 v7, v8;
	v8 =	vadd.f32 v6, v4;
	v4 =	vld [tilespmem:s1+$0x4200]  }
0xdd: {  	s12 =	sadd.s32 $0x80, s12;
	v6 =	vld [tilespmem:s1+$0x4280]  }
0xde: {  	_ =	sdelay $0x3  }
0xdf: {  	v3 =	vadd.f32 v5, v3;
	v4 =	vadd.f32 v6, v4  }
0xe0: {  	v5 =	vadd.f32 v8, v7  }
0xe1: {  	s8 =	simm.s32 $0x0;
	v3 =	vadd.f32 v4, v3  }
0xe2: {  	s22 =	sand.u32 $0x70, s8;
	s8 =	sand.u32 $0x1C00, s8;
	[tilespmem:s0+$0x10300] =	vst v5  }
0xe3: {  	s0 =	sor.u32 s22, s8;
	[tilespmem:s1+$0x10300] =	vst v3  }
0xe4: {  	v6 =	vld [tilespmem:s0+$0x4300]  }
0xe5: {  	v7 =	vld [tilespmem:s0+$0x4380]  }
0xe6: {  	v8 =	vld [tilespmem:s0+$0x4400]  }
0xe7: {  	s23 =	simm.s32 $0x10;
	s24 =	simm.s32 $0x80;
	v9 =	vld [tilespmem:s0+$0x4480]  }
0xe8: {  	s8 =	sand.u32 $0x1C00, s24;
	s1 =	sand.u32 $0x70, s23  }
0xe9: {  	s1 =	sor.u32 s1, s8  }
0xea: {  	v3 =	vld [tilespmem:s1+$0x4300]  }
0xeb: {  	v5 =	vld [tilespmem:s1+$0x4380]  }
0xec: {  	s17 =	simm.s32 $0x100;
	v4 =	vld [tilespmem:s1+$0x4400];
	v7 =	vadd.f32 v7, v6;
	v8 =	vadd.f32 v9, v8  }
0xed: {  	s16 =	smov.u32 s0;
	s8 =	simm.s32 $0x20;
	s12 =	smov.u32 s1;
	v6 =	vld [tilespmem:s1+$0x4480]  }
.LBB2_12:
0xee: {  	s18 =	sand.u32 $0x70, s8;
	s19 =	sand.u32 $0x1C00, s17;
	v9 =	vadd.f32 v8, v7;
	p0 =	sne.s32 s8, $0x3F0  }
.Ltmp5:
0xef: {  	s18 =	sor.u32 s18, s19;
	v8 =	vmov v3;
	(pc) =	sbr.rel @p0 .LBB2_12-.Ltmp5, $4  }
0xf0: {  	v3 =	vld [tilespmem:s18+$0x4300];
	[tilespmem:s16+$0x10380] =	vst v9;
	v7 =	vmov v5;
	s16 =	smov.u32 s12;
	s12 =	smov.u32 s18  }
0xf1: {  	s8 =	sadd.s32 $0x10, s8;
	v5 =	vld [tilespmem:s12+$0x4380]  }
0xf2: {  	v7 =	vadd.f32 v7, v8;
	v8 =	vadd.f32 v6, v4;
	v4 =	vld [tilespmem:s12+$0x4400]  }
0xf3: {  	s17 =	sadd.s32 $0x80, s17;
	v6 =	vld [tilespmem:s12+$0x4480]  }
0xf4: {  	_ =	sdelay $0x3  }
0xf5: {  	v3 =	vadd.f32 v5, v3;
	v4 =	vadd.f32 v6, v4  }
0xf6: {  	v5 =	vadd.f32 v8, v7  }
0xf7: {  	v3 =	vadd.f32 v4, v3  }
0xf8: {  	[tilespmem:s16+$0x10380] =	vst v5  }
0xf9: {  	[tilespmem:s12+$0x10380] =	vst v3  }
0xfa: {  	v6 =	vld [tilespmem:s0+$0x6100]  }
0xfb: {  	v7 =	vld [tilespmem:s0+$0x6180]  }
0xfc: {  	v8 =	vld [tilespmem:s0+$0x6200]  }
0xfd: {  	v9 =	vld [tilespmem:s0+$0x6280];
	_ =	sdelay $0x2  }
0xfe: {  	v3 =	vld [tilespmem:s1+$0x6100]  }
0xff: {  	v5 =	vld [tilespmem:s1+$0x6180]  }
0x100: {  	v4 =	vld [tilespmem:s1+$0x6200];
	v7 =	vadd.f32 v7, v6;
	v8 =	vadd.f32 v9, v8  }
0x101: {  	s8 =	simm.s32 $0x20;
	s12 =	simm.s32 $0x100;
	v6 =	vld [tilespmem:s1+$0x6280]  }
.LBB2_14:
0x102: {  	s16 =	sand.u32 $0x70, s8;
	s17 =	sand.u32 $0x1C00, s12;
	v9 =	vadd.f32 v8, v7;
	p0 =	sne.s32 s8, $0x3F0  }
.Ltmp6:
0x103: {  	s16 =	sor.u32 s16, s17;
	v8 =	vmov v3;
	(pc) =	sbr.rel @p0 .LBB2_14-.Ltmp6, $4  }
0x104: {  	v3 =	vld [tilespmem:s16+$0x6100];
	[tilespmem:s0+$0x10400] =	vst v9;
	v7 =	vmov v5;
	s0 =	smov.u32 s1;
	s1 =	smov.u32 s16  }
0x105: {  	s8 =	sadd.s32 $0x10, s8;
	v5 =	vld [tilespmem:s1+$0x6180]  }
0x106: {  	v7 =	vadd.f32 v7, v8;
	v8 =	vadd.f32 v6, v4;
	v4 =	vld [tilespmem:s1+$0x6200]  }
0x107: {  	s12 =	sadd.s32 $0x80, s12;
	v6 =	vld [tilespmem:s1+$0x6280]  }
0x108: {  	_ =	sdelay $0x3  }
0x109: {  	v3 =	vadd.f32 v5, v3;
	v4 =	vadd.f32 v6, v4  }
0x10a: {  	v5 =	vadd.f32 v8, v7  }
0x10b: {  	s8 =	simm.s32 $0x0;
	v3 =	vadd.f32 v4, v3  }
0x10c: {  	s24 =	sand.u32 $0x70, s8;
	s12 =	sand.u32 $0x1C00, s8;
	[tilespmem:s0+$0x10400] =	vst v5  }
0x10d: {  	s12 =	sor.u32 s24, s12;
	[tilespmem:s1+$0x10400] =	vst v3  }
0x10e: {  	v3 =	vld [tilespmem:s12+$0x6380]  }
0x10f: {  	s0 =	simm.s32 $0x0;
	s1 =	simm.s32 $0x10;
	v4 =	vld [tilespmem:s12+$0x6300]  }
.LBB2_16:
0x110: {  	p0 =	sne.s32 s1, $0x3F0;
	v5 =	vld [tilespmem:s12+$0x6400]  }
0x111: {  	v6 =	vld [tilespmem:s12+$0x6480];
	_ =	sdelay $0x4  }
0x112: {  	v3 =	vadd.f32 v3, v4;
	v4 =	vadd.f32 v6, v5;
	_ =	sdelay $0x1  }
.Ltmp7:
0x113: {  	s8 =	sor.u32 s0, s8;
	s0 =	sadd.s32 $0x80, s0;
	v3 =	vadd.f32 v4, v3;
	(pc) =	sbr.rel @p0 .LBB2_16-.Ltmp7, $4  }
0x114: {  	s12 =	sand.u32 $0x70, s1;
	s16 =	sand.u32 $0x1C00, s0;
	s8 =	sor.u32 $0x380, s8  }
0x115: {  	s12 =	sor.u32 s12, s16;
	[tilespmem:s8+$0x10100] =	vst v3;
	s8 =	smov.u32 s1  }
0x116: {  	v3 =	vld [tilespmem:s12+$0x6380]  }
0x117: {  	s1 =	sadd.s32 $0x10, s1;
	v4 =	vld [tilespmem:s12+$0x6300]  }
0x118: {  	v5 =	vld [tilespmem:s12+$0x6400]  }
0x119: {  	v6 =	vld [tilespmem:s12+$0x6480];
	_ =	sdelay $0x4  }
0x11a: {  	v3 =	vadd.f32 v3, v4;
	v4 =	vadd.f32 v6, v5;
	_ =	sdelay $0x1  }
0x11b: {  	s0 =	sor.u32 s0, s8;
	v3 =	vadd.f32 v4, v3  }
0x11c: {  	s0 =	sor.u32 $0x380, s0  }
0x11d: {  	s1 =	simm.s32 $0x0;
	s19 =	rddreg [dreg:$0x4];
	s2 =	simm.s32 $0x10100;
	[tilespmem:s0+$0x10100] =	vst v3  }
0x11e: {  	[hbm4b:s19+s1] =	stream.linear.scatter [tilespmem:s2], [sflag:$0x3], $0x2000, $0x38;
	[tilespmem:$0x14100] =	vst v63  }
0x11f: {  	_ =	swait.ge [sflag:s28], $0x8000  }
0x120: {  	[sflag:s28] =	ssyncset.done $0x0  }
0x121: {  	[sflag:s28] =	ssyncadd.s32 $0xFFFF8000  }
0x122: {  	v3 =	vld [tilespmem:$0x80];
	_ =	sdelay $0x4  }
0x123: {  	v4 =	vshll.u32 v3, $0x3  }
0x124: {  	v3 =	vand.u32 $0x7, v3;
	v4 =	vand.u32 $0xFFFFFFC0, v4  }
0x125: {  	v3 =	vor.u32 v3, v4  }
0x126: {  	v4 =	vperm.xlane v3, v0;
	_ =	sdelay $0x1  }
0x127: {  	v4 =	vadd.s32 v1, v4;
	_ =	sdelay $0x3  }
0x128: {  	s20 =	simm.s32 $0x100  }
0x129: {  	[tilespmem:s20], [sflag:$0x1] =	stream.indirect_vreg.gather [hbm4b:s3+s1], $0x80, v4, vm0, $0xb8;
	[tilespmem:$0x14100] =	vst v63  }
0x12a: {  	s21 =	simm.s32 $0x900;
	v3 =	vperm.xlane v3, v2  }
0x12b: {  	[tilespmem:s21], [sflag:$0x1] =	stream.indirect_vreg.gather [hbm4b:s9+s1], $0x80, v4, vm0, $0xb8;
	[tilespmem:$0x14100] =	vst v63  }
0x12c: {  	s22 =	simm.s32 $0x1100;
	v3 =	vadd.s32 v1, v3  }
0x12d: {  	[tilespmem:s22], [sflag:$0x1] =	stream.indirect_vreg.gather [hbm4b:s10+s1], $0x80, v4, vm0, $0xb8;
	[tilespmem:$0x14100] =	vst v63  }
0x12e: {  	s23 =	simm.s32 $0x1900  }
0x12f: {  	[tilespmem:s23], [sflag:$0x1] =	stream.indirect_vreg.gather [hbm4b:s11+s1], $0x80, v4, vm0, $0xb8;
	[tilespmem:$0x14100] =	vst v63  }
0x130: {  	s24 =	simm.s32 $0x2100  }
0x131: {  	[tilespmem:s24], [sflag:$0x1] =	stream.indirect_vreg.gather [hbm4b:s3+s1], $0x80, v3, vm0, $0xb8;
	[tilespmem:$0x14100] =	vst v63  }
0x132: {  	s2 =	simm.s32 $0x2900  }
0x133: {  	[tilespmem:s2], [sflag:$0x1] =	stream.indirect_vreg.gather [hbm4b:s9+s1], $0x80, v3, vm0, $0xb8;
	[tilespmem:$0x14100] =	vst v63  }
0x134: {  	s5 =	simm.s32 $0x3100  }
0x135: {  	[tilespmem:s5], [sflag:$0x1] =	stream.indirect_vreg.gather [hbm4b:s10+s1], $0x80, v3, vm0, $0xb8;
	[tilespmem:$0x14100] =	vst v63  }
0x136: {  	s7 =	simm.s32 $0x3900  }
0x137: {  	[tilespmem:s7], [sflag:$0x1] =	stream.indirect_vreg.gather [hbm4b:s11+s1], $0x80, v3, vm0, $0xb8;
	[tilespmem:$0x14100] =	vst v63  }
0x138: {  	v3 =	vld [tilespmem:$0x90];
	_ =	sdelay $0x4  }
0x139: {  	v4 =	vshll.u32 v3, $0x3  }
0x13a: {  	v3 =	vand.u32 $0x7, v3;
	v4 =	vand.u32 $0xFFFFFFC0, v4  }
0x13b: {  	v3 =	vor.u32 v3, v4  }
0x13c: {  	v4 =	vperm.xlane v3, v0;
	_ =	sdelay $0x1  }
0x13d: {  	v4 =	vadd.s32 v1, v4;
	_ =	sdelay $0x3  }
0x13e: {  	s8 =	simm.s32 $0x4100  }
0x13f: {  	[tilespmem:s8], [sflag:$0x1] =	stream.indirect_vreg.gather [hbm4b:s3+s1], $0x80, v4, vm0, $0xb8;
	[tilespmem:$0x14100] =	vst v63  }
0x140: {  	s12 =	simm.s32 $0x4900;
	v3 =	vperm.xlane v3, v2  }
0x141: {  	[tilespmem:s12], [sflag:$0x1] =	stream.indirect_vreg.gather [hbm4b:s9+s1], $0x80, v4, vm0, $0xb8;
	[tilespmem:$0x14100] =	vst v63  }
0x142: {  	s16 =	simm.s32 $0x5100;
	v3 =	vadd.s32 v1, v3  }
0x143: {  	[tilespmem:s16], [sflag:$0x1] =	stream.indirect_vreg.gather [hbm4b:s10+s1], $0x80, v4, vm0, $0xb8;
	[tilespmem:$0x14100] =	vst v63  }
0x144: {  	s17 =	simm.s32 $0x5900  }
0x145: {  	[tilespmem:s17], [sflag:$0x1] =	stream.indirect_vreg.gather [hbm4b:s11+s1], $0x80, v4, vm0, $0xb8;
	[tilespmem:$0x14100] =	vst v63  }
0x146: {  	s18 =	simm.s32 $0x6100  }
0x147: {  	[tilespmem:s18], [sflag:$0x1] =	stream.indirect_vreg.gather [hbm4b:s3+s1], $0x80, v3, vm0, $0xb8;
	[tilespmem:$0x14100] =	vst v63  }
0x148: {  	s19 =	simm.s32 $0x6900  }
0x149: {  	[tilespmem:s19], [sflag:$0x1] =	stream.indirect_vreg.gather [hbm4b:s9+s1], $0x80, v3, vm0, $0xb8;
	[tilespmem:$0x14100] =	vst v63  }
0x14a: {  	s20 =	simm.s32 $0x7100;
	s22 =	sand.u32 $0x70, s1;
	s23 =	sand.u32 $0x1C00, s1  }
0x14b: {  	[tilespmem:s20], [sflag:$0x1] =	stream.indirect_vreg.gather [hbm4b:s10+s1], $0x80, v3, vm0, $0xb8;
	[tilespmem:$0x14100] =	vst v63  }
0x14c: {  	s21 =	simm.s32 $0x7900;
	s0 =	sor.u32 s22, s23  }
0x14d: {  	[tilespmem:s21], [sflag:$0x1] =	stream.indirect_vreg.gather [hbm4b:s11+s1], $0x80, v3, vm0, $0xb8;
	[tilespmem:$0x14100] =	vst v63  }
0x14e: {  	v6 =	vld [tilespmem:s0+$0x8100]  }
0x14f: {  	v7 =	vld [tilespmem:s0+$0x8180]  }
0x150: {  	v8 =	vld [tilespmem:s0+$0x8200]  }
0x151: {  	s8 =	simm.s32 $0x80;
	s16 =	simm.s32 $0x10;
	v9 =	vld [tilespmem:s0+$0x8280]  }
0x152: {  	s24 =	sand.u32 $0x70, s16;
	s17 =	sand.u32 $0x1C00, s8  }
0x153: {  	s12 =	sor.u32 s24, s17  }
0x154: {  	v3 =	vld [tilespmem:s12+$0x8100]  }
0x155: {  	v5 =	vld [tilespmem:s12+$0x8180]  }
0x156: {  	s17 =	simm.s32 $0x20;
	v4 =	vld [tilespmem:s12+$0x8200];
	v7 =	vadd.f32 v7, v6;
	v8 =	vadd.f32 v9, v8  }
0x157: {  	s18 =	smov.u32 s12;
	s19 =	smov.u32 s0;
	s20 =	simm.s32 $0x100;
	v6 =	vld [tilespmem:s12+$0x8280]  }
.LBB2_18:
0x158: {  	s21 =	sand.u32 $0x70, s17;
	s22 =	sand.u32 $0x1C00, s20;
	v9 =	vadd.f32 v8, v7;
	p0 =	sne.s32 s17, $0x3F0  }
.Ltmp8:
0x159: {  	s21 =	sor.u32 s21, s22;
	v8 =	vmov v3;
	(pc) =	sbr.rel @p0 .LBB2_18-.Ltmp8, $4  }
0x15a: {  	v3 =	vld [tilespmem:s21+$0x8100];
	[tilespmem:s19+$0x12100] =	vst v9;
	v7 =	vmov v5;
	s19 =	smov.u32 s18;
	s18 =	smov.u32 s21  }
0x15b: {  	s17 =	sadd.s32 $0x10, s17;
	v5 =	vld [tilespmem:s18+$0x8180]  }
0x15c: {  	v7 =	vadd.f32 v7, v8;
	v8 =	vadd.f32 v6, v4;
	v4 =	vld [tilespmem:s18+$0x8200]  }
0x15d: {  	s20 =	sadd.s32 $0x80, s20;
	v6 =	vld [tilespmem:s18+$0x8280]  }
0x15e: {  	_ =	sdelay $0x3  }
0x15f: {  	v3 =	vadd.f32 v5, v3;
	v4 =	vadd.f32 v6, v4  }
0x160: {  	v5 =	vadd.f32 v8, v7  }
0x161: {  	v3 =	vadd.f32 v4, v3  }
0x162: {  	[tilespmem:s19+$0x12100] =	vst v5  }
0x163: {  	[tilespmem:s18+$0x12100] =	vst v3  }
0x164: {  	v3 =	vld [tilespmem:s0+$0x8300]  }
0x165: {  	s1 =	sor.u32 s1, s1;
	v4 =	vld [tilespmem:s0+$0x8380]  }
0x166: {  	s1 =	sor.u32 $0x380, s1;
	v5 =	vld [tilespmem:s0+$0x8400]  }
0x167: {  	v6 =	vld [tilespmem:s1+$0x8100];
	_ =	sdelay $0x4  }
0x168: {  	v4 =	vadd.f32 v4, v3;
	v5 =	vadd.f32 v6, v5;
	_ =	sdelay $0x1  }
0x169: {  	v3 =	vld [tilespmem:s12+$0x8300];
	v5 =	vadd.f32 v5, v4  }
0x16a: {  	s16 =	sor.u32 s8, s16;
	s1 =	simm.s32 $0x20;
	v4 =	vld [tilespmem:s12+$0x8380]  }
.LBB2_20:
0x16b: {  	p0 =	sne.s32 s1, $0x3F0;
	v6 =	vld [tilespmem:s12+$0x8400];
	s16 =	sor.u32 $0x380, s16;
	[tilespmem:s0+$0x12180] =	vst v5  }
0x16c: {  	s0 =	smov.u32 s12;
	v5 =	vld [tilespmem:s16+$0x8100];
	_ =	sdelay $0x3  }
.Ltmp9:
0x16d: {  	s8 =	sadd.s32 $0x80, s8;
	(pc) =	sbr.rel @p0 .LBB2_20-.Ltmp9, $4  }
0x16e: {  	s12 =	sand.u32 $0x70, s1;
	s16 =	sand.u32 $0x1C00, s8;
	v4 =	vadd.f32 v4, v3;
	v5 =	vadd.f32 v5, v6  }
0x16f: {  	s12 =	sor.u32 s12, s16  }
0x170: {  	v3 =	vld [tilespmem:s12+$0x8300];
	v5 =	vadd.f32 v5, v4  }
0x171: {  	s16 =	sor.u32 s8, s1;
	s1 =	sadd.s32 $0x10, s1;
	v4 =	vld [tilespmem:s12+$0x8380]  }
0x172: {  	v6 =	vld [tilespmem:s12+$0x8400];
	s1 =	sor.u32 $0x380, s16;
	[tilespmem:s0+$0x12180] =	vst v5  }
0x173: {  	v5 =	vld [tilespmem:s1+$0x8100];
	_ =	sdelay $0x4  }
0x174: {  	v3 =	vadd.f32 v4, v3;
	v4 =	vadd.f32 v5, v6;
	_ =	sdelay $0x1  }
0x175: {  	s22 =	simm.s32 $0x0;
	v3 =	vadd.f32 v4, v3  }
0x176: {  	s23 =	sand.u32 $0x70, s22;
	s0 =	sand.u32 $0x1C00, s22  }
0x177: {  	s0 =	sor.u32 s23, s0;
	[tilespmem:s12+$0x12180] =	vst v3  }
0x178: {  	v6 =	vld [tilespmem:s0+$0xA100]  }
0x179: {  	v7 =	vld [tilespmem:s0+$0xA180]  }
0x17a: {  	v8 =	vld [tilespmem:s0+$0xA200]  }
0x17b: {  	s24 =	simm.s32 $0x10;
	s8 =	simm.s32 $0x80;
	v9 =	vld [tilespmem:s0+$0xA280]  }
0x17c: {  	s1 =	sand.u32 $0x70, s24;
	s8 =	sand.u32 $0x1C00, s8  }
0x17d: {  	s1 =	sor.u32 s1, s8  }
0x17e: {  	v3 =	vld [tilespmem:s1+$0xA100]  }
0x17f: {  	v5 =	vld [tilespmem:s1+$0xA180]  }
0x180: {  	s17 =	simm.s32 $0x100;
	v4 =	vld [tilespmem:s1+$0xA200];
	v7 =	vadd.f32 v7, v6;
	v8 =	vadd.f32 v9, v8  }
0x181: {  	s8 =	simm.s32 $0x20;
	s16 =	smov.u32 s0;
	s12 =	smov.u32 s1;
	v6 =	vld [tilespmem:s1+$0xA280]  }
.LBB2_22:
0x182: {  	s18 =	sand.u32 $0x70, s8;
	s19 =	sand.u32 $0x1C00, s17;
	v9 =	vadd.f32 v8, v7;
	p0 =	sne.s32 s8, $0x3F0  }
.Ltmp10:
0x183: {  	s18 =	sor.u32 s18, s19;
	v8 =	vmov v3;
	(pc) =	sbr.rel @p0 .LBB2_22-.Ltmp10, $4  }
0x184: {  	v3 =	vld [tilespmem:s18+$0xA100];
	[tilespmem:s16+$0x12200] =	vst v9;
	v7 =	vmov v5;
	s16 =	smov.u32 s12;
	s12 =	smov.u32 s18  }
0x185: {  	s8 =	sadd.s32 $0x10, s8;
	v5 =	vld [tilespmem:s12+$0xA180]  }
0x186: {  	v7 =	vadd.f32 v7, v8;
	v8 =	vadd.f32 v6, v4;
	v4 =	vld [tilespmem:s12+$0xA200]  }
0x187: {  	s17 =	sadd.s32 $0x80, s17;
	v6 =	vld [tilespmem:s12+$0xA280]  }
0x188: {  	_ =	sdelay $0x3  }
0x189: {  	v3 =	vadd.f32 v5, v3;
	v4 =	vadd.f32 v6, v4  }
0x18a: {  	v5 =	vadd.f32 v8, v7  }
0x18b: {  	v3 =	vadd.f32 v4, v3  }
0x18c: {  	[tilespmem:s16+$0x12200] =	vst v5  }
0x18d: {  	[tilespmem:s12+$0x12200] =	vst v3  }
0x18e: {  	v6 =	vld [tilespmem:s0+$0xA300]  }
0x18f: {  	v7 =	vld [tilespmem:s0+$0xA380]  }
0x190: {  	v8 =	vld [tilespmem:s0+$0xA400]  }
0x191: {  	v9 =	vld [tilespmem:s0+$0xA480];
	_ =	sdelay $0x2  }
0x192: {  	v3 =	vld [tilespmem:s1+$0xA300]  }
0x193: {  	v5 =	vld [tilespmem:s1+$0xA380]  }
0x194: {  	v4 =	vld [tilespmem:s1+$0xA400];
	v7 =	vadd.f32 v7, v6;
	v8 =	vadd.f32 v9, v8  }
0x195: {  	s8 =	simm.s32 $0x20;
	s12 =	simm.s32 $0x100;
	v6 =	vld [tilespmem:s1+$0xA480]  }
.LBB2_24:
0x196: {  	s16 =	sand.u32 $0x70, s8;
	s17 =	sand.u32 $0x1C00, s12;
	v9 =	vadd.f32 v8, v7;
	p0 =	sne.s32 s8, $0x3F0  }
.Ltmp11:
0x197: {  	s16 =	sor.u32 s16, s17;
	v8 =	vmov v3;
	(pc) =	sbr.rel @p0 .LBB2_24-.Ltmp11, $4  }
0x198: {  	v3 =	vld [tilespmem:s16+$0xA300];
	[tilespmem:s0+$0x12280] =	vst v9;
	v7 =	vmov v5;
	s0 =	smov.u32 s1;
	s1 =	smov.u32 s16  }
0x199: {  	s8 =	sadd.s32 $0x10, s8;
	v5 =	vld [tilespmem:s1+$0xA380]  }
0x19a: {  	v7 =	vadd.f32 v7, v8;
	v8 =	vadd.f32 v6, v4;
	v4 =	vld [tilespmem:s1+$0xA400]  }
0x19b: {  	s12 =	sadd.s32 $0x80, s12;
	v6 =	vld [tilespmem:s1+$0xA480]  }
0x19c: {  	_ =	sdelay $0x3  }
0x19d: {  	v3 =	vadd.f32 v5, v3;
	v4 =	vadd.f32 v6, v4  }
0x19e: {  	v5 =	vadd.f32 v8, v7  }
0x19f: {  	s8 =	simm.s32 $0x0;
	v3 =	vadd.f32 v4, v3  }
0x1a0: {  	s22 =	sand.u32 $0x70, s8;
	s8 =	sand.u32 $0x1C00, s8;
	[tilespmem:s0+$0x12280] =	vst v5  }
0x1a1: {  	s0 =	sor.u32 s22, s8;
	[tilespmem:s1+$0x12280] =	vst v3  }
0x1a2: {  	v6 =	vld [tilespmem:s0+$0xC100]  }
0x1a3: {  	v7 =	vld [tilespmem:s0+$0xC180]  }
0x1a4: {  	v8 =	vld [tilespmem:s0+$0xC200]  }
0x1a5: {  	s23 =	simm.s32 $0x10;
	s24 =	simm.s32 $0x80;
	v9 =	vld [tilespmem:s0+$0xC280]  }
0x1a6: {  	s8 =	sand.u32 $0x1C00, s24;
	s1 =	sand.u32 $0x70, s23  }
0x1a7: {  	s1 =	sor.u32 s1, s8  }
0x1a8: {  	v3 =	vld [tilespmem:s1+$0xC100]  }
0x1a9: {  	v5 =	vld [tilespmem:s1+$0xC180]  }
0x1aa: {  	s17 =	simm.s32 $0x100;
	v4 =	vld [tilespmem:s1+$0xC200];
	v7 =	vadd.f32 v7, v6;
	v8 =	vadd.f32 v9, v8  }
0x1ab: {  	s16 =	smov.u32 s0;
	s8 =	simm.s32 $0x20;
	s12 =	smov.u32 s1;
	v6 =	vld [tilespmem:s1+$0xC280]  }
.LBB2_26:
0x1ac: {  	s18 =	sand.u32 $0x70, s8;
	s19 =	sand.u32 $0x1C00, s17;
	v9 =	vadd.f32 v8, v7;
	p0 =	sne.s32 s8, $0x3F0  }
.Ltmp12:
0x1ad: {  	s18 =	sor.u32 s18, s19;
	v8 =	vmov v3;
	(pc) =	sbr.rel @p0 .LBB2_26-.Ltmp12, $4  }
0x1ae: {  	v3 =	vld [tilespmem:s18+$0xC100];
	[tilespmem:s16+$0x12300] =	vst v9;
	v7 =	vmov v5;
	s16 =	smov.u32 s12;
	s12 =	smov.u32 s18  }
0x1af: {  	s8 =	sadd.s32 $0x10, s8;
	v5 =	vld [tilespmem:s12+$0xC180]  }
0x1b0: {  	v7 =	vadd.f32 v7, v8;
	v8 =	vadd.f32 v6, v4;
	v4 =	vld [tilespmem:s12+$0xC200]  }
0x1b1: {  	s17 =	sadd.s32 $0x80, s17;
	v6 =	vld [tilespmem:s12+$0xC280]  }
0x1b2: {  	_ =	sdelay $0x3  }
0x1b3: {  	v3 =	vadd.f32 v5, v3;
	v4 =	vadd.f32 v6, v4  }
0x1b4: {  	v5 =	vadd.f32 v8, v7  }
0x1b5: {  	v3 =	vadd.f32 v4, v3  }
0x1b6: {  	[tilespmem:s16+$0x12300] =	vst v5  }
0x1b7: {  	[tilespmem:s12+$0x12300] =	vst v3  }
0x1b8: {  	v6 =	vld [tilespmem:s0+$0xC300]  }
0x1b9: {  	v7 =	vld [tilespmem:s0+$0xC380]  }
0x1ba: {  	v8 =	vld [tilespmem:s0+$0xC400]  }
0x1bb: {  	v9 =	vld [tilespmem:s0+$0xC480];
	_ =	sdelay $0x2  }
0x1bc: {  	v3 =	vld [tilespmem:s1+$0xC300]  }
0x1bd: {  	v5 =	vld [tilespmem:s1+$0xC380]  }
0x1be: {  	v4 =	vld [tilespmem:s1+$0xC400];
	v7 =	vadd.f32 v7, v6;
	v8 =	vadd.f32 v9, v8  }
0x1bf: {  	s8 =	simm.s32 $0x20;
	s12 =	simm.s32 $0x100;
	v6 =	vld [tilespmem:s1+$0xC480]  }
.LBB2_28:
0x1c0: {  	s16 =	sand.u32 $0x70, s8;
	s17 =	sand.u32 $0x1C00, s12;
	v9 =	vadd.f32 v8, v7;
	p0 =	sne.s32 s8, $0x3F0  }
.Ltmp13:
0x1c1: {  	s16 =	sor.u32 s16, s17;
	v8 =	vmov v3;
	(pc) =	sbr.rel @p0 .LBB2_28-.Ltmp13, $4  }
0x1c2: {  	v3 =	vld [tilespmem:s16+$0xC300];
	[tilespmem:s0+$0x12380] =	vst v9;
	v7 =	vmov v5;
	s0 =	smov.u32 s1;
	s1 =	smov.u32 s16  }
0x1c3: {  	s8 =	sadd.s32 $0x10, s8;
	v5 =	vld [tilespmem:s1+$0xC380]  }
0x1c4: {  	v7 =	vadd.f32 v7, v8;
	v8 =	vadd.f32 v6, v4;
	v4 =	vld [tilespmem:s1+$0xC400]  }
0x1c5: {  	s12 =	sadd.s32 $0x80, s12;
	v6 =	vld [tilespmem:s1+$0xC480]  }
0x1c6: {  	_ =	sdelay $0x3  }
0x1c7: {  	v3 =	vadd.f32 v5, v3;
	v4 =	vadd.f32 v6, v4  }
0x1c8: {  	v5 =	vadd.f32 v8, v7  }
0x1c9: {  	s8 =	simm.s32 $0x0;
	v3 =	vadd.f32 v4, v3  }
0x1ca: {  	s22 =	sand.u32 $0x70, s8;
	s8 =	sand.u32 $0x1C00, s8;
	[tilespmem:s0+$0x12380] =	vst v5  }
0x1cb: {  	s0 =	sor.u32 s22, s8;
	[tilespmem:s1+$0x12380] =	vst v3  }
0x1cc: {  	v6 =	vld [tilespmem:s0+$0xE100]  }
0x1cd: {  	v7 =	vld [tilespmem:s0+$0xE180]  }
0x1ce: {  	v8 =	vld [tilespmem:s0+$0xE200]  }
0x1cf: {  	s23 =	simm.s32 $0x10;
	s24 =	simm.s32 $0x80;
	v9 =	vld [tilespmem:s0+$0xE280]  }
0x1d0: {  	s8 =	sand.u32 $0x1C00, s24;
	s1 =	sand.u32 $0x70, s23  }
0x1d1: {  	s1 =	sor.u32 s1, s8  }
0x1d2: {  	v3 =	vld [tilespmem:s1+$0xE100]  }
0x1d3: {  	v5 =	vld [tilespmem:s1+$0xE180]  }
0x1d4: {  	s17 =	simm.s32 $0x100;
	v4 =	vld [tilespmem:s1+$0xE200];
	v7 =	vadd.f32 v7, v6;
	v8 =	vadd.f32 v9, v8  }
0x1d5: {  	s16 =	smov.u32 s0;
	s8 =	simm.s32 $0x20;
	s12 =	smov.u32 s1;
	v6 =	vld [tilespmem:s1+$0xE280]  }
.LBB2_30:
0x1d6: {  	s18 =	sand.u32 $0x70, s8;
	s19 =	sand.u32 $0x1C00, s17;
	v9 =	vadd.f32 v8, v7;
	p0 =	sne.s32 s8, $0x3F0  }
.Ltmp14:
0x1d7: {  	s18 =	sor.u32 s18, s19;
	v8 =	vmov v3;
	(pc) =	sbr.rel @p0 .LBB2_30-.Ltmp14, $4  }
0x1d8: {  	v3 =	vld [tilespmem:s18+$0xE100];
	[tilespmem:s16+$0x12400] =	vst v9;
	v7 =	vmov v5;
	s16 =	smov.u32 s12;
	s12 =	smov.u32 s18  }
0x1d9: {  	s8 =	sadd.s32 $0x10, s8;
	v5 =	vld [tilespmem:s12+$0xE180]  }
0x1da: {  	v7 =	vadd.f32 v7, v8;
	v8 =	vadd.f32 v6, v4;
	v4 =	vld [tilespmem:s12+$0xE200]  }
0x1db: {  	s17 =	sadd.s32 $0x80, s17;
	v6 =	vld [tilespmem:s12+$0xE280]  }
0x1dc: {  	_ =	sdelay $0x3  }
0x1dd: {  	v3 =	vadd.f32 v5, v3;
	v4 =	vadd.f32 v6, v4  }
0x1de: {  	v5 =	vadd.f32 v8, v7  }
0x1df: {  	v3 =	vadd.f32 v4, v3  }
0x1e0: {  	[tilespmem:s16+$0x12400] =	vst v5  }
0x1e1: {  	[tilespmem:s12+$0x12400] =	vst v3  }
0x1e2: {  	v6 =	vld [tilespmem:s0+$0xE300]  }
0x1e3: {  	v7 =	vld [tilespmem:s0+$0xE380]  }
0x1e4: {  	v8 =	vld [tilespmem:s0+$0xE400]  }
0x1e5: {  	v9 =	vld [tilespmem:s0+$0xE480];
	_ =	sdelay $0x2  }
0x1e6: {  	v3 =	vld [tilespmem:s1+$0xE300]  }
0x1e7: {  	v5 =	vld [tilespmem:s1+$0xE380]  }
0x1e8: {  	v4 =	vld [tilespmem:s1+$0xE400];
	v7 =	vadd.f32 v7, v6;
	v8 =	vadd.f32 v9, v8  }
0x1e9: {  	s8 =	simm.s32 $0x20;
	s12 =	simm.s32 $0x100;
	v6 =	vld [tilespmem:s1+$0xE480]  }
.LBB2_32:
0x1ea: {  	s16 =	sand.u32 $0x70, s8;
	s17 =	sand.u32 $0x1C00, s12;
	v9 =	vadd.f32 v8, v7;
	p0 =	sne.s32 s8, $0x3F0  }
.Ltmp15:
0x1eb: {  	s16 =	sor.u32 s16, s17;
	v8 =	vmov v3;
	(pc) =	sbr.rel @p0 .LBB2_32-.Ltmp15, $4  }
0x1ec: {  	v3 =	vld [tilespmem:s16+$0xE300];
	[tilespmem:s0+$0x12480] =	vst v9;
	v7 =	vmov v5;
	s0 =	smov.u32 s1;
	s1 =	smov.u32 s16  }
0x1ed: {  	s8 =	sadd.s32 $0x10, s8;
	v5 =	vld [tilespmem:s1+$0xE380]  }
0x1ee: {  	v7 =	vadd.f32 v7, v8;
	v8 =	vadd.f32 v6, v4;
	v4 =	vld [tilespmem:s1+$0xE400]  }
0x1ef: {  	s12 =	sadd.s32 $0x80, s12;
	v6 =	vld [tilespmem:s1+$0xE480]  }
0x1f0: {  	_ =	sdelay $0x3  }
0x1f1: {  	v3 =	vadd.f32 v5, v3;
	v4 =	vadd.f32 v6, v4  }
0x1f2: {  	v63 =	vadd.f32 v8, v7  }
0x1f3: {  	v3 =	vadd.f32 v4, v3  }
0x1f4: {  	s24 =	rddreg [dreg:$0x5];
	[tilespmem:s0+$0x12480] =	vst v63  }
0x1f5: {  	s2 =	simm.s32 $0x12100;
	s0 =	simm.s32 $0x0;
	[tilespmem:s1+$0x12480] =	vst v3;
	s1 =	simm.s32 $0x0  }
0x1f6: {  	[hbm4b:s24+s0] =	stream.linear.scatter [tilespmem:s2], [sflag:$0x4], $0x2000, $0x38;
	[tilespmem:$0x14100] =	vst v63  }
.LBB2_34:
0x1f7: {  	s8 =	sshll.u32 s1, $0x6;
	s2 =	rddreg [dreg:$0x6]  }
0x1f8: {  	s12 =	sadd.s32 s8, s2  }
0x1f9: {  	s12 =	sshrl.u32 s12, $0x3  }
0x1fa: {  	s18 =	simm.s32 $0x5;
	s12 =	sadd.s32 s25, s12  }
0x1fb: {  	[tilespmem:s0], [sflag:$0x5] =	stream.linear.gather [hbm4b:s12+s0], $0x20, $0x38;
	[tilespmem:$0x14100] =	vst v63  }
0x1fc: {  	_ =	swait.ge [sflag:s18], $0x20  }
0x1fd: {  	[sflag:s18] =	ssyncset.done $0x0  }
0x1fe: {  	[sflag:s18] =	ssyncadd.s32 $0xFFFFFFE0  }
0x1ff: {  	_ =	swait.ge [sflag:s26], $0x8000  }
0x200: {  	[sflag:s26] =	ssyncset.done $0x0  }
0x201: {  	[sflag:s26] =	ssyncadd.s32 $0xFFFF8000  }
0x202: {  	v3 =	vld [tilespmem:$0x80];
	_ =	sdelay $0x4  }
0x203: {  	v4 =	vshll.u32 v3, $0x3  }
0x204: {  	v3 =	vand.u32 $0x7, v3;
	v4 =	vand.u32 $0xFFFFFFC0, v4  }
0x205: {  	v3 =	vor.u32 v3, v4  }
0x206: {  	v4 =	vperm.xlane v3, v0;
	_ =	sdelay $0x1  }
0x207: {  	v4 =	vadd.s32 v1, v4;
	_ =	sdelay $0x3  }
0x208: {  	s19 =	simm.s32 $0x8100  }
0x209: {  	[tilespmem:s19], [sflag:$0x2] =	stream.indirect_vreg.gather [hbm4b:s4+s0], $0x80, v4, vm0, $0xb8;
	[tilespmem:$0x14100] =	vst v63  }
0x20a: {  	s20 =	simm.s32 $0x8900;
	v3 =	vperm.xlane v3, v2  }
0x20b: {  	[tilespmem:s20], [sflag:$0x2] =	stream.indirect_vreg.gather [hbm4b:s13+s0], $0x80, v4, vm0, $0xb8;
	[tilespmem:$0x14100] =	vst v63  }
0x20c: {  	s21 =	simm.s32 $0x9100;
	v3 =	vadd.s32 v1, v3  }
0x20d: {  	[tilespmem:s21], [sflag:$0x2] =	stream.indirect_vreg.gather [hbm4b:s14+s0], $0x80, v4, vm0, $0xb8;
	[tilespmem:$0x14100] =	vst v63  }
0x20e: {  	s22 =	simm.s32 $0x9900  }
0x20f: {  	[tilespmem:s22], [sflag:$0x2] =	stream.indirect_vreg.gather [hbm4b:s15+s0], $0x80, v4, vm0, $0xb8;
	[tilespmem:$0x14100] =	vst v63  }
0x210: {  	s23 =	simm.s32 $0xA100  }
0x211: {  	[tilespmem:s23], [sflag:$0x2] =	stream.indirect_vreg.gather [hbm4b:s4+s0], $0x80, v3, vm0, $0xb8;
	[tilespmem:$0x14100] =	vst v63  }
0x212: {  	s24 =	simm.s32 $0xA900  }
0x213: {  	[tilespmem:s24], [sflag:$0x2] =	stream.indirect_vreg.gather [hbm4b:s13+s0], $0x80, v3, vm0, $0xb8;
	[tilespmem:$0x14100] =	vst v63  }
0x214: {  	s5 =	simm.s32 $0xB100  }
0x215: {  	[tilespmem:s5], [sflag:$0x2] =	stream.indirect_vreg.gather [hbm4b:s14+s0], $0x80, v3, vm0, $0xb8;
	[tilespmem:$0x14100] =	vst v63  }
0x216: {  	s7 =	simm.s32 $0xB900  }
0x217: {  	[tilespmem:s7], [sflag:$0x2] =	stream.indirect_vreg.gather [hbm4b:s15+s0], $0x80, v3, vm0, $0xb8;
	[tilespmem:$0x14100] =	vst v63  }
0x218: {  	v3 =	vld [tilespmem:$0x90];
	_ =	sdelay $0x4  }
0x219: {  	v4 =	vshll.u32 v3, $0x3  }
0x21a: {  	v3 =	vand.u32 $0x7, v3;
	v4 =	vand.u32 $0xFFFFFFC0, v4  }
0x21b: {  	v3 =	vor.u32 v3, v4  }
0x21c: {  	v4 =	vperm.xlane v3, v0;
	_ =	sdelay $0x1  }
0x21d: {  	v4 =	vadd.s32 v1, v4;
	_ =	sdelay $0x3  }
0x21e: {  	s12 =	simm.s32 $0xC100  }
0x21f: {  	[tilespmem:s12], [sflag:$0x2] =	stream.indirect_vreg.gather [hbm4b:s4+s0], $0x80, v4, vm0, $0xb8;
	[tilespmem:$0x14100] =	vst v63  }
0x220: {  	s16 =	simm.s32 $0xC900;
	v3 =	vperm.xlane v3, v2  }
0x221: {  	[tilespmem:s16], [sflag:$0x2] =	stream.indirect_vreg.gather [hbm4b:s13+s0], $0x80, v4, vm0, $0xb8;
	[tilespmem:$0x14100] =	vst v63  }
0x222: {  	s17 =	simm.s32 $0xD100;
	v3 =	vadd.s32 v1, v3  }
0x223: {  	[tilespmem:s17], [sflag:$0x2] =	stream.indirect_vreg.gather [hbm4b:s14+s0], $0x80, v4, vm0, $0xb8;
	[tilespmem:$0x14100] =	vst v63  }
0x224: {  	s18 =	simm.s32 $0xD900  }
0x225: {  	[tilespmem:s18], [sflag:$0x2] =	stream.indirect_vreg.gather [hbm4b:s15+s0], $0x80, v4, vm0, $0xb8;
	[tilespmem:$0x14100] =	vst v63  }
0x226: {  	s19 =	simm.s32 $0xE100  }
0x227: {  	[tilespmem:s19], [sflag:$0x2] =	stream.indirect_vreg.gather [hbm4b:s4+s0], $0x80, v3, vm0, $0xb8;
	[tilespmem:$0x14100] =	vst v63  }
0x228: {  	s20 =	simm.s32 $0xE900  }
0x229: {  	[tilespmem:s20], [sflag:$0x2] =	stream.indirect_vreg.gather [hbm4b:s13+s0], $0x80, v3, vm0, $0xb8;
	[tilespmem:$0x14100] =	vst v63  }
0x22a: {  	s21 =	simm.s32 $0xF100  }
0x22b: {  	[tilespmem:s21], [sflag:$0x2] =	stream.indirect_vreg.gather [hbm4b:s14+s0], $0x80, v3, vm0, $0xb8;
	[tilespmem:$0x14100] =	vst v63  }
0x22c: {  	s22 =	simm.s32 $0xF900  }
0x22d: {  	[tilespmem:s22], [sflag:$0x2] =	stream.indirect_vreg.gather [hbm4b:s15+s0], $0x80, v3, vm0, $0xb8;
	[tilespmem:$0x14100] =	vst v63  }
0x22e: {  	_ =	swait.ge [sflag:s30], $0x2000  }
0x22f: {  	s23 =	sand.u32 $0x70, s0;
	s16 =	sand.u32 $0x1C00, s0;
	[sflag:s30] =	ssyncset.done $0x0  }
0x230: {  	s12 =	sor.u32 s23, s16;
	[sflag:s30] =	ssyncadd.s32 $0xFFFFE000  }
0x231: {  	v6 =	vld [tilespmem:s12+$0x100]  }
0x232: {  	v7 =	vld [tilespmem:s12+$0x180]  }
0x233: {  	v8 =	vld [tilespmem:s12+$0x200]  }
0x234: {  	s24 =	simm.s32 $0x10;
	s17 =	simm.s32 $0x80;
	v9 =	vld [tilespmem:s12+$0x280]  }
0x235: {  	s16 =	sand.u32 $0x70, s24;
	s17 =	sand.u32 $0x1C00, s17  }
0x236: {  	s16 =	sor.u32 s16, s17  }
0x237: {  	v3 =	vld [tilespmem:s16+$0x100]  }
0x238: {  	v5 =	vld [tilespmem:s16+$0x180]  }
0x239: {  	v4 =	vld [tilespmem:s16+$0x200];
	v7 =	vadd.f32 v7, v6;
	v8 =	vadd.f32 v9, v8  }
0x23a: {  	s17 =	simm.s32 $0x20;
	s18 =	simm.s32 $0x100;
	v6 =	vld [tilespmem:s16+$0x280]  }
.LBB2_35:
0x23b: {  	s19 =	sand.u32 $0x70, s17;
	s20 =	sand.u32 $0x1C00, s18;
	v9 =	vadd.f32 v8, v7;
	p0 =	sne.s32 s17, $0x3F0  }
.Ltmp16:
0x23c: {  	s19 =	sor.u32 s19, s20;
	v8 =	vmov v3;
	(pc) =	sbr.rel @p0 .LBB2_35-.Ltmp16, $4  }
0x23d: {  	v3 =	vld [tilespmem:s19+$0x100];
	[tilespmem:s12+$0x10100] =	vst v9;
	v7 =	vmov v5;
	s12 =	smov.u32 s16;
	s16 =	smov.u32 s19  }
0x23e: {  	s17 =	sadd.s32 $0x10, s17;
	v5 =	vld [tilespmem:s16+$0x180]  }
0x23f: {  	v7 =	vadd.f32 v7, v8;
	v8 =	vadd.f32 v6, v4;
	v4 =	vld [tilespmem:s16+$0x200]  }
0x240: {  	s18 =	sadd.s32 $0x80, s18;
	v6 =	vld [tilespmem:s16+$0x280]  }
0x241: {  	_ =	sdelay $0x3  }
0x242: {  	v3 =	vadd.f32 v5, v3;
	v4 =	vadd.f32 v6, v4  }
0x243: {  	v5 =	vadd.f32 v8, v7  }
0x244: {  	s17 =	simm.s32 $0x0;
	v3 =	vadd.f32 v4, v3  }
0x245: {  	s22 =	sand.u32 $0x70, s17;
	s18 =	sand.u32 $0x1C00, s17;
	[tilespmem:s12+$0x10100] =	vst v5  }
0x246: {  	s12 =	sor.u32 s22, s18;
	[tilespmem:s16+$0x10100] =	vst v3  }
0x247: {  	v3 =	vld [tilespmem:s12+$0x300]  }
0x248: {  	s23 =	sor.u32 s17, s17;
	v4 =	vld [tilespmem:s12+$0x380]  }
0x249: {  	s16 =	sor.u32 $0x380, s23;
	v5 =	vld [tilespmem:s12+$0x400]  }
0x24a: {  	v6 =	vld [tilespmem:s16+$0x100];
	_ =	sdelay $0x3  }
0x24b: {  	s24 =	simm.s32 $0x10;
	s17 =	simm.s32 $0x80  }
0x24c: {  	s19 =	sand.u32 $0x1C00, s17;
	s16 =	sand.u32 $0x70, s24;
	v4 =	vadd.f32 v4, v3;
	v5 =	vadd.f32 v6, v5  }
0x24d: {  	s20 =	sor.u32 s16, s19  }
0x24e: {  	v3 =	vld [tilespmem:s20+$0x300];
	v5 =	vadd.f32 v5, v4  }
0x24f: {  	s21 =	sor.u32 s17, s24;
	s18 =	smov.u32 s12;
	s19 =	simm.s32 $0x20;
	v4 =	vld [tilespmem:s20+$0x380]  }
.LBB2_37:
0x250: {  	p0 =	sne.s32 s19, $0x3F0;
	v6 =	vld [tilespmem:s20+$0x400];
	s21 =	sor.u32 $0x380, s21;
	[tilespmem:s18+$0x10180] =	vst v5;
	s18 =	smov.u32 s20  }
0x251: {  	v5 =	vld [tilespmem:s21+$0x100];
	_ =	sdelay $0x3  }
.Ltmp17:
0x252: {  	s17 =	sadd.s32 $0x80, s17;
	(pc) =	sbr.rel @p0 .LBB2_37-.Ltmp17, $4  }
0x253: {  	s20 =	sand.u32 $0x70, s19;
	s21 =	sand.u32 $0x1C00, s17;
	v4 =	vadd.f32 v4, v3;
	v5 =	vadd.f32 v5, v6  }
0x254: {  	s20 =	sor.u32 s20, s21  }
0x255: {  	v3 =	vld [tilespmem:s20+$0x300];
	v5 =	vadd.f32 v5, v4  }
0x256: {  	s21 =	sor.u32 s17, s19;
	s19 =	sadd.s32 $0x10, s19;
	v4 =	vld [tilespmem:s20+$0x380]  }
0x257: {  	v6 =	vld [tilespmem:s20+$0x400];
	s17 =	sor.u32 $0x380, s21;
	[tilespmem:s18+$0x10180] =	vst v5  }
0x258: {  	v5 =	vld [tilespmem:s17+$0x100];
	_ =	sdelay $0x4  }
0x259: {  	v3 =	vadd.f32 v4, v3;
	v4 =	vadd.f32 v5, v6;
	_ =	sdelay $0x1  }
0x25a: {  	v3 =	vadd.f32 v4, v3;
	_ =	sdelay $0x1  }
0x25b: {  	[tilespmem:s20+$0x10180] =	vst v3  }
0x25c: {  	v6 =	vld [tilespmem:s12+$0x2100]  }
0x25d: {  	v7 =	vld [tilespmem:s12+$0x2180]  }
0x25e: {  	v8 =	vld [tilespmem:s12+$0x2200]  }
0x25f: {  	s24 =	simm.s32 $0x80;
	v9 =	vld [tilespmem:s12+$0x2280]  }
0x260: {  	s17 =	sand.u32 $0x1C00, s24  }
0x261: {  	s16 =	sor.u32 s16, s17  }
0x262: {  	v3 =	vld [tilespmem:s16+$0x2100]  }
0x263: {  	v5 =	vld [tilespmem:s16+$0x2180]  }
0x264: {  	v4 =	vld [tilespmem:s16+$0x2200];
	v7 =	vadd.f32 v7, v6;
	v8 =	vadd.f32 v9, v8  }
0x265: {  	s18 =	simm.s32 $0x100;
	s17 =	simm.s32 $0x20;
	v6 =	vld [tilespmem:s16+$0x2280]  }
.LBB2_39:
0x266: {  	s19 =	sand.u32 $0x70, s17;
	s20 =	sand.u32 $0x1C00, s18;
	v9 =	vadd.f32 v8, v7;
	p0 =	sne.s32 s17, $0x3F0  }
.Ltmp18:
0x267: {  	s19 =	sor.u32 s19, s20;
	v8 =	vmov v3;
	(pc) =	sbr.rel @p0 .LBB2_39-.Ltmp18, $4  }
0x268: {  	v3 =	vld [tilespmem:s19+$0x2100];
	[tilespmem:s12+$0x10200] =	vst v9;
	v7 =	vmov v5;
	s12 =	smov.u32 s16;
	s16 =	smov.u32 s19  }
0x269: {  	s17 =	sadd.s32 $0x10, s17;
	v5 =	vld [tilespmem:s16+$0x2180]  }
0x26a: {  	v7 =	vadd.f32 v7, v8;
	v8 =	vadd.f32 v6, v4;
	v4 =	vld [tilespmem:s16+$0x2200]  }
0x26b: {  	s18 =	sadd.s32 $0x80, s18;
	v6 =	vld [tilespmem:s16+$0x2280]  }
0x26c: {  	_ =	sdelay $0x3  }
0x26d: {  	v3 =	vadd.f32 v5, v3;
	v4 =	vadd.f32 v6, v4  }
0x26e: {  	v5 =	vadd.f32 v8, v7  }
0x26f: {  	s17 =	simm.s32 $0x0;
	v3 =	vadd.f32 v4, v3  }
0x270: {  	s22 =	sand.u32 $0x70, s17;
	s17 =	sand.u32 $0x1C00, s17;
	[tilespmem:s12+$0x10200] =	vst v5  }
0x271: {  	s12 =	sor.u32 s22, s17;
	[tilespmem:s16+$0x10200] =	vst v3  }
0x272: {  	v6 =	vld [tilespmem:s12+$0x2300]  }
0x273: {  	v7 =	vld [tilespmem:s12+$0x2380]  }
0x274: {  	v8 =	vld [tilespmem:s12+$0x2400]  }
0x275: {  	s23 =	simm.s32 $0x10;
	s24 =	simm.s32 $0x80;
	v9 =	vld [tilespmem:s12+$0x2480]  }
0x276: {  	s17 =	sand.u32 $0x1C00, s24;
	s16 =	sand.u32 $0x70, s23  }
0x277: {  	s16 =	sor.u32 s16, s17  }
0x278: {  	v3 =	vld [tilespmem:s16+$0x2300]  }
0x279: {  	v5 =	vld [tilespmem:s16+$0x2380]  }
0x27a: {  	s20 =	simm.s32 $0x100;
	v4 =	vld [tilespmem:s16+$0x2400];
	v7 =	vadd.f32 v7, v6;
	v8 =	vadd.f32 v9, v8  }
0x27b: {  	s19 =	smov.u32 s12;
	s17 =	simm.s32 $0x20;
	s18 =	smov.u32 s16;
	v6 =	vld [tilespmem:s16+$0x2480]  }
.LBB2_41:
0x27c: {  	s21 =	sand.u32 $0x70, s17;
	s22 =	sand.u32 $0x1C00, s20;
	v9 =	vadd.f32 v8, v7;
	p0 =	sne.s32 s17, $0x3F0  }
.Ltmp19:
0x27d: {  	s21 =	sor.u32 s21, s22;
	v8 =	vmov v3;
	(pc) =	sbr.rel @p0 .LBB2_41-.Ltmp19, $4  }
0x27e: {  	v3 =	vld [tilespmem:s21+$0x2300];
	[tilespmem:s19+$0x10280] =	vst v9;
	v7 =	vmov v5;
	s19 =	smov.u32 s18;
	s18 =	smov.u32 s21  }
0x27f: {  	s17 =	sadd.s32 $0x10, s17;
	v5 =	vld [tilespmem:s18+$0x2380]  }
0x280: {  	v7 =	vadd.f32 v7, v8;
	v8 =	vadd.f32 v6, v4;
	v4 =	vld [tilespmem:s18+$0x2400]  }
0x281: {  	s20 =	sadd.s32 $0x80, s20;
	v6 =	vld [tilespmem:s18+$0x2480]  }
0x282: {  	_ =	sdelay $0x3  }
0x283: {  	v3 =	vadd.f32 v5, v3;
	v4 =	vadd.f32 v6, v4  }
0x284: {  	v5 =	vadd.f32 v8, v7  }
0x285: {  	v3 =	vadd.f32 v4, v3  }
0x286: {  	[tilespmem:s19+$0x10280] =	vst v5  }
0x287: {  	[tilespmem:s18+$0x10280] =	vst v3  }
0x288: {  	v6 =	vld [tilespmem:s12+$0x4100]  }
0x289: {  	v7 =	vld [tilespmem:s12+$0x4180]  }
0x28a: {  	v8 =	vld [tilespmem:s12+$0x4200]  }
0x28b: {  	v9 =	vld [tilespmem:s12+$0x4280];
	_ =	sdelay $0x2  }
0x28c: {  	v3 =	vld [tilespmem:s16+$0x4100]  }
0x28d: {  	v5 =	vld [tilespmem:s16+$0x4180]  }
0x28e: {  	v4 =	vld [tilespmem:s16+$0x4200];
	v7 =	vadd.f32 v7, v6;
	v8 =	vadd.f32 v9, v8  }
0x28f: {  	s17 =	simm.s32 $0x20;
	s18 =	simm.s32 $0x100;
	v6 =	vld [tilespmem:s16+$0x4280]  }
.LBB2_43:
0x290: {  	s19 =	sand.u32 $0x70, s17;
	s20 =	sand.u32 $0x1C00, s18;
	v9 =	vadd.f32 v8, v7;
	p0 =	sne.s32 s17, $0x3F0  }
.Ltmp20:
0x291: {  	s19 =	sor.u32 s19, s20;
	v8 =	vmov v3;
	(pc) =	sbr.rel @p0 .LBB2_43-.Ltmp20, $4  }
0x292: {  	v3 =	vld [tilespmem:s19+$0x4100];
	[tilespmem:s12+$0x10300] =	vst v9;
	v7 =	vmov v5;
	s12 =	smov.u32 s16;
	s16 =	smov.u32 s19  }
0x293: {  	s17 =	sadd.s32 $0x10, s17;
	v5 =	vld [tilespmem:s16+$0x4180]  }
0x294: {  	v7 =	vadd.f32 v7, v8;
	v8 =	vadd.f32 v6, v4;
	v4 =	vld [tilespmem:s16+$0x4200]  }
0x295: {  	s18 =	sadd.s32 $0x80, s18;
	v6 =	vld [tilespmem:s16+$0x4280]  }
0x296: {  	_ =	sdelay $0x3  }
0x297: {  	v3 =	vadd.f32 v5, v3;
	v4 =	vadd.f32 v6, v4  }
0x298: {  	v5 =	vadd.f32 v8, v7  }
0x299: {  	s17 =	simm.s32 $0x0;
	v3 =	vadd.f32 v4, v3  }
0x29a: {  	s22 =	sand.u32 $0x70, s17;
	s17 =	sand.u32 $0x1C00, s17;
	[tilespmem:s12+$0x10300] =	vst v5  }
0x29b: {  	s12 =	sor.u32 s22, s17;
	[tilespmem:s16+$0x10300] =	vst v3  }
0x29c: {  	v6 =	vld [tilespmem:s12+$0x4300]  }
0x29d: {  	v7 =	vld [tilespmem:s12+$0x4380]  }
0x29e: {  	v8 =	vld [tilespmem:s12+$0x4400]  }
0x29f: {  	s23 =	simm.s32 $0x10;
	s24 =	simm.s32 $0x80;
	v9 =	vld [tilespmem:s12+$0x4480]  }
0x2a0: {  	s17 =	sand.u32 $0x1C00, s24;
	s16 =	sand.u32 $0x70, s23  }
0x2a1: {  	s16 =	sor.u32 s16, s17  }
0x2a2: {  	v3 =	vld [tilespmem:s16+$0x4300]  }
0x2a3: {  	v5 =	vld [tilespmem:s16+$0x4380]  }
0x2a4: {  	s20 =	simm.s32 $0x100;
	v4 =	vld [tilespmem:s16+$0x4400];
	v7 =	vadd.f32 v7, v6;
	v8 =	vadd.f32 v9, v8  }
0x2a5: {  	s19 =	smov.u32 s12;
	s17 =	simm.s32 $0x20;
	s18 =	smov.u32 s16;
	v6 =	vld [tilespmem:s16+$0x4480]  }
.LBB2_45:
0x2a6: {  	s21 =	sand.u32 $0x70, s17;
	s22 =	sand.u32 $0x1C00, s20;
	v9 =	vadd.f32 v8, v7;
	p0 =	sne.s32 s17, $0x3F0  }
.Ltmp21:
0x2a7: {  	s21 =	sor.u32 s21, s22;
	v8 =	vmov v3;
	(pc) =	sbr.rel @p0 .LBB2_45-.Ltmp21, $4  }
0x2a8: {  	v3 =	vld [tilespmem:s21+$0x4300];
	[tilespmem:s19+$0x10380] =	vst v9;
	v7 =	vmov v5;
	s19 =	smov.u32 s18;
	s18 =	smov.u32 s21  }
0x2a9: {  	s17 =	sadd.s32 $0x10, s17;
	v5 =	vld [tilespmem:s18+$0x4380]  }
0x2aa: {  	v7 =	vadd.f32 v7, v8;
	v8 =	vadd.f32 v6, v4;
	v4 =	vld [tilespmem:s18+$0x4400]  }
0x2ab: {  	s20 =	sadd.s32 $0x80, s20;
	v6 =	vld [tilespmem:s18+$0x4480]  }
0x2ac: {  	_ =	sdelay $0x3  }
0x2ad: {  	v3 =	vadd.f32 v5, v3;
	v4 =	vadd.f32 v6, v4  }
0x2ae: {  	v5 =	vadd.f32 v8, v7  }
0x2af: {  	v3 =	vadd.f32 v4, v3  }
0x2b0: {  	[tilespmem:s19+$0x10380] =	vst v5  }
0x2b1: {  	[tilespmem:s18+$0x10380] =	vst v3  }
0x2b2: {  	v6 =	vld [tilespmem:s12+$0x6100]  }
0x2b3: {  	v7 =	vld [tilespmem:s12+$0x6180]  }
0x2b4: {  	v8 =	vld [tilespmem:s12+$0x6200]  }
0x2b5: {  	v9 =	vld [tilespmem:s12+$0x6280];
	_ =	sdelay $0x2  }
0x2b6: {  	v3 =	vld [tilespmem:s16+$0x6100]  }
0x2b7: {  	v5 =	vld [tilespmem:s16+$0x6180]  }
0x2b8: {  	v4 =	vld [tilespmem:s16+$0x6200];
	v7 =	vadd.f32 v7, v6;
	v8 =	vadd.f32 v9, v8  }
0x2b9: {  	s2 =	smov.u32 s6;
	s17 =	simm.s32 $0x20;
	s18 =	simm.s32 $0x100;
	v6 =	vld [tilespmem:s16+$0x6280]  }
.LBB2_47:
0x2ba: {  	s19 =	sand.u32 $0x70, s17;
	s20 =	sand.u32 $0x1C00, s18;
	v9 =	vadd.f32 v8, v7;
	p0 =	sne.s32 s17, $0x3F0  }
.Ltmp22:
0x2bb: {  	s19 =	sor.u32 s19, s20;
	v8 =	vmov v3;
	(pc) =	sbr.rel @p0 .LBB2_47-.Ltmp22, $4  }
0x2bc: {  	v3 =	vld [tilespmem:s19+$0x6100];
	[tilespmem:s12+$0x10400] =	vst v9;
	v7 =	vmov v5;
	s12 =	smov.u32 s16;
	s16 =	smov.u32 s19  }
0x2bd: {  	s17 =	sadd.s32 $0x10, s17;
	v5 =	vld [tilespmem:s16+$0x6180]  }
0x2be: {  	v7 =	vadd.f32 v7, v8;
	v8 =	vadd.f32 v6, v4;
	v4 =	vld [tilespmem:s16+$0x6200]  }
0x2bf: {  	s18 =	sadd.s32 $0x80, s18;
	v6 =	vld [tilespmem:s16+$0x6280]  }
0x2c0: {  	_ =	sdelay $0x3  }
0x2c1: {  	v3 =	vadd.f32 v5, v3;
	v4 =	vadd.f32 v6, v4  }
0x2c2: {  	v5 =	vadd.f32 v8, v7  }
0x2c3: {  	s17 =	simm.s32 $0x0;
	v3 =	vadd.f32 v4, v3  }
0x2c4: {  	s6 =	smov.u32 s25;
	s25 =	sand.u32 $0x70, s17;
	s18 =	sand.u32 $0x1C00, s17;
	[tilespmem:s12+$0x10400] =	vst v5  }
0x2c5: {  	s18 =	sor.u32 s25, s18;
	[tilespmem:s16+$0x10400] =	vst v3  }
0x2c6: {  	v3 =	vld [tilespmem:s18+$0x6380]  }
0x2c7: {  	s12 =	simm.s32 $0x10;
	s16 =	simm.s32 $0x0;
	v4 =	vld [tilespmem:s18+$0x6300]  }
.LBB2_49:
0x2c8: {  	p0 =	sne.s32 s12, $0x3F0;
	v5 =	vld [tilespmem:s18+$0x6400]  }
0x2c9: {  	v6 =	vld [tilespmem:s18+$0x6480];
	_ =	sdelay $0x4  }
0x2ca: {  	v3 =	vadd.f32 v3, v4;
	v4 =	vadd.f32 v6, v5;
	_ =	sdelay $0x1  }
.Ltmp23:
0x2cb: {  	s17 =	sor.u32 s16, s17;
	s16 =	sadd.s32 $0x80, s16;
	v3 =	vadd.f32 v4, v3;
	(pc) =	sbr.rel @p0 .LBB2_49-.Ltmp23, $4  }
0x2cc: {  	s18 =	sand.u32 $0x70, s12;
	s19 =	sand.u32 $0x1C00, s16;
	s17 =	sor.u32 $0x380, s17  }
0x2cd: {  	s18 =	sor.u32 s18, s19;
	[tilespmem:s17+$0x10100] =	vst v3;
	s17 =	smov.u32 s12  }
0x2ce: {  	v3 =	vld [tilespmem:s18+$0x6380]  }
0x2cf: {  	s12 =	sadd.s32 $0x10, s12;
	v4 =	vld [tilespmem:s18+$0x6300]  }
0x2d0: {  	v5 =	vld [tilespmem:s18+$0x6400]  }
0x2d1: {  	v6 =	vld [tilespmem:s18+$0x6480];
	_ =	sdelay $0x4  }
0x2d2: {  	v3 =	vadd.f32 v3, v4;
	v4 =	vadd.f32 v6, v5  }
0x2d3: {  	s12 =	sshll.u32 s1, $0x1;
	s5 =	rddreg [dreg:$0x7]  }
0x2d4: {  	s16 =	sor.u32 s16, s17;
	s20 =	sadd.s32 s12, s5;
	v3 =	vadd.f32 v4, v3  }
0x2d5: {  	s21 =	sor.u32 $0x380, s16;
	s16 =	sshll.u32 s20, $0xA  }
0x2d6: {  	s17 =	simm.s32 $0x0;
	s23 =	simm.s32 $0x10100;
	s22 =	sadd.s32 s29, s16;
	[tilespmem:s21+$0x10100] =	vst v3  }
0x2d7: {  	[hbm4b:s22+s17] =	stream.linear.scatter [tilespmem:s23], [sflag:$0x3], $0x2000, $0x38;
	[tilespmem:$0x14100] =	vst v63  }
0x2d8: {  	_ =	swait.ge [sflag:s28], $0x8000  }
0x2d9: {  	[sflag:s28] =	ssyncset.done $0x0  }
0x2da: {  	[sflag:s28] =	ssyncadd.s32 $0xFFFF8000  }
0x2db: {  	v3 =	vld [tilespmem:$0x0];
	_ =	sdelay $0x4  }
0x2dc: {  	v4 =	vshll.u32 v3, $0x3  }
0x2dd: {  	v3 =	vand.u32 $0x7, v3;
	v4 =	vand.u32 $0xFFFFFFC0, v4  }
0x2de: {  	v3 =	vor.u32 v3, v4  }
0x2df: {  	v4 =	vperm.xlane v3, v0;
	_ =	sdelay $0x1  }
0x2e0: {  	v4 =	vadd.s32 v1, v4;
	_ =	sdelay $0x3  }
0x2e1: {  	s24 =	simm.s32 $0x100  }
0x2e2: {  	[tilespmem:s24], [sflag:$0x1] =	stream.indirect_vreg.gather [hbm4b:s3+s17], $0x80, v4, vm0, $0xb8;
	[tilespmem:$0x14100] =	vst v63  }
0x2e3: {  	s25 =	simm.s32 $0x900;
	v3 =	vperm.xlane v3, v2  }
0x2e4: {  	[tilespmem:s25], [sflag:$0x1] =	stream.indirect_vreg.gather [hbm4b:s9+s17], $0x80, v4, vm0, $0xb8;
	[tilespmem:$0x14100] =	vst v63  }
0x2e5: {  	s18 =	simm.s32 $0x1100;
	v3 =	vadd.s32 v1, v3  }
0x2e6: {  	[tilespmem:s18], [sflag:$0x1] =	stream.indirect_vreg.gather [hbm4b:s10+s17], $0x80, v4, vm0, $0xb8;
	[tilespmem:$0x14100] =	vst v63  }
0x2e7: {  	s19 =	simm.s32 $0x1900  }
0x2e8: {  	[tilespmem:s19], [sflag:$0x1] =	stream.indirect_vreg.gather [hbm4b:s11+s17], $0x80, v4, vm0, $0xb8;
	[tilespmem:$0x14100] =	vst v63  }
0x2e9: {  	s20 =	simm.s32 $0x2100  }
0x2ea: {  	[tilespmem:s20], [sflag:$0x1] =	stream.indirect_vreg.gather [hbm4b:s3+s17], $0x80, v3, vm0, $0xb8;
	[tilespmem:$0x14100] =	vst v63  }
0x2eb: {  	s21 =	simm.s32 $0x2900  }
0x2ec: {  	[tilespmem:s21], [sflag:$0x1] =	stream.indirect_vreg.gather [hbm4b:s9+s17], $0x80, v3, vm0, $0xb8;
	[tilespmem:$0x14100] =	vst v63  }
0x2ed: {  	s22 =	simm.s32 $0x3100  }
0x2ee: {  	[tilespmem:s22], [sflag:$0x1] =	stream.indirect_vreg.gather [hbm4b:s10+s17], $0x80, v3, vm0, $0xb8;
	[tilespmem:$0x14100] =	vst v63  }
0x2ef: {  	s23 =	simm.s32 $0x3900  }
0x2f0: {  	[tilespmem:s23], [sflag:$0x1] =	stream.indirect_vreg.gather [hbm4b:s11+s17], $0x80, v3, vm0, $0xb8;
	[tilespmem:$0x14100] =	vst v63  }
0x2f1: {  	v3 =	vld [tilespmem:$0x10];
	_ =	sdelay $0x4  }
0x2f2: {  	v4 =	vshll.u32 v3, $0x3  }
0x2f3: {  	v3 =	vand.u32 $0x7, v3;
	v4 =	vand.u32 $0xFFFFFFC0, v4  }
0x2f4: {  	v3 =	vor.u32 v3, v4  }
0x2f5: {  	v4 =	vperm.xlane v3, v0;
	_ =	sdelay $0x1  }
0x2f6: {  	v4 =	vadd.s32 v1, v4;
	_ =	sdelay $0x3  }
0x2f7: {  	s24 =	simm.s32 $0x4100  }
0x2f8: {  	[tilespmem:s24], [sflag:$0x1] =	stream.indirect_vreg.gather [hbm4b:s3+s17], $0x80, v4, vm0, $0xb8;
	[tilespmem:$0x14100] =	vst v63  }
0x2f9: {  	s25 =	simm.s32 $0x4900;
	v3 =	vperm.xlane v3, v2  }
0x2fa: {  	[tilespmem:s25], [sflag:$0x1] =	stream.indirect_vreg.gather [hbm4b:s9+s17], $0x80, v4, vm0, $0xb8;
	[tilespmem:$0x14100] =	vst v63  }
0x2fb: {  	s18 =	simm.s32 $0x5100;
	v3 =	vadd.s32 v1, v3  }
0x2fc: {  	[tilespmem:s18], [sflag:$0x1] =	stream.indirect_vreg.gather [hbm4b:s10+s17], $0x80, v4, vm0, $0xb8;
	[tilespmem:$0x14100] =	vst v63  }
0x2fd: {  	s19 =	simm.s32 $0x5900  }
0x2fe: {  	[tilespmem:s19], [sflag:$0x1] =	stream.indirect_vreg.gather [hbm4b:s11+s17], $0x80, v4, vm0, $0xb8;
	[tilespmem:$0x14100] =	vst v63  }
0x2ff: {  	s20 =	simm.s32 $0x6100  }
0x300: {  	[tilespmem:s20], [sflag:$0x1] =	stream.indirect_vreg.gather [hbm4b:s3+s17], $0x80, v3, vm0, $0xb8;
	[tilespmem:$0x14100] =	vst v63  }
0x301: {  	s21 =	simm.s32 $0x6900  }
0x302: {  	[tilespmem:s21], [sflag:$0x1] =	stream.indirect_vreg.gather [hbm4b:s9+s17], $0x80, v3, vm0, $0xb8;
	[tilespmem:$0x14100] =	vst v63  }
0x303: {  	s22 =	simm.s32 $0x7100  }
0x304: {  	[tilespmem:s22], [sflag:$0x1] =	stream.indirect_vreg.gather [hbm4b:s10+s17], $0x80, v3, vm0, $0xb8;
	[tilespmem:$0x14100] =	vst v63  }
0x305: {  	s23 =	simm.s32 $0x7900  }
0x306: {  	[tilespmem:s23], [sflag:$0x1] =	stream.indirect_vreg.gather [hbm4b:s11+s17], $0x80, v3, vm0, $0xb8;
	[tilespmem:$0x14100] =	vst v63  }
0x307: {  	_ =	swait.ge [sflag:s31], $0x2000  }
0x308: {  	s24 =	sand.u32 $0x70, s17;
	s19 =	sand.u32 $0x1C00, s17;
	[sflag:s31] =	ssyncset.done $0x0  }
0x309: {  	s21 =	sor.u32 s24, s19;
	[sflag:s31] =	ssyncadd.s32 $0xFFFFE000  }
0x30a: {  	v6 =	vld [tilespmem:s21+$0x8100]  }
0x30b: {  	v7 =	vld [tilespmem:s21+$0x8180]  }
0x30c: {  	v8 =	vld [tilespmem:s21+$0x8200]  }
0x30d: {  	s18 =	simm.s32 $0x10;
	s24 =	simm.s32 $0x80;
	v9 =	vld [tilespmem:s21+$0x8280]  }
0x30e: {  	s25 =	sand.u32 $0x70, s18;
	s20 =	sand.u32 $0x1C00, s24  }
0x30f: {  	s20 =	sor.u32 s25, s20  }
0x310: {  	v3 =	vld [tilespmem:s20+$0x8100]  }
0x311: {  	v5 =	vld [tilespmem:s20+$0x8180]  }
0x312: {  	s7 =	smov.u32 s29;
	s29 =	simm.s32 $0x100;
	v4 =	vld [tilespmem:s20+$0x8200];
	v7 =	vadd.f32 v7, v6;
	v8 =	vadd.f32 v9, v8  }
0x313: {  	s19 =	simm.s32 $0x20;
	s22 =	smov.u32 s21;
	s25 =	smov.u32 s20;
	v6 =	vld [tilespmem:s20+$0x8280]  }
.LBB2_51:
0x314: {  	s23 =	sand.u32 $0x70, s19;
	s5 =	sand.u32 $0x1C00, s29;
	v9 =	vadd.f32 v8, v7;
	p0 =	sne.s32 s19, $0x3F0  }
.Ltmp24:
0x315: {  	s5 =	sor.u32 s23, s5;
	v8 =	vmov v3;
	(pc) =	sbr.rel @p0 .LBB2_51-.Ltmp24, $4  }
0x316: {  	v3 =	vld [tilespmem:s5+$0x8100];
	[tilespmem:s22+$0x12100] =	vst v9;
	v7 =	vmov v5;
	s22 =	smov.u32 s25;
	s25 =	smov.u32 s5  }
0x317: {  	s19 =	sadd.s32 $0x10, s19;
	v5 =	vld [tilespmem:s25+$0x8180]  }
0x318: {  	v7 =	vadd.f32 v7, v8;
	v8 =	vadd.f32 v6, v4;
	v4 =	vld [tilespmem:s25+$0x8200]  }
0x319: {  	s29 =	sadd.s32 $0x80, s29;
	v6 =	vld [tilespmem:s25+$0x8280]  }
0x31a: {  	_ =	sdelay $0x3  }
0x31b: {  	v3 =	vadd.f32 v5, v3;
	v4 =	vadd.f32 v6, v4  }
0x31c: {  	v5 =	vadd.f32 v8, v7  }
0x31d: {  	v3 =	vadd.f32 v4, v3  }
0x31e: {  	[tilespmem:s22+$0x12100] =	vst v5  }
0x31f: {  	[tilespmem:s25+$0x12100] =	vst v3  }
0x320: {  	v3 =	vld [tilespmem:s21+$0x8300]  }
0x321: {  	s5 =	sor.u32 s17, s17;
	v4 =	vld [tilespmem:s21+$0x8380]  }
0x322: {  	s5 =	sor.u32 $0x380, s5;
	v5 =	vld [tilespmem:s21+$0x8400]  }
0x323: {  	v6 =	vld [tilespmem:s5+$0x8100];
	_ =	sdelay $0x4  }
0x324: {  	v4 =	vadd.f32 v4, v3;
	v5 =	vadd.f32 v6, v5;
	_ =	sdelay $0x1  }
0x325: {  	v3 =	vld [tilespmem:s20+$0x8300];
	v5 =	vadd.f32 v5, v4  }
0x326: {  	s18 =	sor.u32 s24, s18;
	s17 =	simm.s32 $0x20;
	v4 =	vld [tilespmem:s20+$0x8380]  }
.LBB2_53:
0x327: {  	p0 =	sne.s32 s17, $0x3F0;
	v6 =	vld [tilespmem:s20+$0x8400];
	s5 =	sor.u32 $0x380, s18;
	[tilespmem:s21+$0x12180] =	vst v5  }
0x328: {  	s21 =	smov.u32 s20;
	v5 =	vld [tilespmem:s5+$0x8100];
	_ =	sdelay $0x3  }
.Ltmp25:
0x329: {  	s24 =	sadd.s32 $0x80, s24;
	(pc) =	sbr.rel @p0 .LBB2_53-.Ltmp25, $4  }
0x32a: {  	s5 =	sand.u32 $0x70, s17;
	s18 =	sand.u32 $0x1C00, s24;
	v4 =	vadd.f32 v4, v3;
	v5 =	vadd.f32 v5, v6  }
0x32b: {  	s20 =	sor.u32 s5, s18  }
0x32c: {  	v3 =	vld [tilespmem:s20+$0x8300];
	v5 =	vadd.f32 v5, v4  }
0x32d: {  	s18 =	sor.u32 s24, s17;
	s17 =	sadd.s32 $0x10, s17;
	v4 =	vld [tilespmem:s20+$0x8380]  }
0x32e: {  	v6 =	vld [tilespmem:s20+$0x8400];
	s5 =	sor.u32 $0x380, s18;
	[tilespmem:s21+$0x12180] =	vst v5  }
0x32f: {  	v5 =	vld [tilespmem:s5+$0x8100];
	_ =	sdelay $0x4  }
0x330: {  	v3 =	vadd.f32 v4, v3;
	v4 =	vadd.f32 v5, v6;
	_ =	sdelay $0x1  }
0x331: {  	s23 =	simm.s32 $0x0;
	v3 =	vadd.f32 v4, v3  }
0x332: {  	s17 =	sand.u32 $0x70, s23;
	s5 =	sand.u32 $0x1C00, s23  }
0x333: {  	s17 =	sor.u32 s17, s5;
	[tilespmem:s20+$0x12180] =	vst v3  }
0x334: {  	v6 =	vld [tilespmem:s17+$0xA100]  }
0x335: {  	v7 =	vld [tilespmem:s17+$0xA180]  }
0x336: {  	v8 =	vld [tilespmem:s17+$0xA200]  }
0x337: {  	s24 =	simm.s32 $0x10;
	s25 =	simm.s32 $0x80;
	v9 =	vld [tilespmem:s17+$0xA280]  }
0x338: {  	s18 =	sand.u32 $0x1C00, s25;
	s5 =	sand.u32 $0x70, s24  }
0x339: {  	s22 =	sor.u32 s5, s18  }
0x33a: {  	v3 =	vld [tilespmem:s22+$0xA100]  }
0x33b: {  	v5 =	vld [tilespmem:s22+$0xA180]  }
0x33c: {  	s21 =	simm.s32 $0x100;
	s29 =	smov.u32 s7;
	s25 =	smov.u32 s6;
	v4 =	vld [tilespmem:s22+$0xA200];
	v7 =	vadd.f32 v7, v6;
	v8 =	vadd.f32 v9, v8  }
0x33d: {  	s18 =	simm.s32 $0x20;
	s19 =	smov.u32 s22;
	s20 =	smov.u32 s17;
	v6 =	vld [tilespmem:s22+$0xA280]  }
.LBB2_55:
0x33e: {  	s5 =	sand.u32 $0x70, s18;
	s23 =	sand.u32 $0x1C00, s21;
	v9 =	vadd.f32 v8, v7;
	p0 =	sne.s32 s18, $0x3F0  }
.Ltmp26:
0x33f: {  	s5 =	sor.u32 s5, s23;
	v8 =	vmov v3;
	(pc) =	sbr.rel @p0 .LBB2_55-.Ltmp26, $4  }
0x340: {  	v3 =	vld [tilespmem:s5+$0xA100];
	[tilespmem:s20+$0x12200] =	vst v9;
	v7 =	vmov v5;
	s20 =	smov.u32 s19;
	s19 =	smov.u32 s5  }
0x341: {  	s18 =	sadd.s32 $0x10, s18;
	v5 =	vld [tilespmem:s19+$0xA180]  }
0x342: {  	v7 =	vadd.f32 v7, v8;
	v8 =	vadd.f32 v6, v4;
	v4 =	vld [tilespmem:s19+$0xA200]  }
0x343: {  	s21 =	sadd.s32 $0x80, s21;
	v6 =	vld [tilespmem:s19+$0xA280]  }
0x344: {  	_ =	sdelay $0x3  }
0x345: {  	v3 =	vadd.f32 v5, v3;
	v4 =	vadd.f32 v6, v4  }
0x346: {  	v5 =	vadd.f32 v8, v7  }
0x347: {  	v3 =	vadd.f32 v4, v3  }
0x348: {  	[tilespmem:s20+$0x12200] =	vst v5  }
0x349: {  	[tilespmem:s19+$0x12200] =	vst v3  }
0x34a: {  	v6 =	vld [tilespmem:s17+$0xA300]  }
0x34b: {  	v7 =	vld [tilespmem:s17+$0xA380]  }
0x34c: {  	v8 =	vld [tilespmem:s17+$0xA400]  }
0x34d: {  	v9 =	vld [tilespmem:s17+$0xA480];
	_ =	sdelay $0x2  }
0x34e: {  	v3 =	vld [tilespmem:s22+$0xA300]  }
0x34f: {  	v5 =	vld [tilespmem:s22+$0xA380]  }
0x350: {  	v4 =	vld [tilespmem:s22+$0xA400];
	v7 =	vadd.f32 v7, v6;
	v8 =	vadd.f32 v9, v8  }
0x351: {  	s18 =	simm.s32 $0x20;
	s6 =	smov.u32 s2;
	s19 =	simm.s32 $0x100;
	v6 =	vld [tilespmem:s22+$0xA480]  }
.LBB2_57:
0x352: {  	s5 =	sand.u32 $0x70, s18;
	s20 =	sand.u32 $0x1C00, s19;
	v9 =	vadd.f32 v8, v7;
	p0 =	sne.s32 s18, $0x3F0  }
.Ltmp27:
0x353: {  	s5 =	sor.u32 s5, s20;
	v8 =	vmov v3;
	(pc) =	sbr.rel @p0 .LBB2_57-.Ltmp27, $4  }
0x354: {  	v3 =	vld [tilespmem:s5+$0xA300];
	[tilespmem:s17+$0x12280] =	vst v9;
	v7 =	vmov v5;
	s17 =	smov.u32 s22;
	s22 =	smov.u32 s5  }
0x355: {  	s18 =	sadd.s32 $0x10, s18;
	v5 =	vld [tilespmem:s22+$0xA380]  }
0x356: {  	v7 =	vadd.f32 v7, v8;
	v8 =	vadd.f32 v6, v4;
	v4 =	vld [tilespmem:s22+$0xA400]  }
0x357: {  	s19 =	sadd.s32 $0x80, s19;
	v6 =	vld [tilespmem:s22+$0xA480]  }
0x358: {  	_ =	sdelay $0x3  }
0x359: {  	v3 =	vadd.f32 v5, v3;
	v4 =	vadd.f32 v6, v4  }
0x35a: {  	v5 =	vadd.f32 v8, v7  }
0x35b: {  	s5 =	simm.s32 $0x0;
	v3 =	vadd.f32 v4, v3  }
0x35c: {  	s23 =	sand.u32 $0x70, s5;
	s5 =	sand.u32 $0x1C00, s5;
	[tilespmem:s17+$0x12280] =	vst v5  }
0x35d: {  	s17 =	sor.u32 s23, s5;
	[tilespmem:s22+$0x12280] =	vst v3  }
0x35e: {  	v6 =	vld [tilespmem:s17+$0xC100]  }
0x35f: {  	v7 =	vld [tilespmem:s17+$0xC180]  }
0x360: {  	v8 =	vld [tilespmem:s17+$0xC200]  }
0x361: {  	s24 =	simm.s32 $0x10;
	s18 =	simm.s32 $0x80;
	v9 =	vld [tilespmem:s17+$0xC280]  }
0x362: {  	s18 =	sand.u32 $0x1C00, s18;
	s5 =	sand.u32 $0x70, s24  }
0x363: {  	s22 =	sor.u32 s5, s18  }
0x364: {  	v3 =	vld [tilespmem:s22+$0xC100]  }
0x365: {  	v5 =	vld [tilespmem:s22+$0xC180]  }
0x366: {  	s21 =	simm.s32 $0x100;
	s2 =	simm.s32 $0x0;
	v4 =	vld [tilespmem:s22+$0xC200];
	v7 =	vadd.f32 v7, v6;
	v8 =	vadd.f32 v9, v8  }
0x367: {  	s20 =	smov.u32 s17;
	s18 =	simm.s32 $0x20;
	s19 =	smov.u32 s22;
	v6 =	vld [tilespmem:s22+$0xC280]  }
.LBB2_59:
0x368: {  	s5 =	sand.u32 $0x70, s18;
	s23 =	sand.u32 $0x1C00, s21;
	v9 =	vadd.f32 v8, v7;
	p0 =	sne.s32 s18, $0x3F0  }
.Ltmp28:
0x369: {  	s5 =	sor.u32 s5, s23;
	v8 =	vmov v3;
	(pc) =	sbr.rel @p0 .LBB2_59-.Ltmp28, $4  }
0x36a: {  	v3 =	vld [tilespmem:s5+$0xC100];
	[tilespmem:s20+$0x12300] =	vst v9;
	v7 =	vmov v5;
	s20 =	smov.u32 s19;
	s19 =	smov.u32 s5  }
0x36b: {  	s18 =	sadd.s32 $0x10, s18;
	v5 =	vld [tilespmem:s19+$0xC180]  }
0x36c: {  	v7 =	vadd.f32 v7, v8;
	v8 =	vadd.f32 v6, v4;
	v4 =	vld [tilespmem:s19+$0xC200]  }
0x36d: {  	s21 =	sadd.s32 $0x80, s21;
	v6 =	vld [tilespmem:s19+$0xC280]  }
0x36e: {  	_ =	sdelay $0x3  }
0x36f: {  	v3 =	vadd.f32 v5, v3;
	v4 =	vadd.f32 v6, v4  }
0x370: {  	v5 =	vadd.f32 v8, v7  }
0x371: {  	v3 =	vadd.f32 v4, v3  }
0x372: {  	[tilespmem:s20+$0x12300] =	vst v5  }
0x373: {  	[tilespmem:s19+$0x12300] =	vst v3  }
0x374: {  	v6 =	vld [tilespmem:s17+$0xC300]  }
0x375: {  	v7 =	vld [tilespmem:s17+$0xC380]  }
0x376: {  	v8 =	vld [tilespmem:s17+$0xC400]  }
0x377: {  	v9 =	vld [tilespmem:s17+$0xC480];
	_ =	sdelay $0x2  }
0x378: {  	v3 =	vld [tilespmem:s22+$0xC300]  }
0x379: {  	v5 =	vld [tilespmem:s22+$0xC380]  }
0x37a: {  	v4 =	vld [tilespmem:s22+$0xC400];
	v7 =	vadd.f32 v7, v6;
	v8 =	vadd.f32 v9, v8  }
0x37b: {  	s18 =	simm.s32 $0x20;
	s19 =	simm.s32 $0x100;
	v6 =	vld [tilespmem:s22+$0xC480]  }
.LBB2_61:
0x37c: {  	s5 =	sand.u32 $0x70, s18;
	s20 =	sand.u32 $0x1C00, s19;
	v9 =	vadd.f32 v8, v7;
	p0 =	sne.s32 s18, $0x3F0  }
.Ltmp29:
0x37d: {  	s5 =	sor.u32 s5, s20;
	v8 =	vmov v3;
	(pc) =	sbr.rel @p0 .LBB2_61-.Ltmp29, $4  }
0x37e: {  	v3 =	vld [tilespmem:s5+$0xC300];
	[tilespmem:s17+$0x12380] =	vst v9;
	v7 =	vmov v5;
	s17 =	smov.u32 s22;
	s22 =	smov.u32 s5  }
0x37f: {  	s18 =	sadd.s32 $0x10, s18;
	v5 =	vld [tilespmem:s22+$0xC380]  }
0x380: {  	v7 =	vadd.f32 v7, v8;
	v8 =	vadd.f32 v6, v4;
	v4 =	vld [tilespmem:s22+$0xC400]  }
0x381: {  	s19 =	sadd.s32 $0x80, s19;
	v6 =	vld [tilespmem:s22+$0xC480]  }
0x382: {  	_ =	sdelay $0x3  }
0x383: {  	v3 =	vadd.f32 v5, v3;
	v4 =	vadd.f32 v6, v4  }
0x384: {  	v5 =	vadd.f32 v8, v7  }
0x385: {  	s5 =	simm.s32 $0x0;
	v3 =	vadd.f32 v4, v3  }
0x386: {  	s23 =	sand.u32 $0x70, s5;
	s5 =	sand.u32 $0x1C00, s5;
	[tilespmem:s17+$0x12380] =	vst v5  }
0x387: {  	s17 =	sor.u32 s23, s5;
	[tilespmem:s22+$0x12380] =	vst v3  }
0x388: {  	v6 =	vld [tilespmem:s17+$0xE100]  }
0x389: {  	v7 =	vld [tilespmem:s17+$0xE180]  }
0x38a: {  	v8 =	vld [tilespmem:s17+$0xE200]  }
0x38b: {  	s24 =	simm.s32 $0x10;
	s18 =	simm.s32 $0x80;
	v9 =	vld [tilespmem:s17+$0xE280]  }
0x38c: {  	s18 =	sand.u32 $0x1C00, s18;
	s5 =	sand.u32 $0x70, s24  }
0x38d: {  	s22 =	sor.u32 s5, s18  }
0x38e: {  	v3 =	vld [tilespmem:s22+$0xE100]  }
0x38f: {  	v5 =	vld [tilespmem:s22+$0xE180]  }
0x390: {  	s21 =	simm.s32 $0x100;
	v4 =	vld [tilespmem:s22+$0xE200];
	v7 =	vadd.f32 v7, v6;
	v8 =	vadd.f32 v9, v8  }
0x391: {  	s20 =	smov.u32 s17;
	s18 =	simm.s32 $0x20;
	s19 =	smov.u32 s22;
	v6 =	vld [tilespmem:s22+$0xE280]  }
.LBB2_63:
0x392: {  	s5 =	sand.u32 $0x70, s18;
	s23 =	sand.u32 $0x1C00, s21;
	v9 =	vadd.f32 v8, v7;
	p0 =	sne.s32 s18, $0x3F0  }
.Ltmp30:
0x393: {  	s5 =	sor.u32 s5, s23;
	v8 =	vmov v3;
	(pc) =	sbr.rel @p0 .LBB2_63-.Ltmp30, $4  }
0x394: {  	v3 =	vld [tilespmem:s5+$0xE100];
	[tilespmem:s20+$0x12400] =	vst v9;
	v7 =	vmov v5;
	s20 =	smov.u32 s19;
	s19 =	smov.u32 s5  }
0x395: {  	s18 =	sadd.s32 $0x10, s18;
	v5 =	vld [tilespmem:s19+$0xE180]  }
0x396: {  	v7 =	vadd.f32 v7, v8;
	v8 =	vadd.f32 v6, v4;
	v4 =	vld [tilespmem:s19+$0xE200]  }
0x397: {  	s21 =	sadd.s32 $0x80, s21;
	v6 =	vld [tilespmem:s19+$0xE280]  }
0x398: {  	_ =	sdelay $0x3  }
0x399: {  	v3 =	vadd.f32 v5, v3;
	v4 =	vadd.f32 v6, v4  }
0x39a: {  	v5 =	vadd.f32 v8, v7  }
0x39b: {  	v3 =	vadd.f32 v4, v3  }
0x39c: {  	[tilespmem:s20+$0x12400] =	vst v5  }
0x39d: {  	[tilespmem:s19+$0x12400] =	vst v3  }
0x39e: {  	v6 =	vld [tilespmem:s17+$0xE300]  }
0x39f: {  	v7 =	vld [tilespmem:s17+$0xE380]  }
0x3a0: {  	v8 =	vld [tilespmem:s17+$0xE400]  }
0x3a1: {  	v9 =	vld [tilespmem:s17+$0xE480];
	_ =	sdelay $0x2  }
0x3a2: {  	v3 =	vld [tilespmem:s22+$0xE300]  }
0x3a3: {  	v5 =	vld [tilespmem:s22+$0xE380]  }
0x3a4: {  	v4 =	vld [tilespmem:s22+$0xE400];
	v7 =	vadd.f32 v7, v6;
	v8 =	vadd.f32 v9, v8  }
0x3a5: {  	s18 =	simm.s32 $0x20;
	s19 =	simm.s32 $0x100;
	v6 =	vld [tilespmem:s22+$0xE480]  }
.LBB2_65:
0x3a6: {  	s5 =	sand.u32 $0x70, s18;
	s20 =	sand.u32 $0x1C00, s19;
	v9 =	vadd.f32 v8, v7;
	p0 =	sne.s32 s18, $0x3F0  }
.Ltmp31:
0x3a7: {  	s5 =	sor.u32 s5, s20;
	v8 =	vmov v3;
	(pc) =	sbr.rel @p0 .LBB2_65-.Ltmp31, $4  }
0x3a8: {  	v3 =	vld [tilespmem:s5+$0xE300];
	[tilespmem:s17+$0x12480] =	vst v9;
	v7 =	vmov v5;
	s17 =	smov.u32 s22;
	s22 =	smov.u32 s5  }
0x3a9: {  	s18 =	sadd.s32 $0x10, s18;
	v5 =	vld [tilespmem:s22+$0xE380]  }
0x3aa: {  	v7 =	vadd.f32 v7, v8;
	v8 =	vadd.f32 v6, v4;
	v4 =	vld [tilespmem:s22+$0xE400]  }
0x3ab: {  	s19 =	sadd.s32 $0x80, s19;
	v6 =	vld [tilespmem:s22+$0xE480]  }
0x3ac: {  	_ =	sdelay $0x3  }
0x3ad: {  	v3 =	vadd.f32 v5, v3;
	v4 =	vadd.f32 v6, v4  }
0x3ae: {  	v5 =	vadd.f32 v8, v7  }
0x3af: {  	v3 =	vadd.f32 v4, v3  }
0x3b0: {  	[tilespmem:s17+$0x12480] =	vst v5  }
0x3b1: {  	s5 =	sadd.s32 s6, s16;
	s7 =	simm.s32 $0x12100;
	[tilespmem:s22+$0x12480] =	vst v3  }
0x3b2: {  	[hbm4b:s5+s2] =	stream.linear.scatter [tilespmem:s7], [sflag:$0x4], $0x2000, $0x38;
	[tilespmem:$0x14100] =	vst v63  }
0x3b3: {  	p0 =	seq.s32 s1, $0xB;
	s5 =	rddreg [dreg:$0x8]  }
0x3b4: {  	s5 =	sadd.s32 @!p0 s8, s5  }
0x3b5: {  	s5 =	sshrl.u32 @!p0 s5, $0x3  }
0x3b6: {  	s16 =	simm.s32 @!p0 $0x80;
	s8 =	simm.s32 @!p0 $0x0;
	s5 =	sadd.s32 @!p0 s25, s5  }
0x3b7: {  	[tilespmem:s16], [sflag:$0x5] =	stream.linear.gather @!p0 [hbm4b:s5+s8], $0x20, $0x38;
	[tilespmem:$0x14100] =	vst v63  }
0x3b8: {  	s5 =	simm.s32 @!p0 $0x5  }
0x3b9: {  	_ =	swait.ge @!p0 [sflag:s5], $0x20  }
0x3ba: {  	[sflag:s5] =	ssyncset.done @!p0 $0x0  }
0x3bb: {  	[sflag:s5] =	ssyncadd.s32 @!p0 $0xFFFFFFE0  }
0x3bc: {  	_ =	swait.ge [sflag:s26], $0x8000  }
0x3bd: {  	[sflag:s26] =	ssyncset.done $0x0  }
0x3be: {  	[sflag:s26] =	ssyncadd.s32 $0xFFFF8000  }
0x3bf: {  	v3 =	vld [tilespmem:$0x0];
	_ =	sdelay $0x4  }
0x3c0: {  	v4 =	vshll.u32 v3, $0x3  }
0x3c1: {  	v3 =	vand.u32 $0x7, v3;
	v4 =	vand.u32 $0xFFFFFFC0, v4  }
0x3c2: {  	v3 =	vor.u32 v3, v4  }
0x3c3: {  	v4 =	vperm.xlane v3, v0;
	_ =	sdelay $0x1  }
0x3c4: {  	v4 =	vadd.s32 v1, v4;
	_ =	sdelay $0x3  }
0x3c5: {  	s17 =	simm.s32 $0x0;
	s8 =	simm.s32 $0x8100  }
0x3c6: {  	[tilespmem:s8], [sflag:$0x2] =	stream.indirect_vreg.gather [hbm4b:s4+s17], $0x80, v4, vm0, $0xb8;
	[tilespmem:$0x14100] =	vst v63  }
0x3c7: {  	s16 =	simm.s32 $0x8900;
	v3 =	vperm.xlane v3, v2  }
0x3c8: {  	[tilespmem:s16], [sflag:$0x2] =	stream.indirect_vreg.gather [hbm4b:s13+s17], $0x80, v4, vm0, $0xb8;
	[tilespmem:$0x14100] =	vst v63  }
0x3c9: {  	s18 =	simm.s32 $0x9100;
	v3 =	vadd.s32 v1, v3  }
0x3ca: {  	[tilespmem:s18], [sflag:$0x2] =	stream.indirect_vreg.gather [hbm4b:s14+s17], $0x80, v4, vm0, $0xb8;
	[tilespmem:$0x14100] =	vst v63  }
0x3cb: {  	s19 =	simm.s32 $0x9900  }
0x3cc: {  	[tilespmem:s19], [sflag:$0x2] =	stream.indirect_vreg.gather [hbm4b:s15+s17], $0x80, v4, vm0, $0xb8;
	[tilespmem:$0x14100] =	vst v63  }
0x3cd: {  	s20 =	simm.s32 $0xA100  }
0x3ce: {  	[tilespmem:s20], [sflag:$0x2] =	stream.indirect_vreg.gather [hbm4b:s4+s17], $0x80, v3, vm0, $0xb8;
	[tilespmem:$0x14100] =	vst v63  }
0x3cf: {  	s21 =	simm.s32 $0xA900  }
0x3d0: {  	[tilespmem:s21], [sflag:$0x2] =	stream.indirect_vreg.gather [hbm4b:s13+s17], $0x80, v3, vm0, $0xb8;
	[tilespmem:$0x14100] =	vst v63  }
0x3d1: {  	s22 =	simm.s32 $0xB100  }
0x3d2: {  	[tilespmem:s22], [sflag:$0x2] =	stream.indirect_vreg.gather [hbm4b:s14+s17], $0x80, v3, vm0, $0xb8;
	[tilespmem:$0x14100] =	vst v63  }
0x3d3: {  	s23 =	simm.s32 $0xB900  }
0x3d4: {  	[tilespmem:s23], [sflag:$0x2] =	stream.indirect_vreg.gather [hbm4b:s15+s17], $0x80, v3, vm0, $0xb8;
	[tilespmem:$0x14100] =	vst v63  }
0x3d5: {  	v3 =	vld [tilespmem:$0x10];
	_ =	sdelay $0x4  }
0x3d6: {  	v4 =	vshll.u32 v3, $0x3  }
0x3d7: {  	v3 =	vand.u32 $0x7, v3;
	v4 =	vand.u32 $0xFFFFFFC0, v4  }
0x3d8: {  	v3 =	vor.u32 v3, v4  }
0x3d9: {  	v4 =	vperm.xlane v3, v0;
	_ =	sdelay $0x1  }
0x3da: {  	v4 =	vadd.s32 v1, v4;
	_ =	sdelay $0x3  }
0x3db: {  	s24 =	simm.s32 $0xC100  }
0x3dc: {  	[tilespmem:s24], [sflag:$0x2] =	stream.indirect_vreg.gather [hbm4b:s4+s17], $0x80, v4, vm0, $0xb8;
	[tilespmem:$0x14100] =	vst v63  }
0x3dd: {  	s7 =	simm.s32 $0xC900;
	v3 =	vperm.xlane v3, v2  }
0x3de: {  	[tilespmem:s7], [sflag:$0x2] =	stream.indirect_vreg.gather [hbm4b:s13+s17], $0x80, v4, vm0, $0xb8;
	[tilespmem:$0x14100] =	vst v63  }
0x3df: {  	s8 =	simm.s32 $0xD100;
	v3 =	vadd.s32 v1, v3  }
0x3e0: {  	[tilespmem:s8], [sflag:$0x2] =	stream.indirect_vreg.gather [hbm4b:s14+s17], $0x80, v4, vm0, $0xb8;
	[tilespmem:$0x14100] =	vst v63  }
0x3e1: {  	s16 =	simm.s32 $0xD900  }
0x3e2: {  	[tilespmem:s16], [sflag:$0x2] =	stream.indirect_vreg.gather [hbm4b:s15+s17], $0x80, v4, vm0, $0xb8;
	[tilespmem:$0x14100] =	vst v63  }
0x3e3: {  	s18 =	simm.s32 $0xE100  }
0x3e4: {  	[tilespmem:s18], [sflag:$0x2] =	stream.indirect_vreg.gather [hbm4b:s4+s17], $0x80, v3, vm0, $0xb8;
	[tilespmem:$0x14100] =	vst v63  }
0x3e5: {  	s19 =	simm.s32 $0xE900  }
0x3e6: {  	[tilespmem:s19], [sflag:$0x2] =	stream.indirect_vreg.gather [hbm4b:s13+s17], $0x80, v3, vm0, $0xb8;
	[tilespmem:$0x14100] =	vst v63  }
0x3e7: {  	s20 =	simm.s32 $0xF100  }
0x3e8: {  	[tilespmem:s20], [sflag:$0x2] =	stream.indirect_vreg.gather [hbm4b:s14+s17], $0x80, v3, vm0, $0xb8;
	[tilespmem:$0x14100] =	vst v63  }
0x3e9: {  	s21 =	simm.s32 $0xF900  }
0x3ea: {  	[tilespmem:s21], [sflag:$0x2] =	stream.indirect_vreg.gather [hbm4b:s15+s17], $0x80, v3, vm0, $0xb8;
	[tilespmem:$0x14100] =	vst v63  }
0x3eb: {  	_ =	swait.ge [sflag:s30], $0x2000  }
0x3ec: {  	s22 =	sand.u32 $0x70, s17;
	s23 =	sand.u32 $0x1C00, s17;
	[sflag:s30] =	ssyncset.done $0x0  }
0x3ed: {  	s8 =	sor.u32 s22, s23;
	[sflag:s30] =	ssyncadd.s32 $0xFFFFE000  }
0x3ee: {  	v6 =	vld [tilespmem:s8+$0x100]  }
0x3ef: {  	v7 =	vld [tilespmem:s8+$0x180]  }
0x3f0: {  	v8 =	vld [tilespmem:s8+$0x200]  }
0x3f1: {  	s16 =	simm.s32 $0x80;
	s18 =	simm.s32 $0x10;
	v9 =	vld [tilespmem:s8+$0x280]  }
0x3f2: {  	s24 =	sand.u32 $0x70, s18;
	s19 =	sand.u32 $0x1C00, s16  }
0x3f3: {  	s22 =	sor.u32 s24, s19  }
0x3f4: {  	v3 =	vld [tilespmem:s22+$0x100]  }
0x3f5: {  	v5 =	vld [tilespmem:s22+$0x180]  }
0x3f6: {  	s19 =	simm.s32 $0x20;
	v4 =	vld [tilespmem:s22+$0x200];
	v7 =	vadd.f32 v7, v6;
	v8 =	vadd.f32 v9, v8  }
0x3f7: {  	s24 =	simm.s32 $0x100;
	s20 =	smov.u32 s22;
	s21 =	smov.u32 s8;
	v6 =	vld [tilespmem:s22+$0x280]  }
.LBB2_67:
0x3f8: {  	s5 =	sand.u32 $0x70, s19;
	s23 =	sand.u32 $0x1C00, s24;
	v9 =	vadd.f32 v8, v7;
	p1 =	sne.s32 s19, $0x3F0  }
.Ltmp32:
0x3f9: {  	s5 =	sor.u32 s5, s23;
	v8 =	vmov v3;
	(pc) =	sbr.rel @p1 .LBB2_67-.Ltmp32, $4  }
0x3fa: {  	v3 =	vld [tilespmem:s5+$0x100];
	[tilespmem:s21+$0x10100] =	vst v9;
	v7 =	vmov v5;
	s21 =	smov.u32 s20;
	s20 =	smov.u32 s5  }
0x3fb: {  	s19 =	sadd.s32 $0x10, s19;
	v5 =	vld [tilespmem:s20+$0x180]  }
0x3fc: {  	v7 =	vadd.f32 v7, v8;
	v8 =	vadd.f32 v6, v4;
	v4 =	vld [tilespmem:s20+$0x200]  }
0x3fd: {  	s24 =	sadd.s32 $0x80, s24;
	v6 =	vld [tilespmem:s20+$0x280]  }
0x3fe: {  	_ =	sdelay $0x3  }
0x3ff: {  	v3 =	vadd.f32 v5, v3;
	v4 =	vadd.f32 v6, v4  }
0x400: {  	v5 =	vadd.f32 v8, v7  }
0x401: {  	v3 =	vadd.f32 v4, v3  }
0x402: {  	[tilespmem:s21+$0x10100] =	vst v5  }
0x403: {  	[tilespmem:s20+$0x10100] =	vst v3  }
0x404: {  	v3 =	vld [tilespmem:s8+$0x300]  }
0x405: {  	s5 =	sor.u32 s17, s17;
	v4 =	vld [tilespmem:s8+$0x380]  }
0x406: {  	s5 =	sor.u32 $0x380, s5;
	v5 =	vld [tilespmem:s8+$0x400]  }
0x407: {  	v6 =	vld [tilespmem:s5+$0x100];
	_ =	sdelay $0x4  }
0x408: {  	v4 =	vadd.f32 v4, v3;
	v5 =	vadd.f32 v6, v5;
	_ =	sdelay $0x1  }
0x409: {  	v3 =	vld [tilespmem:s22+$0x300];
	v5 =	vadd.f32 v5, v4  }
0x40a: {  	s18 =	sor.u32 s16, s18;
	s17 =	simm.s32 $0x20;
	v4 =	vld [tilespmem:s22+$0x380]  }
.LBB2_69:
0x40b: {  	p1 =	sne.s32 s17, $0x3F0;
	v6 =	vld [tilespmem:s22+$0x400];
	s5 =	sor.u32 $0x380, s18;
	[tilespmem:s8+$0x10180] =	vst v5  }
0x40c: {  	s8 =	smov.u32 s22;
	v5 =	vld [tilespmem:s5+$0x100];
	_ =	sdelay $0x3  }
.Ltmp33:
0x40d: {  	s16 =	sadd.s32 $0x80, s16;
	(pc) =	sbr.rel @p1 .LBB2_69-.Ltmp33, $4  }
0x40e: {  	s5 =	sand.u32 $0x70, s17;
	s18 =	sand.u32 $0x1C00, s16;
	v4 =	vadd.f32 v4, v3;
	v5 =	vadd.f32 v5, v6  }
0x40f: {  	s22 =	sor.u32 s5, s18  }
0x410: {  	v3 =	vld [tilespmem:s22+$0x300];
	v5 =	vadd.f32 v5, v4  }
0x411: {  	s18 =	sor.u32 s16, s17;
	s17 =	sadd.s32 $0x10, s17;
	v4 =	vld [tilespmem:s22+$0x380]  }
0x412: {  	v6 =	vld [tilespmem:s22+$0x400];
	s5 =	sor.u32 $0x380, s18;
	[tilespmem:s8+$0x10180] =	vst v5  }
0x413: {  	v5 =	vld [tilespmem:s5+$0x100];
	_ =	sdelay $0x4  }
0x414: {  	v3 =	vadd.f32 v4, v3;
	v4 =	vadd.f32 v5, v6;
	_ =	sdelay $0x1  }
0x415: {  	s21 =	simm.s32 $0x0;
	v3 =	vadd.f32 v4, v3  }
0x416: {  	s23 =	sand.u32 $0x70, s21;
	s5 =	sand.u32 $0x1C00, s21  }
0x417: {  	s8 =	sor.u32 s23, s5;
	[tilespmem:s22+$0x10180] =	vst v3  }
0x418: {  	v6 =	vld [tilespmem:s8+$0x2100]  }
0x419: {  	v7 =	vld [tilespmem:s8+$0x2180]  }
0x41a: {  	v8 =	vld [tilespmem:s8+$0x2200]  }
0x41b: {  	s24 =	simm.s32 $0x10;
	s16 =	simm.s32 $0x80;
	v9 =	vld [tilespmem:s8+$0x2280]  }
0x41c: {  	s16 =	sand.u32 $0x1C00, s16;
	s5 =	sand.u32 $0x70, s24  }
0x41d: {  	s16 =	sor.u32 s5, s16  }
0x41e: {  	v3 =	vld [tilespmem:s16+$0x2100]  }
0x41f: {  	v5 =	vld [tilespmem:s16+$0x2180]  }
0x420: {  	s17 =	simm.s32 $0x20;
	v4 =	vld [tilespmem:s16+$0x2200];
	v7 =	vadd.f32 v7, v6;
	v8 =	vadd.f32 v9, v8  }
0x421: {  	s20 =	simm.s32 $0x100;
	s19 =	smov.u32 s8;
	s18 =	smov.u32 s16;
	v6 =	vld [tilespmem:s16+$0x2280]  }
.LBB2_71:
0x422: {  	s5 =	sand.u32 $0x70, s17;
	s21 =	sand.u32 $0x1C00, s20;
	v9 =	vadd.f32 v8, v7;
	p1 =	sne.s32 s17, $0x3F0  }
.Ltmp34:
0x423: {  	s5 =	sor.u32 s5, s21;
	v8 =	vmov v3;
	(pc) =	sbr.rel @p1 .LBB2_71-.Ltmp34, $4  }
0x424: {  	v3 =	vld [tilespmem:s5+$0x2100];
	[tilespmem:s19+$0x10200] =	vst v9;
	v7 =	vmov v5;
	s19 =	smov.u32 s18;
	s18 =	smov.u32 s5  }
0x425: {  	s17 =	sadd.s32 $0x10, s17;
	v5 =	vld [tilespmem:s18+$0x2180]  }
0x426: {  	v7 =	vadd.f32 v7, v8;
	v8 =	vadd.f32 v6, v4;
	v4 =	vld [tilespmem:s18+$0x2200]  }
0x427: {  	s20 =	sadd.s32 $0x80, s20;
	v6 =	vld [tilespmem:s18+$0x2280]  }
0x428: {  	_ =	sdelay $0x3  }
0x429: {  	v3 =	vadd.f32 v5, v3;
	v4 =	vadd.f32 v6, v4  }
0x42a: {  	v5 =	vadd.f32 v8, v7  }
0x42b: {  	v3 =	vadd.f32 v4, v3  }
0x42c: {  	[tilespmem:s19+$0x10200] =	vst v5  }
0x42d: {  	[tilespmem:s18+$0x10200] =	vst v3  }
0x42e: {  	v6 =	vld [tilespmem:s8+$0x2300]  }
0x42f: {  	v7 =	vld [tilespmem:s8+$0x2380]  }
0x430: {  	v8 =	vld [tilespmem:s8+$0x2400]  }
0x431: {  	v9 =	vld [tilespmem:s8+$0x2480];
	_ =	sdelay $0x2  }
0x432: {  	v3 =	vld [tilespmem:s16+$0x2300]  }
0x433: {  	v5 =	vld [tilespmem:s16+$0x2380]  }
0x434: {  	v4 =	vld [tilespmem:s16+$0x2400];
	v7 =	vadd.f32 v7, v6;
	v8 =	vadd.f32 v9, v8  }
0x435: {  	s17 =	simm.s32 $0x20;
	s18 =	simm.s32 $0x100;
	v6 =	vld [tilespmem:s16+$0x2480]  }
.LBB2_73:
0x436: {  	s5 =	sand.u32 $0x70, s17;
	s19 =	sand.u32 $0x1C00, s18;
	v9 =	vadd.f32 v8, v7;
	p1 =	sne.s32 s17, $0x3F0  }
.Ltmp35:
0x437: {  	s5 =	sor.u32 s5, s19;
	v8 =	vmov v3;
	(pc) =	sbr.rel @p1 .LBB2_73-.Ltmp35, $4  }
0x438: {  	v3 =	vld [tilespmem:s5+$0x2300];
	[tilespmem:s8+$0x10280] =	vst v9;
	v7 =	vmov v5;
	s8 =	smov.u32 s16;
	s16 =	smov.u32 s5  }
0x439: {  	s17 =	sadd.s32 $0x10, s17;
	v5 =	vld [tilespmem:s16+$0x2380]  }
0x43a: {  	v7 =	vadd.f32 v7, v8;
	v8 =	vadd.f32 v6, v4;
	v4 =	vld [tilespmem:s16+$0x2400]  }
0x43b: {  	s18 =	sadd.s32 $0x80, s18;
	v6 =	vld [tilespmem:s16+$0x2480]  }
0x43c: {  	_ =	sdelay $0x3  }
0x43d: {  	v3 =	vadd.f32 v5, v3;
	v4 =	vadd.f32 v6, v4  }
0x43e: {  	v5 =	vadd.f32 v8, v7  }
0x43f: {  	s5 =	simm.s32 $0x0;
	v3 =	vadd.f32 v4, v3  }
0x440: {  	s22 =	sand.u32 $0x70, s5;
	s5 =	sand.u32 $0x1C00, s5;
	[tilespmem:s8+$0x10280] =	vst v5  }
0x441: {  	s8 =	sor.u32 s22, s5;
	[tilespmem:s16+$0x10280] =	vst v3  }
0x442: {  	v6 =	vld [tilespmem:s8+$0x4100]  }
0x443: {  	v7 =	vld [tilespmem:s8+$0x4180]  }
0x444: {  	v8 =	vld [tilespmem:s8+$0x4200]  }
0x445: {  	s23 =	simm.s32 $0x10;
	s24 =	simm.s32 $0x80;
	v9 =	vld [tilespmem:s8+$0x4280]  }
0x446: {  	s5 =	sand.u32 $0x70, s23;
	s16 =	sand.u32 $0x1C00, s24  }
0x447: {  	s16 =	sor.u32 s5, s16  }
0x448: {  	v3 =	vld [tilespmem:s16+$0x4100]  }
0x449: {  	v5 =	vld [tilespmem:s16+$0x4180]  }
0x44a: {  	s17 =	simm.s32 $0x20;
	v4 =	vld [tilespmem:s16+$0x4200];
	v7 =	vadd.f32 v7, v6;
	v8 =	vadd.f32 v9, v8  }
0x44b: {  	s20 =	simm.s32 $0x100;
	s19 =	smov.u32 s8;
	s18 =	smov.u32 s16;
	v6 =	vld [tilespmem:s16+$0x4280]  }
.LBB2_75:
0x44c: {  	s5 =	sand.u32 $0x70, s17;
	s21 =	sand.u32 $0x1C00, s20;
	v9 =	vadd.f32 v8, v7;
	p1 =	sne.s32 s17, $0x3F0  }
.Ltmp36:
0x44d: {  	s5 =	sor.u32 s5, s21;
	v8 =	vmov v3;
	(pc) =	sbr.rel @p1 .LBB2_75-.Ltmp36, $4  }
0x44e: {  	v3 =	vld [tilespmem:s5+$0x4100];
	[tilespmem:s19+$0x10300] =	vst v9;
	v7 =	vmov v5;
	s19 =	smov.u32 s18;
	s18 =	smov.u32 s5  }
0x44f: {  	s17 =	sadd.s32 $0x10, s17;
	v5 =	vld [tilespmem:s18+$0x4180]  }
0x450: {  	v7 =	vadd.f32 v7, v8;
	v8 =	vadd.f32 v6, v4;
	v4 =	vld [tilespmem:s18+$0x4200]  }
0x451: {  	s20 =	sadd.s32 $0x80, s20;
	v6 =	vld [tilespmem:s18+$0x4280]  }
0x452: {  	_ =	sdelay $0x3  }
0x453: {  	v3 =	vadd.f32 v5, v3;
	v4 =	vadd.f32 v6, v4  }
0x454: {  	v5 =	vadd.f32 v8, v7  }
0x455: {  	v3 =	vadd.f32 v4, v3  }
0x456: {  	[tilespmem:s19+$0x10300] =	vst v5  }
0x457: {  	[tilespmem:s18+$0x10300] =	vst v3  }
0x458: {  	v6 =	vld [tilespmem:s8+$0x4300]  }
0x459: {  	v7 =	vld [tilespmem:s8+$0x4380]  }
0x45a: {  	v8 =	vld [tilespmem:s8+$0x4400]  }
0x45b: {  	v9 =	vld [tilespmem:s8+$0x4480];
	_ =	sdelay $0x2  }
0x45c: {  	v3 =	vld [tilespmem:s16+$0x4300]  }
0x45d: {  	v5 =	vld [tilespmem:s16+$0x4380]  }
0x45e: {  	v4 =	vld [tilespmem:s16+$0x4400];
	v7 =	vadd.f32 v7, v6;
	v8 =	vadd.f32 v9, v8  }
0x45f: {  	s17 =	simm.s32 $0x20;
	s18 =	simm.s32 $0x100;
	v6 =	vld [tilespmem:s16+$0x4480]  }
.LBB2_77:
0x460: {  	s5 =	sand.u32 $0x70, s17;
	s19 =	sand.u32 $0x1C00, s18;
	v9 =	vadd.f32 v8, v7;
	p1 =	sne.s32 s17, $0x3F0  }
.Ltmp37:
0x461: {  	s5 =	sor.u32 s5, s19;
	v8 =	vmov v3;
	(pc) =	sbr.rel @p1 .LBB2_77-.Ltmp37, $4  }
0x462: {  	v3 =	vld [tilespmem:s5+$0x4300];
	[tilespmem:s8+$0x10380] =	vst v9;
	v7 =	vmov v5;
	s8 =	smov.u32 s16;
	s16 =	smov.u32 s5  }
0x463: {  	s17 =	sadd.s32 $0x10, s17;
	v5 =	vld [tilespmem:s16+$0x4380]  }
0x464: {  	v7 =	vadd.f32 v7, v8;
	v8 =	vadd.f32 v6, v4;
	v4 =	vld [tilespmem:s16+$0x4400]  }
0x465: {  	s18 =	sadd.s32 $0x80, s18;
	v6 =	vld [tilespmem:s16+$0x4480]  }
0x466: {  	_ =	sdelay $0x3  }
0x467: {  	v3 =	vadd.f32 v5, v3;
	v4 =	vadd.f32 v6, v4  }
0x468: {  	v5 =	vadd.f32 v8, v7  }
0x469: {  	s17 =	simm.s32 $0x0;
	v3 =	vadd.f32 v4, v3  }
0x46a: {  	s5 =	sand.u32 $0x70, s17;
	s23 =	sand.u32 $0x1C00, s17;
	[tilespmem:s8+$0x10380] =	vst v5  }
0x46b: {  	[tilespmem:s16+$0x10380] =	vst v3;
	s16 =	sor.u32 s5, s23  }
0x46c: {  	v6 =	vld [tilespmem:s16+$0x6100]  }
0x46d: {  	v7 =	vld [tilespmem:s16+$0x6180]  }
0x46e: {  	v8 =	vld [tilespmem:s16+$0x6200]  }
0x46f: {  	s24 =	simm.s32 $0x80;
	s8 =	simm.s32 $0x10;
	v9 =	vld [tilespmem:s16+$0x6280]  }
0x470: {  	s18 =	sand.u32 $0x70, s8;
	s5 =	sand.u32 $0x1C00, s24  }
0x471: {  	s18 =	sor.u32 s18, s5  }
0x472: {  	v3 =	vld [tilespmem:s18+$0x6100]  }
0x473: {  	v5 =	vld [tilespmem:s18+$0x6180]  }
0x474: {  	v4 =	vld [tilespmem:s18+$0x6200];
	v7 =	vadd.f32 v7, v6;
	v8 =	vadd.f32 v9, v8  }
0x475: {  	s19 =	simm.s32 $0x20;
	s21 =	simm.s32 $0x100;
	s20 =	smov.u32 s16;
	v6 =	vld [tilespmem:s18+$0x6280]  }
.LBB2_79:
0x476: {  	s5 =	sand.u32 $0x70, s19;
	s22 =	sand.u32 $0x1C00, s21;
	v9 =	vadd.f32 v8, v7;
	p1 =	sne.s32 s19, $0x3F0  }
.Ltmp38:
0x477: {  	s5 =	sor.u32 s5, s22;
	v8 =	vmov v3;
	(pc) =	sbr.rel @p1 .LBB2_79-.Ltmp38, $4  }
0x478: {  	v3 =	vld [tilespmem:s5+$0x6100];
	[tilespmem:s20+$0x10400] =	vst v9;
	v7 =	vmov v5;
	s20 =	smov.u32 s18;
	s18 =	smov.u32 s5  }
0x479: {  	s19 =	sadd.s32 $0x10, s19;
	v5 =	vld [tilespmem:s18+$0x6180]  }
0x47a: {  	v7 =	vadd.f32 v7, v8;
	v8 =	vadd.f32 v6, v4;
	v4 =	vld [tilespmem:s18+$0x6200]  }
0x47b: {  	s21 =	sadd.s32 $0x80, s21;
	v6 =	vld [tilespmem:s18+$0x6280]  }
0x47c: {  	_ =	sdelay $0x3  }
0x47d: {  	v3 =	vadd.f32 v5, v3;
	v4 =	vadd.f32 v6, v4  }
0x47e: {  	v5 =	vadd.f32 v8, v7  }
0x47f: {  	v3 =	vadd.f32 v4, v3  }
0x480: {  	[tilespmem:s20+$0x10400] =	vst v5  }
0x481: {  	[tilespmem:s18+$0x10400] =	vst v3  }
0x482: {  	v3 =	vld [tilespmem:s16+$0x6380]  }
0x483: {  	s18 =	simm.s32 $0x0;
	v4 =	vld [tilespmem:s16+$0x6300]  }
.LBB2_81:
0x484: {  	p1 =	sne.s32 s8, $0x3F0;
	v5 =	vld [tilespmem:s16+$0x6400]  }
0x485: {  	v6 =	vld [tilespmem:s16+$0x6480];
	_ =	sdelay $0x4  }
0x486: {  	v3 =	vadd.f32 v3, v4;
	v4 =	vadd.f32 v6, v5;
	_ =	sdelay $0x1  }
.Ltmp39:
0x487: {  	s5 =	sor.u32 s18, s17;
	s18 =	sadd.s32 $0x80, s18;
	v3 =	vadd.f32 v4, v3;
	(pc) =	sbr.rel @p1 .LBB2_81-.Ltmp39, $4  }
0x488: {  	s16 =	sand.u32 $0x70, s8;
	s17 =	sand.u32 $0x1C00, s18;
	s5 =	sor.u32 $0x380, s5  }
0x489: {  	s16 =	sor.u32 s16, s17;
	s17 =	smov.u32 s8;
	[tilespmem:s5+$0x10100] =	vst v3  }
0x48a: {  	v3 =	vld [tilespmem:s16+$0x6380]  }
0x48b: {  	s8 =	sadd.s32 $0x10, s8;
	v4 =	vld [tilespmem:s16+$0x6300]  }
0x48c: {  	v5 =	vld [tilespmem:s16+$0x6400]  }
0x48d: {  	v6 =	vld [tilespmem:s16+$0x6480];
	_ =	sdelay $0x4  }
0x48e: {  	v3 =	vadd.f32 v3, v4;
	v4 =	vadd.f32 v6, v5  }
0x48f: {  	s7 =	rddreg [dreg:$0x9]  }
0x490: {  	s5 =	sor.u32 s18, s17;
	s8 =	sadd.s32 s12, s7;
	v3 =	vadd.f32 v4, v3  }
0x491: {  	s5 =	sor.u32 $0x380, s5;
	s8 =	sshll.u32 s8, $0xA  }
0x492: {  	s19 =	simm.s32 $0x10100;
	s18 =	sadd.s32 s29, s8;
	[tilespmem:s5+$0x10100] =	vst v3  }
0x493: {  	[hbm4b:s18+s2] =	stream.linear.scatter [tilespmem:s19], [sflag:$0x3], $0x2000, $0x38;
	[tilespmem:$0x14100] =	vst v63  }
0x494: {  	_ =	swait.ge [sflag:s28], $0x8000  }
0x495: {  	[sflag:s28] =	ssyncset.done $0x0  }
0x496: {  	[sflag:s28] =	ssyncadd.s32 $0xFFFF8000  }
0x497: {  	v3 =	vld @!p0 [tilespmem:$0x80];
	_ =	sdelay $0x4  }
0x498: {  	v4 =	vshll.u32 @!p0 v3, $0x3  }
0x499: {  	v5 =	vlaneseq.u32 @!p0;
	v3 =	vand.u32 @!p0 $0x7, v3;
	v4 =	vand.u32 @!p0 $0xFFFFFFC0, v4  }
0x49a: {  	v6 =	vshrl.u32 @!p0 v5, $0x3;
	v3 =	vor.u32 @!p0 v3, v4;
	v4 =	vand.u32 @!p0 $0x7, v5  }
0x49b: {  	v6 =	vmul.u32 @!p0 $0x8, v6;
	v7 =	vperm.xlane @!p0 v3, v4;
	_ =	sdelay $0x1  }
0x49c: {  	v7 =	vadd.s32 @!p0 v6, v7;
	_ =	sdelay $0x3  }
0x49d: {  	vm1 =	vmmov @!p0 $0xffff;
	s12 =	simm.s32 @!p0 $0x100;
	s5 =	simm.s32 @!p0 $0x0  }
0x49e: {  	v5 =	vor.u32 @!p0 $0x8, v5;
	[tilespmem:s12], [sflag:$0x1] =	stream.indirect_vreg.gather @!p0 [hbm4b:s3+s5], $0x80, v7, vm1, $0xb8;
	[tilespmem:$0x14100] =	vst v63  }
0x49f: {  	v3 =	vperm.xlane @!p0 v3, v5;
	s12 =	simm.s32 @!p0 $0x900  }
0x4a0: {  	[tilespmem:s12], [sflag:$0x1] =	stream.indirect_vreg.gather @!p0 [hbm4b:s9+s5], $0x80, v7, vm1, $0xb8;
	[tilespmem:$0x14100] =	vst v63  }
0x4a1: {  	v3 =	vadd.s32 @!p0 v6, v3;
	s12 =	simm.s32 @!p0 $0x1100  }
0x4a2: {  	[tilespmem:s12], [sflag:$0x1] =	stream.indirect_vreg.gather @!p0 [hbm4b:s10+s5], $0x80, v7, vm1, $0xb8;
	[tilespmem:$0x14100] =	vst v63  }
0x4a3: {  	s12 =	simm.s32 @!p0 $0x1900  }
0x4a4: {  	[tilespmem:s12], [sflag:$0x1] =	stream.indirect_vreg.gather @!p0 [hbm4b:s11+s5], $0x80, v7, vm1, $0xb8;
	[tilespmem:$0x14100] =	vst v63  }
0x4a5: {  	s12 =	simm.s32 @!p0 $0x2100  }
0x4a6: {  	[tilespmem:s12], [sflag:$0x1] =	stream.indirect_vreg.gather @!p0 [hbm4b:s3+s5], $0x80, v3, vm1, $0xb8;
	[tilespmem:$0x14100] =	vst v63  }
0x4a7: {  	s12 =	simm.s32 @!p0 $0x2900  }
0x4a8: {  	[tilespmem:s12], [sflag:$0x1] =	stream.indirect_vreg.gather @!p0 [hbm4b:s9+s5], $0x80, v3, vm1, $0xb8;
	[tilespmem:$0x14100] =	vst v63  }
0x4a9: {  	s12 =	simm.s32 @!p0 $0x3100  }
0x4aa: {  	[tilespmem:s12], [sflag:$0x1] =	stream.indirect_vreg.gather @!p0 [hbm4b:s10+s5], $0x80, v3, vm1, $0xb8;
	[tilespmem:$0x14100] =	vst v63  }
0x4ab: {  	s12 =	simm.s32 @!p0 $0x3900  }
0x4ac: {  	[tilespmem:s12], [sflag:$0x1] =	stream.indirect_vreg.gather @!p0 [hbm4b:s11+s5], $0x80, v3, vm1, $0xb8;
	[tilespmem:$0x14100] =	vst v63  }
0x4ad: {  	v3 =	vld @!p0 [tilespmem:$0x90];
	_ =	sdelay $0x4  }
0x4ae: {  	v7 =	vshll.u32 @!p0 v3, $0x3  }
0x4af: {  	v3 =	vand.u32 @!p0 $0x7, v3;
	v7 =	vand.u32 @!p0 $0xFFFFFFC0, v7  }
0x4b0: {  	v3 =	vor.u32 @!p0 v3, v7  }
0x4b1: {  	v4 =	vperm.xlane @!p0 v3, v4;
	_ =	sdelay $0x1  }
0x4b2: {  	v4 =	vadd.s32 @!p0 v6, v4;
	_ =	sdelay $0x3  }
0x4b3: {  	s12 =	simm.s32 @!p0 $0x4100  }
0x4b4: {  	[tilespmem:s12], [sflag:$0x1] =	stream.indirect_vreg.gather @!p0 [hbm4b:s3+s5], $0x80, v4, vm1, $0xb8;
	[tilespmem:$0x14100] =	vst v63  }
0x4b5: {  	v3 =	vperm.xlane @!p0 v3, v5;
	s12 =	simm.s32 @!p0 $0x4900  }
0x4b6: {  	[tilespmem:s12], [sflag:$0x1] =	stream.indirect_vreg.gather @!p0 [hbm4b:s9+s5], $0x80, v4, vm1, $0xb8;
	[tilespmem:$0x14100] =	vst v63  }
0x4b7: {  	v3 =	vadd.s32 @!p0 v6, v3;
	s12 =	simm.s32 @!p0 $0x5100  }
0x4b8: {  	[tilespmem:s12], [sflag:$0x1] =	stream.indirect_vreg.gather @!p0 [hbm4b:s10+s5], $0x80, v4, vm1, $0xb8;
	[tilespmem:$0x14100] =	vst v63  }
0x4b9: {  	s12 =	simm.s32 @!p0 $0x5900  }
0x4ba: {  	[tilespmem:s12], [sflag:$0x1] =	stream.indirect_vreg.gather @!p0 [hbm4b:s11+s5], $0x80, v4, vm1, $0xb8;
	[tilespmem:$0x14100] =	vst v63  }
0x4bb: {  	s12 =	simm.s32 @!p0 $0x6100  }
0x4bc: {  	[tilespmem:s12], [sflag:$0x1] =	stream.indirect_vreg.gather @!p0 [hbm4b:s3+s5], $0x80, v3, vm1, $0xb8;
	[tilespmem:$0x14100] =	vst v63  }
0x4bd: {  	s12 =	simm.s32 @!p0 $0x6900  }
0x4be: {  	[tilespmem:s12], [sflag:$0x1] =	stream.indirect_vreg.gather @!p0 [hbm4b:s9+s5], $0x80, v3, vm1, $0xb8;
	[tilespmem:$0x14100] =	vst v63  }
0x4bf: {  	s12 =	simm.s32 @!p0 $0x7100  }
0x4c0: {  	[tilespmem:s12], [sflag:$0x1] =	stream.indirect_vreg.gather @!p0 [hbm4b:s10+s5], $0x80, v3, vm1, $0xb8;
	[tilespmem:$0x14100] =	vst v63  }
0x4c1: {  	s12 =	simm.s32 @!p0 $0x7900  }
0x4c2: {  	[tilespmem:s12], [sflag:$0x1] =	stream.indirect_vreg.gather @!p0 [hbm4b:s11+s5], $0x80, v3, vm1, $0xb8;
	[tilespmem:$0x14100] =	vst v63  }
0x4c3: {  	s22 =	simm.s32 $0x0;
	_ =	swait.ge [sflag:s31], $0x2000  }
0x4c4: {  	s20 =	sand.u32 $0x70, s22;
	s21 =	sand.u32 $0x1C00, s22;
	[sflag:s31] =	ssyncset.done $0x0  }
0x4c5: {  	s12 =	sor.u32 s20, s21;
	[sflag:s31] =	ssyncadd.s32 $0xFFFFE000  }
0x4c6: {  	v6 =	vld [tilespmem:s12+$0x8100]  }
0x4c7: {  	v7 =	vld [tilespmem:s12+$0x8180]  }
0x4c8: {  	v8 =	vld [tilespmem:s12+$0x8200]  }
0x4c9: {  	s16 =	simm.s32 $0x80;
	s18 =	simm.s32 $0x10;
	v9 =	vld [tilespmem:s12+$0x8280]  }
0x4ca: {  	s24 =	sand.u32 $0x1C00, s16;
	s23 =	sand.u32 $0x70, s18  }
0x4cb: {  	s17 =	sor.u32 s23, s24  }
0x4cc: {  	v3 =	vld [tilespmem:s17+$0x8100]  }
0x4cd: {  	v5 =	vld [tilespmem:s17+$0x8180]  }
0x4ce: {  	s19 =	simm.s32 $0x20;
	v4 =	vld [tilespmem:s17+$0x8200];
	v7 =	vadd.f32 v7, v6;
	v8 =	vadd.f32 v9, v8  }
0x4cf: {  	s24 =	simm.s32 $0x100;
	s20 =	smov.u32 s17;
	s21 =	smov.u32 s12;
	v6 =	vld [tilespmem:s17+$0x8280]  }
.LBB2_83:
0x4d0: {  	s5 =	sand.u32 $0x70, s19;
	s23 =	sand.u32 $0x1C00, s24;
	v9 =	vadd.f32 v8, v7;
	p0 =	sne.s32 s19, $0x3F0  }
.Ltmp40:
0x4d1: {  	s5 =	sor.u32 s5, s23;
	v8 =	vmov v3;
	(pc) =	sbr.rel @p0 .LBB2_83-.Ltmp40, $4  }
0x4d2: {  	v3 =	vld [tilespmem:s5+$0x8100];
	[tilespmem:s21+$0x12100] =	vst v9;
	v7 =	vmov v5;
	s21 =	smov.u32 s20;
	s20 =	smov.u32 s5  }
0x4d3: {  	s19 =	sadd.s32 $0x10, s19;
	v5 =	vld [tilespmem:s20+$0x8180]  }
0x4d4: {  	v7 =	vadd.f32 v7, v8;
	v8 =	vadd.f32 v6, v4;
	v4 =	vld [tilespmem:s20+$0x8200]  }
0x4d5: {  	s24 =	sadd.s32 $0x80, s24;
	v6 =	vld [tilespmem:s20+$0x8280]  }
0x4d6: {  	_ =	sdelay $0x3  }
0x4d7: {  	v3 =	vadd.f32 v5, v3;
	v4 =	vadd.f32 v6, v4  }
0x4d8: {  	v5 =	vadd.f32 v8, v7  }
0x4d9: {  	v3 =	vadd.f32 v4, v3  }
0x4da: {  	[tilespmem:s21+$0x12100] =	vst v5  }
0x4db: {  	[tilespmem:s20+$0x12100] =	vst v3  }
0x4dc: {  	v3 =	vld [tilespmem:s12+$0x8300]  }
0x4dd: {  	s5 =	sor.u32 s22, s22;
	v4 =	vld [tilespmem:s12+$0x8380]  }
0x4de: {  	s5 =	sor.u32 $0x380, s5;
	v5 =	vld [tilespmem:s12+$0x8400]  }
0x4df: {  	v6 =	vld [tilespmem:s5+$0x8100];
	_ =	sdelay $0x4  }
0x4e0: {  	v4 =	vadd.f32 v4, v3;
	v5 =	vadd.f32 v6, v5;
	_ =	sdelay $0x1  }
0x4e1: {  	v3 =	vld [tilespmem:s17+$0x8300];
	v5 =	vadd.f32 v5, v4  }
0x4e2: {  	s19 =	sor.u32 s16, s18;
	s18 =	simm.s32 $0x20;
	v4 =	vld [tilespmem:s17+$0x8380]  }
.LBB2_85:
0x4e3: {  	p0 =	sne.s32 s18, $0x3F0;
	v6 =	vld [tilespmem:s17+$0x8400];
	s5 =	sor.u32 $0x380, s19;
	[tilespmem:s12+$0x12180] =	vst v5  }
0x4e4: {  	s12 =	smov.u32 s17;
	v5 =	vld [tilespmem:s5+$0x8100];
	_ =	sdelay $0x3  }
.Ltmp41:
0x4e5: {  	s16 =	sadd.s32 $0x80, s16;
	(pc) =	sbr.rel @p0 .LBB2_85-.Ltmp41, $4  }
0x4e6: {  	s5 =	sand.u32 $0x70, s18;
	s17 =	sand.u32 $0x1C00, s16;
	v4 =	vadd.f32 v4, v3;
	v5 =	vadd.f32 v5, v6  }
0x4e7: {  	s17 =	sor.u32 s5, s17  }
0x4e8: {  	v3 =	vld [tilespmem:s17+$0x8300];
	v5 =	vadd.f32 v5, v4  }
0x4e9: {  	s19 =	sor.u32 s16, s18;
	s18 =	sadd.s32 $0x10, s18;
	v4 =	vld [tilespmem:s17+$0x8380]  }
0x4ea: {  	v6 =	vld [tilespmem:s17+$0x8400];
	s5 =	sor.u32 $0x380, s19;
	[tilespmem:s12+$0x12180] =	vst v5  }
0x4eb: {  	v5 =	vld [tilespmem:s5+$0x8100];
	_ =	sdelay $0x4  }
0x4ec: {  	v3 =	vadd.f32 v4, v3;
	v4 =	vadd.f32 v5, v6;
	_ =	sdelay $0x1  }
0x4ed: {  	s22 =	simm.s32 $0x0;
	v3 =	vadd.f32 v4, v3  }
0x4ee: {  	s23 =	sand.u32 $0x70, s22;
	s5 =	sand.u32 $0x1C00, s22  }
0x4ef: {  	s12 =	sor.u32 s23, s5;
	[tilespmem:s17+$0x12180] =	vst v3  }
0x4f0: {  	v6 =	vld [tilespmem:s12+$0xA100]  }
0x4f1: {  	v7 =	vld [tilespmem:s12+$0xA180]  }
0x4f2: {  	v8 =	vld [tilespmem:s12+$0xA200]  }
0x4f3: {  	s24 =	simm.s32 $0x10;
	s16 =	simm.s32 $0x80;
	v9 =	vld [tilespmem:s12+$0xA280]  }
0x4f4: {  	s16 =	sand.u32 $0x1C00, s16;
	s5 =	sand.u32 $0x70, s24  }
0x4f5: {  	s16 =	sor.u32 s5, s16  }
0x4f6: {  	v3 =	vld [tilespmem:s16+$0xA100]  }
0x4f7: {  	v5 =	vld [tilespmem:s16+$0xA180]  }
0x4f8: {  	s20 =	simm.s32 $0x100;
	v4 =	vld [tilespmem:s16+$0xA200];
	v7 =	vadd.f32 v7, v6;
	v8 =	vadd.f32 v9, v8  }
0x4f9: {  	s19 =	smov.u32 s12;
	s18 =	smov.u32 s16;
	s17 =	simm.s32 $0x20;
	v6 =	vld [tilespmem:s16+$0xA280]  }
.LBB2_87:
0x4fa: {  	s5 =	sand.u32 $0x70, s17;
	s21 =	sand.u32 $0x1C00, s20;
	v9 =	vadd.f32 v8, v7;
	p0 =	sne.s32 s17, $0x3F0  }
.Ltmp42:
0x4fb: {  	s5 =	sor.u32 s5, s21;
	v8 =	vmov v3;
	(pc) =	sbr.rel @p0 .LBB2_87-.Ltmp42, $4  }
0x4fc: {  	v3 =	vld [tilespmem:s5+$0xA100];
	[tilespmem:s19+$0x12200] =	vst v9;
	v7 =	vmov v5;
	s19 =	smov.u32 s18;
	s18 =	smov.u32 s5  }
0x4fd: {  	s17 =	sadd.s32 $0x10, s17;
	v5 =	vld [tilespmem:s18+$0xA180]  }
0x4fe: {  	v7 =	vadd.f32 v7, v8;
	v8 =	vadd.f32 v6, v4;
	v4 =	vld [tilespmem:s18+$0xA200]  }
0x4ff: {  	s20 =	sadd.s32 $0x80, s20;
	v6 =	vld [tilespmem:s18+$0xA280]  }
0x500: {  	_ =	sdelay $0x3  }
0x501: {  	v3 =	vadd.f32 v5, v3;
	v4 =	vadd.f32 v6, v4  }
0x502: {  	v5 =	vadd.f32 v8, v7  }
0x503: {  	v3 =	vadd.f32 v4, v3  }
0x504: {  	[tilespmem:s19+$0x12200] =	vst v5  }
0x505: {  	[tilespmem:s18+$0x12200] =	vst v3  }
0x506: {  	v6 =	vld [tilespmem:s12+$0xA300]  }
0x507: {  	v7 =	vld [tilespmem:s12+$0xA380]  }
0x508: {  	v8 =	vld [tilespmem:s12+$0xA400]  }
0x509: {  	v9 =	vld [tilespmem:s12+$0xA480];
	_ =	sdelay $0x2  }
0x50a: {  	v3 =	vld [tilespmem:s16+$0xA300]  }
0x50b: {  	v5 =	vld [tilespmem:s16+$0xA380]  }
0x50c: {  	v4 =	vld [tilespmem:s16+$0xA400];
	v7 =	vadd.f32 v7, v6;
	v8 =	vadd.f32 v9, v8  }
0x50d: {  	s17 =	simm.s32 $0x20;
	s18 =	simm.s32 $0x100;
	v6 =	vld [tilespmem:s16+$0xA480]  }
.LBB2_89:
0x50e: {  	s5 =	sand.u32 $0x70, s17;
	s19 =	sand.u32 $0x1C00, s18;
	v9 =	vadd.f32 v8, v7;
	p0 =	sne.s32 s17, $0x3F0  }
.Ltmp43:
0x50f: {  	s5 =	sor.u32 s5, s19;
	v8 =	vmov v3;
	(pc) =	sbr.rel @p0 .LBB2_89-.Ltmp43, $4  }
0x510: {  	v3 =	vld [tilespmem:s5+$0xA300];
	[tilespmem:s12+$0x12280] =	vst v9;
	v7 =	vmov v5;
	s12 =	smov.u32 s16;
	s16 =	smov.u32 s5  }
0x511: {  	s17 =	sadd.s32 $0x10, s17;
	v5 =	vld [tilespmem:s16+$0xA380]  }
0x512: {  	v7 =	vadd.f32 v7, v8;
	v8 =	vadd.f32 v6, v4;
	v4 =	vld [tilespmem:s16+$0xA400]  }
0x513: {  	s18 =	sadd.s32 $0x80, s18;
	v6 =	vld [tilespmem:s16+$0xA480]  }
0x514: {  	_ =	sdelay $0x3  }
0x515: {  	v3 =	vadd.f32 v5, v3;
	v4 =	vadd.f32 v6, v4  }
0x516: {  	v5 =	vadd.f32 v8, v7  }
0x517: {  	s5 =	simm.s32 $0x0;
	v3 =	vadd.f32 v4, v3  }
0x518: {  	s22 =	sand.u32 $0x70, s5;
	s5 =	sand.u32 $0x1C00, s5;
	[tilespmem:s12+$0x12280] =	vst v5  }
0x519: {  	s12 =	sor.u32 s22, s5;
	[tilespmem:s16+$0x12280] =	vst v3  }
0x51a: {  	v6 =	vld [tilespmem:s12+$0xC100]  }
0x51b: {  	v7 =	vld [tilespmem:s12+$0xC180]  }
0x51c: {  	v8 =	vld [tilespmem:s12+$0xC200]  }
0x51d: {  	s23 =	simm.s32 $0x10;
	s24 =	simm.s32 $0x80;
	v9 =	vld [tilespmem:s12+$0xC280]  }
0x51e: {  	s5 =	sand.u32 $0x70, s23;
	s16 =	sand.u32 $0x1C00, s24  }
0x51f: {  	s16 =	sor.u32 s5, s16  }
0x520: {  	v3 =	vld [tilespmem:s16+$0xC100]  }
0x521: {  	v5 =	vld [tilespmem:s16+$0xC180]  }
0x522: {  	s17 =	simm.s32 $0x20;
	v4 =	vld [tilespmem:s16+$0xC200];
	v7 =	vadd.f32 v7, v6;
	v8 =	vadd.f32 v9, v8  }
0x523: {  	s20 =	simm.s32 $0x100;
	s19 =	smov.u32 s12;
	s18 =	smov.u32 s16;
	v6 =	vld [tilespmem:s16+$0xC280]  }
.LBB2_91:
0x524: {  	s5 =	sand.u32 $0x70, s17;
	s21 =	sand.u32 $0x1C00, s20;
	v9 =	vadd.f32 v8, v7;
	p0 =	sne.s32 s17, $0x3F0  }
.Ltmp44:
0x525: {  	s5 =	sor.u32 s5, s21;
	v8 =	vmov v3;
	(pc) =	sbr.rel @p0 .LBB2_91-.Ltmp44, $4  }
0x526: {  	v3 =	vld [tilespmem:s5+$0xC100];
	[tilespmem:s19+$0x12300] =	vst v9;
	v7 =	vmov v5;
	s19 =	smov.u32 s18;
	s18 =	smov.u32 s5  }
0x527: {  	s17 =	sadd.s32 $0x10, s17;
	v5 =	vld [tilespmem:s18+$0xC180]  }
0x528: {  	v7 =	vadd.f32 v7, v8;
	v8 =	vadd.f32 v6, v4;
	v4 =	vld [tilespmem:s18+$0xC200]  }
0x529: {  	s20 =	sadd.s32 $0x80, s20;
	v6 =	vld [tilespmem:s18+$0xC280]  }
0x52a: {  	_ =	sdelay $0x3  }
0x52b: {  	v3 =	vadd.f32 v5, v3;
	v4 =	vadd.f32 v6, v4  }
0x52c: {  	v5 =	vadd.f32 v8, v7  }
0x52d: {  	v3 =	vadd.f32 v4, v3  }
0x52e: {  	[tilespmem:s19+$0x12300] =	vst v5  }
0x52f: {  	[tilespmem:s18+$0x12300] =	vst v3  }
0x530: {  	v6 =	vld [tilespmem:s12+$0xC300]  }
0x531: {  	v7 =	vld [tilespmem:s12+$0xC380]  }
0x532: {  	v8 =	vld [tilespmem:s12+$0xC400]  }
0x533: {  	v9 =	vld [tilespmem:s12+$0xC480];
	_ =	sdelay $0x2  }
0x534: {  	v3 =	vld [tilespmem:s16+$0xC300]  }
0x535: {  	v5 =	vld [tilespmem:s16+$0xC380]  }
0x536: {  	v4 =	vld [tilespmem:s16+$0xC400];
	v7 =	vadd.f32 v7, v6;
	v8 =	vadd.f32 v9, v8  }
0x537: {  	s17 =	simm.s32 $0x20;
	s18 =	simm.s32 $0x100;
	v6 =	vld [tilespmem:s16+$0xC480]  }
.LBB2_93:
0x538: {  	s5 =	sand.u32 $0x70, s17;
	s19 =	sand.u32 $0x1C00, s18;
	v9 =	vadd.f32 v8, v7;
	p0 =	sne.s32 s17, $0x3F0  }
.Ltmp45:
0x539: {  	s5 =	sor.u32 s5, s19;
	v8 =	vmov v3;
	(pc) =	sbr.rel @p0 .LBB2_93-.Ltmp45, $4  }
0x53a: {  	v3 =	vld [tilespmem:s5+$0xC300];
	[tilespmem:s12+$0x12380] =	vst v9;
	v7 =	vmov v5;
	s12 =	smov.u32 s16;
	s16 =	smov.u32 s5  }
0x53b: {  	s17 =	sadd.s32 $0x10, s17;
	v5 =	vld [tilespmem:s16+$0xC380]  }
0x53c: {  	v7 =	vadd.f32 v7, v8;
	v8 =	vadd.f32 v6, v4;
	v4 =	vld [tilespmem:s16+$0xC400]  }
0x53d: {  	s18 =	sadd.s32 $0x80, s18;
	v6 =	vld [tilespmem:s16+$0xC480]  }
0x53e: {  	_ =	sdelay $0x3  }
0x53f: {  	v3 =	vadd.f32 v5, v3;
	v4 =	vadd.f32 v6, v4  }
0x540: {  	v5 =	vadd.f32 v8, v7  }
0x541: {  	s5 =	simm.s32 $0x0;
	v3 =	vadd.f32 v4, v3  }
0x542: {  	s22 =	sand.u32 $0x70, s5;
	s5 =	sand.u32 $0x1C00, s5;
	[tilespmem:s12+$0x12380] =	vst v5  }
0x543: {  	s12 =	sor.u32 s22, s5;
	[tilespmem:s16+$0x12380] =	vst v3  }
0x544: {  	v6 =	vld [tilespmem:s12+$0xE100]  }
0x545: {  	v7 =	vld [tilespmem:s12+$0xE180]  }
0x546: {  	v8 =	vld [tilespmem:s12+$0xE200]  }
0x547: {  	s23 =	simm.s32 $0x10;
	s24 =	simm.s32 $0x80;
	v9 =	vld [tilespmem:s12+$0xE280]  }
0x548: {  	s5 =	sand.u32 $0x70, s23;
	s16 =	sand.u32 $0x1C00, s24  }
0x549: {  	s16 =	sor.u32 s5, s16  }
0x54a: {  	v3 =	vld [tilespmem:s16+$0xE100]  }
0x54b: {  	v5 =	vld [tilespmem:s16+$0xE180]  }
0x54c: {  	s17 =	simm.s32 $0x20;
	v4 =	vld [tilespmem:s16+$0xE200];
	v7 =	vadd.f32 v7, v6;
	v8 =	vadd.f32 v9, v8  }
0x54d: {  	s20 =	simm.s32 $0x100;
	s19 =	smov.u32 s12;
	s18 =	smov.u32 s16;
	v6 =	vld [tilespmem:s16+$0xE280]  }
.LBB2_95:
0x54e: {  	s5 =	sand.u32 $0x70, s17;
	s21 =	sand.u32 $0x1C00, s20;
	v9 =	vadd.f32 v8, v7;
	p0 =	sne.s32 s17, $0x3F0  }
.Ltmp46:
0x54f: {  	s5 =	sor.u32 s5, s21;
	v8 =	vmov v3;
	(pc) =	sbr.rel @p0 .LBB2_95-.Ltmp46, $4  }
0x550: {  	v3 =	vld [tilespmem:s5+$0xE100];
	[tilespmem:s19+$0x12400] =	vst v9;
	v7 =	vmov v5;
	s19 =	smov.u32 s18;
	s18 =	smov.u32 s5  }
0x551: {  	s17 =	sadd.s32 $0x10, s17;
	v5 =	vld [tilespmem:s18+$0xE180]  }
0x552: {  	v7 =	vadd.f32 v7, v8;
	v8 =	vadd.f32 v6, v4;
	v4 =	vld [tilespmem:s18+$0xE200]  }
0x553: {  	s20 =	sadd.s32 $0x80, s20;
	v6 =	vld [tilespmem:s18+$0xE280]  }
0x554: {  	_ =	sdelay $0x3  }
0x555: {  	v3 =	vadd.f32 v5, v3;
	v4 =	vadd.f32 v6, v4  }
0x556: {  	v5 =	vadd.f32 v8, v7  }
0x557: {  	v3 =	vadd.f32 v4, v3  }
0x558: {  	[tilespmem:s19+$0x12400] =	vst v5  }
0x559: {  	[tilespmem:s18+$0x12400] =	vst v3  }
0x55a: {  	v6 =	vld [tilespmem:s12+$0xE300]  }
0x55b: {  	v7 =	vld [tilespmem:s12+$0xE380]  }
0x55c: {  	v8 =	vld [tilespmem:s12+$0xE400]  }
0x55d: {  	v9 =	vld [tilespmem:s12+$0xE480];
	_ =	sdelay $0x2  }
0x55e: {  	v3 =	vld [tilespmem:s16+$0xE300]  }
0x55f: {  	v5 =	vld [tilespmem:s16+$0xE380]  }
0x560: {  	v4 =	vld [tilespmem:s16+$0xE400];
	v7 =	vadd.f32 v7, v6;
	v8 =	vadd.f32 v9, v8  }
0x561: {  	s17 =	simm.s32 $0x20;
	s18 =	simm.s32 $0x100;
	v6 =	vld [tilespmem:s16+$0xE480]  }
.LBB2_97:
0x562: {  	s5 =	sand.u32 $0x70, s17;
	s19 =	sand.u32 $0x1C00, s18;
	v9 =	vadd.f32 v8, v7;
	p0 =	sne.s32 s17, $0x3F0  }
.Ltmp47:
0x563: {  	s5 =	sor.u32 s5, s19;
	v8 =	vmov v3;
	(pc) =	sbr.rel @p0 .LBB2_97-.Ltmp47, $4  }
0x564: {  	v3 =	vld [tilespmem:s5+$0xE300];
	[tilespmem:s12+$0x12480] =	vst v9;
	v7 =	vmov v5;
	s12 =	smov.u32 s16;
	s16 =	smov.u32 s5  }
0x565: {  	s17 =	sadd.s32 $0x10, s17;
	v5 =	vld [tilespmem:s16+$0xE380]  }
0x566: {  	v7 =	vadd.f32 v7, v8;
	v8 =	vadd.f32 v6, v4;
	v4 =	vld [tilespmem:s16+$0xE400]  }
0x567: {  	s18 =	sadd.s32 $0x80, s18;
	v6 =	vld [tilespmem:s16+$0xE480]  }
0x568: {  	_ =	sdelay $0x2  }
0x569: {  	s1 =	sadd.s32 $0x1, s1  }
0x56a: {  	p0 =	sne.s32 s1, $0xC;
	v3 =	vadd.f32 v5, v3;
	v4 =	vadd.f32 v6, v4  }
.Ltmp48:
0x56b: {  	v63 =	vadd.f32 v8, v7;
	(pc) =	sbr.rel @p0 .LBB2_34-.Ltmp48, $4  }
0x56c: {  	v3 =	vadd.f32 v4, v3  }
0x56d: {  	[tilespmem:s12+$0x12480] =	vst v63  }
0x56e: {  	s5 =	sadd.s32 s6, s8;
	s7 =	simm.s32 $0x12100;
	[tilespmem:s16+$0x12480] =	vst v3  }
0x56f: {  	[hbm4b:s5+s2] =	stream.linear.scatter [tilespmem:s7], [sflag:$0x4], $0x2000, $0x38;
	[tilespmem:$0x14100] =	vst v63  }
0x570: {  	_ =	swait.ge [sflag:s30], $0x2000  }
0x571: {  	[sflag:s30] =	ssyncset.done $0x0  }
0x572: {  	[sflag:s30] =	ssyncadd.s32 $0xFFFFE000  }
0x573: {  	_ =	swait.ge [sflag:s31], $0x2000  }
0x574: {  	s1 =	rddreg [dreg:$0xb]  }
0x575: {  	s0 =	rddreg [dreg:$0xa];
	s1 =	sadd.s32 $0x1, s1  }
0x576: {  	p0 =	sne.s32 s1, s0  }
.Ltmp49:
0x577: {  	_ = 	snop;
	(pc) =	sbr.rel @p0 .LBB2_1-.Ltmp49, $3  }
0x578: {  	_ =	sdelay $0x1  }
0x579: {  	[sflag:s31] =	ssyncset.done $0x0  }
0x57a: {  	[sflag:s31] =	ssyncadd.s32 $0xFFFFE000  }
0x57b: {  	_ =	sfence.sel $0x180000  }
0x57c: {  	[bflag:$0x0] =	sbarrier.arrive $0xFFFF  }
0x57d: {  	_ =	strace $0x90000047  }
0x57e: {  	s0 =	stileid.u32;
	[bflag:$0x2] =	sbarrier.arrive $0xFFFF  }
0x57f: {  	p0 =	sne.s32 s0, $0x0;
	s0 =	rddreg [dreg:$0x1]  }
0x580: {  	s0 =	sadd.s32 @!p0 $0x100000, s0  }
0x581: {  	[sflag:s0] =	ssyncadd.tile.s32 @!p0 $0x1;
	_ =	shalt  }
.Lfunc_end2:
_tile_overlayer_lowered:
.L_overlay_start_2:
0x582: {  	(tag) =	ssettag $0x2  }
0x583: {  	s0 =	rddreg [dreg:$0x0];
	s2 =	stileid.u32  }
0x584: {  	s1 =	rddreg [dreg:$0x1];
	p0 =	sne.s32 s2, $0x0  }
0x585: {  	s3 =	rddreg [dreg:$0x2];
	[bflag:$0x3] =	sbarrier.arrive $0xFFFF;
	s2 =	simm.s32 @!p0 $0x1C05  }
0x586: {  	[timem:s3], [sflag:s2] =	dma.local @!p0 [hbm:s0], s1  }
0x587: {  	s0 =	simm.s32 @!p0 $0x5  }
0x588: {  	_ =	swait.ge @!p0 [sflag:s0], s1  }
0x589: {  	s1 =	ssub.s32 @!p0 $0x0, s1;
	[sflag:s0] =	ssyncset.done @!p0 $0x0  }
0x58a: {  	[sflag:s0] =	ssyncadd.s32 @!p0 s1  }
0x58b: {  	[bflag:$0x3] =	sbarrier.arrive $0xFFFF  }
0x58c: {  	_ =	shalt  }

</sc_bundles>
